<compile_context>
chip_gen: v7x
topology: tpu7x:2x2x1
jax: 0.10.2.dev20260603
libtpu: 0.0.44.dev20260713+nightly
codegen_flags: <defaults>
</compile_context>

<pallas_src>
import functools

import jax
import jax.numpy as jnp
from jax import lax
from jax.experimental import pallas as pl
from jax.experimental.pallas import tpu as pltpu
from jax.experimental.pallas import tpu_sc as plsc

N = 250000
E = 2000000
CN16 = 64000
NCH16 = 4
CN32 = 44800
NCH32 = 6
BLK = 128
EPT = 125952
EPAD = EPT * 16
FLB = 400
NTC = 2000


def _make_scatter(F, cn, nch, ksub):
    mesh = plsc.VectorSubcoreMesh(core_axis_name="c", subcore_axis_name="s")
    acc_rows = cn + 128
    rpt = acc_rows // 16
    erows = EPT // BLK
    nit = EPT // (ksub * BLK)
    nch2 = nch // 2
    full_nb = cn // FLB
    last_nb = (N - (nch - 1) * cn) // FLB
    jmax = -(-full_nb // 16)

    @functools.partial(
        pl.kernel,
        out_type=jax.ShapeDtypeStruct((N, F), jnp.float32),
        mesh=mesh,
        compiler_params=pltpu.CompilerParams(use_tc_tiling_on_sc=False),
        scratch_types=[
            pltpu.VMEM((ksub, BLK), jnp.int32),
            pltpu.VMEM((ksub, BLK), jnp.int32),
            pltpu.VMEM((ksub, BLK, F), jnp.float32),
            pltpu.VMEM_SHARED((acc_rows, F), jnp.float32),
            pltpu.SemaphoreType.DMA,
            pltpu.SemaphoreType.DMA,
        ],
    )
    def k(x_hbm, src_hbm, idx_hbm, zeros_hbm, out_hbm,
          src_v, idx_v, rows_v, acc, gsem, ssem):
        c = lax.axis_index("c")
        s = lax.axis_index("s")

        def chunk_body(p, carry):
            chunk = nch2 * c + p
            pltpu.sync_copy(zeros_hbm.at[pl.ds(s * rpt, rpt)],
                            acc.at[pl.ds(s * rpt, rpt)])
            plsc.subcore_barrier()

            def it_body(i, carry2):
                row0 = s * erows + i * ksub
                pltpu.sync_copy(src_hbm.at[pl.ds(row0, ksub)], src_v)
                pltpu.sync_copy(idx_hbm.at[chunk, pl.ds(row0, ksub)], idx_v)
                gh = [pltpu.async_copy(x_hbm.at[src_v.at[b]], rows_v.at[b], gsem)
                      for b in range(ksub)]
                for h in gh:
                    h.wait()
                sh = [pltpu.async_copy(rows_v.at[b], acc.at[idx_v.at[b]], ssem,
                                       add=True)
                      for b in range(ksub)]
                for h in sh:
                    h.wait()
                return carry2

            lax.fori_loop(0, nit, it_body, 0)
            plsc.subcore_barrier()

            nbt = jnp.where(chunk == nch - 1, last_nb, full_nb)

            def ob(j, carry3):
                blk_id = s + 16 * j

                @pl.when(blk_id < nbt)
                def _():
                    r0 = blk_id * FLB
                    pltpu.sync_copy(acc.at[pl.ds(r0, FLB)],
                                    out_hbm.at[pl.ds(chunk * cn + r0, FLB)])

                return carry3

            lax.fori_loop(0, jmax, ob, 0)
            plsc.subcore_barrier()
            return carry

        lax.fori_loop(0, nch2, chunk_body, 0)

    return k


_scatter16 = _make_scatter(16, CN16, NCH16, 8)
_scatter32 = _make_scatter(32, CN32, NCH32, 8)


def _tc_pre_body(deg_ref, x_ref, dinv_ref, y_ref):
    d = deg_ref[:, 0:1] + 1.0
    dinv = lax.rsqrt(d)
    dinv_ref[...] = dinv
    y_ref[...] = x_ref[...] * dinv


_tc_pre = pl.pallas_call(
    _tc_pre_body,
    grid=(N // NTC,),
    in_specs=[
        pl.BlockSpec((NTC, 16), lambda i: (i, 0)),
        pl.BlockSpec((NTC, 16), lambda i: (i, 0)),
    ],
    out_specs=[
        pl.BlockSpec((NTC, 1), lambda i: (i, 0)),
        pl.BlockSpec((NTC, 16), lambda i: (i, 0)),
    ],
    out_shape=[
        jax.ShapeDtypeStruct((N, 1), jnp.float32),
        jax.ShapeDtypeStruct((N, 16), jnp.float32),
    ],
)


def _make_tc_layer(fin, fout, relu):
    def body(s_ref, y_ref, dinv_ref, w_ref, b_ref, o_ref):
        dinv = dinv_ref[...]
        z = (s_ref[...] + y_ref[...]) * dinv
        h = lax.dot_general(z, w_ref[...], (((1,), (0,)), ((), ())),
                            preferred_element_type=jnp.float32,
                            precision=lax.Precision.HIGHEST) + b_ref[...]
        if relu:
            h = jnp.maximum(h, 0.0) * dinv
        o_ref[...] = h

    return pl.pallas_call(
        body,
        grid=(N // NTC,),
        in_specs=[
            pl.BlockSpec((NTC, fin), lambda i: (i, 0)),
            pl.BlockSpec((NTC, fin), lambda i: (i, 0)),
            pl.BlockSpec((NTC, 1), lambda i: (i, 0)),
            pl.BlockSpec((fin, fout), lambda i: (0, 0)),
            pl.BlockSpec((1, fout), lambda i: (0, 0)),
        ],
        out_specs=pl.BlockSpec((NTC, fout), lambda i: (i, 0)),
        out_shape=jax.ShapeDtypeStruct((N, fout), jnp.float32),
    )


_tc_l1 = _make_tc_layer(16, 32, True)
_tc_l2 = _make_tc_layer(32, 32, True)
_tc_l3 = _make_tc_layer(32, 144, False)


def kernel(x, edge_index, W1, b1, W2, b2, W3, b3):
    src = edge_index[0].astype(jnp.int32)
    dst = edge_index[1].astype(jnp.int32)
    npad = EPAD - E
    srcp = jnp.concatenate([src, jnp.zeros((npad,), jnp.int32)])
    dstp = jnp.concatenate([dst, jnp.full((npad,), 10 * N, jnp.int32)])
    src2d = srcp.reshape(EPAD // BLK, BLK)

    def chunk_local(cn, nch):
        cids = jnp.arange(nch, dtype=jnp.int32)
        idx = jnp.where(
            (dstp[None, :] // cn) == cids[:, None],
            dstp[None, :] - (cids * cn)[:, None],
            cn,
        ).astype(jnp.int32)
        return idx.reshape(nch, EPAD // BLK, BLK)

    idx16 = chunk_local(CN16, NCH16)
    idx32 = chunk_local(CN32, NCH32)
    ones16 = jnp.ones((N, 16), jnp.float32)
    z16 = jnp.zeros((CN16 + 128, 16), jnp.float32)
    z32 = jnp.zeros((CN32 + 128, 32), jnp.float32)

    deg16 = _scatter16(ones16, src2d, idx16, z16)
    x16 = jnp.pad(x, ((0, 0), (0, 16 - x.shape[1])))
    dinv, y0 = _tc_pre(deg16, x16)
    s0 = _scatter16(y0, src2d, idx16, z16)
    W1p = jnp.pad(W1, ((0, 16 - W1.shape[0]), (0, 0)))
    y1 = _tc_l1(s0, y0, dinv, W1p, b1.reshape(1, -1))
    s1 = _scatter32(y1, src2d, idx32, z32)
    y2 = _tc_l2(s1, y1, dinv, W2, b2.reshape(1, -1))
    s2 = _scatter32(y2, src2d, idx32, z32)
    o = _tc_l3(s2, y2, dinv, W3, b3.reshape(1, -1))
    low = 6000 // 12
    out = o.reshape(1, low, low, 12, 12)
    out = jnp.transpose(out, (0, 1, 3, 2, 4))
    return out.reshape(1, 6000, 6000)

# --- scband reference (transcript-rebuilt; emitter-appended) ---
"""Pipeline reference for scband-satellite-image-gnn-5506148073796 (READ-ONLY COPY).

The authoritative reference and input builder live on the scoring server;
editing this copy changes nothing except your own understanding.
"""

import jax, jax.numpy as jnp
import numpy as np

N = 250000
SF = 12
HID = 32
HR = 6000
E = 2000000


def setup_inputs(seed: int = 0) -> dict:
    key = jax.random.key(seed)
    ks = jax.random.split(key, 8)
    x = jax.random.normal(ks[0], (N, 3), dtype=jnp.float32)
    edge_index = jax.random.randint(ks[1], (2, E), 0, N, dtype=jnp.int64)
    W1 = jax.random.normal(ks[2], (3, HID), dtype=jnp.float32) * 0.3
    b1 = jnp.zeros((HID,), dtype=jnp.float32)
    W2 = jax.random.normal(ks[3], (HID, HID), dtype=jnp.float32) * 0.1
    b2 = jnp.zeros((HID,), dtype=jnp.float32)
    W3 = jax.random.normal(ks[4], (HID, SF * SF), dtype=jnp.float32) * 0.1
    b3 = jnp.zeros((SF * SF,), dtype=jnp.float32)
    return {"x": x, "edge_index": edge_index, "W1": W1, "b1": b1, "W2": W2, "b2": b2, "W3": W3, "b3": b3}


def _gcn(x, src, dst, norm, n, W, b):
    # GCNConv: h = X W ; out = D^{-1/2}(A+I)D^{-1/2} h + b
    h = x @ W
    agg = jnp.zeros((n, W.shape[1]), dtype=h.dtype).at[dst].add(norm[:, None] * h[src])
    return agg + b


def reference(x, edge_index, W1, b1, W2, b2, W3, b3):
    n = x.shape[0]
    loops = jnp.arange(n, dtype=edge_index.dtype)
    src = jnp.concatenate([edge_index[0], loops])
    dst = jnp.concatenate([edge_index[1], loops])
    deg = jnp.zeros((n,), dtype=jnp.float32).at[dst].add(1.0)
    dinv = jnp.where(deg > 0, jax.lax.rsqrt(jnp.maximum(deg, 1.0)), 0.0)
    norm = dinv[src] * dinv[dst]
    h = jax.nn.relu(_gcn(x, src, dst, norm, n, W1, b1))
    h = jax.nn.relu(_gcn(h, src, dst, norm, n, W2, b2))
    h = _gcn(h, src, dst, norm, n, W3, b3)
    low = HR // SF  # 500
    batch = n // (low * low)  # 1
    out = h.reshape(batch, low, low, SF, SF)
    out = jnp.transpose(out, (0, 1, 3, 2, 4))
    out = out.reshape(batch, HR, HR)
    return out


if False:  # reference __main__ guard neutralized (emitter)
    inp = setup_inputs()
    o = reference(**inp)
    print(o.shape)

if __name__ == "__main__":
    import jax
    _d = setup_inputs()
    print(jax.jit(kernel)(*tuple(_d.values())))

</pallas_src>

<mosaic_0001>
#map = affine_map<(d0, d1) -> (0, 0)>
#map1 = affine_map<(d0, d1) -> (0, 0, 0)>
module attributes {stable_mosaic.version = 14 : i64} {
  func.func @k(%arg0: i32, %arg1: i32, %arg2: memref<250000x16xf32, #tpu.memory_space<hbm>>, %arg3: memref<15744x128xi32, #tpu.memory_space<hbm>>, %arg4: memref<4x15744x128xi32, #tpu.memory_space<hbm>>, %arg5: memref<64128x16xf32, #tpu.memory_space<hbm>>, %arg6: memref<250000x16xf32, #tpu.memory_space<hbm>>, %arg7: memref<8x128xi32, #tpu.memory_space<vmem>>, %arg8: memref<8x128xi32, #tpu.memory_space<vmem>>, %arg9: memref<8x128x16xf32, #tpu.memory_space<vmem>>, %arg10: memref<64128x16xf32, #tpu.memory_space<vmem_shared>>, %arg11: memref<!tpu.dma_semaphore, #tpu.memory_space<semaphore_mem>>, %arg12: memref<!tpu.dma_semaphore, #tpu.memory_space<semaphore_mem>>) attributes {dimension_semantics = [#tpu.dimension_semantics<core_parallel>, #tpu.dimension_semantics<subcore_parallel>], iteration_bounds = array<i64: 2, 16>, scalar_prefetch = 0 : i64, scratch_operands = 6 : i64, tpu.core_type = #tpu.core_type<sc_vector_subcore>, window_params = [{transform_indices = #map}, {transform_indices = #map}, {transform_indices = #map1}, {transform_indices = #map}, {transform_indices = #map}]} {
    %scan3A = arith.constant 0 : i32
    %scan3A_0 = arith.constant 0 : i32
    %scan3A_1 = arith.constant 2 : i32
    %scan3A_2 = arith.addi %scan3A_0, %scan3A_1 : i32
    %scan3A_3 = arith.constant 1 : i32
    scf.for %scan3A_5 = %scan3A_0 to %scan3A_2 step %scan3A_3  : i32 {
      %mul3A = arith.constant 2 : i32
      %mul3A_6 = arith.muli %mul3A, %arg0 : i32
      %add3A = arith.addi %mul3A_6, %scan3A_5 : i32
      %mul3A_7 = arith.constant 4008 : i32
      %mul3A_8 = arith.muli %arg1, %mul3A_7 : i32
      %mul3A_9 = arith.constant 4008 : i32
      %mul3A_10 = arith.muli %arg1, %mul3A_9 : i32
      "tpu.region"() ({
        %run_scoped3A = tpu.sem_alloc : memref<!tpu.dma_semaphore, #tpu.memory_space<semaphore_mem>>
        %dma_start3A = arith.constant 0 : i32
        %dma_start3A_27 = tpu.memref_slice %arg10[%mul3A_10, %dma_start3A] : memref<64128x16xf32, #tpu.memory_space<vmem_shared>> -> memref<4008x16xf32, #tpu.memory_space<vmem_shared>>
        %dma_start3A_28 = arith.constant 0 : i32
        %dma_start3A_29 = tpu.memref_slice %arg5[%mul3A_8, %dma_start3A_28] : memref<64128x16xf32, #tpu.memory_space<hbm>> -> memref<4008x16xf32, #tpu.memory_space<hbm>>
        tpu.enqueue_dma source(%dma_start3A_29 : memref<4008x16xf32, #tpu.memory_space<hbm>>) target(%dma_start3A_27 : memref<4008x16xf32, #tpu.memory_space<vmem_shared>>) target_semaphore(%run_scoped3A : memref<!tpu.dma_semaphore, #tpu.memory_space<semaphore_mem>>)
        %dma_wait3A = arith.constant 0 : i32
        %dma_wait3A_30 = tpu.memref_slice %arg10[%mul3A_10, %dma_wait3A] : memref<64128x16xf32, #tpu.memory_space<vmem_shared>> -> memref<4008x16xf32, #tpu.memory_space<vmem_shared>>
        %dma_wait3A_31 = arith.constant 0 : i32
        %dma_wait3A_32 = tpu.memref_slice %arg5[%mul3A_8, %dma_wait3A_31] : memref<64128x16xf32, #tpu.memory_space<hbm>> -> memref<4008x16xf32, #tpu.memory_space<hbm>>
        tpu.wait_dma2 semaphore(%run_scoped3A : memref<!tpu.dma_semaphore, #tpu.memory_space<semaphore_mem>>) src(%dma_wait3A_32 : memref<4008x16xf32, #tpu.memory_space<hbm>>) dst(%dma_wait3A_30 : memref<4008x16xf32, #tpu.memory_space<vmem_shared>>)
        tpu.yield
      }) : () -> ()
      %barrier3A = arith.constant 0 : index
      tpu.barrier barrier_id(%barrier3A)
      %scan3A_11 = arith.constant 0 : i32
      %scan3A_12 = arith.constant 0 : i32
      %scan3A_13 = arith.constant 123 : i32
      %scan3A_14 = arith.addi %scan3A_12, %scan3A_13 : i32
      %scan3A_15 = arith.constant 1 : i32
      scf.for %scan3A_27 = %scan3A_12 to %scan3A_14 step %scan3A_15  : i32 {
        %mul3A_28 = arith.constant 984 : i32
        %mul3A_29 = arith.muli %arg1, %mul3A_28 : i32
        %mul3A_30 = arith.constant 8 : i32
        %mul3A_31 = arith.muli %scan3A_27, %mul3A_30 : i32
        %add3A_32 = arith.addi %mul3A_29, %mul3A_31 : i32
        "tpu.region"() ({
          %run_scoped3A = tpu.sem_alloc : memref<!tpu.dma_semaphore, #tpu.memory_space<semaphore_mem>>
          %dma_start3A_415 = arith.constant 0 : i32
          %dma_start3A_416 = tpu.memref_slice %arg3[%add3A_32, %dma_start3A_415] : memref<15744x128xi32, #tpu.memory_space<hbm>> -> memref<8x128xi32, #tpu.memory_space<hbm>>
          %dma_start3A_417 = arith.constant 0 : i32
          %dma_start3A_418 = tpu.memref_slice %arg3[%add3A_32, %dma_start3A_417] : memref<15744x128xi32, #tpu.memory_space<hbm>> -> memref<8x128xi32, #tpu.memory_space<hbm>>
          tpu.enqueue_dma source(%dma_start3A_418 : memref<8x128xi32, #tpu.memory_space<hbm>>) target(%arg7 : memref<8x128xi32, #tpu.memory_space<vmem>>) target_semaphore(%run_scoped3A : memref<!tpu.dma_semaphore, #tpu.memory_space<semaphore_mem>>)
          %dma_wait3A_419 = arith.constant 0 : i32
          %dma_wait3A_420 = tpu.memref_slice %arg3[%add3A_32, %dma_wait3A_419] : memref<15744x128xi32, #tpu.memory_space<hbm>> -> memref<8x128xi32, #tpu.memory_space<hbm>>
          %dma_wait3A_421 = arith.constant 0 : i32
          %dma_wait3A_422 = tpu.memref_slice %arg3[%add3A_32, %dma_wait3A_421] : memref<15744x128xi32, #tpu.memory_space<hbm>> -> memref<8x128xi32, #tpu.memory_space<hbm>>
          tpu.wait_dma2 semaphore(%run_scoped3A : memref<!tpu.dma_semaphore, #tpu.memory_space<semaphore_mem>>) src(%dma_wait3A_422 : memref<8x128xi32, #tpu.memory_space<hbm>>) dst(%arg7 : memref<8x128xi32, #tpu.memory_space<vmem>>)
          tpu.yield
        }) : () -> ()
        "tpu.region"() ({
          %run_scoped3A = tpu.sem_alloc : memref<!tpu.dma_semaphore, #tpu.memory_space<semaphore_mem>>
          %dma_start3A_415 = arith.constant 0 : i32
          %dma_start3A_416 = tpu.memref_slice %arg4[%add3A, %add3A_32, %dma_start3A_415] : memref<4x15744x128xi32, #tpu.memory_space<hbm>> -> memref<1x8x128xi32, #tpu.memory_space<hbm>>
          %dma_start3A_417 = tpu.memref_squeeze %dma_start3A_416 : memref<1x8x128xi32, #tpu.memory_space<hbm>> -> memref<8x128xi32, #tpu.memory_space<hbm>>
          %dma_start3A_418 = arith.constant 0 : i32
          %dma_start3A_419 = tpu.memref_slice %arg4[%add3A, %add3A_32, %dma_start3A_418] : memref<4x15744x128xi32, #tpu.memory_space<hbm>> -> memref<1x8x128xi32, #tpu.memory_space<hbm>>
          %dma_start3A_420 = tpu.memref_squeeze %dma_start3A_419 : memref<1x8x128xi32, #tpu.memory_space<hbm>> -> memref<8x128xi32, #tpu.memory_space<hbm>>
          tpu.enqueue_dma source(%dma_start3A_420 : memref<8x128xi32, #tpu.memory_space<hbm>>) target(%arg8 : memref<8x128xi32, #tpu.memory_space<vmem>>) target_semaphore(%run_scoped3A : memref<!tpu.dma_semaphore, #tpu.memory_space<semaphore_mem>>)
          %dma_wait3A_421 = arith.constant 0 : i32
          %dma_wait3A_422 = tpu.memref_slice %arg4[%add3A, %add3A_32, %dma_wait3A_421] : memref<4x15744x128xi32, #tpu.memory_space<hbm>> -> memref<1x8x128xi32, #tpu.memory_space<hbm>>
          %dma_wait3A_423 = tpu.memref_squeeze %dma_wait3A_422 : memref<1x8x128xi32, #tpu.memory_space<hbm>> -> memref<8x128xi32, #tpu.memory_space<hbm>>
          %dma_wait3A_424 = arith.constant 0 : i32
          %dma_wait3A_425 = tpu.memref_slice %arg4[%add3A, %add3A_32, %dma_wait3A_424] : memref<4x15744x128xi32, #tpu.memory_space<hbm>> -> memref<1x8x128xi32, #tpu.memory_space<hbm>>
          %dma_wait3A_426 = tpu.memref_squeeze %dma_wait3A_425 : memref<1x8x128xi32, #tpu.memory_space<hbm>> -> memref<8x128xi32, #tpu.memory_space<hbm>>
          tpu.wait_dma2 semaphore(%run_scoped3A : memref<!tpu.dma_semaphore, #tpu.memory_space<semaphore_mem>>) src(%dma_wait3A_426 : memref<8x128xi32, #tpu.memory_space<hbm>>) dst(%arg8 : memref<8x128xi32, #tpu.memory_space<vmem>>)
          tpu.yield
        }) : () -> ()
        %dma_start3A = arith.constant 0 : i32
        %dma_start3A_33 = arith.constant 0 : i32
        %dma_start3A_34 = arith.constant 0 : i32
        %dma_start3A_35 = arith.constant 0 : i32
        %dma_start3A_36 = tpu.memref_slice %arg9[%dma_start3A_33, %dma_start3A_34, %dma_start3A_35] : memref<8x128x16xf32, #tpu.memory_space<vmem>> -> memref<1x128x16xf32, #tpu.memory_space<vmem>>
        %dma_start3A_37 = tpu.memref_squeeze %dma_start3A_36 : memref<1x128x16xf32, #tpu.memory_space<vmem>> -> memref<128x16xf32, #tpu.memory_space<vmem>>
        %dma_start3A_38 = arith.constant 0 : i32
        %dma_start3A_39 = tpu.memref_slice %arg7[%dma_start3A, %dma_start3A_38] : memref<8x128xi32, #tpu.memory_space<vmem>> -> memref<1x128xi32, #tpu.memory_space<vmem>>
        %dma_start3A_40 = tpu.memref_squeeze %dma_start3A_39 : memref<1x128xi32, #tpu.memory_space<vmem>> -> memref<128xi32, #tpu.memory_space<vmem>>
        %dma_start3A_41 = arith.constant 0 : i32
        %dma_start3A_42 = arith.constant 0 : i32
        %dma_start3A_43 = tpu.memref_slice %arg2[%dma_start3A_41, %dma_start3A_42] : memref<250000x16xf32, #tpu.memory_space<hbm>> -> memref<250000x16xf32, #tpu.memory_space<hbm>>
        tpu.enqueue_indirect_dma source(%dma_start3A_43 : memref<250000x16xf32, #tpu.memory_space<hbm>>) target(%dma_start3A_37 : memref<128x16xf32, #tpu.memory_space<vmem>>) offsets(%dma_start3A_40 : memref<128xi32, #tpu.memory_space<vmem>>) semaphore(%arg11 : memref<!tpu.dma_semaphore, #tpu.memory_space<semaphore_mem>>)
        %dma_start3A_44 = arith.constant 1 : i32
        %dma_start3A_45 = arith.constant 1 : i32
        %dma_start3A_46 = arith.constant 0 : i32
        %dma_start3A_47 = arith.constant 0 : i32
        %dma_start3A_48 = tpu.memref_slice %arg9[%dma_start3A_45, %dma_start3A_46, %dma_start3A_47] : memref<8x128x16xf32, #tpu.memory_space<vmem>> -> memref<1x128x16xf32, #tpu.memory_space<vmem>>
        %dma_start3A_49 = tpu.memref_squeeze %dma_start3A_48 : memref<1x128x16xf32, #tpu.memory_space<vmem>> -> memref<128x16xf32, #tpu.memory_space<vmem>>
        %dma_start3A_50 = arith.constant 0 : i32
        %dma_start3A_51 = tpu.memref_slice %arg7[%dma_start3A_44, %dma_start3A_50] : memref<8x128xi32, #tpu.memory_space<vmem>> -> memref<1x128xi32, #tpu.memory_space<vmem>>
        %dma_start3A_52 = tpu.memref_squeeze %dma_start3A_51 : memref<1x128xi32, #tpu.memory_space<vmem>> -> memref<128xi32, #tpu.memory_space<vmem>>
        %dma_start3A_53 = arith.constant 0 : i32
        %dma_start3A_54 = arith.constant 0 : i32
        %dma_start3A_55 = tpu.memref_slice %arg2[%dma_start3A_53, %dma_start3A_54] : memref<250000x16xf32, #tpu.memory_space<hbm>> -> memref<250000x16xf32, #tpu.memory_space<hbm>>
        tpu.enqueue_indirect_dma source(%dma_start3A_55 : memref<250000x16xf32, #tpu.memory_space<hbm>>) target(%dma_start3A_49 : memref<128x16xf32, #tpu.memory_space<vmem>>) offsets(%dma_start3A_52 : memref<128xi32, #tpu.memory_space<vmem>>) semaphore(%arg11 : memref<!tpu.dma_semaphore, #tpu.memory_space<semaphore_mem>>)
        %dma_start3A_56 = arith.constant 2 : i32
        %dma_start3A_57 = arith.constant 2 : i32
        %dma_start3A_58 = arith.constant 0 : i32
        %dma_start3A_59 = arith.constant 0 : i32
        %dma_start3A_60 = tpu.memref_slice %arg9[%dma_start3A_57, %dma_start3A_58, %dma_start3A_59] : memref<8x128x16xf32, #tpu.memory_space<vmem>> -> memref<1x128x16xf32, #tpu.memory_space<vmem>>
        %dma_start3A_61 = tpu.memref_squeeze %dma_start3A_60 : memref<1x128x16xf32, #tpu.memory_space<vmem>> -> memref<128x16xf32, #tpu.memory_space<vmem>>
        %dma_start3A_62 = arith.constant 0 : i32
        %dma_start3A_63 = tpu.memref_slice %arg7[%dma_start3A_56, %dma_start3A_62] : memref<8x128xi32, #tpu.memory_space<vmem>> -> memref<1x128xi32, #tpu.memory_space<vmem>>
        %dma_start3A_64 = tpu.memref_squeeze %dma_start3A_63 : memref<1x128xi32, #tpu.memory_space<vmem>> -> memref<128xi32, #tpu.memory_space<vmem>>
        %dma_start3A_65 = arith.constant 0 : i32
        %dma_start3A_66 = arith.constant 0 : i32
        %dma_start3A_67 = tpu.memref_slice %arg2[%dma_start3A_65, %dma_start3A_66] : memref<250000x16xf32, #tpu.memory_space<hbm>> -> memref<250000x16xf32, #tpu.memory_space<hbm>>
        tpu.enqueue_indirect_dma source(%dma_start3A_67 : memref<250000x16xf32, #tpu.memory_space<hbm>>) target(%dma_start3A_61 : memref<128x16xf32, #tpu.memory_space<vmem>>) offsets(%dma_start3A_64 : memref<128xi32, #tpu.memory_space<vmem>>) semaphore(%arg11 : memref<!tpu.dma_semaphore, #tpu.memory_space<semaphore_mem>>)
        %dma_start3A_68 = arith.constant 3 : i32
        %dma_start3A_69 = arith.constant 3 : i32
        %dma_start3A_70 = arith.constant 0 : i32
        %dma_start3A_71 = arith.constant 0 : i32
        %dma_start3A_72 = tpu.memref_slice %arg9[%dma_start3A_69, %dma_start3A_70, %dma_start3A_71] : memref<8x128x16xf32, #tpu.memory_space<vmem>> -> memref<1x128x16xf32, #tpu.memory_space<vmem>>
        %dma_start3A_73 = tpu.memref_squeeze %dma_start3A_72 : memref<1x128x16xf32, #tpu.memory_space<vmem>> -> memref<128x16xf32, #tpu.memory_space<vmem>>
        %dma_start3A_74 = arith.constant 0 : i32
        %dma_start3A_75 = tpu.memref_slice %arg7[%dma_start3A_68, %dma_start3A_74] : memref<8x128xi32, #tpu.memory_space<vmem>> -> memref<1x128xi32, #tpu.memory_space<vmem>>
        %dma_start3A_76 = tpu.memref_squeeze %dma_start3A_75 : memref<1x128xi32, #tpu.memory_space<vmem>> -> memref<128xi32, #tpu.memory_space<vmem>>
        %dma_start3A_77 = arith.constant 0 : i32
        %dma_start3A_78 = arith.constant 0 : i32
        %dma_start3A_79 = tpu.memref_slice %arg2[%dma_start3A_77, %dma_start3A_78] : memref<250000x16xf32, #tpu.memory_space<hbm>> -> memref<250000x16xf32, #tpu.memory_space<hbm>>
        tpu.enqueue_indirect_dma source(%dma_start3A_79 : memref<250000x16xf32, #tpu.memory_space<hbm>>) target(%dma_start3A_73 : memref<128x16xf32, #tpu.memory_space<vmem>>) offsets(%dma_start3A_76 : memref<128xi32, #tpu.memory_space<vmem>>) semaphore(%arg11 : memref<!tpu.dma_semaphore, #tpu.memory_space<semaphore_mem>>)
        %dma_start3A_80 = arith.constant 4 : i32
        %dma_start3A_81 = arith.constant 4 : i32
        %dma_start3A_82 = arith.constant 0 : i32
        %dma_start3A_83 = arith.constant 0 : i32
        %dma_start3A_84 = tpu.memref_slice %arg9[%dma_start3A_81, %dma_start3A_82, %dma_start3A_83] : memref<8x128x16xf32, #tpu.memory_space<vmem>> -> memref<1x128x16xf32, #tpu.memory_space<vmem>>
        %dma_start3A_85 = tpu.memref_squeeze %dma_start3A_84 : memref<1x128x16xf32, #tpu.memory_space<vmem>> -> memref<128x16xf32, #tpu.memory_space<vmem>>
        %dma_start3A_86 = arith.constant 0 : i32
        %dma_start3A_87 = tpu.memref_slice %arg7[%dma_start3A_80, %dma_start3A_86] : memref<8x128xi32, #tpu.memory_space<vmem>> -> memref<1x128xi32, #tpu.memory_space<vmem>>
        %dma_start3A_88 = tpu.memref_squeeze %dma_start3A_87 : memref<1x128xi32, #tpu.memory_space<vmem>> -> memref<128xi32, #tpu.memory_space<vmem>>
        %dma_start3A_89 = arith.constant 0 : i32
        %dma_start3A_90 = arith.constant 0 : i32
        %dma_start3A_91 = tpu.memref_slice %arg2[%dma_start3A_89, %dma_start3A_90] : memref<250000x16xf32, #tpu.memory_space<hbm>> -> memref<250000x16xf32, #tpu.memory_space<hbm>>
        tpu.enqueue_indirect_dma source(%dma_start3A_91 : memref<250000x16xf32, #tpu.memory_space<hbm>>) target(%dma_start3A_85 : memref<128x16xf32, #tpu.memory_space<vmem>>) offsets(%dma_start3A_88 : memref<128xi32, #tpu.memory_space<vmem>>) semaphore(%arg11 : memref<!tpu.dma_semaphore, #tpu.memory_space<semaphore_mem>>)
        %dma_start3A_92 = arith.constant 5 : i32
        %dma_start3A_93 = arith.constant 5 : i32
        %dma_start3A_94 = arith.constant 0 : i32
        %dma_start3A_95 = arith.constant 0 : i32
        %dma_start3A_96 = tpu.memref_slice %arg9[%dma_start3A_93, %dma_start3A_94, %dma_start3A_95] : memref<8x128x16xf32, #tpu.memory_space<vmem>> -> memref<1x128x16xf32, #tpu.memory_space<vmem>>
        %dma_start3A_97 = tpu.memref_squeeze %dma_start3A_96 : memref<1x128x16xf32, #tpu.memory_space<vmem>> -> memref<128x16xf32, #tpu.memory_space<vmem>>
        %dma_start3A_98 = arith.constant 0 : i32
        %dma_start3A_99 = tpu.memref_slice %arg7[%dma_start3A_92, %dma_start3A_98] : memref<8x128xi32, #tpu.memory_space<vmem>> -> memref<1x128xi32, #tpu.memory_space<vmem>>
        %dma_start3A_100 = tpu.memref_squeeze %dma_start3A_99 : memref<1x128xi32, #tpu.memory_space<vmem>> -> memref<128xi32, #tpu.memory_space<vmem>>
        %dma_start3A_101 = arith.constant 0 : i32
        %dma_start3A_102 = arith.constant 0 : i32
        %dma_start3A_103 = tpu.memref_slice %arg2[%dma_start3A_101, %dma_start3A_102] : memref<250000x16xf32, #tpu.memory_space<hbm>> -> memref<250000x16xf32, #tpu.memory_space<hbm>>
        tpu.enqueue_indirect_dma source(%dma_start3A_103 : memref<250000x16xf32, #tpu.memory_space<hbm>>) target(%dma_start3A_97 : memref<128x16xf32, #tpu.memory_space<vmem>>) offsets(%dma_start3A_100 : memref<128xi32, #tpu.memory_space<vmem>>) semaphore(%arg11 : memref<!tpu.dma_semaphore, #tpu.memory_space<semaphore_mem>>)
        %dma_start3A_104 = arith.constant 6 : i32
        %dma_start3A_105 = arith.constant 6 : i32
        %dma_start3A_106 = arith.constant 0 : i32
        %dma_start3A_107 = arith.constant 0 : i32
        %dma_start3A_108 = tpu.memref_slice %arg9[%dma_start3A_105, %dma_start3A_106, %dma_start3A_107] : memref<8x128x16xf32, #tpu.memory_space<vmem>> -> memref<1x128x16xf32, #tpu.memory_space<vmem>>
        %dma_start3A_109 = tpu.memref_squeeze %dma_start3A_108 : memref<1x128x16xf32, #tpu.memory_space<vmem>> -> memref<128x16xf32, #tpu.memory_space<vmem>>
        %dma_start3A_110 = arith.constant 0 : i32
        %dma_start3A_111 = tpu.memref_slice %arg7[%dma_start3A_104, %dma_start3A_110] : memref<8x128xi32, #tpu.memory_space<vmem>> -> memref<1x128xi32, #tpu.memory_space<vmem>>
        %dma_start3A_112 = tpu.memref_squeeze %dma_start3A_111 : memref<1x128xi32, #tpu.memory_space<vmem>> -> memref<128xi32, #tpu.memory_space<vmem>>
        %dma_start3A_113 = arith.constant 0 : i32
        %dma_start3A_114 = arith.constant 0 : i32
        %dma_start3A_115 = tpu.memref_slice %arg2[%dma_start3A_113, %dma_start3A_114] : memref<250000x16xf32, #tpu.memory_space<hbm>> -> memref<250000x16xf32, #tpu.memory_space<hbm>>
        tpu.enqueue_indirect_dma source(%dma_start3A_115 : memref<250000x16xf32, #tpu.memory_space<hbm>>) target(%dma_start3A_109 : memref<128x16xf32, #tpu.memory_space<vmem>>) offsets(%dma_start3A_112 : memref<128xi32, #tpu.memory_space<vmem>>) semaphore(%arg11 : memref<!tpu.dma_semaphore, #tpu.memory_space<semaphore_mem>>)
        %dma_start3A_116 = arith.constant 7 : i32
        %dma_start3A_117 = arith.constant 7 : i32
        %dma_start3A_118 = arith.constant 0 : i32
        %dma_start3A_119 = arith.constant 0 : i32
        %dma_start3A_120 = tpu.memref_slice %arg9[%dma_start3A_117, %dma_start3A_118, %dma_start3A_119] : memref<8x128x16xf32, #tpu.memory_space<vmem>> -> memref<1x128x16xf32, #tpu.memory_space<vmem>>
        %dma_start3A_121 = tpu.memref_squeeze %dma_start3A_120 : memref<1x128x16xf32, #tpu.memory_space<vmem>> -> memref<128x16xf32, #tpu.memory_space<vmem>>
        %dma_start3A_122 = arith.constant 0 : i32
        %dma_start3A_123 = tpu.memref_slice %arg7[%dma_start3A_116, %dma_start3A_122] : memref<8x128xi32, #tpu.memory_space<vmem>> -> memref<1x128xi32, #tpu.memory_space<vmem>>
        %dma_start3A_124 = tpu.memref_squeeze %dma_start3A_123 : memref<1x128xi32, #tpu.memory_space<vmem>> -> memref<128xi32, #tpu.memory_space<vmem>>
        %dma_start3A_125 = arith.constant 0 : i32
        %dma_start3A_126 = arith.constant 0 : i32
        %dma_start3A_127 = tpu.memref_slice %arg2[%dma_start3A_125, %dma_start3A_126] : memref<250000x16xf32, #tpu.memory_space<hbm>> -> memref<250000x16xf32, #tpu.memory_space<hbm>>
        tpu.enqueue_indirect_dma source(%dma_start3A_127 : memref<250000x16xf32, #tpu.memory_space<hbm>>) target(%dma_start3A_121 : memref<128x16xf32, #tpu.memory_space<vmem>>) offsets(%dma_start3A_124 : memref<128xi32, #tpu.memory_space<vmem>>) semaphore(%arg11 : memref<!tpu.dma_semaphore, #tpu.memory_space<semaphore_mem>>)
        %dma_wait3A = arith.constant 0 : i32
        %dma_wait3A_128 = arith.constant 0 : i32
        %dma_wait3A_129 = arith.constant 0 : i32
        %dma_wait3A_130 = arith.constant 0 : i32
        %dma_wait3A_131 = tpu.memref_slice %arg9[%dma_wait3A_128, %dma_wait3A_129, %dma_wait3A_130] : memref<8x128x16xf32, #tpu.memory_space<vmem>> -> memref<1x128x16xf32, #tpu.memory_space<vmem>>
        %dma_wait3A_132 = tpu.memref_squeeze %dma_wait3A_131 : memref<1x128x16xf32, #tpu.memory_space<vmem>> -> memref<128x16xf32, #tpu.memory_space<vmem>>
        %dma_wait3A_133 = arith.constant 0 : i32
        %dma_wait3A_134 = tpu.memref_slice %arg7[%dma_wait3A, %dma_wait3A_133] : memref<8x128xi32, #tpu.memory_space<vmem>> -> memref<1x128xi32, #tpu.memory_space<vmem>>
        %dma_wait3A_135 = tpu.memref_squeeze %dma_wait3A_134 : memref<1x128xi32, #tpu.memory_space<vmem>> -> memref<128xi32, #tpu.memory_space<vmem>>
        %dma_wait3A_136 = arith.constant 0 : i32
        %dma_wait3A_137 = arith.constant 0 : i32
        %dma_wait3A_138 = tpu.memref_slice %arg2[%dma_wait3A_136, %dma_wait3A_137] : memref<250000x16xf32, #tpu.memory_space<hbm>> -> memref<250000x16xf32, #tpu.memory_space<hbm>>
        tpu.wait_indirect_dma semaphore(%arg11 : memref<!tpu.dma_semaphore, #tpu.memory_space<semaphore_mem>>) src(%dma_wait3A_138 : memref<250000x16xf32, #tpu.memory_space<hbm>>) dst(%dma_wait3A_132 : memref<128x16xf32, #tpu.memory_space<vmem>>)
        %dma_wait3A_139 = arith.constant 1 : i32
        %dma_wait3A_140 = arith.constant 1 : i32
        %dma_wait3A_141 = arith.constant 0 : i32
        %dma_wait3A_142 = arith.constant 0 : i32
        %dma_wait3A_143 = tpu.memref_slice %arg9[%dma_wait3A_140, %dma_wait3A_141, %dma_wait3A_142] : memref<8x128x16xf32, #tpu.memory_space<vmem>> -> memref<1x128x16xf32, #tpu.memory_space<vmem>>
        %dma_wait3A_144 = tpu.memref_squeeze %dma_wait3A_143 : memref<1x128x16xf32, #tpu.memory_space<vmem>> -> memref<128x16xf32, #tpu.memory_space<vmem>>
        %dma_wait3A_145 = arith.constant 0 : i32
        %dma_wait3A_146 = tpu.memref_slice %arg7[%dma_wait3A_139, %dma_wait3A_145] : memref<8x128xi32, #tpu.memory_space<vmem>> -> memref<1x128xi32, #tpu.memory_space<vmem>>
        %dma_wait3A_147 = tpu.memref_squeeze %dma_wait3A_146 : memref<1x128xi32, #tpu.memory_space<vmem>> -> memref<128xi32, #tpu.memory_space<vmem>>
        %dma_wait3A_148 = arith.constant 0 : i32
        %dma_wait3A_149 = arith.constant 0 : i32
        %dma_wait3A_150 = tpu.memref_slice %arg2[%dma_wait3A_148, %dma_wait3A_149] : memref<250000x16xf32, #tpu.memory_space<hbm>> -> memref<250000x16xf32, #tpu.memory_space<hbm>>
        tpu.wait_indirect_dma semaphore(%arg11 : memref<!tpu.dma_semaphore, #tpu.memory_space<semaphore_mem>>) src(%dma_wait3A_150 : memref<250000x16xf32, #tpu.memory_space<hbm>>) dst(%dma_wait3A_144 : memref<128x16xf32, #tpu.memory_space<vmem>>)
        %dma_wait3A_151 = arith.constant 2 : i32
        %dma_wait3A_152 = arith.constant 2 : i32
        %dma_wait3A_153 = arith.constant 0 : i32
        %dma_wait3A_154 = arith.constant 0 : i32
        %dma_wait3A_155 = tpu.memref_slice %arg9[%dma_wait3A_152, %dma_wait3A_153, %dma_wait3A_154] : memref<8x128x16xf32, #tpu.memory_space<vmem>> -> memref<1x128x16xf32, #tpu.memory_space<vmem>>
        %dma_wait3A_156 = tpu.memref_squeeze %dma_wait3A_155 : memref<1x128x16xf32, #tpu.memory_space<vmem>> -> memref<128x16xf32, #tpu.memory_space<vmem>>
        %dma_wait3A_157 = arith.constant 0 : i32
        %dma_wait3A_158 = tpu.memref_slice %arg7[%dma_wait3A_151, %dma_wait3A_157] : memref<8x128xi32, #tpu.memory_space<vmem>> -> memref<1x128xi32, #tpu.memory_space<vmem>>
        %dma_wait3A_159 = tpu.memref_squeeze %dma_wait3A_158 : memref<1x128xi32, #tpu.memory_space<vmem>> -> memref<128xi32, #tpu.memory_space<vmem>>
        %dma_wait3A_160 = arith.constant 0 : i32
        %dma_wait3A_161 = arith.constant 0 : i32
        %dma_wait3A_162 = tpu.memref_slice %arg2[%dma_wait3A_160, %dma_wait3A_161] : memref<250000x16xf32, #tpu.memory_space<hbm>> -> memref<250000x16xf32, #tpu.memory_space<hbm>>
        tpu.wait_indirect_dma semaphore(%arg11 : memref<!tpu.dma_semaphore, #tpu.memory_space<semaphore_mem>>) src(%dma_wait3A_162 : memref<250000x16xf32, #tpu.memory_space<hbm>>) dst(%dma_wait3A_156 : memref<128x16xf32, #tpu.memory_space<vmem>>)
        %dma_wait3A_163 = arith.constant 3 : i32
        %dma_wait3A_164 = arith.constant 3 : i32
        %dma_wait3A_165 = arith.constant 0 : i32
        %dma_wait3A_166 = arith.constant 0 : i32
        %dma_wait3A_167 = tpu.memref_slice %arg9[%dma_wait3A_164, %dma_wait3A_165, %dma_wait3A_166] : memref<8x128x16xf32, #tpu.memory_space<vmem>> -> memref<1x128x16xf32, #tpu.memory_space<vmem>>
        %dma_wait3A_168 = tpu.memref_squeeze %dma_wait3A_167 : memref<1x128x16xf32, #tpu.memory_space<vmem>> -> memref<128x16xf32, #tpu.memory_space<vmem>>
        %dma_wait3A_169 = arith.constant 0 : i32
        %dma_wait3A_170 = tpu.memref_slice %arg7[%dma_wait3A_163, %dma_wait3A_169] : memref<8x128xi32, #tpu.memory_space<vmem>> -> memref<1x128xi32, #tpu.memory_space<vmem>>
        %dma_wait3A_171 = tpu.memref_squeeze %dma_wait3A_170 : memref<1x128xi32, #tpu.memory_space<vmem>> -> memref<128xi32, #tpu.memory_space<vmem>>
        %dma_wait3A_172 = arith.constant 0 : i32
        %dma_wait3A_173 = arith.constant 0 : i32
        %dma_wait3A_174 = tpu.memref_slice %arg2[%dma_wait3A_172, %dma_wait3A_173] : memref<250000x16xf32, #tpu.memory_space<hbm>> -> memref<250000x16xf32, #tpu.memory_space<hbm>>
        tpu.wait_indirect_dma semaphore(%arg11 : memref<!tpu.dma_semaphore, #tpu.memory_space<semaphore_mem>>) src(%dma_wait3A_174 : memref<250000x16xf32, #tpu.memory_space<hbm>>) dst(%dma_wait3A_168 : memref<128x16xf32, #tpu.memory_space<vmem>>)
        %dma_wait3A_175 = arith.constant 4 : i32
        %dma_wait3A_176 = arith.constant 4 : i32
        %dma_wait3A_177 = arith.constant 0 : i32
        %dma_wait3A_178 = arith.constant 0 : i32
        %dma_wait3A_179 = tpu.memref_slice %arg9[%dma_wait3A_176, %dma_wait3A_177, %dma_wait3A_178] : memref<8x128x16xf32, #tpu.memory_space<vmem>> -> memref<1x128x16xf32, #tpu.memory_space<vmem>>
        %dma_wait3A_180 = tpu.memref_squeeze %dma_wait3A_179 : memref<1x128x16xf32, #tpu.memory_space<vmem>> -> memref<128x16xf32, #tpu.memory_space<vmem>>
        %dma_wait3A_181 = arith.constant 0 : i32
        %dma_wait3A_182 = tpu.memref_slice %arg7[%dma_wait3A_175, %dma_wait3A_181] : memref<8x128xi32, #tpu.memory_space<vmem>> -> memref<1x128xi32, #tpu.memory_space<vmem>>
        %dma_wait3A_183 = tpu.memref_squeeze %dma_wait3A_182 : memref<1x128xi32, #tpu.memory_space<vmem>> -> memref<128xi32, #tpu.memory_space<vmem>>
        %dma_wait3A_184 = arith.constant 0 : i32
        %dma_wait3A_185 = arith.constant 0 : i32
        %dma_wait3A_186 = tpu.memref_slice %arg2[%dma_wait3A_184, %dma_wait3A_185] : memref<250000x16xf32, #tpu.memory_space<hbm>> -> memref<250000x16xf32, #tpu.memory_space<hbm>>
        tpu.wait_indirect_dma semaphore(%arg11 : memref<!tpu.dma_semaphore, #tpu.memory_space<semaphore_mem>>) src(%dma_wait3A_186 : memref<250000x16xf32, #tpu.memory_space<hbm>>) dst(%dma_wait3A_180 : memref<128x16xf32, #tpu.memory_space<vmem>>)
        %dma_wait3A_187 = arith.constant 5 : i32
        %dma_wait3A_188 = arith.constant 5 : i32
        %dma_wait3A_189 = arith.constant 0 : i32
        %dma_wait3A_190 = arith.constant 0 : i32
        %dma_wait3A_191 = tpu.memref_slice %arg9[%dma_wait3A_188, %dma_wait3A_189, %dma_wait3A_190] : memref<8x128x16xf32, #tpu.memory_space<vmem>> -> memref<1x128x16xf32, #tpu.memory_space<vmem>>
        %dma_wait3A_192 = tpu.memref_squeeze %dma_wait3A_191 : memref<1x128x16xf32, #tpu.memory_space<vmem>> -> memref<128x16xf32, #tpu.memory_space<vmem>>
        %dma_wait3A_193 = arith.constant 0 : i32
        %dma_wait3A_194 = tpu.memref_slice %arg7[%dma_wait3A_187, %dma_wait3A_193] : memref<8x128xi32, #tpu.memory_space<vmem>> -> memref<1x128xi32, #tpu.memory_space<vmem>>
        %dma_wait3A_195 = tpu.memref_squeeze %dma_wait3A_194 : memref<1x128xi32, #tpu.memory_space<vmem>> -> memref<128xi32, #tpu.memory_space<vmem>>
        %dma_wait3A_196 = arith.constant 0 : i32
        %dma_wait3A_197 = arith.constant 0 : i32
        %dma_wait3A_198 = tpu.memref_slice %arg2[%dma_wait3A_196, %dma_wait3A_197] : memref<250000x16xf32, #tpu.memory_space<hbm>> -> memref<250000x16xf32, #tpu.memory_space<hbm>>
        tpu.wait_indirect_dma semaphore(%arg11 : memref<!tpu.dma_semaphore, #tpu.memory_space<semaphore_mem>>) src(%dma_wait3A_198 : memref<250000x16xf32, #tpu.memory_space<hbm>>) dst(%dma_wait3A_192 : memref<128x16xf32, #tpu.memory_space<vmem>>)
        %dma_wait3A_199 = arith.constant 6 : i32
        %dma_wait3A_200 = arith.constant 6 : i32
        %dma_wait3A_201 = arith.constant 0 : i32
        %dma_wait3A_202 = arith.constant 0 : i32
        %dma_wait3A_203 = tpu.memref_slice %arg9[%dma_wait3A_200, %dma_wait3A_201, %dma_wait3A_202] : memref<8x128x16xf32, #tpu.memory_space<vmem>> -> memref<1x128x16xf32, #tpu.memory_space<vmem>>
        %dma_wait3A_204 = tpu.memref_squeeze %dma_wait3A_203 : memref<1x128x16xf32, #tpu.memory_space<vmem>> -> memref<128x16xf32, #tpu.memory_space<vmem>>
        %dma_wait3A_205 = arith.constant 0 : i32
        %dma_wait3A_206 = tpu.memref_slice %arg7[%dma_wait3A_199, %dma_wait3A_205] : memref<8x128xi32, #tpu.memory_space<vmem>> -> memref<1x128xi32, #tpu.memory_space<vmem>>
        %dma_wait3A_207 = tpu.memref_squeeze %dma_wait3A_206 : memref<1x128xi32, #tpu.memory_space<vmem>> -> memref<128xi32, #tpu.memory_space<vmem>>
        %dma_wait3A_208 = arith.constant 0 : i32
        %dma_wait3A_209 = arith.constant 0 : i32
        %dma_wait3A_210 = tpu.memref_slice %arg2[%dma_wait3A_208, %dma_wait3A_209] : memref<250000x16xf32, #tpu.memory_space<hbm>> -> memref<250000x16xf32, #tpu.memory_space<hbm>>
        tpu.wait_indirect_dma semaphore(%arg11 : memref<!tpu.dma_semaphore, #tpu.memory_space<semaphore_mem>>) src(%dma_wait3A_210 : memref<250000x16xf32, #tpu.memory_space<hbm>>) dst(%dma_wait3A_204 : memref<128x16xf32, #tpu.memory_space<vmem>>)
        %dma_wait3A_211 = arith.constant 7 : i32
        %dma_wait3A_212 = arith.constant 7 : i32
        %dma_wait3A_213 = arith.constant 0 : i32
        %dma_wait3A_214 = arith.constant 0 : i32
        %dma_wait3A_215 = tpu.memref_slice %arg9[%dma_wait3A_212, %dma_wait3A_213, %dma_wait3A_214] : memref<8x128x16xf32, #tpu.memory_space<vmem>> -> memref<1x128x16xf32, #tpu.memory_space<vmem>>
        %dma_wait3A_216 = tpu.memref_squeeze %dma_wait3A_215 : memref<1x128x16xf32, #tpu.memory_space<vmem>> -> memref<128x16xf32, #tpu.memory_space<vmem>>
        %dma_wait3A_217 = arith.constant 0 : i32
        %dma_wait3A_218 = tpu.memref_slice %arg7[%dma_wait3A_211, %dma_wait3A_217] : memref<8x128xi32, #tpu.memory_space<vmem>> -> memref<1x128xi32, #tpu.memory_space<vmem>>
        %dma_wait3A_219 = tpu.memref_squeeze %dma_wait3A_218 : memref<1x128xi32, #tpu.memory_space<vmem>> -> memref<128xi32, #tpu.memory_space<vmem>>
        %dma_wait3A_220 = arith.constant 0 : i32
        %dma_wait3A_221 = arith.constant 0 : i32
        %dma_wait3A_222 = tpu.memref_slice %arg2[%dma_wait3A_220, %dma_wait3A_221] : memref<250000x16xf32, #tpu.memory_space<hbm>> -> memref<250000x16xf32, #tpu.memory_space<hbm>>
        tpu.wait_indirect_dma semaphore(%arg11 : memref<!tpu.dma_semaphore, #tpu.memory_space<semaphore_mem>>) src(%dma_wait3A_222 : memref<250000x16xf32, #tpu.memory_space<hbm>>) dst(%dma_wait3A_216 : memref<128x16xf32, #tpu.memory_space<vmem>>)
        %dma_start3A_223 = arith.constant 0 : i32
        %dma_start3A_224 = arith.constant 0 : i32
        %dma_start3A_225 = arith.constant 0 : i32
        %dma_start3A_226 = arith.constant 0 : i32
        %dma_start3A_227 = tpu.memref_slice %arg9[%dma_start3A_223, %dma_start3A_225, %dma_start3A_226] : memref<8x128x16xf32, #tpu.memory_space<vmem>> -> memref<1x128x16xf32, #tpu.memory_space<vmem>>
        %dma_start3A_228 = tpu.memref_squeeze %dma_start3A_227 : memref<1x128x16xf32, #tpu.memory_space<vmem>> -> memref<128x16xf32, #tpu.memory_space<vmem>>
        %dma_start3A_229 = arith.constant 0 : i32
        %dma_start3A_230 = tpu.memref_slice %arg8[%dma_start3A_224, %dma_start3A_229] : memref<8x128xi32, #tpu.memory_space<vmem>> -> memref<1x128xi32, #tpu.memory_space<vmem>>
        %dma_start3A_231 = tpu.memref_squeeze %dma_start3A_230 : memref<1x128xi32, #tpu.memory_space<vmem>> -> memref<128xi32, #tpu.memory_space<vmem>>
        %dma_start3A_232 = arith.constant 0 : i32
        %dma_start3A_233 = arith.constant 0 : i32
        %dma_start3A_234 = tpu.memref_slice %arg10[%dma_start3A_232, %dma_start3A_233] : memref<64128x16xf32, #tpu.memory_space<vmem_shared>> -> memref<64128x16xf32, #tpu.memory_space<vmem_shared>>
        tpu.enqueue_indirect_dma source(%dma_start3A_228 : memref<128x16xf32, #tpu.memory_space<vmem>>) target(%dma_start3A_234 : memref<64128x16xf32, #tpu.memory_space<vmem_shared>>) offsets(%dma_start3A_231 : memref<128xi32, #tpu.memory_space<vmem>>) semaphore(%arg12 : memref<!tpu.dma_semaphore, #tpu.memory_space<semaphore_mem>>) {add = true}
        %dma_start3A_235 = arith.constant 1 : i32
        %dma_start3A_236 = arith.constant 1 : i32
        %dma_start3A_237 = arith.constant 0 : i32
        %dma_start3A_238 = arith.constant 0 : i32
        %dma_start3A_239 = tpu.memref_slice %arg9[%dma_start3A_235, %dma_start3A_237, %dma_start3A_238] : memref<8x128x16xf32, #tpu.memory_space<vmem>> -> memref<1x128x16xf32, #tpu.memory_space<vmem>>
        %dma_start3A_240 = tpu.memref_squeeze %dma_start3A_239 : memref<1x128x16xf32, #tpu.memory_space<vmem>> -> memref<128x16xf32, #tpu.memory_space<vmem>>
        %dma_start3A_241 = arith.constant 0 : i32
        %dma_start3A_242 = tpu.memref_slice %arg8[%dma_start3A_236, %dma_start3A_241] : memref<8x128xi32, #tpu.memory_space<vmem>> -> memref<1x128xi32, #tpu.memory_space<vmem>>
        %dma_start3A_243 = tpu.memref_squeeze %dma_start3A_242 : memref<1x128xi32, #tpu.memory_space<vmem>> -> memref<128xi32, #tpu.memory_space<vmem>>
        %dma_start3A_244 = arith.constant 0 : i32
        %dma_start3A_245 = arith.constant 0 : i32
        %dma_start3A_246 = tpu.memref_slice %arg10[%dma_start3A_244, %dma_start3A_245] : memref<64128x16xf32, #tpu.memory_space<vmem_shared>> -> memref<64128x16xf32, #tpu.memory_space<vmem_shared>>
        tpu.enqueue_indirect_dma source(%dma_start3A_240 : memref<128x16xf32, #tpu.memory_space<vmem>>) target(%dma_start3A_246 : memref<64128x16xf32, #tpu.memory_space<vmem_shared>>) offsets(%dma_start3A_243 : memref<128xi32, #tpu.memory_space<vmem>>) semaphore(%arg12 : memref<!tpu.dma_semaphore, #tpu.memory_space<semaphore_mem>>) {add = true}
        %dma_start3A_247 = arith.constant 2 : i32
        %dma_start3A_248 = arith.constant 2 : i32
        %dma_start3A_249 = arith.constant 0 : i32
        %dma_start3A_250 = arith.constant 0 : i32
        %dma_start3A_251 = tpu.memref_slice %arg9[%dma_start3A_247, %dma_start3A_249, %dma_start3A_250] : memref<8x128x16xf32, #tpu.memory_space<vmem>> -> memref<1x128x16xf32, #tpu.memory_space<vmem>>
        %dma_start3A_252 = tpu.memref_squeeze %dma_start3A_251 : memref<1x128x16xf32, #tpu.memory_space<vmem>> -> memref<128x16xf32, #tpu.memory_space<vmem>>
        %dma_start3A_253 = arith.constant 0 : i32
        %dma_start3A_254 = tpu.memref_slice %arg8[%dma_start3A_248, %dma_start3A_253] : memref<8x128xi32, #tpu.memory_space<vmem>> -> memref<1x128xi32, #tpu.memory_space<vmem>>
        %dma_start3A_255 = tpu.memref_squeeze %dma_start3A_254 : memref<1x128xi32, #tpu.memory_space<vmem>> -> memref<128xi32, #tpu.memory_space<vmem>>
        %dma_start3A_256 = arith.constant 0 : i32
        %dma_start3A_257 = arith.constant 0 : i32
        %dma_start3A_258 = tpu.memref_slice %arg10[%dma_start3A_256, %dma_start3A_257] : memref<64128x16xf32, #tpu.memory_space<vmem_shared>> -> memref<64128x16xf32, #tpu.memory_space<vmem_shared>>
        tpu.enqueue_indirect_dma source(%dma_start3A_252 : memref<128x16xf32, #tpu.memory_space<vmem>>) target(%dma_start3A_258 : memref<64128x16xf32, #tpu.memory_space<vmem_shared>>) offsets(%dma_start3A_255 : memref<128xi32, #tpu.memory_space<vmem>>) semaphore(%arg12 : memref<!tpu.dma_semaphore, #tpu.memory_space<semaphore_mem>>) {add = true}
        %dma_start3A_259 = arith.constant 3 : i32
        %dma_start3A_260 = arith.constant 3 : i32
        %dma_start3A_261 = arith.constant 0 : i32
        %dma_start3A_262 = arith.constant 0 : i32
        %dma_start3A_263 = tpu.memref_slice %arg9[%dma_start3A_259, %dma_start3A_261, %dma_start3A_262] : memref<8x128x16xf32, #tpu.memory_space<vmem>> -> memref<1x128x16xf32, #tpu.memory_space<vmem>>
        %dma_start3A_264 = tpu.memref_squeeze %dma_start3A_263 : memref<1x128x16xf32, #tpu.memory_space<vmem>> -> memref<128x16xf32, #tpu.memory_space<vmem>>
        %dma_start3A_265 = arith.constant 0 : i32
        %dma_start3A_266 = tpu.memref_slice %arg8[%dma_start3A_260, %dma_start3A_265] : memref<8x128xi32, #tpu.memory_space<vmem>> -> memref<1x128xi32, #tpu.memory_space<vmem>>
        %dma_start3A_267 = tpu.memref_squeeze %dma_start3A_266 : memref<1x128xi32, #tpu.memory_space<vmem>> -> memref<128xi32, #tpu.memory_space<vmem>>
        %dma_start3A_268 = arith.constant 0 : i32
        %dma_start3A_269 = arith.constant 0 : i32
        %dma_start3A_270 = tpu.memref_slice %arg10[%dma_start3A_268, %dma_start3A_269] : memref<64128x16xf32, #tpu.memory_space<vmem_shared>> -> memref<64128x16xf32, #tpu.memory_space<vmem_shared>>
        tpu.enqueue_indirect_dma source(%dma_start3A_264 : memref<128x16xf32, #tpu.memory_space<vmem>>) target(%dma_start3A_270 : memref<64128x16xf32, #tpu.memory_space<vmem_shared>>) offsets(%dma_start3A_267 : memref<128xi32, #tpu.memory_space<vmem>>) semaphore(%arg12 : memref<!tpu.dma_semaphore, #tpu.memory_space<semaphore_mem>>) {add = true}
        %dma_start3A_271 = arith.constant 4 : i32
        %dma_start3A_272 = arith.constant 4 : i32
        %dma_start3A_273 = arith.constant 0 : i32
        %dma_start3A_274 = arith.constant 0 : i32
        %dma_start3A_275 = tpu.memref_slice %arg9[%dma_start3A_271, %dma_start3A_273, %dma_start3A_274] : memref<8x128x16xf32, #tpu.memory_space<vmem>> -> memref<1x128x16xf32, #tpu.memory_space<vmem>>
        %dma_start3A_276 = tpu.memref_squeeze %dma_start3A_275 : memref<1x128x16xf32, #tpu.memory_space<vmem>> -> memref<128x16xf32, #tpu.memory_space<vmem>>
        %dma_start3A_277 = arith.constant 0 : i32
        %dma_start3A_278 = tpu.memref_slice %arg8[%dma_start3A_272, %dma_start3A_277] : memref<8x128xi32, #tpu.memory_space<vmem>> -> memref<1x128xi32, #tpu.memory_space<vmem>>
        %dma_start3A_279 = tpu.memref_squeeze %dma_start3A_278 : memref<1x128xi32, #tpu.memory_space<vmem>> -> memref<128xi32, #tpu.memory_space<vmem>>
        %dma_start3A_280 = arith.constant 0 : i32
        %dma_start3A_281 = arith.constant 0 : i32
        %dma_start3A_282 = tpu.memref_slice %arg10[%dma_start3A_280, %dma_start3A_281] : memref<64128x16xf32, #tpu.memory_space<vmem_shared>> -> memref<64128x16xf32, #tpu.memory_space<vmem_shared>>
        tpu.enqueue_indirect_dma source(%dma_start3A_276 : memref<128x16xf32, #tpu.memory_space<vmem>>) target(%dma_start3A_282 : memref<64128x16xf32, #tpu.memory_space<vmem_shared>>) offsets(%dma_start3A_279 : memref<128xi32, #tpu.memory_space<vmem>>) semaphore(%arg12 : memref<!tpu.dma_semaphore, #tpu.memory_space<semaphore_mem>>) {add = true}
        %dma_start3A_283 = arith.constant 5 : i32
        %dma_start3A_284 = arith.constant 5 : i32
        %dma_start3A_285 = arith.constant 0 : i32
        %dma_start3A_286 = arith.constant 0 : i32
        %dma_start3A_287 = tpu.memref_slice %arg9[%dma_start3A_283, %dma_start3A_285, %dma_start3A_286] : memref<8x128x16xf32, #tpu.memory_space<vmem>> -> memref<1x128x16xf32, #tpu.memory_space<vmem>>
        %dma_start3A_288 = tpu.memref_squeeze %dma_start3A_287 : memref<1x128x16xf32, #tpu.memory_space<vmem>> -> memref<128x16xf32, #tpu.memory_space<vmem>>
        %dma_start3A_289 = arith.constant 0 : i32
        %dma_start3A_290 = tpu.memref_slice %arg8[%dma_start3A_284, %dma_start3A_289] : memref<8x128xi32, #tpu.memory_space<vmem>> -> memref<1x128xi32, #tpu.memory_space<vmem>>
        %dma_start3A_291 = tpu.memref_squeeze %dma_start3A_290 : memref<1x128xi32, #tpu.memory_space<vmem>> -> memref<128xi32, #tpu.memory_space<vmem>>
        %dma_start3A_292 = arith.constant 0 : i32
        %dma_start3A_293 = arith.constant 0 : i32
        %dma_start3A_294 = tpu.memref_slice %arg10[%dma_start3A_292, %dma_start3A_293] : memref<64128x16xf32, #tpu.memory_space<vmem_shared>> -> memref<64128x16xf32, #tpu.memory_space<vmem_shared>>
        tpu.enqueue_indirect_dma source(%dma_start3A_288 : memref<128x16xf32, #tpu.memory_space<vmem>>) target(%dma_start3A_294 : memref<64128x16xf32, #tpu.memory_space<vmem_shared>>) offsets(%dma_start3A_291 : memref<128xi32, #tpu.memory_space<vmem>>) semaphore(%arg12 : memref<!tpu.dma_semaphore, #tpu.memory_space<semaphore_mem>>) {add = true}
        %dma_start3A_295 = arith.constant 6 : i32
        %dma_start3A_296 = arith.constant 6 : i32
        %dma_start3A_297 = arith.constant 0 : i32
        %dma_start3A_298 = arith.constant 0 : i32
        %dma_start3A_299 = tpu.memref_slice %arg9[%dma_start3A_295, %dma_start3A_297, %dma_start3A_298] : memref<8x128x16xf32, #tpu.memory_space<vmem>> -> memref<1x128x16xf32, #tpu.memory_space<vmem>>
        %dma_start3A_300 = tpu.memref_squeeze %dma_start3A_299 : memref<1x128x16xf32, #tpu.memory_space<vmem>> -> memref<128x16xf32, #tpu.memory_space<vmem>>
        %dma_start3A_301 = arith.constant 0 : i32
        %dma_start3A_302 = tpu.memref_slice %arg8[%dma_start3A_296, %dma_start3A_301] : memref<8x128xi32, #tpu.memory_space<vmem>> -> memref<1x128xi32, #tpu.memory_space<vmem>>
        %dma_start3A_303 = tpu.memref_squeeze %dma_start3A_302 : memref<1x128xi32, #tpu.memory_space<vmem>> -> memref<128xi32, #tpu.memory_space<vmem>>
        %dma_start3A_304 = arith.constant 0 : i32
        %dma_start3A_305 = arith.constant 0 : i32
        %dma_start3A_306 = tpu.memref_slice %arg10[%dma_start3A_304, %dma_start3A_305] : memref<64128x16xf32, #tpu.memory_space<vmem_shared>> -> memref<64128x16xf32, #tpu.memory_space<vmem_shared>>
        tpu.enqueue_indirect_dma source(%dma_start3A_300 : memref<128x16xf32, #tpu.memory_space<vmem>>) target(%dma_start3A_306 : memref<64128x16xf32, #tpu.memory_space<vmem_shared>>) offsets(%dma_start3A_303 : memref<128xi32, #tpu.memory_space<vmem>>) semaphore(%arg12 : memref<!tpu.dma_semaphore, #tpu.memory_space<semaphore_mem>>) {add = true}
        %dma_start3A_307 = arith.constant 7 : i32
        %dma_start3A_308 = arith.constant 7 : i32
        %dma_start3A_309 = arith.constant 0 : i32
        %dma_start3A_310 = arith.constant 0 : i32
        %dma_start3A_311 = tpu.memref_slice %arg9[%dma_start3A_307, %dma_start3A_309, %dma_start3A_310] : memref<8x128x16xf32, #tpu.memory_space<vmem>> -> memref<1x128x16xf32, #tpu.memory_space<vmem>>
        %dma_start3A_312 = tpu.memref_squeeze %dma_start3A_311 : memref<1x128x16xf32, #tpu.memory_space<vmem>> -> memref<128x16xf32, #tpu.memory_space<vmem>>
        %dma_start3A_313 = arith.constant 0 : i32
        %dma_start3A_314 = tpu.memref_slice %arg8[%dma_start3A_308, %dma_start3A_313] : memref<8x128xi32, #tpu.memory_space<vmem>> -> memref<1x128xi32, #tpu.memory_space<vmem>>
        %dma_start3A_315 = tpu.memref_squeeze %dma_start3A_314 : memref<1x128xi32, #tpu.memory_space<vmem>> -> memref<128xi32, #tpu.memory_space<vmem>>
        %dma_start3A_316 = arith.constant 0 : i32
        %dma_start3A_317 = arith.constant 0 : i32
        %dma_start3A_318 = tpu.memref_slice %arg10[%dma_start3A_316, %dma_start3A_317] : memref<64128x16xf32, #tpu.memory_space<vmem_shared>> -> memref<64128x16xf32, #tpu.memory_space<vmem_shared>>
        tpu.enqueue_indirect_dma source(%dma_start3A_312 : memref<128x16xf32, #tpu.memory_space<vmem>>) target(%dma_start3A_318 : memref<64128x16xf32, #tpu.memory_space<vmem_shared>>) offsets(%dma_start3A_315 : memref<128xi32, #tpu.memory_space<vmem>>) semaphore(%arg12 : memref<!tpu.dma_semaphore, #tpu.memory_space<semaphore_mem>>) {add = true}
        %dma_wait3A_319 = arith.constant 0 : i32
        %dma_wait3A_320 = arith.constant 0 : i32
        %dma_wait3A_321 = arith.constant 0 : i32
        %dma_wait3A_322 = arith.constant 0 : i32
        %dma_wait3A_323 = tpu.memref_slice %arg9[%dma_wait3A_319, %dma_wait3A_321, %dma_wait3A_322] : memref<8x128x16xf32, #tpu.memory_space<vmem>> -> memref<1x128x16xf32, #tpu.memory_space<vmem>>
        %dma_wait3A_324 = tpu.memref_squeeze %dma_wait3A_323 : memref<1x128x16xf32, #tpu.memory_space<vmem>> -> memref<128x16xf32, #tpu.memory_space<vmem>>
        %dma_wait3A_325 = arith.constant 0 : i32
        %dma_wait3A_326 = tpu.memref_slice %arg8[%dma_wait3A_320, %dma_wait3A_325] : memref<8x128xi32, #tpu.memory_space<vmem>> -> memref<1x128xi32, #tpu.memory_space<vmem>>
        %dma_wait3A_327 = tpu.memref_squeeze %dma_wait3A_326 : memref<1x128xi32, #tpu.memory_space<vmem>> -> memref<128xi32, #tpu.memory_space<vmem>>
        %dma_wait3A_328 = arith.constant 0 : i32
        %dma_wait3A_329 = arith.constant 0 : i32
        %dma_wait3A_330 = tpu.memref_slice %arg10[%dma_wait3A_328, %dma_wait3A_329] : memref<64128x16xf32, #tpu.memory_space<vmem_shared>> -> memref<64128x16xf32, #tpu.memory_space<vmem_shared>>
        tpu.wait_indirect_dma semaphore(%arg12 : memref<!tpu.dma_semaphore, #tpu.memory_space<semaphore_mem>>) src(%dma_wait3A_324 : memref<128x16xf32, #tpu.memory_space<vmem>>) dst(%dma_wait3A_330 : memref<64128x16xf32, #tpu.memory_space<vmem_shared>>)
        %dma_wait3A_331 = arith.constant 1 : i32
        %dma_wait3A_332 = arith.constant 1 : i32
        %dma_wait3A_333 = arith.constant 0 : i32
        %dma_wait3A_334 = arith.constant 0 : i32
        %dma_wait3A_335 = tpu.memref_slice %arg9[%dma_wait3A_331, %dma_wait3A_333, %dma_wait3A_334] : memref<8x128x16xf32, #tpu.memory_space<vmem>> -> memref<1x128x16xf32, #tpu.memory_space<vmem>>
        %dma_wait3A_336 = tpu.memref_squeeze %dma_wait3A_335 : memref<1x128x16xf32, #tpu.memory_space<vmem>> -> memref<128x16xf32, #tpu.memory_space<vmem>>
        %dma_wait3A_337 = arith.constant 0 : i32
        %dma_wait3A_338 = tpu.memref_slice %arg8[%dma_wait3A_332, %dma_wait3A_337] : memref<8x128xi32, #tpu.memory_space<vmem>> -> memref<1x128xi32, #tpu.memory_space<vmem>>
        %dma_wait3A_339 = tpu.memref_squeeze %dma_wait3A_338 : memref<1x128xi32, #tpu.memory_space<vmem>> -> memref<128xi32, #tpu.memory_space<vmem>>
        %dma_wait3A_340 = arith.constant 0 : i32
        %dma_wait3A_341 = arith.constant 0 : i32
        %dma_wait3A_342 = tpu.memref_slice %arg10[%dma_wait3A_340, %dma_wait3A_341] : memref<64128x16xf32, #tpu.memory_space<vmem_shared>> -> memref<64128x16xf32, #tpu.memory_space<vmem_shared>>
        tpu.wait_indirect_dma semaphore(%arg12 : memref<!tpu.dma_semaphore, #tpu.memory_space<semaphore_mem>>) src(%dma_wait3A_336 : memref<128x16xf32, #tpu.memory_space<vmem>>) dst(%dma_wait3A_342 : memref<64128x16xf32, #tpu.memory_space<vmem_shared>>)
        %dma_wait3A_343 = arith.constant 2 : i32
        %dma_wait3A_344 = arith.constant 2 : i32
        %dma_wait3A_345 = arith.constant 0 : i32
        %dma_wait3A_346 = arith.constant 0 : i32
        %dma_wait3A_347 = tpu.memref_slice %arg9[%dma_wait3A_343, %dma_wait3A_345, %dma_wait3A_346] : memref<8x128x16xf32, #tpu.memory_space<vmem>> -> memref<1x128x16xf32, #tpu.memory_space<vmem>>
        %dma_wait3A_348 = tpu.memref_squeeze %dma_wait3A_347 : memref<1x128x16xf32, #tpu.memory_space<vmem>> -> memref<128x16xf32, #tpu.memory_space<vmem>>
        %dma_wait3A_349 = arith.constant 0 : i32
        %dma_wait3A_350 = tpu.memref_slice %arg8[%dma_wait3A_344, %dma_wait3A_349] : memref<8x128xi32, #tpu.memory_space<vmem>> -> memref<1x128xi32, #tpu.memory_space<vmem>>
        %dma_wait3A_351 = tpu.memref_squeeze %dma_wait3A_350 : memref<1x128xi32, #tpu.memory_space<vmem>> -> memref<128xi32, #tpu.memory_space<vmem>>
        %dma_wait3A_352 = arith.constant 0 : i32
        %dma_wait3A_353 = arith.constant 0 : i32
        %dma_wait3A_354 = tpu.memref_slice %arg10[%dma_wait3A_352, %dma_wait3A_353] : memref<64128x16xf32, #tpu.memory_space<vmem_shared>> -> memref<64128x16xf32, #tpu.memory_space<vmem_shared>>
        tpu.wait_indirect_dma semaphore(%arg12 : memref<!tpu.dma_semaphore, #tpu.memory_space<semaphore_mem>>) src(%dma_wait3A_348 : memref<128x16xf32, #tpu.memory_space<vmem>>) dst(%dma_wait3A_354 : memref<64128x16xf32, #tpu.memory_space<vmem_shared>>)
        %dma_wait3A_355 = arith.constant 3 : i32
        %dma_wait3A_356 = arith.constant 3 : i32
        %dma_wait3A_357 = arith.constant 0 : i32
        %dma_wait3A_358 = arith.constant 0 : i32
        %dma_wait3A_359 = tpu.memref_slice %arg9[%dma_wait3A_355, %dma_wait3A_357, %dma_wait3A_358] : memref<8x128x16xf32, #tpu.memory_space<vmem>> -> memref<1x128x16xf32, #tpu.memory_space<vmem>>
        %dma_wait3A_360 = tpu.memref_squeeze %dma_wait3A_359 : memref<1x128x16xf32, #tpu.memory_space<vmem>> -> memref<128x16xf32, #tpu.memory_space<vmem>>
        %dma_wait3A_361 = arith.constant 0 : i32
        %dma_wait3A_362 = tpu.memref_slice %arg8[%dma_wait3A_356, %dma_wait3A_361] : memref<8x128xi32, #tpu.memory_space<vmem>> -> memref<1x128xi32, #tpu.memory_space<vmem>>
        %dma_wait3A_363 = tpu.memref_squeeze %dma_wait3A_362 : memref<1x128xi32, #tpu.memory_space<vmem>> -> memref<128xi32, #tpu.memory_space<vmem>>
        %dma_wait3A_364 = arith.constant 0 : i32
        %dma_wait3A_365 = arith.constant 0 : i32
        %dma_wait3A_366 = tpu.memref_slice %arg10[%dma_wait3A_364, %dma_wait3A_365] : memref<64128x16xf32, #tpu.memory_space<vmem_shared>> -> memref<64128x16xf32, #tpu.memory_space<vmem_shared>>
        tpu.wait_indirect_dma semaphore(%arg12 : memref<!tpu.dma_semaphore, #tpu.memory_space<semaphore_mem>>) src(%dma_wait3A_360 : memref<128x16xf32, #tpu.memory_space<vmem>>) dst(%dma_wait3A_366 : memref<64128x16xf32, #tpu.memory_space<vmem_shared>>)
        %dma_wait3A_367 = arith.constant 4 : i32
        %dma_wait3A_368 = arith.constant 4 : i32
        %dma_wait3A_369 = arith.constant 0 : i32
        %dma_wait3A_370 = arith.constant 0 : i32
        %dma_wait3A_371 = tpu.memref_slice %arg9[%dma_wait3A_367, %dma_wait3A_369, %dma_wait3A_370] : memref<8x128x16xf32, #tpu.memory_space<vmem>> -> memref<1x128x16xf32, #tpu.memory_space<vmem>>
        %dma_wait3A_372 = tpu.memref_squeeze %dma_wait3A_371 : memref<1x128x16xf32, #tpu.memory_space<vmem>> -> memref<128x16xf32, #tpu.memory_space<vmem>>
        %dma_wait3A_373 = arith.constant 0 : i32
        %dma_wait3A_374 = tpu.memref_slice %arg8[%dma_wait3A_368, %dma_wait3A_373] : memref<8x128xi32, #tpu.memory_space<vmem>> -> memref<1x128xi32, #tpu.memory_space<vmem>>
        %dma_wait3A_375 = tpu.memref_squeeze %dma_wait3A_374 : memref<1x128xi32, #tpu.memory_space<vmem>> -> memref<128xi32, #tpu.memory_space<vmem>>
        %dma_wait3A_376 = arith.constant 0 : i32
        %dma_wait3A_377 = arith.constant 0 : i32
        %dma_wait3A_378 = tpu.memref_slice %arg10[%dma_wait3A_376, %dma_wait3A_377] : memref<64128x16xf32, #tpu.memory_space<vmem_shared>> -> memref<64128x16xf32, #tpu.memory_space<vmem_shared>>
        tpu.wait_indirect_dma semaphore(%arg12 : memref<!tpu.dma_semaphore, #tpu.memory_space<semaphore_mem>>) src(%dma_wait3A_372 : memref<128x16xf32, #tpu.memory_space<vmem>>) dst(%dma_wait3A_378 : memref<64128x16xf32, #tpu.memory_space<vmem_shared>>)
        %dma_wait3A_379 = arith.constant 5 : i32
        %dma_wait3A_380 = arith.constant 5 : i32
        %dma_wait3A_381 = arith.constant 0 : i32
        %dma_wait3A_382 = arith.constant 0 : i32
        %dma_wait3A_383 = tpu.memref_slice %arg9[%dma_wait3A_379, %dma_wait3A_381, %dma_wait3A_382] : memref<8x128x16xf32, #tpu.memory_space<vmem>> -> memref<1x128x16xf32, #tpu.memory_space<vmem>>
        %dma_wait3A_384 = tpu.memref_squeeze %dma_wait3A_383 : memref<1x128x16xf32, #tpu.memory_space<vmem>> -> memref<128x16xf32, #tpu.memory_space<vmem>>
        %dma_wait3A_385 = arith.constant 0 : i32
        %dma_wait3A_386 = tpu.memref_slice %arg8[%dma_wait3A_380, %dma_wait3A_385] : memref<8x128xi32, #tpu.memory_space<vmem>> -> memref<1x128xi32, #tpu.memory_space<vmem>>
        %dma_wait3A_387 = tpu.memref_squeeze %dma_wait3A_386 : memref<1x128xi32, #tpu.memory_space<vmem>> -> memref<128xi32, #tpu.memory_space<vmem>>
        %dma_wait3A_388 = arith.constant 0 : i32
        %dma_wait3A_389 = arith.constant 0 : i32
        %dma_wait3A_390 = tpu.memref_slice %arg10[%dma_wait3A_388, %dma_wait3A_389] : memref<64128x16xf32, #tpu.memory_space<vmem_shared>> -> memref<64128x16xf32, #tpu.memory_space<vmem_shared>>
        tpu.wait_indirect_dma semaphore(%arg12 : memref<!tpu.dma_semaphore, #tpu.memory_space<semaphore_mem>>) src(%dma_wait3A_384 : memref<128x16xf32, #tpu.memory_space<vmem>>) dst(%dma_wait3A_390 : memref<64128x16xf32, #tpu.memory_space<vmem_shared>>)
        %dma_wait3A_391 = arith.constant 6 : i32
        %dma_wait3A_392 = arith.constant 6 : i32
        %dma_wait3A_393 = arith.constant 0 : i32
        %dma_wait3A_394 = arith.constant 0 : i32
        %dma_wait3A_395 = tpu.memref_slice %arg9[%dma_wait3A_391, %dma_wait3A_393, %dma_wait3A_394] : memref<8x128x16xf32, #tpu.memory_space<vmem>> -> memref<1x128x16xf32, #tpu.memory_space<vmem>>
        %dma_wait3A_396 = tpu.memref_squeeze %dma_wait3A_395 : memref<1x128x16xf32, #tpu.memory_space<vmem>> -> memref<128x16xf32, #tpu.memory_space<vmem>>
        %dma_wait3A_397 = arith.constant 0 : i32
        %dma_wait3A_398 = tpu.memref_slice %arg8[%dma_wait3A_392, %dma_wait3A_397] : memref<8x128xi32, #tpu.memory_space<vmem>> -> memref<1x128xi32, #tpu.memory_space<vmem>>
        %dma_wait3A_399 = tpu.memref_squeeze %dma_wait3A_398 : memref<1x128xi32, #tpu.memory_space<vmem>> -> memref<128xi32, #tpu.memory_space<vmem>>
        %dma_wait3A_400 = arith.constant 0 : i32
        %dma_wait3A_401 = arith.constant 0 : i32
        %dma_wait3A_402 = tpu.memref_slice %arg10[%dma_wait3A_400, %dma_wait3A_401] : memref<64128x16xf32, #tpu.memory_space<vmem_shared>> -> memref<64128x16xf32, #tpu.memory_space<vmem_shared>>
        tpu.wait_indirect_dma semaphore(%arg12 : memref<!tpu.dma_semaphore, #tpu.memory_space<semaphore_mem>>) src(%dma_wait3A_396 : memref<128x16xf32, #tpu.memory_space<vmem>>) dst(%dma_wait3A_402 : memref<64128x16xf32, #tpu.memory_space<vmem_shared>>)
        %dma_wait3A_403 = arith.constant 7 : i32
        %dma_wait3A_404 = arith.constant 7 : i32
        %dma_wait3A_405 = arith.constant 0 : i32
        %dma_wait3A_406 = arith.constant 0 : i32
        %dma_wait3A_407 = tpu.memref_slice %arg9[%dma_wait3A_403, %dma_wait3A_405, %dma_wait3A_406] : memref<8x128x16xf32, #tpu.memory_space<vmem>> -> memref<1x128x16xf32, #tpu.memory_space<vmem>>
        %dma_wait3A_408 = tpu.memref_squeeze %dma_wait3A_407 : memref<1x128x16xf32, #tpu.memory_space<vmem>> -> memref<128x16xf32, #tpu.memory_space<vmem>>
        %dma_wait3A_409 = arith.constant 0 : i32
        %dma_wait3A_410 = tpu.memref_slice %arg8[%dma_wait3A_404, %dma_wait3A_409] : memref<8x128xi32, #tpu.memory_space<vmem>> -> memref<1x128xi32, #tpu.memory_space<vmem>>
        %dma_wait3A_411 = tpu.memref_squeeze %dma_wait3A_410 : memref<1x128xi32, #tpu.memory_space<vmem>> -> memref<128xi32, #tpu.memory_space<vmem>>
        %dma_wait3A_412 = arith.constant 0 : i32
        %dma_wait3A_413 = arith.constant 0 : i32
        %dma_wait3A_414 = tpu.memref_slice %arg10[%dma_wait3A_412, %dma_wait3A_413] : memref<64128x16xf32, #tpu.memory_space<vmem_shared>> -> memref<64128x16xf32, #tpu.memory_space<vmem_shared>>
        tpu.wait_indirect_dma semaphore(%arg12 : memref<!tpu.dma_semaphore, #tpu.memory_space<semaphore_mem>>) src(%dma_wait3A_408 : memref<128x16xf32, #tpu.memory_space<vmem>>) dst(%dma_wait3A_414 : memref<64128x16xf32, #tpu.memory_space<vmem_shared>>)
      }
      %scan3A_16 = arith.constant 123 : i32
      %barrier3A_17 = arith.constant 0 : index
      tpu.barrier barrier_id(%barrier3A_17)
      %eq3A = arith.constant 3 : i32
      %eq3A_18 = arith.cmpi eq, %add3A, %eq3A : i32
      %jit3A = arith.constant 145 : i32
      %jit3A_19 = arith.constant 160 : i32
      %select_n3A = arith.select %eq3A_18, %jit3A, %jit3A_19 : i32
      %scan3A_20 = arith.constant 0 : i32
      %scan3A_21 = arith.constant 0 : i32
      %scan3A_22 = arith.constant 10 : i32
      %scan3A_23 = arith.addi %scan3A_21, %scan3A_22 : i32
      %scan3A_24 = arith.constant 1 : i32
      scf.for %scan3A_27 = %scan3A_21 to %scan3A_23 step %scan3A_24  : i32 {
        %mul3A_28 = arith.constant 16 : i32
        %mul3A_29 = arith.muli %mul3A_28, %scan3A_27 : i32
        %add3A_30 = arith.addi %arg1, %mul3A_29 : i32
        %lt3A = arith.cmpi slt, %add3A_30, %select_n3A : i32
        %convert_element_type3A = arith.extui %lt3A : i1 to i32
        %cond3A = arith.constant 0 : i32
        %cond3A_31 = arith.cmpi ne, %convert_element_type3A, %cond3A : i32
        scf.if %cond3A_31 {
          %mul3A_32 = arith.constant 400 : i32
          %mul3A_33 = arith.muli %add3A_30, %mul3A_32 : i32
          %mul3A_34 = arith.constant 64000 : i32
          %mul3A_35 = arith.muli %add3A, %mul3A_34 : i32
          %add3A_36 = arith.addi %mul3A_35, %mul3A_33 : i32
          "tpu.region"() ({
            %run_scoped3A = tpu.sem_alloc : memref<!tpu.dma_semaphore, #tpu.memory_space<semaphore_mem>>
            %dma_start3A = arith.constant 0 : i32
            %dma_start3A_37 = tpu.memref_slice %arg6[%add3A_36, %dma_start3A] : memref<250000x16xf32, #tpu.memory_space<hbm>> -> memref<400x16xf32, #tpu.memory_space<hbm>>
            %dma_start3A_38 = arith.constant 0 : i32
            %dma_start3A_39 = tpu.memref_slice %arg10[%mul3A_33, %dma_start3A_38] : memref<64128x16xf32, #tpu.memory_space<vmem_shared>> -> memref<400x16xf32, #tpu.memory_space<vmem_shared>>
            tpu.enqueue_dma source(%dma_start3A_39 : memref<400x16xf32, #tpu.memory_space<vmem_shared>>) target(%dma_start3A_37 : memref<400x16xf32, #tpu.memory_space<hbm>>) target_semaphore(%run_scoped3A : memref<!tpu.dma_semaphore, #tpu.memory_space<semaphore_mem>>)
            %dma_wait3A = arith.constant 0 : i32
            %dma_wait3A_40 = tpu.memref_slice %arg6[%add3A_36, %dma_wait3A] : memref<250000x16xf32, #tpu.memory_space<hbm>> -> memref<400x16xf32, #tpu.memory_space<hbm>>
            %dma_wait3A_41 = arith.constant 0 : i32
            %dma_wait3A_42 = tpu.memref_slice %arg10[%mul3A_33, %dma_wait3A_41] : memref<64128x16xf32, #tpu.memory_space<vmem_shared>> -> memref<400x16xf32, #tpu.memory_space<vmem_shared>>
            tpu.wait_dma2 semaphore(%run_scoped3A : memref<!tpu.dma_semaphore, #tpu.memory_space<semaphore_mem>>) src(%dma_wait3A_42 : memref<400x16xf32, #tpu.memory_space<vmem_shared>>) dst(%dma_wait3A_40 : memref<400x16xf32, #tpu.memory_space<hbm>>)
            tpu.yield
          }) : () -> ()
        } else {
        }
      }
      %scan3A_25 = arith.constant 10 : i32
      %barrier3A_26 = arith.constant 0 : index
      tpu.barrier barrier_id(%barrier3A_26)
    }
    %scan3A_4 = arith.constant 2 : i32
    return
  }
}

#map = affine_map<(d0, d1) -> (0, 0)>
#map1 = affine_map<(d0, d1) -> (0, 0, 0)>
module attributes {stable_mosaic.version = 14 : i64} {
  func.func @k(%arg0: i32, %arg1: i32, %arg2: memref<250000x16xf32, #tpu.memory_space<hbm>>, %arg3: memref<15744x128xi32, #tpu.memory_space<hbm>>, %arg4: memref<4x15744x128xi32, #tpu.memory_space<hbm>>, %arg5: memref<64128x16xf32, #tpu.memory_space<hbm>>, %arg6: memref<250000x16xf32, #tpu.memory_space<hbm>>, %arg7: memref<8x128xi32, #tpu.memory_space<vmem>>, %arg8: memref<8x128xi32, #tpu.memory_space<vmem>>, %arg9: memref<8x128x16xf32, #tpu.memory_space<vmem>>, %arg10: memref<64128x16xf32, #tpu.memory_space<vmem_shared>>, %arg11: memref<!tpu.dma_semaphore, #tpu.memory_space<semaphore_mem>>, %arg12: memref<!tpu.dma_semaphore, #tpu.memory_space<semaphore_mem>>) attributes {dimension_semantics = [#tpu.dimension_semantics<core_parallel>, #tpu.dimension_semantics<subcore_parallel>], iteration_bounds = array<i64: 2, 16>, scalar_prefetch = 0 : i64, scratch_operands = 6 : i64, tpu.core_type = #tpu.core_type<sc_vector_subcore>, window_params = [{transform_indices = #map}, {transform_indices = #map}, {transform_indices = #map1}, {transform_indices = #map}, {transform_indices = #map}]} {
    %scan3A = arith.constant 0 : i32
    %scan3A_0 = arith.constant 0 : i32
    %scan3A_1 = arith.constant 2 : i32
    %scan3A_2 = arith.addi %scan3A_0, %scan3A_1 : i32
    %scan3A_3 = arith.constant 1 : i32
    scf.for %scan3A_5 = %scan3A_0 to %scan3A_2 step %scan3A_3  : i32 {
      %mul3A = arith.constant 2 : i32
      %mul3A_6 = arith.muli %mul3A, %arg0 : i32
      %add3A = arith.addi %mul3A_6, %scan3A_5 : i32
      %mul3A_7 = arith.constant 4008 : i32
      %mul3A_8 = arith.muli %arg1, %mul3A_7 : i32
      %mul3A_9 = arith.constant 4008 : i32
      %mul3A_10 = arith.muli %arg1, %mul3A_9 : i32
      "tpu.region"() ({
        %run_scoped3A = tpu.sem_alloc : memref<!tpu.dma_semaphore, #tpu.memory_space<semaphore_mem>>
        %dma_start3A = arith.constant 0 : i32
        %dma_start3A_27 = tpu.memref_slice %arg10[%mul3A_10, %dma_start3A] : memref<64128x16xf32, #tpu.memory_space<vmem_shared>> -> memref<4008x16xf32, #tpu.memory_space<vmem_shared>>
        %dma_start3A_28 = arith.constant 0 : i32
        %dma_start3A_29 = tpu.memref_slice %arg5[%mul3A_8, %dma_start3A_28] : memref<64128x16xf32, #tpu.memory_space<hbm>> -> memref<4008x16xf32, #tpu.memory_space<hbm>>
        tpu.enqueue_dma source(%dma_start3A_29 : memref<4008x16xf32, #tpu.memory_space<hbm>>) target(%dma_start3A_27 : memref<4008x16xf32, #tpu.memory_space<vmem_shared>>) target_semaphore(%run_scoped3A : memref<!tpu.dma_semaphore, #tpu.memory_space<semaphore_mem>>)
        %dma_wait3A = arith.constant 0 : i32
        %dma_wait3A_30 = tpu.memref_slice %arg10[%mul3A_10, %dma_wait3A] : memref<64128x16xf32, #tpu.memory_space<vmem_shared>> -> memref<4008x16xf32, #tpu.memory_space<vmem_shared>>
        %dma_wait3A_31 = arith.constant 0 : i32
        %dma_wait3A_32 = tpu.memref_slice %arg5[%mul3A_8, %dma_wait3A_31] : memref<64128x16xf32, #tpu.memory_space<hbm>> -> memref<4008x16xf32, #tpu.memory_space<hbm>>
        tpu.wait_dma2 semaphore(%run_scoped3A : memref<!tpu.dma_semaphore, #tpu.memory_space<semaphore_mem>>) src(%dma_wait3A_32 : memref<4008x16xf32, #tpu.memory_space<hbm>>) dst(%dma_wait3A_30 : memref<4008x16xf32, #tpu.memory_space<vmem_shared>>)
        tpu.yield
      }) : () -> ()
      %barrier3A = arith.constant 0 : index
      tpu.barrier barrier_id(%barrier3A)
      %scan3A_11 = arith.constant 0 : i32
      %scan3A_12 = arith.constant 0 : i32
      %scan3A_13 = arith.constant 123 : i32
      %scan3A_14 = arith.addi %scan3A_12, %scan3A_13 : i32
      %scan3A_15 = arith.constant 1 : i32
      scf.for %scan3A_27 = %scan3A_12 to %scan3A_14 step %scan3A_15  : i32 {
        %mul3A_28 = arith.constant 984 : i32
        %mul3A_29 = arith.muli %arg1, %mul3A_28 : i32
        %mul3A_30 = arith.constant 8 : i32
        %mul3A_31 = arith.muli %scan3A_27, %mul3A_30 : i32
        %add3A_32 = arith.addi %mul3A_29, %mul3A_31 : i32
        "tpu.region"() ({
          %run_scoped3A = tpu.sem_alloc : memref<!tpu.dma_semaphore, #tpu.memory_space<semaphore_mem>>
          %dma_start3A_415 = arith.constant 0 : i32
          %dma_start3A_416 = tpu.memref_slice %arg3[%add3A_32, %dma_start3A_415] : memref<15744x128xi32, #tpu.memory_space<hbm>> -> memref<8x128xi32, #tpu.memory_space<hbm>>
          %dma_start3A_417 = arith.constant 0 : i32
          %dma_start3A_418 = tpu.memref_slice %arg3[%add3A_32, %dma_start3A_417] : memref<15744x128xi32, #tpu.memory_space<hbm>> -> memref<8x128xi32, #tpu.memory_space<hbm>>
          tpu.enqueue_dma source(%dma_start3A_418 : memref<8x128xi32, #tpu.memory_space<hbm>>) target(%arg7 : memref<8x128xi32, #tpu.memory_space<vmem>>) target_semaphore(%run_scoped3A : memref<!tpu.dma_semaphore, #tpu.memory_space<semaphore_mem>>)
          %dma_wait3A_419 = arith.constant 0 : i32
          %dma_wait3A_420 = tpu.memref_slice %arg3[%add3A_32, %dma_wait3A_419] : memref<15744x128xi32, #tpu.memory_space<hbm>> -> memref<8x128xi32, #tpu.memory_space<hbm>>
          %dma_wait3A_421 = arith.constant 0 : i32
          %dma_wait3A_422 = tpu.memref_slice %arg3[%add3A_32, %dma_wait3A_421] : memref<15744x128xi32, #tpu.memory_space<hbm>> -> memref<8x128xi32, #tpu.memory_space<hbm>>
          tpu.wait_dma2 semaphore(%run_scoped3A : memref<!tpu.dma_semaphore, #tpu.memory_space<semaphore_mem>>) src(%dma_wait3A_422 : memref<8x128xi32, #tpu.memory_space<hbm>>) dst(%arg7 : memref<8x128xi32, #tpu.memory_space<vmem>>)
          tpu.yield
        }) : () -> ()
        "tpu.region"() ({
          %run_scoped3A = tpu.sem_alloc : memref<!tpu.dma_semaphore, #tpu.memory_space<semaphore_mem>>
          %dma_start3A_415 = arith.constant 0 : i32
          %dma_start3A_416 = tpu.memref_slice %arg4[%add3A, %add3A_32, %dma_start3A_415] : memref<4x15744x128xi32, #tpu.memory_space<hbm>> -> memref<1x8x128xi32, #tpu.memory_space<hbm>>
          %dma_start3A_417 = tpu.memref_squeeze %dma_start3A_416 : memref<1x8x128xi32, #tpu.memory_space<hbm>> -> memref<8x128xi32, #tpu.memory_space<hbm>>
          %dma_start3A_418 = arith.constant 0 : i32
          %dma_start3A_419 = tpu.memref_slice %arg4[%add3A, %add3A_32, %dma_start3A_418] : memref<4x15744x128xi32, #tpu.memory_space<hbm>> -> memref<1x8x128xi32, #tpu.memory_space<hbm>>
          %dma_start3A_420 = tpu.memref_squeeze %dma_start3A_419 : memref<1x8x128xi32, #tpu.memory_space<hbm>> -> memref<8x128xi32, #tpu.memory_space<hbm>>
          tpu.enqueue_dma source(%dma_start3A_420 : memref<8x128xi32, #tpu.memory_space<hbm>>) target(%arg8 : memref<8x128xi32, #tpu.memory_space<vmem>>) target_semaphore(%run_scoped3A : memref<!tpu.dma_semaphore, #tpu.memory_space<semaphore_mem>>)
          %dma_wait3A_421 = arith.constant 0 : i32
          %dma_wait3A_422 = tpu.memref_slice %arg4[%add3A, %add3A_32, %dma_wait3A_421] : memref<4x15744x128xi32, #tpu.memory_space<hbm>> -> memref<1x8x128xi32, #tpu.memory_space<hbm>>
          %dma_wait3A_423 = tpu.memref_squeeze %dma_wait3A_422 : memref<1x8x128xi32, #tpu.memory_space<hbm>> -> memref<8x128xi32, #tpu.memory_space<hbm>>
          %dma_wait3A_424 = arith.constant 0 : i32
          %dma_wait3A_425 = tpu.memref_slice %arg4[%add3A, %add3A_32, %dma_wait3A_424] : memref<4x15744x128xi32, #tpu.memory_space<hbm>> -> memref<1x8x128xi32, #tpu.memory_space<hbm>>
          %dma_wait3A_426 = tpu.memref_squeeze %dma_wait3A_425 : memref<1x8x128xi32, #tpu.memory_space<hbm>> -> memref<8x128xi32, #tpu.memory_space<hbm>>
          tpu.wait_dma2 semaphore(%run_scoped3A : memref<!tpu.dma_semaphore, #tpu.memory_space<semaphore_mem>>) src(%dma_wait3A_426 : memref<8x128xi32, #tpu.memory_space<hbm>>) dst(%arg8 : memref<8x128xi32, #tpu.memory_space<vmem>>)
          tpu.yield
        }) : () -> ()
        %dma_start3A = arith.constant 0 : i32
        %dma_start3A_33 = arith.constant 0 : i32
        %dma_start3A_34 = arith.constant 0 : i32
        %dma_start3A_35 = arith.constant 0 : i32
        %dma_start3A_36 = tpu.memref_slice %arg9[%dma_start3A_33, %dma_start3A_34, %dma_start3A_35] : memref<8x128x16xf32, #tpu.memory_space<vmem>> -> memref<1x128x16xf32, #tpu.memory_space<vmem>>
        %dma_start3A_37 = tpu.memref_squeeze %dma_start3A_36 : memref<1x128x16xf32, #tpu.memory_space<vmem>> -> memref<128x16xf32, #tpu.memory_space<vmem>>
        %dma_start3A_38 = arith.constant 0 : i32
        %dma_start3A_39 = tpu.memref_slice %arg7[%dma_start3A, %dma_start3A_38] : memref<8x128xi32, #tpu.memory_space<vmem>> -> memref<1x128xi32, #tpu.memory_space<vmem>>
        %dma_start3A_40 = tpu.memref_squeeze %dma_start3A_39 : memref<1x128xi32, #tpu.memory_space<vmem>> -> memref<128xi32, #tpu.memory_space<vmem>>
        %dma_start3A_41 = arith.constant 0 : i32
        %dma_start3A_42 = arith.constant 0 : i32
        %dma_start3A_43 = tpu.memref_slice %arg2[%dma_start3A_41, %dma_start3A_42] : memref<250000x16xf32, #tpu.memory_space<hbm>> -> memref<250000x16xf32, #tpu.memory_space<hbm>>
        tpu.enqueue_indirect_dma source(%dma_start3A_43 : memref<250000x16xf32, #tpu.memory_space<hbm>>) target(%dma_start3A_37 : memref<128x16xf32, #tpu.memory_space<vmem>>) offsets(%dma_start3A_40 : memref<128xi32, #tpu.memory_space<vmem>>) semaphore(%arg11 : memref<!tpu.dma_semaphore, #tpu.memory_space<semaphore_mem>>)
        %dma_start3A_44 = arith.constant 1 : i32
        %dma_start3A_45 = arith.constant 1 : i32
        %dma_start3A_46 = arith.constant 0 : i32
        %dma_start3A_47 = arith.constant 0 : i32
        %dma_start3A_48 = tpu.memref_slice %arg9[%dma_start3A_45, %dma_start3A_46, %dma_start3A_47] : memref<8x128x16xf32, #tpu.memory_space<vmem>> -> memref<1x128x16xf32, #tpu.memory_space<vmem>>
        %dma_start3A_49 = tpu.memref_squeeze %dma_start3A_48 : memref<1x128x16xf32, #tpu.memory_space<vmem>> -> memref<128x16xf32, #tpu.memory_space<vmem>>
        %dma_start3A_50 = arith.constant 0 : i32
        %dma_start3A_51 = tpu.memref_slice %arg7[%dma_start3A_44, %dma_start3A_50] : memref<8x128xi32, #tpu.memory_space<vmem>> -> memref<1x128xi32, #tpu.memory_space<vmem>>
        %dma_start3A_52 = tpu.memref_squeeze %dma_start3A_51 : memref<1x128xi32, #tpu.memory_space<vmem>> -> memref<128xi32, #tpu.memory_space<vmem>>
        %dma_start3A_53 = arith.constant 0 : i32
        %dma_start3A_54 = arith.constant 0 : i32
        %dma_start3A_55 = tpu.memref_slice %arg2[%dma_start3A_53, %dma_start3A_54] : memref<250000x16xf32, #tpu.memory_space<hbm>> -> memref<250000x16xf32, #tpu.memory_space<hbm>>
        tpu.enqueue_indirect_dma source(%dma_start3A_55 : memref<250000x16xf32, #tpu.memory_space<hbm>>) target(%dma_start3A_49 : memref<128x16xf32, #tpu.memory_space<vmem>>) offsets(%dma_start3A_52 : memref<128xi32, #tpu.memory_space<vmem>>) semaphore(%arg11 : memref<!tpu.dma_semaphore, #tpu.memory_space<semaphore_mem>>)
        %dma_start3A_56 = arith.constant 2 : i32
        %dma_start3A_57 = arith.constant 2 : i32
        %dma_start3A_58 = arith.constant 0 : i32
        %dma_start3A_59 = arith.constant 0 : i32
        %dma_start3A_60 = tpu.memref_slice %arg9[%dma_start3A_57, %dma_start3A_58, %dma_start3A_59] : memref<8x128x16xf32, #tpu.memory_space<vmem>> -> memref<1x128x16xf32, #tpu.memory_space<vmem>>
        %dma_start3A_61 = tpu.memref_squeeze %dma_start3A_60 : memref<1x128x16xf32, #tpu.memory_space<vmem>> -> memref<128x16xf32, #tpu.memory_space<vmem>>
        %dma_start3A_62 = arith.constant 0 : i32
        %dma_start3A_63 = tpu.memref_slice %arg7[%dma_start3A_56, %dma_start3A_62] : memref<8x128xi32, #tpu.memory_space<vmem>> -> memref<1x128xi32, #tpu.memory_space<vmem>>
        %dma_start3A_64 = tpu.memref_squeeze %dma_start3A_63 : memref<1x128xi32, #tpu.memory_space<vmem>> -> memref<128xi32, #tpu.memory_space<vmem>>
        %dma_start3A_65 = arith.constant 0 : i32
        %dma_start3A_66 = arith.constant 0 : i32
        %dma_start3A_67 = tpu.memref_slice %arg2[%dma_start3A_65, %dma_start3A_66] : memref<250000x16xf32, #tpu.memory_space<hbm>> -> memref<250000x16xf32, #tpu.memory_space<hbm>>
        tpu.enqueue_indirect_dma source(%dma_start3A_67 : memref<250000x16xf32, #tpu.memory_space<hbm>>) target(%dma_start3A_61 : memref<128x16xf32, #tpu.memory_space<vmem>>) offsets(%dma_start3A_64 : memref<128xi32, #tpu.memory_space<vmem>>) semaphore(%arg11 : memref<!tpu.dma_semaphore, #tpu.memory_space<semaphore_mem>>)
        %dma_start3A_68 = arith.constant 3 : i32
        %dma_start3A_69 = arith.constant 3 : i32
        %dma_start3A_70 = arith.constant 0 : i32
        %dma_start3A_71 = arith.constant 0 : i32
        %dma_start3A_72 = tpu.memref_slice %arg9[%dma_start3A_69, %dma_start3A_70, %dma_start3A_71] : memref<8x128x16xf32, #tpu.memory_space<vmem>> -> memref<1x128x16xf32, #tpu.memory_space<vmem>>
        %dma_start3A_73 = tpu.memref_squeeze %dma_start3A_72 : memref<1x128x16xf32, #tpu.memory_space<vmem>> -> memref<128x16xf32, #tpu.memory_space<vmem>>
        %dma_start3A_74 = arith.constant 0 : i32
        %dma_start3A_75 = tpu.memref_slice %arg7[%dma_start3A_68, %dma_start3A_74] : memref<8x128xi32, #tpu.memory_space<vmem>> -> memref<1x128xi32, #tpu.memory_space<vmem>>
        %dma_start3A_76 = tpu.memref_squeeze %dma_start3A_75 : memref<1x128xi32, #tpu.memory_space<vmem>> -> memref<128xi32, #tpu.memory_space<vmem>>
        %dma_start3A_77 = arith.constant 0 : i32
        %dma_start3A_78 = arith.constant 0 : i32
        %dma_start3A_79 = tpu.memref_slice %arg2[%dma_start3A_77, %dma_start3A_78] : memref<250000x16xf32, #tpu.memory_space<hbm>> -> memref<250000x16xf32, #tpu.memory_space<hbm>>
        tpu.enqueue_indirect_dma source(%dma_start3A_79 : memref<250000x16xf32, #tpu.memory_space<hbm>>) target(%dma_start3A_73 : memref<128x16xf32, #tpu.memory_space<vmem>>) offsets(%dma_start3A_76 : memref<128xi32, #tpu.memory_space<vmem>>) semaphore(%arg11 : memref<!tpu.dma_semaphore, #tpu.memory_space<semaphore_mem>>)
        %dma_start3A_80 = arith.constant 4 : i32
        %dma_start3A_81 = arith.constant 4 : i32
        %dma_start3A_82 = arith.constant 0 : i32
        %dma_start3A_83 = arith.constant 0 : i32
        %dma_start3A_84 = tpu.memref_slice %arg9[%dma_start3A_81, %dma_start3A_82, %dma_start3A_83] : memref<8x128x16xf32, #tpu.memory_space<vmem>> -> memref<1x128x16xf32, #tpu.memory_space<vmem>>
        %dma_start3A_85 = tpu.memref_squeeze %dma_start3A_84 : memref<1x128x16xf32, #tpu.memory_space<vmem>> -> memref<128x16xf32, #tpu.memory_space<vmem>>
        %dma_start3A_86 = arith.constant 0 : i32
        %dma_start3A_87 = tpu.memref_slice %arg7[%dma_start3A_80, %dma_start3A_86] : memref<8x128xi32, #tpu.memory_space<vmem>> -> memref<1x128xi32, #tpu.memory_space<vmem>>
        %dma_start3A_88 = tpu.memref_squeeze %dma_start3A_87 : memref<1x128xi32, #tpu.memory_space<vmem>> -> memref<128xi32, #tpu.memory_space<vmem>>
        %dma_start3A_89 = arith.constant 0 : i32
        %dma_start3A_90 = arith.constant 0 : i32
        %dma_start3A_91 = tpu.memref_slice %arg2[%dma_start3A_89, %dma_start3A_90] : memref<250000x16xf32, #tpu.memory_space<hbm>> -> memref<250000x16xf32, #tpu.memory_space<hbm>>
        tpu.enqueue_indirect_dma source(%dma_start3A_91 : memref<250000x16xf32, #tpu.memory_space<hbm>>) target(%dma_start3A_85 : memref<128x16xf32, #tpu.memory_space<vmem>>) offsets(%dma_start3A_88 : memref<128xi32, #tpu.memory_space<vmem>>) semaphore(%arg11 : memref<!tpu.dma_semaphore, #tpu.memory_space<semaphore_mem>>)
        %dma_start3A_92 = arith.constant 5 : i32
        %dma_start3A_93 = arith.constant 5 : i32
        %dma_start3A_94 = arith.constant 0 : i32
        %dma_start3A_95 = arith.constant 0 : i32
        %dma_start3A_96 = tpu.memref_slice %arg9[%dma_start3A_93, %dma_start3A_94, %dma_start3A_95] : memref<8x128x16xf32, #tpu.memory_space<vmem>> -> memref<1x128x16xf32, #tpu.memory_space<vmem>>
        %dma_start3A_97 = tpu.memref_squeeze %dma_start3A_96 : memref<1x128x16xf32, #tpu.memory_space<vmem>> -> memref<128x16xf32, #tpu.memory_space<vmem>>
        %dma_start3A_98 = arith.constant 0 : i32
        %dma_start3A_99 = tpu.memref_slice %arg7[%dma_start3A_92, %dma_start3A_98] : memref<8x128xi32, #tpu.memory_space<vmem>> -> memref<1x128xi32, #tpu.memory_space<vmem>>
        %dma_start3A_100 = tpu.memref_squeeze %dma_start3A_99 : memref<1x128xi32, #tpu.memory_space<vmem>> -> memref<128xi32, #tpu.memory_space<vmem>>
        %dma_start3A_101 = arith.constant 0 : i32
        %dma_start3A_102 = arith.constant 0 : i32
        %dma_start3A_103 = tpu.memref_slice %arg2[%dma_start3A_101, %dma_start3A_102] : memref<250000x16xf32, #tpu.memory_space<hbm>> -> memref<250000x16xf32, #tpu.memory_space<hbm>>
        tpu.enqueue_indirect_dma source(%dma_start3A_103 : memref<250000x16xf32, #tpu.memory_space<hbm>>) target(%dma_start3A_97 : memref<128x16xf32, #tpu.memory_space<vmem>>) offsets(%dma_start3A_100 : memref<128xi32, #tpu.memory_space<vmem>>) semaphore(%arg11 : memref<!tpu.dma_semaphore, #tpu.memory_space<semaphore_mem>>)
        %dma_start3A_104 = arith.constant 6 : i32
        %dma_start3A_105 = arith.constant 6 : i32
        %dma_start3A_106 = arith.constant 0 : i32
        %dma_start3A_107 = arith.constant 0 : i32
        %dma_start3A_108 = tpu.memref_slice %arg9[%dma_start3A_105, %dma_start3A_106, %dma_start3A_107] : memref<8x128x16xf32, #tpu.memory_space<vmem>> -> memref<1x128x16xf32, #tpu.memory_space<vmem>>
        %dma_start3A_109 = tpu.memref_squeeze %dma_start3A_108 : memref<1x128x16xf32, #tpu.memory_space<vmem>> -> memref<128x16xf32, #tpu.memory_space<vmem>>
        %dma_start3A_110 = arith.constant 0 : i32
        %dma_start3A_111 = tpu.memref_slice %arg7[%dma_start3A_104, %dma_start3A_110] : memref<8x128xi32, #tpu.memory_space<vmem>> -> memref<1x128xi32, #tpu.memory_space<vmem>>
        %dma_start3A_112 = tpu.memref_squeeze %dma_start3A_111 : memref<1x128xi32, #tpu.memory_space<vmem>> -> memref<128xi32, #tpu.memory_space<vmem>>
        %dma_start3A_113 = arith.constant 0 : i32
        %dma_start3A_114 = arith.constant 0 : i32
        %dma_start3A_115 = tpu.memref_slice %arg2[%dma_start3A_113, %dma_start3A_114] : memref<250000x16xf32, #tpu.memory_space<hbm>> -> memref<250000x16xf32, #tpu.memory_space<hbm>>
        tpu.enqueue_indirect_dma source(%dma_start3A_115 : memref<250000x16xf32, #tpu.memory_space<hbm>>) target(%dma_start3A_109 : memref<128x16xf32, #tpu.memory_space<vmem>>) offsets(%dma_start3A_112 : memref<128xi32, #tpu.memory_space<vmem>>) semaphore(%arg11 : memref<!tpu.dma_semaphore, #tpu.memory_space<semaphore_mem>>)
        %dma_start3A_116 = arith.constant 7 : i32
        %dma_start3A_117 = arith.constant 7 : i32
        %dma_start3A_118 = arith.constant 0 : i32
        %dma_start3A_119 = arith.constant 0 : i32
        %dma_start3A_120 = tpu.memref_slice %arg9[%dma_start3A_117, %dma_start3A_118, %dma_start3A_119] : memref<8x128x16xf32, #tpu.memory_space<vmem>> -> memref<1x128x16xf32, #tpu.memory_space<vmem>>
        %dma_start3A_121 = tpu.memref_squeeze %dma_start3A_120 : memref<1x128x16xf32, #tpu.memory_space<vmem>> -> memref<128x16xf32, #tpu.memory_space<vmem>>
        %dma_start3A_122 = arith.constant 0 : i32
        %dma_start3A_123 = tpu.memref_slice %arg7[%dma_start3A_116, %dma_start3A_122] : memref<8x128xi32, #tpu.memory_space<vmem>> -> memref<1x128xi32, #tpu.memory_space<vmem>>
        %dma_start3A_124 = tpu.memref_squeeze %dma_start3A_123 : memref<1x128xi32, #tpu.memory_space<vmem>> -> memref<128xi32, #tpu.memory_space<vmem>>
        %dma_start3A_125 = arith.constant 0 : i32
        %dma_start3A_126 = arith.constant 0 : i32
        %dma_start3A_127 = tpu.memref_slice %arg2[%dma_start3A_125, %dma_start3A_126] : memref<250000x16xf32, #tpu.memory_space<hbm>> -> memref<250000x16xf32, #tpu.memory_space<hbm>>
        tpu.enqueue_indirect_dma source(%dma_start3A_127 : memref<250000x16xf32, #tpu.memory_space<hbm>>) target(%dma_start3A_121 : memref<128x16xf32, #tpu.memory_space<vmem>>) offsets(%dma_start3A_124 : memref<128xi32, #tpu.memory_space<vmem>>) semaphore(%arg11 : memref<!tpu.dma_semaphore, #tpu.memory_space<semaphore_mem>>)
        %dma_wait3A = arith.constant 0 : i32
        %dma_wait3A_128 = arith.constant 0 : i32
        %dma_wait3A_129 = arith.constant 0 : i32
        %dma_wait3A_130 = arith.constant 0 : i32
        %dma_wait3A_131 = tpu.memref_slice %arg9[%dma_wait3A_128, %dma_wait3A_129, %dma_wait3A_130] : memref<8x128x16xf32, #tpu.memory_space<vmem>> -> memref<1x128x16xf32, #tpu.memory_space<vmem>>
        %dma_wait3A_132 = tpu.memref_squeeze %dma_wait3A_131 : memref<1x128x16xf32, #tpu.memory_space<vmem>> -> memref<128x16xf32, #tpu.memory_space<vmem>>
        %dma_wait3A_133 = arith.constant 0 : i32
        %dma_wait3A_134 = tpu.memref_slice %arg7[%dma_wait3A, %dma_wait3A_133] : memref<8x128xi32, #tpu.memory_space<vmem>> -> memref<1x128xi32, #tpu.memory_space<vmem>>
        %dma_wait3A_135 = tpu.memref_squeeze %dma_wait3A_134 : memref<1x128xi32, #tpu.memory_space<vmem>> -> memref<128xi32, #tpu.memory_space<vmem>>
        %dma_wait3A_136 = arith.constant 0 : i32
        %dma_wait3A_137 = arith.constant 0 : i32
        %dma_wait3A_138 = tpu.memref_slice %arg2[%dma_wait3A_136, %dma_wait3A_137] : memref<250000x16xf32, #tpu.memory_space<hbm>> -> memref<250000x16xf32, #tpu.memory_space<hbm>>
        tpu.wait_indirect_dma semaphore(%arg11 : memref<!tpu.dma_semaphore, #tpu.memory_space<semaphore_mem>>) src(%dma_wait3A_138 : memref<250000x16xf32, #tpu.memory_space<hbm>>) dst(%dma_wait3A_132 : memref<128x16xf32, #tpu.memory_space<vmem>>)
        %dma_wait3A_139 = arith.constant 1 : i32
        %dma_wait3A_140 = arith.constant 1 : i32
        %dma_wait3A_141 = arith.constant 0 : i32
        %dma_wait3A_142 = arith.constant 0 : i32
        %dma_wait3A_143 = tpu.memref_slice %arg9[%dma_wait3A_140, %dma_wait3A_141, %dma_wait3A_142] : memref<8x128x16xf32, #tpu.memory_space<vmem>> -> memref<1x128x16xf32, #tpu.memory_space<vmem>>
        %dma_wait3A_144 = tpu.memref_squeeze %dma_wait3A_143 : memref<1x128x16xf32, #tpu.memory_space<vmem>> -> memref<128x16xf32, #tpu.memory_space<vmem>>
        %dma_wait3A_145 = arith.constant 0 : i32
        %dma_wait3A_146 = tpu.memref_slice %arg7[%dma_wait3A_139, %dma_wait3A_145] : memref<8x128xi32, #tpu.memory_space<vmem>> -> memref<1x128xi32, #tpu.memory_space<vmem>>
        %dma_wait3A_147 = tpu.memref_squeeze %dma_wait3A_146 : memref<1x128xi32, #tpu.memory_space<vmem>> -> memref<128xi32, #tpu.memory_space<vmem>>
        %dma_wait3A_148 = arith.constant 0 : i32
        %dma_wait3A_149 = arith.constant 0 : i32
        %dma_wait3A_150 = tpu.memref_slice %arg2[%dma_wait3A_148, %dma_wait3A_149] : memref<250000x16xf32, #tpu.memory_space<hbm>> -> memref<250000x16xf32, #tpu.memory_space<hbm>>
        tpu.wait_indirect_dma semaphore(%arg11 : memref<!tpu.dma_semaphore, #tpu.memory_space<semaphore_mem>>) src(%dma_wait3A_150 : memref<250000x16xf32, #tpu.memory_space<hbm>>) dst(%dma_wait3A_144 : memref<128x16xf32, #tpu.memory_space<vmem>>)
        %dma_wait3A_151 = arith.constant 2 : i32
        %dma_wait3A_152 = arith.constant 2 : i32
        %dma_wait3A_153 = arith.constant 0 : i32
        %dma_wait3A_154 = arith.constant 0 : i32
        %dma_wait3A_155 = tpu.memref_slice %arg9[%dma_wait3A_152, %dma_wait3A_153, %dma_wait3A_154] : memref<8x128x16xf32, #tpu.memory_space<vmem>> -> memref<1x128x16xf32, #tpu.memory_space<vmem>>
        %dma_wait3A_156 = tpu.memref_squeeze %dma_wait3A_155 : memref<1x128x16xf32, #tpu.memory_space<vmem>> -> memref<128x16xf32, #tpu.memory_space<vmem>>
        %dma_wait3A_157 = arith.constant 0 : i32
        %dma_wait3A_158 = tpu.memref_slice %arg7[%dma_wait3A_151, %dma_wait3A_157] : memref<8x128xi32, #tpu.memory_space<vmem>> -> memref<1x128xi32, #tpu.memory_space<vmem>>
        %dma_wait3A_159 = tpu.memref_squeeze %dma_wait3A_158 : memref<1x128xi32, #tpu.memory_space<vmem>> -> memref<128xi32, #tpu.memory_space<vmem>>
        %dma_wait3A_160 = arith.constant 0 : i32
        %dma_wait3A_161 = arith.constant 0 : i32
        %dma_wait3A_162 = tpu.memref_slice %arg2[%dma_wait3A_160, %dma_wait3A_161] : memref<250000x16xf32, #tpu.memory_space<hbm>> -> memref<250000x16xf32, #tpu.memory_space<hbm>>
        tpu.wait_indirect_dma semaphore(%arg11 : memref<!tpu.dma_semaphore, #tpu.memory_space<semaphore_mem>>) src(%dma_wait3A_162 : memref<250000x16xf32, #tpu.memory_space<hbm>>) dst(%dma_wait3A_156 : memref<128x16xf32, #tpu.memory_space<vmem>>)
        %dma_wait3A_163 = arith.constant 3 : i32
        %dma_wait3A_164 = arith.constant 3 : i32
        %dma_wait3A_165 = arith.constant 0 : i32
        %dma_wait3A_166 = arith.constant 0 : i32
        %dma_wait3A_167 = tpu.memref_slice %arg9[%dma_wait3A_164, %dma_wait3A_165, %dma_wait3A_166] : memref<8x128x16xf32, #tpu.memory_space<vmem>> -> memref<1x128x16xf32, #tpu.memory_space<vmem>>
        %dma_wait3A_168 = tpu.memref_squeeze %dma_wait3A_167 : memref<1x128x16xf32, #tpu.memory_space<vmem>> -> memref<128x16xf32, #tpu.memory_space<vmem>>
        %dma_wait3A_169 = arith.constant 0 : i32
        %dma_wait3A_170 = tpu.memref_slice %arg7[%dma_wait3A_163, %dma_wait3A_169] : memref<8x128xi32, #tpu.memory_space<vmem>> -> memref<1x128xi32, #tpu.memory_space<vmem>>
        %dma_wait3A_171 = tpu.memref_squeeze %dma_wait3A_170 : memref<1x128xi32, #tpu.memory_space<vmem>> -> memref<128xi32, #tpu.memory_space<vmem>>
        %dma_wait3A_172 = arith.constant 0 : i32
        %dma_wait3A_173 = arith.constant 0 : i32
        %dma_wait3A_174 = tpu.memref_slice %arg2[%dma_wait3A_172, %dma_wait3A_173] : memref<250000x16xf32, #tpu.memory_space<hbm>> -> memref<250000x16xf32, #tpu.memory_space<hbm>>
        tpu.wait_indirect_dma semaphore(%arg11 : memref<!tpu.dma_semaphore, #tpu.memory_space<semaphore_mem>>) src(%dma_wait3A_174 : memref<250000x16xf32, #tpu.memory_space<hbm>>) dst(%dma_wait3A_168 : memref<128x16xf32, #tpu.memory_space<vmem>>)
        %dma_wait3A_175 = arith.constant 4 : i32
        %dma_wait3A_176 = arith.constant 4 : i32
        %dma_wait3A_177 = arith.constant 0 : i32
        %dma_wait3A_178 = arith.constant 0 : i32
        %dma_wait3A_179 = tpu.memref_slice %arg9[%dma_wait3A_176, %dma_wait3A_177, %dma_wait3A_178] : memref<8x128x16xf32, #tpu.memory_space<vmem>> -> memref<1x128x16xf32, #tpu.memory_space<vmem>>
        %dma_wait3A_180 = tpu.memref_squeeze %dma_wait3A_179 : memref<1x128x16xf32, #tpu.memory_space<vmem>> -> memref<128x16xf32, #tpu.memory_space<vmem>>
        %dma_wait3A_181 = arith.constant 0 : i32
        %dma_wait3A_182 = tpu.memref_slice %arg7[%dma_wait3A_175, %dma_wait3A_181] : memref<8x128xi32, #tpu.memory_space<vmem>> -> memref<1x128xi32, #tpu.memory_space<vmem>>
        %dma_wait3A_183 = tpu.memref_squeeze %dma_wait3A_182 : memref<1x128xi32, #tpu.memory_space<vmem>> -> memref<128xi32, #tpu.memory_space<vmem>>
        %dma_wait3A_184 = arith.constant 0 : i32
        %dma_wait3A_185 = arith.constant 0 : i32
        %dma_wait3A_186 = tpu.memref_slice %arg2[%dma_wait3A_184, %dma_wait3A_185] : memref<250000x16xf32, #tpu.memory_space<hbm>> -> memref<250000x16xf32, #tpu.memory_space<hbm>>
        tpu.wait_indirect_dma semaphore(%arg11 : memref<!tpu.dma_semaphore, #tpu.memory_space<semaphore_mem>>) src(%dma_wait3A_186 : memref<250000x16xf32, #tpu.memory_space<hbm>>) dst(%dma_wait3A_180 : memref<128x16xf32, #tpu.memory_space<vmem>>)
        %dma_wait3A_187 = arith.constant 5 : i32
        %dma_wait3A_188 = arith.constant 5 : i32
        %dma_wait3A_189 = arith.constant 0 : i32
        %dma_wait3A_190 = arith.constant 0 : i32
        %dma_wait3A_191 = tpu.memref_slice %arg9[%dma_wait3A_188, %dma_wait3A_189, %dma_wait3A_190] : memref<8x128x16xf32, #tpu.memory_space<vmem>> -> memref<1x128x16xf32, #tpu.memory_space<vmem>>
        %dma_wait3A_192 = tpu.memref_squeeze %dma_wait3A_191 : memref<1x128x16xf32, #tpu.memory_space<vmem>> -> memref<128x16xf32, #tpu.memory_space<vmem>>
        %dma_wait3A_193 = arith.constant 0 : i32
        %dma_wait3A_194 = tpu.memref_slice %arg7[%dma_wait3A_187, %dma_wait3A_193] : memref<8x128xi32, #tpu.memory_space<vmem>> -> memref<1x128xi32, #tpu.memory_space<vmem>>
        %dma_wait3A_195 = tpu.memref_squeeze %dma_wait3A_194 : memref<1x128xi32, #tpu.memory_space<vmem>> -> memref<128xi32, #tpu.memory_space<vmem>>
        %dma_wait3A_196 = arith.constant 0 : i32
        %dma_wait3A_197 = arith.constant 0 : i32
        %dma_wait3A_198 = tpu.memref_slice %arg2[%dma_wait3A_196, %dma_wait3A_197] : memref<250000x16xf32, #tpu.memory_space<hbm>> -> memref<250000x16xf32, #tpu.memory_space<hbm>>
        tpu.wait_indirect_dma semaphore(%arg11 : memref<!tpu.dma_semaphore, #tpu.memory_space<semaphore_mem>>) src(%dma_wait3A_198 : memref<250000x16xf32, #tpu.memory_space<hbm>>) dst(%dma_wait3A_192 : memref<128x16xf32, #tpu.memory_space<vmem>>)
        %dma_wait3A_199 = arith.constant 6 : i32
        %dma_wait3A_200 = arith.constant 6 : i32
        %dma_wait3A_201 = arith.constant 0 : i32
        %dma_wait3A_202 = arith.constant 0 : i32
        %dma_wait3A_203 = tpu.memref_slice %arg9[%dma_wait3A_200, %dma_wait3A_201, %dma_wait3A_202] : memref<8x128x16xf32, #tpu.memory_space<vmem>> -> memref<1x128x16xf32, #tpu.memory_space<vmem>>
        %dma_wait3A_204 = tpu.memref_squeeze %dma_wait3A_203 : memref<1x128x16xf32, #tpu.memory_space<vmem>> -> memref<128x16xf32, #tpu.memory_space<vmem>>
        %dma_wait3A_205 = arith.constant 0 : i32
        %dma_wait3A_206 = tpu.memref_slice %arg7[%dma_wait3A_199, %dma_wait3A_205] : memref<8x128xi32, #tpu.memory_space<vmem>> -> memref<1x128xi32, #tpu.memory_space<vmem>>
        %dma_wait3A_207 = tpu.memref_squeeze %dma_wait3A_206 : memref<1x128xi32, #tpu.memory_space<vmem>> -> memref<128xi32, #tpu.memory_space<vmem>>
        %dma_wait3A_208 = arith.constant 0 : i32
        %dma_wait3A_209 = arith.constant 0 : i32
        %dma_wait3A_210 = tpu.memref_slice %arg2[%dma_wait3A_208, %dma_wait3A_209] : memref<250000x16xf32, #tpu.memory_space<hbm>> -> memref<250000x16xf32, #tpu.memory_space<hbm>>
        tpu.wait_indirect_dma semaphore(%arg11 : memref<!tpu.dma_semaphore, #tpu.memory_space<semaphore_mem>>) src(%dma_wait3A_210 : memref<250000x16xf32, #tpu.memory_space<hbm>>) dst(%dma_wait3A_204 : memref<128x16xf32, #tpu.memory_space<vmem>>)
        %dma_wait3A_211 = arith.constant 7 : i32
        %dma_wait3A_212 = arith.constant 7 : i32
        %dma_wait3A_213 = arith.constant 0 : i32
        %dma_wait3A_214 = arith.constant 0 : i32
        %dma_wait3A_215 = tpu.memref_slice %arg9[%dma_wait3A_212, %dma_wait3A_213, %dma_wait3A_214] : memref<8x128x16xf32, #tpu.memory_space<vmem>> -> memref<1x128x16xf32, #tpu.memory_space<vmem>>
        %dma_wait3A_216 = tpu.memref_squeeze %dma_wait3A_215 : memref<1x128x16xf32, #tpu.memory_space<vmem>> -> memref<128x16xf32, #tpu.memory_space<vmem>>
        %dma_wait3A_217 = arith.constant 0 : i32
        %dma_wait3A_218 = tpu.memref_slice %arg7[%dma_wait3A_211, %dma_wait3A_217] : memref<8x128xi32, #tpu.memory_space<vmem>> -> memref<1x128xi32, #tpu.memory_space<vmem>>
        %dma_wait3A_219 = tpu.memref_squeeze %dma_wait3A_218 : memref<1x128xi32, #tpu.memory_space<vmem>> -> memref<128xi32, #tpu.memory_space<vmem>>
        %dma_wait3A_220 = arith.constant 0 : i32
        %dma_wait3A_221 = arith.constant 0 : i32
        %dma_wait3A_222 = tpu.memref_slice %arg2[%dma_wait3A_220, %dma_wait3A_221] : memref<250000x16xf32, #tpu.memory_space<hbm>> -> memref<250000x16xf32, #tpu.memory_space<hbm>>
        tpu.wait_indirect_dma semaphore(%arg11 : memref<!tpu.dma_semaphore, #tpu.memory_space<semaphore_mem>>) src(%dma_wait3A_222 : memref<250000x16xf32, #tpu.memory_space<hbm>>) dst(%dma_wait3A_216 : memref<128x16xf32, #tpu.memory_space<vmem>>)
        %dma_start3A_223 = arith.constant 0 : i32
        %dma_start3A_224 = arith.constant 0 : i32
        %dma_start3A_225 = arith.constant 0 : i32
        %dma_start3A_226 = arith.constant 0 : i32
        %dma_start3A_227 = tpu.memref_slice %arg9[%dma_start3A_223, %dma_start3A_225, %dma_start3A_226] : memref<8x128x16xf32, #tpu.memory_space<vmem>> -> memref<1x128x16xf32, #tpu.memory_space<vmem>>
        %dma_start3A_228 = tpu.memref_squeeze %dma_start3A_227 : memref<1x128x16xf32, #tpu.memory_space<vmem>> -> memref<128x16xf32, #tpu.memory_space<vmem>>
        %dma_start3A_229 = arith.constant 0 : i32
        %dma_start3A_230 = tpu.memref_slice %arg8[%dma_start3A_224, %dma_start3A_229] : memref<8x128xi32, #tpu.memory_space<vmem>> -> memref<1x128xi32, #tpu.memory_space<vmem>>
        %dma_start3A_231 = tpu.memref_squeeze %dma_start3A_230 : memref<1x128xi32, #tpu.memory_space<vmem>> -> memref<128xi32, #tpu.memory_space<vmem>>
        %dma_start3A_232 = arith.constant 0 : i32
        %dma_start3A_233 = arith.constant 0 : i32
        %dma_start3A_234 = tpu.memref_slice %arg10[%dma_start3A_232, %dma_start3A_233] : memref<64128x16xf32, #tpu.memory_space<vmem_shared>> -> memref<64128x16xf32, #tpu.memory_space<vmem_shared>>
        tpu.enqueue_indirect_dma source(%dma_start3A_228 : memref<128x16xf32, #tpu.memory_space<vmem>>) target(%dma_start3A_234 : memref<64128x16xf32, #tpu.memory_space<vmem_shared>>) offsets(%dma_start3A_231 : memref<128xi32, #tpu.memory_space<vmem>>) semaphore(%arg12 : memref<!tpu.dma_semaphore, #tpu.memory_space<semaphore_mem>>) {add = true}
        %dma_start3A_235 = arith.constant 1 : i32
        %dma_start3A_236 = arith.constant 1 : i32
        %dma_start3A_237 = arith.constant 0 : i32
        %dma_start3A_238 = arith.constant 0 : i32
        %dma_start3A_239 = tpu.memref_slice %arg9[%dma_start3A_235, %dma_start3A_237, %dma_start3A_238] : memref<8x128x16xf32, #tpu.memory_space<vmem>> -> memref<1x128x16xf32, #tpu.memory_space<vmem>>
        %dma_start3A_240 = tpu.memref_squeeze %dma_start3A_239 : memref<1x128x16xf32, #tpu.memory_space<vmem>> -> memref<128x16xf32, #tpu.memory_space<vmem>>
        %dma_start3A_241 = arith.constant 0 : i32
        %dma_start3A_242 = tpu.memref_slice %arg8[%dma_start3A_236, %dma_start3A_241] : memref<8x128xi32, #tpu.memory_space<vmem>> -> memref<1x128xi32, #tpu.memory_space<vmem>>
        %dma_start3A_243 = tpu.memref_squeeze %dma_start3A_242 : memref<1x128xi32, #tpu.memory_space<vmem>> -> memref<128xi32, #tpu.memory_space<vmem>>
        %dma_start3A_244 = arith.constant 0 : i32
        %dma_start3A_245 = arith.constant 0 : i32
        %dma_start3A_246 = tpu.memref_slice %arg10[%dma_start3A_244, %dma_start3A_245] : memref<64128x16xf32, #tpu.memory_space<vmem_shared>> -> memref<64128x16xf32, #tpu.memory_space<vmem_shared>>
        tpu.enqueue_indirect_dma source(%dma_start3A_240 : memref<128x16xf32, #tpu.memory_space<vmem>>) target(%dma_start3A_246 : memref<64128x16xf32, #tpu.memory_space<vmem_shared>>) offsets(%dma_start3A_243 : memref<128xi32, #tpu.memory_space<vmem>>) semaphore(%arg12 : memref<!tpu.dma_semaphore, #tpu.memory_space<semaphore_mem>>) {add = true}
        %dma_start3A_247 = arith.constant 2 : i32
        %dma_start3A_248 = arith.constant 2 : i32
        %dma_start3A_249 = arith.constant 0 : i32
        %dma_start3A_250 = arith.constant 0 : i32
        %dma_start3A_251 = tpu.memref_slice %arg9[%dma_start3A_247, %dma_start3A_249, %dma_start3A_250] : memref<8x128x16xf32, #tpu.memory_space<vmem>> -> memref<1x128x16xf32, #tpu.memory_space<vmem>>
        %dma_start3A_252 = tpu.memref_squeeze %dma_start3A_251 : memref<1x128x16xf32, #tpu.memory_space<vmem>> -> memref<128x16xf32, #tpu.memory_space<vmem>>
        %dma_start3A_253 = arith.constant 0 : i32
        %dma_start3A_254 = tpu.memref_slice %arg8[%dma_start3A_248, %dma_start3A_253] : memref<8x128xi32, #tpu.memory_space<vmem>> -> memref<1x128xi32, #tpu.memory_space<vmem>>
        %dma_start3A_255 = tpu.memref_squeeze %dma_start3A_254 : memref<1x128xi32, #tpu.memory_space<vmem>> -> memref<128xi32, #tpu.memory_space<vmem>>
        %dma_start3A_256 = arith.constant 0 : i32
        %dma_start3A_257 = arith.constant 0 : i32
        %dma_start3A_258 = tpu.memref_slice %arg10[%dma_start3A_256, %dma_start3A_257] : memref<64128x16xf32, #tpu.memory_space<vmem_shared>> -> memref<64128x16xf32, #tpu.memory_space<vmem_shared>>
        tpu.enqueue_indirect_dma source(%dma_start3A_252 : memref<128x16xf32, #tpu.memory_space<vmem>>) target(%dma_start3A_258 : memref<64128x16xf32, #tpu.memory_space<vmem_shared>>) offsets(%dma_start3A_255 : memref<128xi32, #tpu.memory_space<vmem>>) semaphore(%arg12 : memref<!tpu.dma_semaphore, #tpu.memory_space<semaphore_mem>>) {add = true}
        %dma_start3A_259 = arith.constant 3 : i32
        %dma_start3A_260 = arith.constant 3 : i32
        %dma_start3A_261 = arith.constant 0 : i32
        %dma_start3A_262 = arith.constant 0 : i32
        %dma_start3A_263 = tpu.memref_slice %arg9[%dma_start3A_259, %dma_start3A_261, %dma_start3A_262] : memref<8x128x16xf32, #tpu.memory_space<vmem>> -> memref<1x128x16xf32, #tpu.memory_space<vmem>>
        %dma_start3A_264 = tpu.memref_squeeze %dma_start3A_263 : memref<1x128x16xf32, #tpu.memory_space<vmem>> -> memref<128x16xf32, #tpu.memory_space<vmem>>
        %dma_start3A_265 = arith.constant 0 : i32
        %dma_start3A_266 = tpu.memref_slice %arg8[%dma_start3A_260, %dma_start3A_265] : memref<8x128xi32, #tpu.memory_space<vmem>> -> memref<1x128xi32, #tpu.memory_space<vmem>>
        %dma_start3A_267 = tpu.memref_squeeze %dma_start3A_266 : memref<1x128xi32, #tpu.memory_space<vmem>> -> memref<128xi32, #tpu.memory_space<vmem>>
        %dma_start3A_268 = arith.constant 0 : i32
        %dma_start3A_269 = arith.constant 0 : i32
        %dma_start3A_270 = tpu.memref_slice %arg10[%dma_start3A_268, %dma_start3A_269] : memref<64128x16xf32, #tpu.memory_space<vmem_shared>> -> memref<64128x16xf32, #tpu.memory_space<vmem_shared>>
        tpu.enqueue_indirect_dma source(%dma_start3A_264 : memref<128x16xf32, #tpu.memory_space<vmem>>) target(%dma_start3A_270 : memref<64128x16xf32, #tpu.memory_space<vmem_shared>>) offsets(%dma_start3A_267 : memref<128xi32, #tpu.memory_space<vmem>>) semaphore(%arg12 : memref<!tpu.dma_semaphore, #tpu.memory_space<semaphore_mem>>) {add = true}
        %dma_start3A_271 = arith.constant 4 : i32
        %dma_start3A_272 = arith.constant 4 : i32
        %dma_start3A_273 = arith.constant 0 : i32
        %dma_start3A_274 = arith.constant 0 : i32
        %dma_start3A_275 = tpu.memref_slice %arg9[%dma_start3A_271, %dma_start3A_273, %dma_start3A_274] : memref<8x128x16xf32, #tpu.memory_space<vmem>> -> memref<1x128x16xf32, #tpu.memory_space<vmem>>
        %dma_start3A_276 = tpu.memref_squeeze %dma_start3A_275 : memref<1x128x16xf32, #tpu.memory_space<vmem>> -> memref<128x16xf32, #tpu.memory_space<vmem>>
        %dma_start3A_277 = arith.constant 0 : i32
        %dma_start3A_278 = tpu.memref_slice %arg8[%dma_start3A_272, %dma_start3A_277] : memref<8x128xi32, #tpu.memory_space<vmem>> -> memref<1x128xi32, #tpu.memory_space<vmem>>
        %dma_start3A_279 = tpu.memref_squeeze %dma_start3A_278 : memref<1x128xi32, #tpu.memory_space<vmem>> -> memref<128xi32, #tpu.memory_space<vmem>>
        %dma_start3A_280 = arith.constant 0 : i32
        %dma_start3A_281 = arith.constant 0 : i32
        %dma_start3A_282 = tpu.memref_slice %arg10[%dma_start3A_280, %dma_start3A_281] : memref<64128x16xf32, #tpu.memory_space<vmem_shared>> -> memref<64128x16xf32, #tpu.memory_space<vmem_shared>>
        tpu.enqueue_indirect_dma source(%dma_start3A_276 : memref<128x16xf32, #tpu.memory_space<vmem>>) target(%dma_start3A_282 : memref<64128x16xf32, #tpu.memory_space<vmem_shared>>) offsets(%dma_start3A_279 : memref<128xi32, #tpu.memory_space<vmem>>) semaphore(%arg12 : memref<!tpu.dma_semaphore, #tpu.memory_space<semaphore_mem>>) {add = true}
        %dma_start3A_283 = arith.constant 5 : i32
        %dma_start3A_284 = arith.constant 5 : i32
        %dma_start3A_285 = arith.constant 0 : i32
        %dma_start3A_286 = arith.constant 0 : i32
        %dma_start3A_287 = tpu.memref_slice %arg9[%dma_start3A_283, %dma_start3A_285, %dma_start3A_286] : memref<8x128x16xf32, #tpu.memory_space<vmem>> -> memref<1x128x16xf32, #tpu.memory_space<vmem>>
        %dma_start3A_288 = tpu.memref_squeeze %dma_start3A_287 : memref<1x128x16xf32, #tpu.memory_space<vmem>> -> memref<128x16xf32, #tpu.memory_space<vmem>>
        %dma_start3A_289 = arith.constant 0 : i32
        %dma_start3A_290 = tpu.memref_slice %arg8[%dma_start3A_284, %dma_start3A_289] : memref<8x128xi32, #tpu.memory_space<vmem>> -> memref<1x128xi32, #tpu.memory_space<vmem>>
        %dma_start3A_291 = tpu.memref_squeeze %dma_start3A_290 : memref<1x128xi32, #tpu.memory_space<vmem>> -> memref<128xi32, #tpu.memory_space<vmem>>
        %dma_start3A_292 = arith.constant 0 : i32
        %dma_start3A_293 = arith.constant 0 : i32
        %dma_start3A_294 = tpu.memref_slice %arg10[%dma_start3A_292, %dma_start3A_293] : memref<64128x16xf32, #tpu.memory_space<vmem_shared>> -> memref<64128x16xf32, #tpu.memory_space<vmem_shared>>
        tpu.enqueue_indirect_dma source(%dma_start3A_288 : memref<128x16xf32, #tpu.memory_space<vmem>>) target(%dma_start3A_294 : memref<64128x16xf32, #tpu.memory_space<vmem_shared>>) offsets(%dma_start3A_291 : memref<128xi32, #tpu.memory_space<vmem>>) semaphore(%arg12 : memref<!tpu.dma_semaphore, #tpu.memory_space<semaphore_mem>>) {add = true}
        %dma_start3A_295 = arith.constant 6 : i32
        %dma_start3A_296 = arith.constant 6 : i32
        %dma_start3A_297 = arith.constant 0 : i32
        %dma_start3A_298 = arith.constant 0 : i32
        %dma_start3A_299 = tpu.memref_slice %arg9[%dma_start3A_295, %dma_start3A_297, %dma_start3A_298] : memref<8x128x16xf32, #tpu.memory_space<vmem>> -> memref<1x128x16xf32, #tpu.memory_space<vmem>>
        %dma_start3A_300 = tpu.memref_squeeze %dma_start3A_299 : memref<1x128x16xf32, #tpu.memory_space<vmem>> -> memref<128x16xf32, #tpu.memory_space<vmem>>
        %dma_start3A_301 = arith.constant 0 : i32
        %dma_start3A_302 = tpu.memref_slice %arg8[%dma_start3A_296, %dma_start3A_301] : memref<8x128xi32, #tpu.memory_space<vmem>> -> memref<1x128xi32, #tpu.memory_space<vmem>>
        %dma_start3A_303 = tpu.memref_squeeze %dma_start3A_302 : memref<1x128xi32, #tpu.memory_space<vmem>> -> memref<128xi32, #tpu.memory_space<vmem>>
        %dma_start3A_304 = arith.constant 0 : i32
        %dma_start3A_305 = arith.constant 0 : i32
        %dma_start3A_306 = tpu.memref_slice %arg10[%dma_start3A_304, %dma_start3A_305] : memref<64128x16xf32, #tpu.memory_space<vmem_shared>> -> memref<64128x16xf32, #tpu.memory_space<vmem_shared>>
        tpu.enqueue_indirect_dma source(%dma_start3A_300 : memref<128x16xf32, #tpu.memory_space<vmem>>) target(%dma_start3A_306 : memref<64128x16xf32, #tpu.memory_space<vmem_shared>>) offsets(%dma_start3A_303 : memref<128xi32, #tpu.memory_space<vmem>>) semaphore(%arg12 : memref<!tpu.dma_semaphore, #tpu.memory_space<semaphore_mem>>) {add = true}
        %dma_start3A_307 = arith.constant 7 : i32
        %dma_start3A_308 = arith.constant 7 : i32
        %dma_start3A_309 = arith.constant 0 : i32
        %dma_start3A_310 = arith.constant 0 : i32
        %dma_start3A_311 = tpu.memref_slice %arg9[%dma_start3A_307, %dma_start3A_309, %dma_start3A_310] : memref<8x128x16xf32, #tpu.memory_space<vmem>> -> memref<1x128x16xf32, #tpu.memory_space<vmem>>
        %dma_start3A_312 = tpu.memref_squeeze %dma_start3A_311 : memref<1x128x16xf32, #tpu.memory_space<vmem>> -> memref<128x16xf32, #tpu.memory_space<vmem>>
        %dma_start3A_313 = arith.constant 0 : i32
        %dma_start3A_314 = tpu.memref_slice %arg8[%dma_start3A_308, %dma_start3A_313] : memref<8x128xi32, #tpu.memory_space<vmem>> -> memref<1x128xi32, #tpu.memory_space<vmem>>
        %dma_start3A_315 = tpu.memref_squeeze %dma_start3A_314 : memref<1x128xi32, #tpu.memory_space<vmem>> -> memref<128xi32, #tpu.memory_space<vmem>>
        %dma_start3A_316 = arith.constant 0 : i32
        %dma_start3A_317 = arith.constant 0 : i32
        %dma_start3A_318 = tpu.memref_slice %arg10[%dma_start3A_316, %dma_start3A_317] : memref<64128x16xf32, #tpu.memory_space<vmem_shared>> -> memref<64128x16xf32, #tpu.memory_space<vmem_shared>>
        tpu.enqueue_indirect_dma source(%dma_start3A_312 : memref<128x16xf32, #tpu.memory_space<vmem>>) target(%dma_start3A_318 : memref<64128x16xf32, #tpu.memory_space<vmem_shared>>) offsets(%dma_start3A_315 : memref<128xi32, #tpu.memory_space<vmem>>) semaphore(%arg12 : memref<!tpu.dma_semaphore, #tpu.memory_space<semaphore_mem>>) {add = true}
        %dma_wait3A_319 = arith.constant 0 : i32
        %dma_wait3A_320 = arith.constant 0 : i32
        %dma_wait3A_321 = arith.constant 0 : i32
        %dma_wait3A_322 = arith.constant 0 : i32
        %dma_wait3A_323 = tpu.memref_slice %arg9[%dma_wait3A_319, %dma_wait3A_321, %dma_wait3A_322] : memref<8x128x16xf32, #tpu.memory_space<vmem>> -> memref<1x128x16xf32, #tpu.memory_space<vmem>>
        %dma_wait3A_324 = tpu.memref_squeeze %dma_wait3A_323 : memref<1x128x16xf32, #tpu.memory_space<vmem>> -> memref<128x16xf32, #tpu.memory_space<vmem>>
        %dma_wait3A_325 = arith.constant 0 : i32
        %dma_wait3A_326 = tpu.memref_slice %arg8[%dma_wait3A_320, %dma_wait3A_325] : memref<8x128xi32, #tpu.memory_space<vmem>> -> memref<1x128xi32, #tpu.memory_space<vmem>>
        %dma_wait3A_327 = tpu.memref_squeeze %dma_wait3A_326 : memref<1x128xi32, #tpu.memory_space<vmem>> -> memref<128xi32, #tpu.memory_space<vmem>>
        %dma_wait3A_328 = arith.constant 0 : i32
        %dma_wait3A_329 = arith.constant 0 : i32
        %dma_wait3A_330 = tpu.memref_slice %arg10[%dma_wait3A_328, %dma_wait3A_329] : memref<64128x16xf32, #tpu.memory_space<vmem_shared>> -> memref<64128x16xf32, #tpu.memory_space<vmem_shared>>
        tpu.wait_indirect_dma semaphore(%arg12 : memref<!tpu.dma_semaphore, #tpu.memory_space<semaphore_mem>>) src(%dma_wait3A_324 : memref<128x16xf32, #tpu.memory_space<vmem>>) dst(%dma_wait3A_330 : memref<64128x16xf32, #tpu.memory_space<vmem_shared>>)
        %dma_wait3A_331 = arith.constant 1 : i32
        %dma_wait3A_332 = arith.constant 1 : i32
        %dma_wait3A_333 = arith.constant 0 : i32
        %dma_wait3A_334 = arith.constant 0 : i32
        %dma_wait3A_335 = tpu.memref_slice %arg9[%dma_wait3A_331, %dma_wait3A_333, %dma_wait3A_334] : memref<8x128x16xf32, #tpu.memory_space<vmem>> -> memref<1x128x16xf32, #tpu.memory_space<vmem>>
        %dma_wait3A_336 = tpu.memref_squeeze %dma_wait3A_335 : memref<1x128x16xf32, #tpu.memory_space<vmem>> -> memref<128x16xf32, #tpu.memory_space<vmem>>
        %dma_wait3A_337 = arith.constant 0 : i32
        %dma_wait3A_338 = tpu.memref_slice %arg8[%dma_wait3A_332, %dma_wait3A_337] : memref<8x128xi32, #tpu.memory_space<vmem>> -> memref<1x128xi32, #tpu.memory_space<vmem>>
        %dma_wait3A_339 = tpu.memref_squeeze %dma_wait3A_338 : memref<1x128xi32, #tpu.memory_space<vmem>> -> memref<128xi32, #tpu.memory_space<vmem>>
        %dma_wait3A_340 = arith.constant 0 : i32
        %dma_wait3A_341 = arith.constant 0 : i32
        %dma_wait3A_342 = tpu.memref_slice %arg10[%dma_wait3A_340, %dma_wait3A_341] : memref<64128x16xf32, #tpu.memory_space<vmem_shared>> -> memref<64128x16xf32, #tpu.memory_space<vmem_shared>>
        tpu.wait_indirect_dma semaphore(%arg12 : memref<!tpu.dma_semaphore, #tpu.memory_space<semaphore_mem>>) src(%dma_wait3A_336 : memref<128x16xf32, #tpu.memory_space<vmem>>) dst(%dma_wait3A_342 : memref<64128x16xf32, #tpu.memory_space<vmem_shared>>)
        %dma_wait3A_343 = arith.constant 2 : i32
        %dma_wait3A_344 = arith.constant 2 : i32
        %dma_wait3A_345 = arith.constant 0 : i32
        %dma_wait3A_346 = arith.constant 0 : i32
        %dma_wait3A_347 = tpu.memref_slice %arg9[%dma_wait3A_343, %dma_wait3A_345, %dma_wait3A_346] : memref<8x128x16xf32, #tpu.memory_space<vmem>> -> memref<1x128x16xf32, #tpu.memory_space<vmem>>
        %dma_wait3A_348 = tpu.memref_squeeze %dma_wait3A_347 : memref<1x128x16xf32, #tpu.memory_space<vmem>> -> memref<128x16xf32, #tpu.memory_space<vmem>>
        %dma_wait3A_349 = arith.constant 0 : i32
        %dma_wait3A_350 = tpu.memref_slice %arg8[%dma_wait3A_344, %dma_wait3A_349] : memref<8x128xi32, #tpu.memory_space<vmem>> -> memref<1x128xi32, #tpu.memory_space<vmem>>
        %dma_wait3A_351 = tpu.memref_squeeze %dma_wait3A_350 : memref<1x128xi32, #tpu.memory_space<vmem>> -> memref<128xi32, #tpu.memory_space<vmem>>
        %dma_wait3A_352 = arith.constant 0 : i32
        %dma_wait3A_353 = arith.constant 0 : i32
        %dma_wait3A_354 = tpu.memref_slice %arg10[%dma_wait3A_352, %dma_wait3A_353] : memref<64128x16xf32, #tpu.memory_space<vmem_shared>> -> memref<64128x16xf32, #tpu.memory_space<vmem_shared>>
        tpu.wait_indirect_dma semaphore(%arg12 : memref<!tpu.dma_semaphore, #tpu.memory_space<semaphore_mem>>) src(%dma_wait3A_348 : memref<128x16xf32, #tpu.memory_space<vmem>>) dst(%dma_wait3A_354 : memref<64128x16xf32, #tpu.memory_space<vmem_shared>>)
        %dma_wait3A_355 = arith.constant 3 : i32
        %dma_wait3A_356 = arith.constant 3 : i32
        %dma_wait3A_357 = arith.constant 0 : i32
        %dma_wait3A_358 = arith.constant 0 : i32
        %dma_wait3A_359 = tpu.memref_slice %arg9[%dma_wait3A_355, %dma_wait3A_357, %dma_wait3A_358] : memref<8x128x16xf32, #tpu.memory_space<vmem>> -> memref<1x128x16xf32, #tpu.memory_space<vmem>>
        %dma_wait3A_360 = tpu.memref_squeeze %dma_wait3A_359 : memref<1x128x16xf32, #tpu.memory_space<vmem>> -> memref<128x16xf32, #tpu.memory_space<vmem>>
        %dma_wait3A_361 = arith.constant 0 : i32
        %dma_wait3A_362 = tpu.memref_slice %arg8[%dma_wait3A_356, %dma_wait3A_361] : memref<8x128xi32, #tpu.memory_space<vmem>> -> memref<1x128xi32, #tpu.memory_space<vmem>>
        %dma_wait3A_363 = tpu.memref_squeeze %dma_wait3A_362 : memref<1x128xi32, #tpu.memory_space<vmem>> -> memref<128xi32, #tpu.memory_space<vmem>>
        %dma_wait3A_364 = arith.constant 0 : i32
        %dma_wait3A_365 = arith.constant 0 : i32
        %dma_wait3A_366 = tpu.memref_slice %arg10[%dma_wait3A_364, %dma_wait3A_365] : memref<64128x16xf32, #tpu.memory_space<vmem_shared>> -> memref<64128x16xf32, #tpu.memory_space<vmem_shared>>
        tpu.wait_indirect_dma semaphore(%arg12 : memref<!tpu.dma_semaphore, #tpu.memory_space<semaphore_mem>>) src(%dma_wait3A_360 : memref<128x16xf32, #tpu.memory_space<vmem>>) dst(%dma_wait3A_366 : memref<64128x16xf32, #tpu.memory_space<vmem_shared>>)
        %dma_wait3A_367 = arith.constant 4 : i32
        %dma_wait3A_368 = arith.constant 4 : i32
        %dma_wait3A_369 = arith.constant 0 : i32
        %dma_wait3A_370 = arith.constant 0 : i32
        %dma_wait3A_371 = tpu.memref_slice %arg9[%dma_wait3A_367, %dma_wait3A_369, %dma_wait3A_370] : memref<8x128x16xf32, #tpu.memory_space<vmem>> -> memref<1x128x16xf32, #tpu.memory_space<vmem>>
        %dma_wait3A_372 = tpu.memref_squeeze %dma_wait3A_371 : memref<1x128x16xf32, #tpu.memory_space<vmem>> -> memref<128x16xf32, #tpu.memory_space<vmem>>
        %dma_wait3A_373 = arith.constant 0 : i32
        %dma_wait3A_374 = tpu.memref_slice %arg8[%dma_wait3A_368, %dma_wait3A_373] : memref<8x128xi32, #tpu.memory_space<vmem>> -> memref<1x128xi32, #tpu.memory_space<vmem>>
        %dma_wait3A_375 = tpu.memref_squeeze %dma_wait3A_374 : memref<1x128xi32, #tpu.memory_space<vmem>> -> memref<128xi32, #tpu.memory_space<vmem>>
        %dma_wait3A_376 = arith.constant 0 : i32
        %dma_wait3A_377 = arith.constant 0 : i32
        %dma_wait3A_378 = tpu.memref_slice %arg10[%dma_wait3A_376, %dma_wait3A_377] : memref<64128x16xf32, #tpu.memory_space<vmem_shared>> -> memref<64128x16xf32, #tpu.memory_space<vmem_shared>>
        tpu.wait_indirect_dma semaphore(%arg12 : memref<!tpu.dma_semaphore, #tpu.memory_space<semaphore_mem>>) src(%dma_wait3A_372 : memref<128x16xf32, #tpu.memory_space<vmem>>) dst(%dma_wait3A_378 : memref<64128x16xf32, #tpu.memory_space<vmem_shared>>)
        %dma_wait3A_379 = arith.constant 5 : i32
        %dma_wait3A_380 = arith.constant 5 : i32
        %dma_wait3A_381 = arith.constant 0 : i32
        %dma_wait3A_382 = arith.constant 0 : i32
        %dma_wait3A_383 = tpu.memref_slice %arg9[%dma_wait3A_379, %dma_wait3A_381, %dma_wait3A_382] : memref<8x128x16xf32, #tpu.memory_space<vmem>> -> memref<1x128x16xf32, #tpu.memory_space<vmem>>
        %dma_wait3A_384 = tpu.memref_squeeze %dma_wait3A_383 : memref<1x128x16xf32, #tpu.memory_space<vmem>> -> memref<128x16xf32, #tpu.memory_space<vmem>>
        %dma_wait3A_385 = arith.constant 0 : i32
        %dma_wait3A_386 = tpu.memref_slice %arg8[%dma_wait3A_380, %dma_wait3A_385] : memref<8x128xi32, #tpu.memory_space<vmem>> -> memref<1x128xi32, #tpu.memory_space<vmem>>
        %dma_wait3A_387 = tpu.memref_squeeze %dma_wait3A_386 : memref<1x128xi32, #tpu.memory_space<vmem>> -> memref<128xi32, #tpu.memory_space<vmem>>
        %dma_wait3A_388 = arith.constant 0 : i32
        %dma_wait3A_389 = arith.constant 0 : i32
        %dma_wait3A_390 = tpu.memref_slice %arg10[%dma_wait3A_388, %dma_wait3A_389] : memref<64128x16xf32, #tpu.memory_space<vmem_shared>> -> memref<64128x16xf32, #tpu.memory_space<vmem_shared>>
        tpu.wait_indirect_dma semaphore(%arg12 : memref<!tpu.dma_semaphore, #tpu.memory_space<semaphore_mem>>) src(%dma_wait3A_384 : memref<128x16xf32, #tpu.memory_space<vmem>>) dst(%dma_wait3A_390 : memref<64128x16xf32, #tpu.memory_space<vmem_shared>>)
        %dma_wait3A_391 = arith.constant 6 : i32
        %dma_wait3A_392 = arith.constant 6 : i32
        %dma_wait3A_393 = arith.constant 0 : i32
        %dma_wait3A_394 = arith.constant 0 : i32
        %dma_wait3A_395 = tpu.memref_slice %arg9[%dma_wait3A_391, %dma_wait3A_393, %dma_wait3A_394] : memref<8x128x16xf32, #tpu.memory_space<vmem>> -> memref<1x128x16xf32, #tpu.memory_space<vmem>>
        %dma_wait3A_396 = tpu.memref_squeeze %dma_wait3A_395 : memref<1x128x16xf32, #tpu.memory_space<vmem>> -> memref<128x16xf32, #tpu.memory_space<vmem>>
        %dma_wait3A_397 = arith.constant 0 : i32
        %dma_wait3A_398 = tpu.memref_slice %arg8[%dma_wait3A_392, %dma_wait3A_397] : memref<8x128xi32, #tpu.memory_space<vmem>> -> memref<1x128xi32, #tpu.memory_space<vmem>>
        %dma_wait3A_399 = tpu.memref_squeeze %dma_wait3A_398 : memref<1x128xi32, #tpu.memory_space<vmem>> -> memref<128xi32, #tpu.memory_space<vmem>>
        %dma_wait3A_400 = arith.constant 0 : i32
        %dma_wait3A_401 = arith.constant 0 : i32
        %dma_wait3A_402 = tpu.memref_slice %arg10[%dma_wait3A_400, %dma_wait3A_401] : memref<64128x16xf32, #tpu.memory_space<vmem_shared>> -> memref<64128x16xf32, #tpu.memory_space<vmem_shared>>
        tpu.wait_indirect_dma semaphore(%arg12 : memref<!tpu.dma_semaphore, #tpu.memory_space<semaphore_mem>>) src(%dma_wait3A_396 : memref<128x16xf32, #tpu.memory_space<vmem>>) dst(%dma_wait3A_402 : memref<64128x16xf32, #tpu.memory_space<vmem_shared>>)
        %dma_wait3A_403 = arith.constant 7 : i32
        %dma_wait3A_404 = arith.constant 7 : i32
        %dma_wait3A_405 = arith.constant 0 : i32
        %dma_wait3A_406 = arith.constant 0 : i32
        %dma_wait3A_407 = tpu.memref_slice %arg9[%dma_wait3A_403, %dma_wait3A_405, %dma_wait3A_406] : memref<8x128x16xf32, #tpu.memory_space<vmem>> -> memref<1x128x16xf32, #tpu.memory_space<vmem>>
        %dma_wait3A_408 = tpu.memref_squeeze %dma_wait3A_407 : memref<1x128x16xf32, #tpu.memory_space<vmem>> -> memref<128x16xf32, #tpu.memory_space<vmem>>
        %dma_wait3A_409 = arith.constant 0 : i32
        %dma_wait3A_410 = tpu.memref_slice %arg8[%dma_wait3A_404, %dma_wait3A_409] : memref<8x128xi32, #tpu.memory_space<vmem>> -> memref<1x128xi32, #tpu.memory_space<vmem>>
        %dma_wait3A_411 = tpu.memref_squeeze %dma_wait3A_410 : memref<1x128xi32, #tpu.memory_space<vmem>> -> memref<128xi32, #tpu.memory_space<vmem>>
        %dma_wait3A_412 = arith.constant 0 : i32
        %dma_wait3A_413 = arith.constant 0 : i32
        %dma_wait3A_414 = tpu.memref_slice %arg10[%dma_wait3A_412, %dma_wait3A_413] : memref<64128x16xf32, #tpu.memory_space<vmem_shared>> -> memref<64128x16xf32, #tpu.memory_space<vmem_shared>>
        tpu.wait_indirect_dma semaphore(%arg12 : memref<!tpu.dma_semaphore, #tpu.memory_space<semaphore_mem>>) src(%dma_wait3A_408 : memref<128x16xf32, #tpu.memory_space<vmem>>) dst(%dma_wait3A_414 : memref<64128x16xf32, #tpu.memory_space<vmem_shared>>)
      }
      %scan3A_16 = arith.constant 123 : i32
      %barrier3A_17 = arith.constant 0 : index
      tpu.barrier barrier_id(%barrier3A_17)
      %eq3A = arith.constant 3 : i32
      %eq3A_18 = arith.cmpi eq, %add3A, %eq3A : i32
      %jit3A = arith.constant 145 : i32
      %jit3A_19 = arith.constant 160 : i32
      %select_n3A = arith.select %eq3A_18, %jit3A, %jit3A_19 : i32
      %scan3A_20 = arith.constant 0 : i32
      %scan3A_21 = arith.constant 0 : i32
      %scan3A_22 = arith.constant 10 : i32
      %scan3A_23 = arith.addi %scan3A_21, %scan3A_22 : i32
      %scan3A_24 = arith.constant 1 : i32
      scf.for %scan3A_27 = %scan3A_21 to %scan3A_23 step %scan3A_24  : i32 {
        %mul3A_28 = arith.constant 16 : i32
        %mul3A_29 = arith.muli %mul3A_28, %scan3A_27 : i32
        %add3A_30 = arith.addi %arg1, %mul3A_29 : i32
        %lt3A = arith.cmpi slt, %add3A_30, %select_n3A : i32
        %convert_element_type3A = arith.extui %lt3A : i1 to i32
        %cond3A = arith.constant 0 : i32
        %cond3A_31 = arith.cmpi ne, %convert_element_type3A, %cond3A : i32
        scf.if %cond3A_31 {
          %mul3A_32 = arith.constant 400 : i32
          %mul3A_33 = arith.muli %add3A_30, %mul3A_32 : i32
          %mul3A_34 = arith.constant 64000 : i32
          %mul3A_35 = arith.muli %add3A, %mul3A_34 : i32
          %add3A_36 = arith.addi %mul3A_35, %mul3A_33 : i32
          "tpu.region"() ({
            %run_scoped3A = tpu.sem_alloc : memref<!tpu.dma_semaphore, #tpu.memory_space<semaphore_mem>>
            %dma_start3A = arith.constant 0 : i32
            %dma_start3A_37 = tpu.memref_slice %arg6[%add3A_36, %dma_start3A] : memref<250000x16xf32, #tpu.memory_space<hbm>> -> memref<400x16xf32, #tpu.memory_space<hbm>>
            %dma_start3A_38 = arith.constant 0 : i32
            %dma_start3A_39 = tpu.memref_slice %arg10[%mul3A_33, %dma_start3A_38] : memref<64128x16xf32, #tpu.memory_space<vmem_shared>> -> memref<400x16xf32, #tpu.memory_space<vmem_shared>>
            tpu.enqueue_dma source(%dma_start3A_39 : memref<400x16xf32, #tpu.memory_space<vmem_shared>>) target(%dma_start3A_37 : memref<400x16xf32, #tpu.memory_space<hbm>>) target_semaphore(%run_scoped3A : memref<!tpu.dma_semaphore, #tpu.memory_space<semaphore_mem>>)
            %dma_wait3A = arith.constant 0 : i32
            %dma_wait3A_40 = tpu.memref_slice %arg6[%add3A_36, %dma_wait3A] : memref<250000x16xf32, #tpu.memory_space<hbm>> -> memref<400x16xf32, #tpu.memory_space<hbm>>
            %dma_wait3A_41 = arith.constant 0 : i32
            %dma_wait3A_42 = tpu.memref_slice %arg10[%mul3A_33, %dma_wait3A_41] : memref<64128x16xf32, #tpu.memory_space<vmem_shared>> -> memref<400x16xf32, #tpu.memory_space<vmem_shared>>
            tpu.wait_dma2 semaphore(%run_scoped3A : memref<!tpu.dma_semaphore, #tpu.memory_space<semaphore_mem>>) src(%dma_wait3A_42 : memref<400x16xf32, #tpu.memory_space<vmem_shared>>) dst(%dma_wait3A_40 : memref<400x16xf32, #tpu.memory_space<hbm>>)
            tpu.yield
          }) : () -> ()
        } else {
        }
      }
      %scan3A_25 = arith.constant 10 : i32
      %barrier3A_26 = arith.constant 0 : index
      tpu.barrier barrier_id(%barrier3A_26)
    }
    %scan3A_4 = arith.constant 2 : i32
    return
  }
}

#map = affine_map<(d0, d1) -> (0, 0)>
#map1 = affine_map<(d0, d1) -> (0, 0, 0)>
module attributes {stable_mosaic.version = 14 : i64} {
  func.func @k(%arg0: i32, %arg1: i32, %arg2: memref<250000x32xf32, #tpu.memory_space<hbm>>, %arg3: memref<15744x128xi32, #tpu.memory_space<hbm>>, %arg4: memref<6x15744x128xi32, #tpu.memory_space<hbm>>, %arg5: memref<44928x32xf32, #tpu.memory_space<hbm>>, %arg6: memref<250000x32xf32, #tpu.memory_space<hbm>>, %arg7: memref<8x128xi32, #tpu.memory_space<vmem>>, %arg8: memref<8x128xi32, #tpu.memory_space<vmem>>, %arg9: memref<8x128x32xf32, #tpu.memory_space<vmem>>, %arg10: memref<44928x32xf32, #tpu.memory_space<vmem_shared>>, %arg11: memref<!tpu.dma_semaphore, #tpu.memory_space<semaphore_mem>>, %arg12: memref<!tpu.dma_semaphore, #tpu.memory_space<semaphore_mem>>) attributes {dimension_semantics = [#tpu.dimension_semantics<core_parallel>, #tpu.dimension_semantics<subcore_parallel>], iteration_bounds = array<i64: 2, 16>, scalar_prefetch = 0 : i64, scratch_operands = 6 : i64, tpu.core_type = #tpu.core_type<sc_vector_subcore>, window_params = [{transform_indices = #map}, {transform_indices = #map}, {transform_indices = #map1}, {transform_indices = #map}, {transform_indices = #map}]} {
    %scan3A = arith.constant 0 : i32
    %scan3A_0 = arith.constant 0 : i32
    %scan3A_1 = arith.constant 3 : i32
    %scan3A_2 = arith.addi %scan3A_0, %scan3A_1 : i32
    %scan3A_3 = arith.constant 1 : i32
    scf.for %scan3A_5 = %scan3A_0 to %scan3A_2 step %scan3A_3  : i32 {
      %mul3A = arith.constant 3 : i32
      %mul3A_6 = arith.muli %mul3A, %arg0 : i32
      %add3A = arith.addi %mul3A_6, %scan3A_5 : i32
      %mul3A_7 = arith.constant 2808 : i32
      %mul3A_8 = arith.muli %arg1, %mul3A_7 : i32
      %mul3A_9 = arith.constant 2808 : i32
      %mul3A_10 = arith.muli %arg1, %mul3A_9 : i32
      "tpu.region"() ({
        %run_scoped3A = tpu.sem_alloc : memref<!tpu.dma_semaphore, #tpu.memory_space<semaphore_mem>>
        %dma_start3A = arith.constant 0 : i32
        %dma_start3A_27 = tpu.memref_slice %arg10[%mul3A_10, %dma_start3A] : memref<44928x32xf32, #tpu.memory_space<vmem_shared>> -> memref<2808x32xf32, #tpu.memory_space<vmem_shared>>
        %dma_start3A_28 = arith.constant 0 : i32
        %dma_start3A_29 = tpu.memref_slice %arg5[%mul3A_8, %dma_start3A_28] : memref<44928x32xf32, #tpu.memory_space<hbm>> -> memref<2808x32xf32, #tpu.memory_space<hbm>>
        tpu.enqueue_dma source(%dma_start3A_29 : memref<2808x32xf32, #tpu.memory_space<hbm>>) target(%dma_start3A_27 : memref<2808x32xf32, #tpu.memory_space<vmem_shared>>) target_semaphore(%run_scoped3A : memref<!tpu.dma_semaphore, #tpu.memory_space<semaphore_mem>>)
        %dma_wait3A = arith.constant 0 : i32
        %dma_wait3A_30 = tpu.memref_slice %arg10[%mul3A_10, %dma_wait3A] : memref<44928x32xf32, #tpu.memory_space<vmem_shared>> -> memref<2808x32xf32, #tpu.memory_space<vmem_shared>>
        %dma_wait3A_31 = arith.constant 0 : i32
        %dma_wait3A_32 = tpu.memref_slice %arg5[%mul3A_8, %dma_wait3A_31] : memref<44928x32xf32, #tpu.memory_space<hbm>> -> memref<2808x32xf32, #tpu.memory_space<hbm>>
        tpu.wait_dma2 semaphore(%run_scoped3A : memref<!tpu.dma_semaphore, #tpu.memory_space<semaphore_mem>>) src(%dma_wait3A_32 : memref<2808x32xf32, #tpu.memory_space<hbm>>) dst(%dma_wait3A_30 : memref<2808x32xf32, #tpu.memory_space<vmem_shared>>)
        tpu.yield
      }) : () -> ()
      %barrier3A = arith.constant 0 : index
      tpu.barrier barrier_id(%barrier3A)
      %scan3A_11 = arith.constant 0 : i32
      %scan3A_12 = arith.constant 0 : i32
      %scan3A_13 = arith.constant 123 : i32
      %scan3A_14 = arith.addi %scan3A_12, %scan3A_13 : i32
      %scan3A_15 = arith.constant 1 : i32
      scf.for %scan3A_27 = %scan3A_12 to %scan3A_14 step %scan3A_15  : i32 {
        %mul3A_28 = arith.constant 984 : i32
        %mul3A_29 = arith.muli %arg1, %mul3A_28 : i32
        %mul3A_30 = arith.constant 8 : i32
        %mul3A_31 = arith.muli %scan3A_27, %mul3A_30 : i32
        %add3A_32 = arith.addi %mul3A_29, %mul3A_31 : i32
        "tpu.region"() ({
          %run_scoped3A = tpu.sem_alloc : memref<!tpu.dma_semaphore, #tpu.memory_space<semaphore_mem>>
          %dma_start3A_415 = arith.constant 0 : i32
          %dma_start3A_416 = tpu.memref_slice %arg3[%add3A_32, %dma_start3A_415] : memref<15744x128xi32, #tpu.memory_space<hbm>> -> memref<8x128xi32, #tpu.memory_space<hbm>>
          %dma_start3A_417 = arith.constant 0 : i32
          %dma_start3A_418 = tpu.memref_slice %arg3[%add3A_32, %dma_start3A_417] : memref<15744x128xi32, #tpu.memory_space<hbm>> -> memref<8x128xi32, #tpu.memory_space<hbm>>
          tpu.enqueue_dma source(%dma_start3A_418 : memref<8x128xi32, #tpu.memory_space<hbm>>) target(%arg7 : memref<8x128xi32, #tpu.memory_space<vmem>>) target_semaphore(%run_scoped3A : memref<!tpu.dma_semaphore, #tpu.memory_space<semaphore_mem>>)
          %dma_wait3A_419 = arith.constant 0 : i32
          %dma_wait3A_420 = tpu.memref_slice %arg3[%add3A_32, %dma_wait3A_419] : memref<15744x128xi32, #tpu.memory_space<hbm>> -> memref<8x128xi32, #tpu.memory_space<hbm>>
          %dma_wait3A_421 = arith.constant 0 : i32
          %dma_wait3A_422 = tpu.memref_slice %arg3[%add3A_32, %dma_wait3A_421] : memref<15744x128xi32, #tpu.memory_space<hbm>> -> memref<8x128xi32, #tpu.memory_space<hbm>>
          tpu.wait_dma2 semaphore(%run_scoped3A : memref<!tpu.dma_semaphore, #tpu.memory_space<semaphore_mem>>) src(%dma_wait3A_422 : memref<8x128xi32, #tpu.memory_space<hbm>>) dst(%arg7 : memref<8x128xi32, #tpu.memory_space<vmem>>)
          tpu.yield
        }) : () -> ()
        "tpu.region"() ({
          %run_scoped3A = tpu.sem_alloc : memref<!tpu.dma_semaphore, #tpu.memory_space<semaphore_mem>>
          %dma_start3A_415 = arith.constant 0 : i32
          %dma_start3A_416 = tpu.memref_slice %arg4[%add3A, %add3A_32, %dma_start3A_415] : memref<6x15744x128xi32, #tpu.memory_space<hbm>> -> memref<1x8x128xi32, #tpu.memory_space<hbm>>
          %dma_start3A_417 = tpu.memref_squeeze %dma_start3A_416 : memref<1x8x128xi32, #tpu.memory_space<hbm>> -> memref<8x128xi32, #tpu.memory_space<hbm>>
          %dma_start3A_418 = arith.constant 0 : i32
          %dma_start3A_419 = tpu.memref_slice %arg4[%add3A, %add3A_32, %dma_start3A_418] : memref<6x15744x128xi32, #tpu.memory_space<hbm>> -> memref<1x8x128xi32, #tpu.memory_space<hbm>>
          %dma_start3A_420 = tpu.memref_squeeze %dma_start3A_419 : memref<1x8x128xi32, #tpu.memory_space<hbm>> -> memref<8x128xi32, #tpu.memory_space<hbm>>
          tpu.enqueue_dma source(%dma_start3A_420 : memref<8x128xi32, #tpu.memory_space<hbm>>) target(%arg8 : memref<8x128xi32, #tpu.memory_space<vmem>>) target_semaphore(%run_scoped3A : memref<!tpu.dma_semaphore, #tpu.memory_space<semaphore_mem>>)
          %dma_wait3A_421 = arith.constant 0 : i32
          %dma_wait3A_422 = tpu.memref_slice %arg4[%add3A, %add3A_32, %dma_wait3A_421] : memref<6x15744x128xi32, #tpu.memory_space<hbm>> -> memref<1x8x128xi32, #tpu.memory_space<hbm>>
          %dma_wait3A_423 = tpu.memref_squeeze %dma_wait3A_422 : memref<1x8x128xi32, #tpu.memory_space<hbm>> -> memref<8x128xi32, #tpu.memory_space<hbm>>
          %dma_wait3A_424 = arith.constant 0 : i32
          %dma_wait3A_425 = tpu.memref_slice %arg4[%add3A, %add3A_32, %dma_wait3A_424] : memref<6x15744x128xi32, #tpu.memory_space<hbm>> -> memref<1x8x128xi32, #tpu.memory_space<hbm>>
          %dma_wait3A_426 = tpu.memref_squeeze %dma_wait3A_425 : memref<1x8x128xi32, #tpu.memory_space<hbm>> -> memref<8x128xi32, #tpu.memory_space<hbm>>
          tpu.wait_dma2 semaphore(%run_scoped3A : memref<!tpu.dma_semaphore, #tpu.memory_space<semaphore_mem>>) src(%dma_wait3A_426 : memref<8x128xi32, #tpu.memory_space<hbm>>) dst(%arg8 : memref<8x128xi32, #tpu.memory_space<vmem>>)
          tpu.yield
        }) : () -> ()
        %dma_start3A = arith.constant 0 : i32
        %dma_start3A_33 = arith.constant 0 : i32
        %dma_start3A_34 = arith.constant 0 : i32
        %dma_start3A_35 = arith.constant 0 : i32
        %dma_start3A_36 = tpu.memref_slice %arg9[%dma_start3A_33, %dma_start3A_34, %dma_start3A_35] : memref<8x128x32xf32, #tpu.memory_space<vmem>> -> memref<1x128x32xf32, #tpu.memory_space<vmem>>
        %dma_start3A_37 = tpu.memref_squeeze %dma_start3A_36 : memref<1x128x32xf32, #tpu.memory_space<vmem>> -> memref<128x32xf32, #tpu.memory_space<vmem>>
        %dma_start3A_38 = arith.constant 0 : i32
        %dma_start3A_39 = tpu.memref_slice %arg7[%dma_start3A, %dma_start3A_38] : memref<8x128xi32, #tpu.memory_space<vmem>> -> memref<1x128xi32, #tpu.memory_space<vmem>>
        %dma_start3A_40 = tpu.memref_squeeze %dma_start3A_39 : memref<1x128xi32, #tpu.memory_space<vmem>> -> memref<128xi32, #tpu.memory_space<vmem>>
        %dma_start3A_41 = arith.constant 0 : i32
        %dma_start3A_42 = arith.constant 0 : i32
        %dma_start3A_43 = tpu.memref_slice %arg2[%dma_start3A_41, %dma_start3A_42] : memref<250000x32xf32, #tpu.memory_space<hbm>> -> memref<250000x32xf32, #tpu.memory_space<hbm>>
        tpu.enqueue_indirect_dma source(%dma_start3A_43 : memref<250000x32xf32, #tpu.memory_space<hbm>>) target(%dma_start3A_37 : memref<128x32xf32, #tpu.memory_space<vmem>>) offsets(%dma_start3A_40 : memref<128xi32, #tpu.memory_space<vmem>>) semaphore(%arg11 : memref<!tpu.dma_semaphore, #tpu.memory_space<semaphore_mem>>)
        %dma_start3A_44 = arith.constant 1 : i32
        %dma_start3A_45 = arith.constant 1 : i32
        %dma_start3A_46 = arith.constant 0 : i32
        %dma_start3A_47 = arith.constant 0 : i32
        %dma_start3A_48 = tpu.memref_slice %arg9[%dma_start3A_45, %dma_start3A_46, %dma_start3A_47] : memref<8x128x32xf32, #tpu.memory_space<vmem>> -> memref<1x128x32xf32, #tpu.memory_space<vmem>>
        %dma_start3A_49 = tpu.memref_squeeze %dma_start3A_48 : memref<1x128x32xf32, #tpu.memory_space<vmem>> -> memref<128x32xf32, #tpu.memory_space<vmem>>
        %dma_start3A_50 = arith.constant 0 : i32
        %dma_start3A_51 = tpu.memref_slice %arg7[%dma_start3A_44, %dma_start3A_50] : memref<8x128xi32, #tpu.memory_space<vmem>> -> memref<1x128xi32, #tpu.memory_space<vmem>>
        %dma_start3A_52 = tpu.memref_squeeze %dma_start3A_51 : memref<1x128xi32, #tpu.memory_space<vmem>> -> memref<128xi32, #tpu.memory_space<vmem>>
        %dma_start3A_53 = arith.constant 0 : i32
        %dma_start3A_54 = arith.constant 0 : i32
        %dma_start3A_55 = tpu.memref_slice %arg2[%dma_start3A_53, %dma_start3A_54] : memref<250000x32xf32, #tpu.memory_space<hbm>> -> memref<250000x32xf32, #tpu.memory_space<hbm>>
        tpu.enqueue_indirect_dma source(%dma_start3A_55 : memref<250000x32xf32, #tpu.memory_space<hbm>>) target(%dma_start3A_49 : memref<128x32xf32, #tpu.memory_space<vmem>>) offsets(%dma_start3A_52 : memref<128xi32, #tpu.memory_space<vmem>>) semaphore(%arg11 : memref<!tpu.dma_semaphore, #tpu.memory_space<semaphore_mem>>)
        %dma_start3A_56 = arith.constant 2 : i32
        %dma_start3A_57 = arith.constant 2 : i32
        %dma_start3A_58 = arith.constant 0 : i32
        %dma_start3A_59 = arith.constant 0 : i32
        %dma_start3A_60 = tpu.memref_slice %arg9[%dma_start3A_57, %dma_start3A_58, %dma_start3A_59] : memref<8x128x32xf32, #tpu.memory_space<vmem>> -> memref<1x128x32xf32, #tpu.memory_space<vmem>>
        %dma_start3A_61 = tpu.memref_squeeze %dma_start3A_60 : memref<1x128x32xf32, #tpu.memory_space<vmem>> -> memref<128x32xf32, #tpu.memory_space<vmem>>
        %dma_start3A_62 = arith.constant 0 : i32
        %dma_start3A_63 = tpu.memref_slice %arg7[%dma_start3A_56, %dma_start3A_62] : memref<8x128xi32, #tpu.memory_space<vmem>> -> memref<1x128xi32, #tpu.memory_space<vmem>>
        %dma_start3A_64 = tpu.memref_squeeze %dma_start3A_63 : memref<1x128xi32, #tpu.memory_space<vmem>> -> memref<128xi32, #tpu.memory_space<vmem>>
        %dma_start3A_65 = arith.constant 0 : i32
        %dma_start3A_66 = arith.constant 0 : i32
        %dma_start3A_67 = tpu.memref_slice %arg2[%dma_start3A_65, %dma_start3A_66] : memref<250000x32xf32, #tpu.memory_space<hbm>> -> memref<250000x32xf32, #tpu.memory_space<hbm>>
        tpu.enqueue_indirect_dma source(%dma_start3A_67 : memref<250000x32xf32, #tpu.memory_space<hbm>>) target(%dma_start3A_61 : memref<128x32xf32, #tpu.memory_space<vmem>>) offsets(%dma_start3A_64 : memref<128xi32, #tpu.memory_space<vmem>>) semaphore(%arg11 : memref<!tpu.dma_semaphore, #tpu.memory_space<semaphore_mem>>)
        %dma_start3A_68 = arith.constant 3 : i32
        %dma_start3A_69 = arith.constant 3 : i32
        %dma_start3A_70 = arith.constant 0 : i32
        %dma_start3A_71 = arith.constant 0 : i32
        %dma_start3A_72 = tpu.memref_slice %arg9[%dma_start3A_69, %dma_start3A_70, %dma_start3A_71] : memref<8x128x32xf32, #tpu.memory_space<vmem>> -> memref<1x128x32xf32, #tpu.memory_space<vmem>>
        %dma_start3A_73 = tpu.memref_squeeze %dma_start3A_72 : memref<1x128x32xf32, #tpu.memory_space<vmem>> -> memref<128x32xf32, #tpu.memory_space<vmem>>
        %dma_start3A_74 = arith.constant 0 : i32
        %dma_start3A_75 = tpu.memref_slice %arg7[%dma_start3A_68, %dma_start3A_74] : memref<8x128xi32, #tpu.memory_space<vmem>> -> memref<1x128xi32, #tpu.memory_space<vmem>>
        %dma_start3A_76 = tpu.memref_squeeze %dma_start3A_75 : memref<1x128xi32, #tpu.memory_space<vmem>> -> memref<128xi32, #tpu.memory_space<vmem>>
        %dma_start3A_77 = arith.constant 0 : i32
        %dma_start3A_78 = arith.constant 0 : i32
        %dma_start3A_79 = tpu.memref_slice %arg2[%dma_start3A_77, %dma_start3A_78] : memref<250000x32xf32, #tpu.memory_space<hbm>> -> memref<250000x32xf32, #tpu.memory_space<hbm>>
        tpu.enqueue_indirect_dma source(%dma_start3A_79 : memref<250000x32xf32, #tpu.memory_space<hbm>>) target(%dma_start3A_73 : memref<128x32xf32, #tpu.memory_space<vmem>>) offsets(%dma_start3A_76 : memref<128xi32, #tpu.memory_space<vmem>>) semaphore(%arg11 : memref<!tpu.dma_semaphore, #tpu.memory_space<semaphore_mem>>)
        %dma_start3A_80 = arith.constant 4 : i32
        %dma_start3A_81 = arith.constant 4 : i32
        %dma_start3A_82 = arith.constant 0 : i32
        %dma_start3A_83 = arith.constant 0 : i32
        %dma_start3A_84 = tpu.memref_slice %arg9[%dma_start3A_81, %dma_start3A_82, %dma_start3A_83] : memref<8x128x32xf32, #tpu.memory_space<vmem>> -> memref<1x128x32xf32, #tpu.memory_space<vmem>>
        %dma_start3A_85 = tpu.memref_squeeze %dma_start3A_84 : memref<1x128x32xf32, #tpu.memory_space<vmem>> -> memref<128x32xf32, #tpu.memory_space<vmem>>
        %dma_start3A_86 = arith.constant 0 : i32
        %dma_start3A_87 = tpu.memref_slice %arg7[%dma_start3A_80, %dma_start3A_86] : memref<8x128xi32, #tpu.memory_space<vmem>> -> memref<1x128xi32, #tpu.memory_space<vmem>>
        %dma_start3A_88 = tpu.memref_squeeze %dma_start3A_87 : memref<1x128xi32, #tpu.memory_space<vmem>> -> memref<128xi32, #tpu.memory_space<vmem>>
        %dma_start3A_89 = arith.constant 0 : i32
        %dma_start3A_90 = arith.constant 0 : i32
        %dma_start3A_91 = tpu.memref_slice %arg2[%dma_start3A_89, %dma_start3A_90] : memref<250000x32xf32, #tpu.memory_space<hbm>> -> memref<250000x32xf32, #tpu.memory_space<hbm>>
        tpu.enqueue_indirect_dma source(%dma_start3A_91 : memref<250000x32xf32, #tpu.memory_space<hbm>>) target(%dma_start3A_85 : memref<128x32xf32, #tpu.memory_space<vmem>>) offsets(%dma_start3A_88 : memref<128xi32, #tpu.memory_space<vmem>>) semaphore(%arg11 : memref<!tpu.dma_semaphore, #tpu.memory_space<semaphore_mem>>)
        %dma_start3A_92 = arith.constant 5 : i32
        %dma_start3A_93 = arith.constant 5 : i32
        %dma_start3A_94 = arith.constant 0 : i32
        %dma_start3A_95 = arith.constant 0 : i32
        %dma_start3A_96 = tpu.memref_slice %arg9[%dma_start3A_93, %dma_start3A_94, %dma_start3A_95] : memref<8x128x32xf32, #tpu.memory_space<vmem>> -> memref<1x128x32xf32, #tpu.memory_space<vmem>>
        %dma_start3A_97 = tpu.memref_squeeze %dma_start3A_96 : memref<1x128x32xf32, #tpu.memory_space<vmem>> -> memref<128x32xf32, #tpu.memory_space<vmem>>
        %dma_start3A_98 = arith.constant 0 : i32
        %dma_start3A_99 = tpu.memref_slice %arg7[%dma_start3A_92, %dma_start3A_98] : memref<8x128xi32, #tpu.memory_space<vmem>> -> memref<1x128xi32, #tpu.memory_space<vmem>>
        %dma_start3A_100 = tpu.memref_squeeze %dma_start3A_99 : memref<1x128xi32, #tpu.memory_space<vmem>> -> memref<128xi32, #tpu.memory_space<vmem>>
        %dma_start3A_101 = arith.constant 0 : i32
        %dma_start3A_102 = arith.constant 0 : i32
        %dma_start3A_103 = tpu.memref_slice %arg2[%dma_start3A_101, %dma_start3A_102] : memref<250000x32xf32, #tpu.memory_space<hbm>> -> memref<250000x32xf32, #tpu.memory_space<hbm>>
        tpu.enqueue_indirect_dma source(%dma_start3A_103 : memref<250000x32xf32, #tpu.memory_space<hbm>>) target(%dma_start3A_97 : memref<128x32xf32, #tpu.memory_space<vmem>>) offsets(%dma_start3A_100 : memref<128xi32, #tpu.memory_space<vmem>>) semaphore(%arg11 : memref<!tpu.dma_semaphore, #tpu.memory_space<semaphore_mem>>)
        %dma_start3A_104 = arith.constant 6 : i32
        %dma_start3A_105 = arith.constant 6 : i32
        %dma_start3A_106 = arith.constant 0 : i32
        %dma_start3A_107 = arith.constant 0 : i32
        %dma_start3A_108 = tpu.memref_slice %arg9[%dma_start3A_105, %dma_start3A_106, %dma_start3A_107] : memref<8x128x32xf32, #tpu.memory_space<vmem>> -> memref<1x128x32xf32, #tpu.memory_space<vmem>>
        %dma_start3A_109 = tpu.memref_squeeze %dma_start3A_108 : memref<1x128x32xf32, #tpu.memory_space<vmem>> -> memref<128x32xf32, #tpu.memory_space<vmem>>
        %dma_start3A_110 = arith.constant 0 : i32
        %dma_start3A_111 = tpu.memref_slice %arg7[%dma_start3A_104, %dma_start3A_110] : memref<8x128xi32, #tpu.memory_space<vmem>> -> memref<1x128xi32, #tpu.memory_space<vmem>>
        %dma_start3A_112 = tpu.memref_squeeze %dma_start3A_111 : memref<1x128xi32, #tpu.memory_space<vmem>> -> memref<128xi32, #tpu.memory_space<vmem>>
        %dma_start3A_113 = arith.constant 0 : i32
        %dma_start3A_114 = arith.constant 0 : i32
        %dma_start3A_115 = tpu.memref_slice %arg2[%dma_start3A_113, %dma_start3A_114] : memref<250000x32xf32, #tpu.memory_space<hbm>> -> memref<250000x32xf32, #tpu.memory_space<hbm>>
        tpu.enqueue_indirect_dma source(%dma_start3A_115 : memref<250000x32xf32, #tpu.memory_space<hbm>>) target(%dma_start3A_109 : memref<128x32xf32, #tpu.memory_space<vmem>>) offsets(%dma_start3A_112 : memref<128xi32, #tpu.memory_space<vmem>>) semaphore(%arg11 : memref<!tpu.dma_semaphore, #tpu.memory_space<semaphore_mem>>)
        %dma_start3A_116 = arith.constant 7 : i32
        %dma_start3A_117 = arith.constant 7 : i32
        %dma_start3A_118 = arith.constant 0 : i32
        %dma_start3A_119 = arith.constant 0 : i32
        %dma_start3A_120 = tpu.memref_slice %arg9[%dma_start3A_117, %dma_start3A_118, %dma_start3A_119] : memref<8x128x32xf32, #tpu.memory_space<vmem>> -> memref<1x128x32xf32, #tpu.memory_space<vmem>>
        %dma_start3A_121 = tpu.memref_squeeze %dma_start3A_120 : memref<1x128x32xf32, #tpu.memory_space<vmem>> -> memref<128x32xf32, #tpu.memory_space<vmem>>
        %dma_start3A_122 = arith.constant 0 : i32
        %dma_start3A_123 = tpu.memref_slice %arg7[%dma_start3A_116, %dma_start3A_122] : memref<8x128xi32, #tpu.memory_space<vmem>> -> memref<1x128xi32, #tpu.memory_space<vmem>>
        %dma_start3A_124 = tpu.memref_squeeze %dma_start3A_123 : memref<1x128xi32, #tpu.memory_space<vmem>> -> memref<128xi32, #tpu.memory_space<vmem>>
        %dma_start3A_125 = arith.constant 0 : i32
        %dma_start3A_126 = arith.constant 0 : i32
        %dma_start3A_127 = tpu.memref_slice %arg2[%dma_start3A_125, %dma_start3A_126] : memref<250000x32xf32, #tpu.memory_space<hbm>> -> memref<250000x32xf32, #tpu.memory_space<hbm>>
        tpu.enqueue_indirect_dma source(%dma_start3A_127 : memref<250000x32xf32, #tpu.memory_space<hbm>>) target(%dma_start3A_121 : memref<128x32xf32, #tpu.memory_space<vmem>>) offsets(%dma_start3A_124 : memref<128xi32, #tpu.memory_space<vmem>>) semaphore(%arg11 : memref<!tpu.dma_semaphore, #tpu.memory_space<semaphore_mem>>)
        %dma_wait3A = arith.constant 0 : i32
        %dma_wait3A_128 = arith.constant 0 : i32
        %dma_wait3A_129 = arith.constant 0 : i32
        %dma_wait3A_130 = arith.constant 0 : i32
        %dma_wait3A_131 = tpu.memref_slice %arg9[%dma_wait3A_128, %dma_wait3A_129, %dma_wait3A_130] : memref<8x128x32xf32, #tpu.memory_space<vmem>> -> memref<1x128x32xf32, #tpu.memory_space<vmem>>
        %dma_wait3A_132 = tpu.memref_squeeze %dma_wait3A_131 : memref<1x128x32xf32, #tpu.memory_space<vmem>> -> memref<128x32xf32, #tpu.memory_space<vmem>>
        %dma_wait3A_133 = arith.constant 0 : i32
        %dma_wait3A_134 = tpu.memref_slice %arg7[%dma_wait3A, %dma_wait3A_133] : memref<8x128xi32, #tpu.memory_space<vmem>> -> memref<1x128xi32, #tpu.memory_space<vmem>>
        %dma_wait3A_135 = tpu.memref_squeeze %dma_wait3A_134 : memref<1x128xi32, #tpu.memory_space<vmem>> -> memref<128xi32, #tpu.memory_space<vmem>>
        %dma_wait3A_136 = arith.constant 0 : i32
        %dma_wait3A_137 = arith.constant 0 : i32
        %dma_wait3A_138 = tpu.memref_slice %arg2[%dma_wait3A_136, %dma_wait3A_137] : memref<250000x32xf32, #tpu.memory_space<hbm>> -> memref<250000x32xf32, #tpu.memory_space<hbm>>
        tpu.wait_indirect_dma semaphore(%arg11 : memref<!tpu.dma_semaphore, #tpu.memory_space<semaphore_mem>>) src(%dma_wait3A_138 : memref<250000x32xf32, #tpu.memory_space<hbm>>) dst(%dma_wait3A_132 : memref<128x32xf32, #tpu.memory_space<vmem>>)
        %dma_wait3A_139 = arith.constant 1 : i32
        %dma_wait3A_140 = arith.constant 1 : i32
        %dma_wait3A_141 = arith.constant 0 : i32
        %dma_wait3A_142 = arith.constant 0 : i32
        %dma_wait3A_143 = tpu.memref_slice %arg9[%dma_wait3A_140, %dma_wait3A_141, %dma_wait3A_142] : memref<8x128x32xf32, #tpu.memory_space<vmem>> -> memref<1x128x32xf32, #tpu.memory_space<vmem>>
        %dma_wait3A_144 = tpu.memref_squeeze %dma_wait3A_143 : memref<1x128x32xf32, #tpu.memory_space<vmem>> -> memref<128x32xf32, #tpu.memory_space<vmem>>
        %dma_wait3A_145 = arith.constant 0 : i32
        %dma_wait3A_146 = tpu.memref_slice %arg7[%dma_wait3A_139, %dma_wait3A_145] : memref<8x128xi32, #tpu.memory_space<vmem>> -> memref<1x128xi32, #tpu.memory_space<vmem>>
        %dma_wait3A_147 = tpu.memref_squeeze %dma_wait3A_146 : memref<1x128xi32, #tpu.memory_space<vmem>> -> memref<128xi32, #tpu.memory_space<vmem>>
        %dma_wait3A_148 = arith.constant 0 : i32
        %dma_wait3A_149 = arith.constant 0 : i32
        %dma_wait3A_150 = tpu.memref_slice %arg2[%dma_wait3A_148, %dma_wait3A_149] : memref<250000x32xf32, #tpu.memory_space<hbm>> -> memref<250000x32xf32, #tpu.memory_space<hbm>>
        tpu.wait_indirect_dma semaphore(%arg11 : memref<!tpu.dma_semaphore, #tpu.memory_space<semaphore_mem>>) src(%dma_wait3A_150 : memref<250000x32xf32, #tpu.memory_space<hbm>>) dst(%dma_wait3A_144 : memref<128x32xf32, #tpu.memory_space<vmem>>)
        %dma_wait3A_151 = arith.constant 2 : i32
        %dma_wait3A_152 = arith.constant 2 : i32
        %dma_wait3A_153 = arith.constant 0 : i32
        %dma_wait3A_154 = arith.constant 0 : i32
        %dma_wait3A_155 = tpu.memref_slice %arg9[%dma_wait3A_152, %dma_wait3A_153, %dma_wait3A_154] : memref<8x128x32xf32, #tpu.memory_space<vmem>> -> memref<1x128x32xf32, #tpu.memory_space<vmem>>
        %dma_wait3A_156 = tpu.memref_squeeze %dma_wait3A_155 : memref<1x128x32xf32, #tpu.memory_space<vmem>> -> memref<128x32xf32, #tpu.memory_space<vmem>>
        %dma_wait3A_157 = arith.constant 0 : i32
        %dma_wait3A_158 = tpu.memref_slice %arg7[%dma_wait3A_151, %dma_wait3A_157] : memref<8x128xi32, #tpu.memory_space<vmem>> -> memref<1x128xi32, #tpu.memory_space<vmem>>
        %dma_wait3A_159 = tpu.memref_squeeze %dma_wait3A_158 : memref<1x128xi32, #tpu.memory_space<vmem>> -> memref<128xi32, #tpu.memory_space<vmem>>
        %dma_wait3A_160 = arith.constant 0 : i32
        %dma_wait3A_161 = arith.constant 0 : i32
        %dma_wait3A_162 = tpu.memref_slice %arg2[%dma_wait3A_160, %dma_wait3A_161] : memref<250000x32xf32, #tpu.memory_space<hbm>> -> memref<250000x32xf32, #tpu.memory_space<hbm>>
        tpu.wait_indirect_dma semaphore(%arg11 : memref<!tpu.dma_semaphore, #tpu.memory_space<semaphore_mem>>) src(%dma_wait3A_162 : memref<250000x32xf32, #tpu.memory_space<hbm>>) dst(%dma_wait3A_156 : memref<128x32xf32, #tpu.memory_space<vmem>>)
        %dma_wait3A_163 = arith.constant 3 : i32
        %dma_wait3A_164 = arith.constant 3 : i32
        %dma_wait3A_165 = arith.constant 0 : i32
        %dma_wait3A_166 = arith.constant 0 : i32
        %dma_wait3A_167 = tpu.memref_slice %arg9[%dma_wait3A_164, %dma_wait3A_165, %dma_wait3A_166] : memref<8x128x32xf32, #tpu.memory_space<vmem>> -> memref<1x128x32xf32, #tpu.memory_space<vmem>>
        %dma_wait3A_168 = tpu.memref_squeeze %dma_wait3A_167 : memref<1x128x32xf32, #tpu.memory_space<vmem>> -> memref<128x32xf32, #tpu.memory_space<vmem>>
        %dma_wait3A_169 = arith.constant 0 : i32
        %dma_wait3A_170 = tpu.memref_slice %arg7[%dma_wait3A_163, %dma_wait3A_169] : memref<8x128xi32, #tpu.memory_space<vmem>> -> memref<1x128xi32, #tpu.memory_space<vmem>>
        %dma_wait3A_171 = tpu.memref_squeeze %dma_wait3A_170 : memref<1x128xi32, #tpu.memory_space<vmem>> -> memref<128xi32, #tpu.memory_space<vmem>>
        %dma_wait3A_172 = arith.constant 0 : i32
        %dma_wait3A_173 = arith.constant 0 : i32
        %dma_wait3A_174 = tpu.memref_slice %arg2[%dma_wait3A_172, %dma_wait3A_173] : memref<250000x32xf32, #tpu.memory_space<hbm>> -> memref<250000x32xf32, #tpu.memory_space<hbm>>
        tpu.wait_indirect_dma semaphore(%arg11 : memref<!tpu.dma_semaphore, #tpu.memory_space<semaphore_mem>>) src(%dma_wait3A_174 : memref<250000x32xf32, #tpu.memory_space<hbm>>) dst(%dma_wait3A_168 : memref<128x32xf32, #tpu.memory_space<vmem>>)
        %dma_wait3A_175 = arith.constant 4 : i32
        %dma_wait3A_176 = arith.constant 4 : i32
        %dma_wait3A_177 = arith.constant 0 : i32
        %dma_wait3A_178 = arith.constant 0 : i32
        %dma_wait3A_179 = tpu.memref_slice %arg9[%dma_wait3A_176, %dma_wait3A_177, %dma_wait3A_178] : memref<8x128x32xf32, #tpu.memory_space<vmem>> -> memref<1x128x32xf32, #tpu.memory_space<vmem>>
        %dma_wait3A_180 = tpu.memref_squeeze %dma_wait3A_179 : memref<1x128x32xf32, #tpu.memory_space<vmem>> -> memref<128x32xf32, #tpu.memory_space<vmem>>
        %dma_wait3A_181 = arith.constant 0 : i32
        %dma_wait3A_182 = tpu.memref_slice %arg7[%dma_wait3A_175, %dma_wait3A_181] : memref<8x128xi32, #tpu.memory_space<vmem>> -> memref<1x128xi32, #tpu.memory_space<vmem>>
        %dma_wait3A_183 = tpu.memref_squeeze %dma_wait3A_182 : memref<1x128xi32, #tpu.memory_space<vmem>> -> memref<128xi32, #tpu.memory_space<vmem>>
        %dma_wait3A_184 = arith.constant 0 : i32
        %dma_wait3A_185 = arith.constant 0 : i32
        %dma_wait3A_186 = tpu.memref_slice %arg2[%dma_wait3A_184, %dma_wait3A_185] : memref<250000x32xf32, #tpu.memory_space<hbm>> -> memref<250000x32xf32, #tpu.memory_space<hbm>>
        tpu.wait_indirect_dma semaphore(%arg11 : memref<!tpu.dma_semaphore, #tpu.memory_space<semaphore_mem>>) src(%dma_wait3A_186 : memref<250000x32xf32, #tpu.memory_space<hbm>>) dst(%dma_wait3A_180 : memref<128x32xf32, #tpu.memory_space<vmem>>)
        %dma_wait3A_187 = arith.constant 5 : i32
        %dma_wait3A_188 = arith.constant 5 : i32
        %dma_wait3A_189 = arith.constant 0 : i32
        %dma_wait3A_190 = arith.constant 0 : i32
        %dma_wait3A_191 = tpu.memref_slice %arg9[%dma_wait3A_188, %dma_wait3A_189, %dma_wait3A_190] : memref<8x128x32xf32, #tpu.memory_space<vmem>> -> memref<1x128x32xf32, #tpu.memory_space<vmem>>
        %dma_wait3A_192 = tpu.memref_squeeze %dma_wait3A_191 : memref<1x128x32xf32, #tpu.memory_space<vmem>> -> memref<128x32xf32, #tpu.memory_space<vmem>>
        %dma_wait3A_193 = arith.constant 0 : i32
        %dma_wait3A_194 = tpu.memref_slice %arg7[%dma_wait3A_187, %dma_wait3A_193] : memref<8x128xi32, #tpu.memory_space<vmem>> -> memref<1x128xi32, #tpu.memory_space<vmem>>
        %dma_wait3A_195 = tpu.memref_squeeze %dma_wait3A_194 : memref<1x128xi32, #tpu.memory_space<vmem>> -> memref<128xi32, #tpu.memory_space<vmem>>
        %dma_wait3A_196 = arith.constant 0 : i32
        %dma_wait3A_197 = arith.constant 0 : i32
        %dma_wait3A_198 = tpu.memref_slice %arg2[%dma_wait3A_196, %dma_wait3A_197] : memref<250000x32xf32, #tpu.memory_space<hbm>> -> memref<250000x32xf32, #tpu.memory_space<hbm>>
        tpu.wait_indirect_dma semaphore(%arg11 : memref<!tpu.dma_semaphore, #tpu.memory_space<semaphore_mem>>) src(%dma_wait3A_198 : memref<250000x32xf32, #tpu.memory_space<hbm>>) dst(%dma_wait3A_192 : memref<128x32xf32, #tpu.memory_space<vmem>>)
        %dma_wait3A_199 = arith.constant 6 : i32
        %dma_wait3A_200 = arith.constant 6 : i32
        %dma_wait3A_201 = arith.constant 0 : i32
        %dma_wait3A_202 = arith.constant 0 : i32
        %dma_wait3A_203 = tpu.memref_slice %arg9[%dma_wait3A_200, %dma_wait3A_201, %dma_wait3A_202] : memref<8x128x32xf32, #tpu.memory_space<vmem>> -> memref<1x128x32xf32, #tpu.memory_space<vmem>>
        %dma_wait3A_204 = tpu.memref_squeeze %dma_wait3A_203 : memref<1x128x32xf32, #tpu.memory_space<vmem>> -> memref<128x32xf32, #tpu.memory_space<vmem>>
        %dma_wait3A_205 = arith.constant 0 : i32
        %dma_wait3A_206 = tpu.memref_slice %arg7[%dma_wait3A_199, %dma_wait3A_205] : memref<8x128xi32, #tpu.memory_space<vmem>> -> memref<1x128xi32, #tpu.memory_space<vmem>>
        %dma_wait3A_207 = tpu.memref_squeeze %dma_wait3A_206 : memref<1x128xi32, #tpu.memory_space<vmem>> -> memref<128xi32, #tpu.memory_space<vmem>>
        %dma_wait3A_208 = arith.constant 0 : i32
        %dma_wait3A_209 = arith.constant 0 : i32
        %dma_wait3A_210 = tpu.memref_slice %arg2[%dma_wait3A_208, %dma_wait3A_209] : memref<250000x32xf32, #tpu.memory_space<hbm>> -> memref<250000x32xf32, #tpu.memory_space<hbm>>
        tpu.wait_indirect_dma semaphore(%arg11 : memref<!tpu.dma_semaphore, #tpu.memory_space<semaphore_mem>>) src(%dma_wait3A_210 : memref<250000x32xf32, #tpu.memory_space<hbm>>) dst(%dma_wait3A_204 : memref<128x32xf32, #tpu.memory_space<vmem>>)
        %dma_wait3A_211 = arith.constant 7 : i32
        %dma_wait3A_212 = arith.constant 7 : i32
        %dma_wait3A_213 = arith.constant 0 : i32
        %dma_wait3A_214 = arith.constant 0 : i32
        %dma_wait3A_215 = tpu.memref_slice %arg9[%dma_wait3A_212, %dma_wait3A_213, %dma_wait3A_214] : memref<8x128x32xf32, #tpu.memory_space<vmem>> -> memref<1x128x32xf32, #tpu.memory_space<vmem>>
        %dma_wait3A_216 = tpu.memref_squeeze %dma_wait3A_215 : memref<1x128x32xf32, #tpu.memory_space<vmem>> -> memref<128x32xf32, #tpu.memory_space<vmem>>
        %dma_wait3A_217 = arith.constant 0 : i32
        %dma_wait3A_218 = tpu.memref_slice %arg7[%dma_wait3A_211, %dma_wait3A_217] : memref<8x128xi32, #tpu.memory_space<vmem>> -> memref<1x128xi32, #tpu.memory_space<vmem>>
        %dma_wait3A_219 = tpu.memref_squeeze %dma_wait3A_218 : memref<1x128xi32, #tpu.memory_space<vmem>> -> memref<128xi32, #tpu.memory_space<vmem>>
        %dma_wait3A_220 = arith.constant 0 : i32
        %dma_wait3A_221 = arith.constant 0 : i32
        %dma_wait3A_222 = tpu.memref_slice %arg2[%dma_wait3A_220, %dma_wait3A_221] : memref<250000x32xf32, #tpu.memory_space<hbm>> -> memref<250000x32xf32, #tpu.memory_space<hbm>>
        tpu.wait_indirect_dma semaphore(%arg11 : memref<!tpu.dma_semaphore, #tpu.memory_space<semaphore_mem>>) src(%dma_wait3A_222 : memref<250000x32xf32, #tpu.memory_space<hbm>>) dst(%dma_wait3A_216 : memref<128x32xf32, #tpu.memory_space<vmem>>)
        %dma_start3A_223 = arith.constant 0 : i32
        %dma_start3A_224 = arith.constant 0 : i32
        %dma_start3A_225 = arith.constant 0 : i32
        %dma_start3A_226 = arith.constant 0 : i32
        %dma_start3A_227 = tpu.memref_slice %arg9[%dma_start3A_223, %dma_start3A_225, %dma_start3A_226] : memref<8x128x32xf32, #tpu.memory_space<vmem>> -> memref<1x128x32xf32, #tpu.memory_space<vmem>>
        %dma_start3A_228 = tpu.memref_squeeze %dma_start3A_227 : memref<1x128x32xf32, #tpu.memory_space<vmem>> -> memref<128x32xf32, #tpu.memory_space<vmem>>
        %dma_start3A_229 = arith.constant 0 : i32
        %dma_start3A_230 = tpu.memref_slice %arg8[%dma_start3A_224, %dma_start3A_229] : memref<8x128xi32, #tpu.memory_space<vmem>> -> memref<1x128xi32, #tpu.memory_space<vmem>>
        %dma_start3A_231 = tpu.memref_squeeze %dma_start3A_230 : memref<1x128xi32, #tpu.memory_space<vmem>> -> memref<128xi32, #tpu.memory_space<vmem>>
        %dma_start3A_232 = arith.constant 0 : i32
        %dma_start3A_233 = arith.constant 0 : i32
        %dma_start3A_234 = tpu.memref_slice %arg10[%dma_start3A_232, %dma_start3A_233] : memref<44928x32xf32, #tpu.memory_space<vmem_shared>> -> memref<44928x32xf32, #tpu.memory_space<vmem_shared>>
        tpu.enqueue_indirect_dma source(%dma_start3A_228 : memref<128x32xf32, #tpu.memory_space<vmem>>) target(%dma_start3A_234 : memref<44928x32xf32, #tpu.memory_space<vmem_shared>>) offsets(%dma_start3A_231 : memref<128xi32, #tpu.memory_space<vmem>>) semaphore(%arg12 : memref<!tpu.dma_semaphore, #tpu.memory_space<semaphore_mem>>) {add = true}
        %dma_start3A_235 = arith.constant 1 : i32
        %dma_start3A_236 = arith.constant 1 : i32
        %dma_start3A_237 = arith.constant 0 : i32
        %dma_start3A_238 = arith.constant 0 : i32
        %dma_start3A_239 = tpu.memref_slice %arg9[%dma_start3A_235, %dma_start3A_237, %dma_start3A_238] : memref<8x128x32xf32, #tpu.memory_space<vmem>> -> memref<1x128x32xf32, #tpu.memory_space<vmem>>
        %dma_start3A_240 = tpu.memref_squeeze %dma_start3A_239 : memref<1x128x32xf32, #tpu.memory_space<vmem>> -> memref<128x32xf32, #tpu.memory_space<vmem>>
        %dma_start3A_241 = arith.constant 0 : i32
        %dma_start3A_242 = tpu.memref_slice %arg8[%dma_start3A_236, %dma_start3A_241] : memref<8x128xi32, #tpu.memory_space<vmem>> -> memref<1x128xi32, #tpu.memory_space<vmem>>
        %dma_start3A_243 = tpu.memref_squeeze %dma_start3A_242 : memref<1x128xi32, #tpu.memory_space<vmem>> -> memref<128xi32, #tpu.memory_space<vmem>>
        %dma_start3A_244 = arith.constant 0 : i32
        %dma_start3A_245 = arith.constant 0 : i32
        %dma_start3A_246 = tpu.memref_slice %arg10[%dma_start3A_244, %dma_start3A_245] : memref<44928x32xf32, #tpu.memory_space<vmem_shared>> -> memref<44928x32xf32, #tpu.memory_space<vmem_shared>>
        tpu.enqueue_indirect_dma source(%dma_start3A_240 : memref<128x32xf32, #tpu.memory_space<vmem>>) target(%dma_start3A_246 : memref<44928x32xf32, #tpu.memory_space<vmem_shared>>) offsets(%dma_start3A_243 : memref<128xi32, #tpu.memory_space<vmem>>) semaphore(%arg12 : memref<!tpu.dma_semaphore, #tpu.memory_space<semaphore_mem>>) {add = true}
        %dma_start3A_247 = arith.constant 2 : i32
        %dma_start3A_248 = arith.constant 2 : i32
        %dma_start3A_249 = arith.constant 0 : i32
        %dma_start3A_250 = arith.constant 0 : i32
        %dma_start3A_251 = tpu.memref_slice %arg9[%dma_start3A_247, %dma_start3A_249, %dma_start3A_250] : memref<8x128x32xf32, #tpu.memory_space<vmem>> -> memref<1x128x32xf32, #tpu.memory_space<vmem>>
        %dma_start3A_252 = tpu.memref_squeeze %dma_start3A_251 : memref<1x128x32xf32, #tpu.memory_space<vmem>> -> memref<128x32xf32, #tpu.memory_space<vmem>>
        %dma_start3A_253 = arith.constant 0 : i32
        %dma_start3A_254 = tpu.memref_slice %arg8[%dma_start3A_248, %dma_start3A_253] : memref<8x128xi32, #tpu.memory_space<vmem>> -> memref<1x128xi32, #tpu.memory_space<vmem>>
        %dma_start3A_255 = tpu.memref_squeeze %dma_start3A_254 : memref<1x128xi32, #tpu.memory_space<vmem>> -> memref<128xi32, #tpu.memory_space<vmem>>
        %dma_start3A_256 = arith.constant 0 : i32
        %dma_start3A_257 = arith.constant 0 : i32
        %dma_start3A_258 = tpu.memref_slice %arg10[%dma_start3A_256, %dma_start3A_257] : memref<44928x32xf32, #tpu.memory_space<vmem_shared>> -> memref<44928x32xf32, #tpu.memory_space<vmem_shared>>
        tpu.enqueue_indirect_dma source(%dma_start3A_252 : memref<128x32xf32, #tpu.memory_space<vmem>>) target(%dma_start3A_258 : memref<44928x32xf32, #tpu.memory_space<vmem_shared>>) offsets(%dma_start3A_255 : memref<128xi32, #tpu.memory_space<vmem>>) semaphore(%arg12 : memref<!tpu.dma_semaphore, #tpu.memory_space<semaphore_mem>>) {add = true}
        %dma_start3A_259 = arith.constant 3 : i32
        %dma_start3A_260 = arith.constant 3 : i32
        %dma_start3A_261 = arith.constant 0 : i32
        %dma_start3A_262 = arith.constant 0 : i32
        %dma_start3A_263 = tpu.memref_slice %arg9[%dma_start3A_259, %dma_start3A_261, %dma_start3A_262] : memref<8x128x32xf32, #tpu.memory_space<vmem>> -> memref<1x128x32xf32, #tpu.memory_space<vmem>>
        %dma_start3A_264 = tpu.memref_squeeze %dma_start3A_263 : memref<1x128x32xf32, #tpu.memory_space<vmem>> -> memref<128x32xf32, #tpu.memory_space<vmem>>
        %dma_start3A_265 = arith.constant 0 : i32
        %dma_start3A_266 = tpu.memref_slice %arg8[%dma_start3A_260, %dma_start3A_265] : memref<8x128xi32, #tpu.memory_space<vmem>> -> memref<1x128xi32, #tpu.memory_space<vmem>>
        %dma_start3A_267 = tpu.memref_squeeze %dma_start3A_266 : memref<1x128xi32, #tpu.memory_space<vmem>> -> memref<128xi32, #tpu.memory_space<vmem>>
        %dma_start3A_268 = arith.constant 0 : i32
        %dma_start3A_269 = arith.constant 0 : i32
        %dma_start3A_270 = tpu.memref_slice %arg10[%dma_start3A_268, %dma_start3A_269] : memref<44928x32xf32, #tpu.memory_space<vmem_shared>> -> memref<44928x32xf32, #tpu.memory_space<vmem_shared>>
        tpu.enqueue_indirect_dma source(%dma_start3A_264 : memref<128x32xf32, #tpu.memory_space<vmem>>) target(%dma_start3A_270 : memref<44928x32xf32, #tpu.memory_space<vmem_shared>>) offsets(%dma_start3A_267 : memref<128xi32, #tpu.memory_space<vmem>>) semaphore(%arg12 : memref<!tpu.dma_semaphore, #tpu.memory_space<semaphore_mem>>) {add = true}
        %dma_start3A_271 = arith.constant 4 : i32
        %dma_start3A_272 = arith.constant 4 : i32
        %dma_start3A_273 = arith.constant 0 : i32
        %dma_start3A_274 = arith.constant 0 : i32
        %dma_start3A_275 = tpu.memref_slice %arg9[%dma_start3A_271, %dma_start3A_273, %dma_start3A_274] : memref<8x128x32xf32, #tpu.memory_space<vmem>> -> memref<1x128x32xf32, #tpu.memory_space<vmem>>
        %dma_start3A_276 = tpu.memref_squeeze %dma_start3A_275 : memref<1x128x32xf32, #tpu.memory_space<vmem>> -> memref<128x32xf32, #tpu.memory_space<vmem>>
        %dma_start3A_277 = arith.constant 0 : i32
        %dma_start3A_278 = tpu.memref_slice %arg8[%dma_start3A_272, %dma_start3A_277] : memref<8x128xi32, #tpu.memory_space<vmem>> -> memref<1x128xi32, #tpu.memory_space<vmem>>
        %dma_start3A_279 = tpu.memref_squeeze %dma_start3A_278 : memref<1x128xi32, #tpu.memory_space<vmem>> -> memref<128xi32, #tpu.memory_space<vmem>>
        %dma_start3A_280 = arith.constant 0 : i32
        %dma_start3A_281 = arith.constant 0 : i32
        %dma_start3A_282 = tpu.memref_slice %arg10[%dma_start3A_280, %dma_start3A_281] : memref<44928x32xf32, #tpu.memory_space<vmem_shared>> -> memref<44928x32xf32, #tpu.memory_space<vmem_shared>>
        tpu.enqueue_indirect_dma source(%dma_start3A_276 : memref<128x32xf32, #tpu.memory_space<vmem>>) target(%dma_start3A_282 : memref<44928x32xf32, #tpu.memory_space<vmem_shared>>) offsets(%dma_start3A_279 : memref<128xi32, #tpu.memory_space<vmem>>) semaphore(%arg12 : memref<!tpu.dma_semaphore, #tpu.memory_space<semaphore_mem>>) {add = true}
        %dma_start3A_283 = arith.constant 5 : i32
        %dma_start3A_284 = arith.constant 5 : i32
        %dma_start3A_285 = arith.constant 0 : i32
        %dma_start3A_286 = arith.constant 0 : i32
        %dma_start3A_287 = tpu.memref_slice %arg9[%dma_start3A_283, %dma_start3A_285, %dma_start3A_286] : memref<8x128x32xf32, #tpu.memory_space<vmem>> -> memref<1x128x32xf32, #tpu.memory_space<vmem>>
        %dma_start3A_288 = tpu.memref_squeeze %dma_start3A_287 : memref<1x128x32xf32, #tpu.memory_space<vmem>> -> memref<128x32xf32, #tpu.memory_space<vmem>>
        %dma_start3A_289 = arith.constant 0 : i32
        %dma_start3A_290 = tpu.memref_slice %arg8[%dma_start3A_284, %dma_start3A_289] : memref<8x128xi32, #tpu.memory_space<vmem>> -> memref<1x128xi32, #tpu.memory_space<vmem>>
        %dma_start3A_291 = tpu.memref_squeeze %dma_start3A_290 : memref<1x128xi32, #tpu.memory_space<vmem>> -> memref<128xi32, #tpu.memory_space<vmem>>
        %dma_start3A_292 = arith.constant 0 : i32
        %dma_start3A_293 = arith.constant 0 : i32
        %dma_start3A_294 = tpu.memref_slice %arg10[%dma_start3A_292, %dma_start3A_293] : memref<44928x32xf32, #tpu.memory_space<vmem_shared>> -> memref<44928x32xf32, #tpu.memory_space<vmem_shared>>
        tpu.enqueue_indirect_dma source(%dma_start3A_288 : memref<128x32xf32, #tpu.memory_space<vmem>>) target(%dma_start3A_294 : memref<44928x32xf32, #tpu.memory_space<vmem_shared>>) offsets(%dma_start3A_291 : memref<128xi32, #tpu.memory_space<vmem>>) semaphore(%arg12 : memref<!tpu.dma_semaphore, #tpu.memory_space<semaphore_mem>>) {add = true}
        %dma_start3A_295 = arith.constant 6 : i32
        %dma_start3A_296 = arith.constant 6 : i32
        %dma_start3A_297 = arith.constant 0 : i32
        %dma_start3A_298 = arith.constant 0 : i32
        %dma_start3A_299 = tpu.memref_slice %arg9[%dma_start3A_295, %dma_start3A_297, %dma_start3A_298] : memref<8x128x32xf32, #tpu.memory_space<vmem>> -> memref<1x128x32xf32, #tpu.memory_space<vmem>>
        %dma_start3A_300 = tpu.memref_squeeze %dma_start3A_299 : memref<1x128x32xf32, #tpu.memory_space<vmem>> -> memref<128x32xf32, #tpu.memory_space<vmem>>
        %dma_start3A_301 = arith.constant 0 : i32
        %dma_start3A_302 = tpu.memref_slice %arg8[%dma_start3A_296, %dma_start3A_301] : memref<8x128xi32, #tpu.memory_space<vmem>> -> memref<1x128xi32, #tpu.memory_space<vmem>>
        %dma_start3A_303 = tpu.memref_squeeze %dma_start3A_302 : memref<1x128xi32, #tpu.memory_space<vmem>> -> memref<128xi32, #tpu.memory_space<vmem>>
        %dma_start3A_304 = arith.constant 0 : i32
        %dma_start3A_305 = arith.constant 0 : i32
        %dma_start3A_306 = tpu.memref_slice %arg10[%dma_start3A_304, %dma_start3A_305] : memref<44928x32xf32, #tpu.memory_space<vmem_shared>> -> memref<44928x32xf32, #tpu.memory_space<vmem_shared>>
        tpu.enqueue_indirect_dma source(%dma_start3A_300 : memref<128x32xf32, #tpu.memory_space<vmem>>) target(%dma_start3A_306 : memref<44928x32xf32, #tpu.memory_space<vmem_shared>>) offsets(%dma_start3A_303 : memref<128xi32, #tpu.memory_space<vmem>>) semaphore(%arg12 : memref<!tpu.dma_semaphore, #tpu.memory_space<semaphore_mem>>) {add = true}
        %dma_start3A_307 = arith.constant 7 : i32
        %dma_start3A_308 = arith.constant 7 : i32
        %dma_start3A_309 = arith.constant 0 : i32
        %dma_start3A_310 = arith.constant 0 : i32
        %dma_start3A_311 = tpu.memref_slice %arg9[%dma_start3A_307, %dma_start3A_309, %dma_start3A_310] : memref<8x128x32xf32, #tpu.memory_space<vmem>> -> memref<1x128x32xf32, #tpu.memory_space<vmem>>
        %dma_start3A_312 = tpu.memref_squeeze %dma_start3A_311 : memref<1x128x32xf32, #tpu.memory_space<vmem>> -> memref<128x32xf32, #tpu.memory_space<vmem>>
        %dma_start3A_313 = arith.constant 0 : i32
        %dma_start3A_314 = tpu.memref_slice %arg8[%dma_start3A_308, %dma_start3A_313] : memref<8x128xi32, #tpu.memory_space<vmem>> -> memref<1x128xi32, #tpu.memory_space<vmem>>
        %dma_start3A_315 = tpu.memref_squeeze %dma_start3A_314 : memref<1x128xi32, #tpu.memory_space<vmem>> -> memref<128xi32, #tpu.memory_space<vmem>>
        %dma_start3A_316 = arith.constant 0 : i32
        %dma_start3A_317 = arith.constant 0 : i32
        %dma_start3A_318 = tpu.memref_slice %arg10[%dma_start3A_316, %dma_start3A_317] : memref<44928x32xf32, #tpu.memory_space<vmem_shared>> -> memref<44928x32xf32, #tpu.memory_space<vmem_shared>>
        tpu.enqueue_indirect_dma source(%dma_start3A_312 : memref<128x32xf32, #tpu.memory_space<vmem>>) target(%dma_start3A_318 : memref<44928x32xf32, #tpu.memory_space<vmem_shared>>) offsets(%dma_start3A_315 : memref<128xi32, #tpu.memory_space<vmem>>) semaphore(%arg12 : memref<!tpu.dma_semaphore, #tpu.memory_space<semaphore_mem>>) {add = true}
        %dma_wait3A_319 = arith.constant 0 : i32
        %dma_wait3A_320 = arith.constant 0 : i32
        %dma_wait3A_321 = arith.constant 0 : i32
        %dma_wait3A_322 = arith.constant 0 : i32
        %dma_wait3A_323 = tpu.memref_slice %arg9[%dma_wait3A_319, %dma_wait3A_321, %dma_wait3A_322] : memref<8x128x32xf32, #tpu.memory_space<vmem>> -> memref<1x128x32xf32, #tpu.memory_space<vmem>>
        %dma_wait3A_324 = tpu.memref_squeeze %dma_wait3A_323 : memref<1x128x32xf32, #tpu.memory_space<vmem>> -> memref<128x32xf32, #tpu.memory_space<vmem>>
        %dma_wait3A_325 = arith.constant 0 : i32
        %dma_wait3A_326 = tpu.memref_slice %arg8[%dma_wait3A_320, %dma_wait3A_325] : memref<8x128xi32, #tpu.memory_space<vmem>> -> memref<1x128xi32, #tpu.memory_space<vmem>>
        %dma_wait3A_327 = tpu.memref_squeeze %dma_wait3A_326 : memref<1x128xi32, #tpu.memory_space<vmem>> -> memref<128xi32, #tpu.memory_space<vmem>>
        %dma_wait3A_328 = arith.constant 0 : i32
        %dma_wait3A_329 = arith.constant 0 : i32
        %dma_wait3A_330 = tpu.memref_slice %arg10[%dma_wait3A_328, %dma_wait3A_329] : memref<44928x32xf32, #tpu.memory_space<vmem_shared>> -> memref<44928x32xf32, #tpu.memory_space<vmem_shared>>
        tpu.wait_indirect_dma semaphore(%arg12 : memref<!tpu.dma_semaphore, #tpu.memory_space<semaphore_mem>>) src(%dma_wait3A_324 : memref<128x32xf32, #tpu.memory_space<vmem>>) dst(%dma_wait3A_330 : memref<44928x32xf32, #tpu.memory_space<vmem_shared>>)
        %dma_wait3A_331 = arith.constant 1 : i32
        %dma_wait3A_332 = arith.constant 1 : i32
        %dma_wait3A_333 = arith.constant 0 : i32
        %dma_wait3A_334 = arith.constant 0 : i32
        %dma_wait3A_335 = tpu.memref_slice %arg9[%dma_wait3A_331, %dma_wait3A_333, %dma_wait3A_334] : memref<8x128x32xf32, #tpu.memory_space<vmem>> -> memref<1x128x32xf32, #tpu.memory_space<vmem>>
        %dma_wait3A_336 = tpu.memref_squeeze %dma_wait3A_335 : memref<1x128x32xf32, #tpu.memory_space<vmem>> -> memref<128x32xf32, #tpu.memory_space<vmem>>
        %dma_wait3A_337 = arith.constant 0 : i32
        %dma_wait3A_338 = tpu.memref_slice %arg8[%dma_wait3A_332, %dma_wait3A_337] : memref<8x128xi32, #tpu.memory_space<vmem>> -> memref<1x128xi32, #tpu.memory_space<vmem>>
        %dma_wait3A_339 = tpu.memref_squeeze %dma_wait3A_338 : memref<1x128xi32, #tpu.memory_space<vmem>> -> memref<128xi32, #tpu.memory_space<vmem>>
        %dma_wait3A_340 = arith.constant 0 : i32
        %dma_wait3A_341 = arith.constant 0 : i32
        %dma_wait3A_342 = tpu.memref_slice %arg10[%dma_wait3A_340, %dma_wait3A_341] : memref<44928x32xf32, #tpu.memory_space<vmem_shared>> -> memref<44928x32xf32, #tpu.memory_space<vmem_shared>>
        tpu.wait_indirect_dma semaphore(%arg12 : memref<!tpu.dma_semaphore, #tpu.memory_space<semaphore_mem>>) src(%dma_wait3A_336 : memref<128x32xf32, #tpu.memory_space<vmem>>) dst(%dma_wait3A_342 : memref<44928x32xf32, #tpu.memory_space<vmem_shared>>)
        %dma_wait3A_343 = arith.constant 2 : i32
        %dma_wait3A_344 = arith.constant 2 : i32
        %dma_wait3A_345 = arith.constant 0 : i32
        %dma_wait3A_346 = arith.constant 0 : i32
        %dma_wait3A_347 = tpu.memref_slice %arg9[%dma_wait3A_343, %dma_wait3A_345, %dma_wait3A_346] : memref<8x128x32xf32, #tpu.memory_space<vmem>> -> memref<1x128x32xf32, #tpu.memory_space<vmem>>
        %dma_wait3A_348 = tpu.memref_squeeze %dma_wait3A_347 : memref<1x128x32xf32, #tpu.memory_space<vmem>> -> memref<128x32xf32, #tpu.memory_space<vmem>>
        %dma_wait3A_349 = arith.constant 0 : i32
        %dma_wait3A_350 = tpu.memref_slice %arg8[%dma_wait3A_344, %dma_wait3A_349] : memref<8x128xi32, #tpu.memory_space<vmem>> -> memref<1x128xi32, #tpu.memory_space<vmem>>
        %dma_wait3A_351 = tpu.memref_squeeze %dma_wait3A_350 : memref<1x128xi32, #tpu.memory_space<vmem>> -> memref<128xi32, #tpu.memory_space<vmem>>
        %dma_wait3A_352 = arith.constant 0 : i32
        %dma_wait3A_353 = arith.constant 0 : i32
        %dma_wait3A_354 = tpu.memref_slice %arg10[%dma_wait3A_352, %dma_wait3A_353] : memref<44928x32xf32, #tpu.memory_space<vmem_shared>> -> memref<44928x32xf32, #tpu.memory_space<vmem_shared>>
        tpu.wait_indirect_dma semaphore(%arg12 : memref<!tpu.dma_semaphore, #tpu.memory_space<semaphore_mem>>) src(%dma_wait3A_348 : memref<128x32xf32, #tpu.memory_space<vmem>>) dst(%dma_wait3A_354 : memref<44928x32xf32, #tpu.memory_space<vmem_shared>>)
        %dma_wait3A_355 = arith.constant 3 : i32
        %dma_wait3A_356 = arith.constant 3 : i32
        %dma_wait3A_357 = arith.constant 0 : i32
        %dma_wait3A_358 = arith.constant 0 : i32
        %dma_wait3A_359 = tpu.memref_slice %arg9[%dma_wait3A_355, %dma_wait3A_357, %dma_wait3A_358] : memref<8x128x32xf32, #tpu.memory_space<vmem>> -> memref<1x128x32xf32, #tpu.memory_space<vmem>>
        %dma_wait3A_360 = tpu.memref_squeeze %dma_wait3A_359 : memref<1x128x32xf32, #tpu.memory_space<vmem>> -> memref<128x32xf32, #tpu.memory_space<vmem>>
        %dma_wait3A_361 = arith.constant 0 : i32
        %dma_wait3A_362 = tpu.memref_slice %arg8[%dma_wait3A_356, %dma_wait3A_361] : memref<8x128xi32, #tpu.memory_space<vmem>> -> memref<1x128xi32, #tpu.memory_space<vmem>>
        %dma_wait3A_363 = tpu.memref_squeeze %dma_wait3A_362 : memref<1x128xi32, #tpu.memory_space<vmem>> -> memref<128xi32, #tpu.memory_space<vmem>>
        %dma_wait3A_364 = arith.constant 0 : i32
        %dma_wait3A_365 = arith.constant 0 : i32
        %dma_wait3A_366 = tpu.memref_slice %arg10[%dma_wait3A_364, %dma_wait3A_365] : memref<44928x32xf32, #tpu.memory_space<vmem_shared>> -> memref<44928x32xf32, #tpu.memory_space<vmem_shared>>
        tpu.wait_indirect_dma semaphore(%arg12 : memref<!tpu.dma_semaphore, #tpu.memory_space<semaphore_mem>>) src(%dma_wait3A_360 : memref<128x32xf32, #tpu.memory_space<vmem>>) dst(%dma_wait3A_366 : memref<44928x32xf32, #tpu.memory_space<vmem_shared>>)
        %dma_wait3A_367 = arith.constant 4 : i32
        %dma_wait3A_368 = arith.constant 4 : i32
        %dma_wait3A_369 = arith.constant 0 : i32
        %dma_wait3A_370 = arith.constant 0 : i32
        %dma_wait3A_371 = tpu.memref_slice %arg9[%dma_wait3A_367, %dma_wait3A_369, %dma_wait3A_370] : memref<8x128x32xf32, #tpu.memory_space<vmem>> -> memref<1x128x32xf32, #tpu.memory_space<vmem>>
        %dma_wait3A_372 = tpu.memref_squeeze %dma_wait3A_371 : memref<1x128x32xf32, #tpu.memory_space<vmem>> -> memref<128x32xf32, #tpu.memory_space<vmem>>
        %dma_wait3A_373 = arith.constant 0 : i32
        %dma_wait3A_374 = tpu.memref_slice %arg8[%dma_wait3A_368, %dma_wait3A_373] : memref<8x128xi32, #tpu.memory_space<vmem>> -> memref<1x128xi32, #tpu.memory_space<vmem>>
        %dma_wait3A_375 = tpu.memref_squeeze %dma_wait3A_374 : memref<1x128xi32, #tpu.memory_space<vmem>> -> memref<128xi32, #tpu.memory_space<vmem>>
        %dma_wait3A_376 = arith.constant 0 : i32
        %dma_wait3A_377 = arith.constant 0 : i32
        %dma_wait3A_378 = tpu.memref_slice %arg10[%dma_wait3A_376, %dma_wait3A_377] : memref<44928x32xf32, #tpu.memory_space<vmem_shared>> -> memref<44928x32xf32, #tpu.memory_space<vmem_shared>>
        tpu.wait_indirect_dma semaphore(%arg12 : memref<!tpu.dma_semaphore, #tpu.memory_space<semaphore_mem>>) src(%dma_wait3A_372 : memref<128x32xf32, #tpu.memory_space<vmem>>) dst(%dma_wait3A_378 : memref<44928x32xf32, #tpu.memory_space<vmem_shared>>)
        %dma_wait3A_379 = arith.constant 5 : i32
        %dma_wait3A_380 = arith.constant 5 : i32
        %dma_wait3A_381 = arith.constant 0 : i32
        %dma_wait3A_382 = arith.constant 0 : i32
        %dma_wait3A_383 = tpu.memref_slice %arg9[%dma_wait3A_379, %dma_wait3A_381, %dma_wait3A_382] : memref<8x128x32xf32, #tpu.memory_space<vmem>> -> memref<1x128x32xf32, #tpu.memory_space<vmem>>
        %dma_wait3A_384 = tpu.memref_squeeze %dma_wait3A_383 : memref<1x128x32xf32, #tpu.memory_space<vmem>> -> memref<128x32xf32, #tpu.memory_space<vmem>>
        %dma_wait3A_385 = arith.constant 0 : i32
        %dma_wait3A_386 = tpu.memref_slice %arg8[%dma_wait3A_380, %dma_wait3A_385] : memref<8x128xi32, #tpu.memory_space<vmem>> -> memref<1x128xi32, #tpu.memory_space<vmem>>
        %dma_wait3A_387 = tpu.memref_squeeze %dma_wait3A_386 : memref<1x128xi32, #tpu.memory_space<vmem>> -> memref<128xi32, #tpu.memory_space<vmem>>
        %dma_wait3A_388 = arith.constant 0 : i32
        %dma_wait3A_389 = arith.constant 0 : i32
        %dma_wait3A_390 = tpu.memref_slice %arg10[%dma_wait3A_388, %dma_wait3A_389] : memref<44928x32xf32, #tpu.memory_space<vmem_shared>> -> memref<44928x32xf32, #tpu.memory_space<vmem_shared>>
        tpu.wait_indirect_dma semaphore(%arg12 : memref<!tpu.dma_semaphore, #tpu.memory_space<semaphore_mem>>) src(%dma_wait3A_384 : memref<128x32xf32, #tpu.memory_space<vmem>>) dst(%dma_wait3A_390 : memref<44928x32xf32, #tpu.memory_space<vmem_shared>>)
        %dma_wait3A_391 = arith.constant 6 : i32
        %dma_wait3A_392 = arith.constant 6 : i32
        %dma_wait3A_393 = arith.constant 0 : i32
        %dma_wait3A_394 = arith.constant 0 : i32
        %dma_wait3A_395 = tpu.memref_slice %arg9[%dma_wait3A_391, %dma_wait3A_393, %dma_wait3A_394] : memref<8x128x32xf32, #tpu.memory_space<vmem>> -> memref<1x128x32xf32, #tpu.memory_space<vmem>>
        %dma_wait3A_396 = tpu.memref_squeeze %dma_wait3A_395 : memref<1x128x32xf32, #tpu.memory_space<vmem>> -> memref<128x32xf32, #tpu.memory_space<vmem>>
        %dma_wait3A_397 = arith.constant 0 : i32
        %dma_wait3A_398 = tpu.memref_slice %arg8[%dma_wait3A_392, %dma_wait3A_397] : memref<8x128xi32, #tpu.memory_space<vmem>> -> memref<1x128xi32, #tpu.memory_space<vmem>>
        %dma_wait3A_399 = tpu.memref_squeeze %dma_wait3A_398 : memref<1x128xi32, #tpu.memory_space<vmem>> -> memref<128xi32, #tpu.memory_space<vmem>>
        %dma_wait3A_400 = arith.constant 0 : i32
        %dma_wait3A_401 = arith.constant 0 : i32
        %dma_wait3A_402 = tpu.memref_slice %arg10[%dma_wait3A_400, %dma_wait3A_401] : memref<44928x32xf32, #tpu.memory_space<vmem_shared>> -> memref<44928x32xf32, #tpu.memory_space<vmem_shared>>
        tpu.wait_indirect_dma semaphore(%arg12 : memref<!tpu.dma_semaphore, #tpu.memory_space<semaphore_mem>>) src(%dma_wait3A_396 : memref<128x32xf32, #tpu.memory_space<vmem>>) dst(%dma_wait3A_402 : memref<44928x32xf32, #tpu.memory_space<vmem_shared>>)
        %dma_wait3A_403 = arith.constant 7 : i32
        %dma_wait3A_404 = arith.constant 7 : i32
        %dma_wait3A_405 = arith.constant 0 : i32
        %dma_wait3A_406 = arith.constant 0 : i32
        %dma_wait3A_407 = tpu.memref_slice %arg9[%dma_wait3A_403, %dma_wait3A_405, %dma_wait3A_406] : memref<8x128x32xf32, #tpu.memory_space<vmem>> -> memref<1x128x32xf32, #tpu.memory_space<vmem>>
        %dma_wait3A_408 = tpu.memref_squeeze %dma_wait3A_407 : memref<1x128x32xf32, #tpu.memory_space<vmem>> -> memref<128x32xf32, #tpu.memory_space<vmem>>
        %dma_wait3A_409 = arith.constant 0 : i32
        %dma_wait3A_410 = tpu.memref_slice %arg8[%dma_wait3A_404, %dma_wait3A_409] : memref<8x128xi32, #tpu.memory_space<vmem>> -> memref<1x128xi32, #tpu.memory_space<vmem>>
        %dma_wait3A_411 = tpu.memref_squeeze %dma_wait3A_410 : memref<1x128xi32, #tpu.memory_space<vmem>> -> memref<128xi32, #tpu.memory_space<vmem>>
        %dma_wait3A_412 = arith.constant 0 : i32
        %dma_wait3A_413 = arith.constant 0 : i32
        %dma_wait3A_414 = tpu.memref_slice %arg10[%dma_wait3A_412, %dma_wait3A_413] : memref<44928x32xf32, #tpu.memory_space<vmem_shared>> -> memref<44928x32xf32, #tpu.memory_space<vmem_shared>>
        tpu.wait_indirect_dma semaphore(%arg12 : memref<!tpu.dma_semaphore, #tpu.memory_space<semaphore_mem>>) src(%dma_wait3A_408 : memref<128x32xf32, #tpu.memory_space<vmem>>) dst(%dma_wait3A_414 : memref<44928x32xf32, #tpu.memory_space<vmem_shared>>)
      }
      %scan3A_16 = arith.constant 123 : i32
      %barrier3A_17 = arith.constant 0 : index
      tpu.barrier barrier_id(%barrier3A_17)
      %eq3A = arith.constant 5 : i32
      %eq3A_18 = arith.cmpi eq, %add3A, %eq3A : i32
      %jit3A = arith.constant 65 : i32
      %jit3A_19 = arith.constant 112 : i32
      %select_n3A = arith.select %eq3A_18, %jit3A, %jit3A_19 : i32
      %scan3A_20 = arith.constant 0 : i32
      %scan3A_21 = arith.constant 0 : i32
      %scan3A_22 = arith.constant 7 : i32
      %scan3A_23 = arith.addi %scan3A_21, %scan3A_22 : i32
      %scan3A_24 = arith.constant 1 : i32
      scf.for %scan3A_27 = %scan3A_21 to %scan3A_23 step %scan3A_24  : i32 {
        %mul3A_28 = arith.constant 16 : i32
        %mul3A_29 = arith.muli %mul3A_28, %scan3A_27 : i32
        %add3A_30 = arith.addi %arg1, %mul3A_29 : i32
        %lt3A = arith.cmpi slt, %add3A_30, %select_n3A : i32
        %convert_element_type3A = arith.extui %lt3A : i1 to i32
        %cond3A = arith.constant 0 : i32
        %cond3A_31 = arith.cmpi ne, %convert_element_type3A, %cond3A : i32
        scf.if %cond3A_31 {
          %mul3A_32 = arith.constant 400 : i32
          %mul3A_33 = arith.muli %add3A_30, %mul3A_32 : i32
          %mul3A_34 = arith.constant 44800 : i32
          %mul3A_35 = arith.muli %add3A, %mul3A_34 : i32
          %add3A_36 = arith.addi %mul3A_35, %mul3A_33 : i32
          "tpu.region"() ({
            %run_scoped3A = tpu.sem_alloc : memref<!tpu.dma_semaphore, #tpu.memory_space<semaphore_mem>>
            %dma_start3A = arith.constant 0 : i32
            %dma_start3A_37 = tpu.memref_slice %arg6[%add3A_36, %dma_start3A] : memref<250000x32xf32, #tpu.memory_space<hbm>> -> memref<400x32xf32, #tpu.memory_space<hbm>>
            %dma_start3A_38 = arith.constant 0 : i32
            %dma_start3A_39 = tpu.memref_slice %arg10[%mul3A_33, %dma_start3A_38] : memref<44928x32xf32, #tpu.memory_space<vmem_shared>> -> memref<400x32xf32, #tpu.memory_space<vmem_shared>>
            tpu.enqueue_dma source(%dma_start3A_39 : memref<400x32xf32, #tpu.memory_space<vmem_shared>>) target(%dma_start3A_37 : memref<400x32xf32, #tpu.memory_space<hbm>>) target_semaphore(%run_scoped3A : memref<!tpu.dma_semaphore, #tpu.memory_space<semaphore_mem>>)
            %dma_wait3A = arith.constant 0 : i32
            %dma_wait3A_40 = tpu.memref_slice %arg6[%add3A_36, %dma_wait3A] : memref<250000x32xf32, #tpu.memory_space<hbm>> -> memref<400x32xf32, #tpu.memory_space<hbm>>
            %dma_wait3A_41 = arith.constant 0 : i32
            %dma_wait3A_42 = tpu.memref_slice %arg10[%mul3A_33, %dma_wait3A_41] : memref<44928x32xf32, #tpu.memory_space<vmem_shared>> -> memref<400x32xf32, #tpu.memory_space<vmem_shared>>
            tpu.wait_dma2 semaphore(%run_scoped3A : memref<!tpu.dma_semaphore, #tpu.memory_space<semaphore_mem>>) src(%dma_wait3A_42 : memref<400x32xf32, #tpu.memory_space<vmem_shared>>) dst(%dma_wait3A_40 : memref<400x32xf32, #tpu.memory_space<hbm>>)
            tpu.yield
          }) : () -> ()
        } else {
        }
      }
      %scan3A_25 = arith.constant 7 : i32
      %barrier3A_26 = arith.constant 0 : index
      tpu.barrier barrier_id(%barrier3A_26)
    }
    %scan3A_4 = arith.constant 3 : i32
    return
  }
}

#map = affine_map<(d0, d1) -> (0, 0)>
#map1 = affine_map<(d0, d1) -> (0, 0, 0)>
module attributes {stable_mosaic.version = 14 : i64} {
  func.func @k(%arg0: i32, %arg1: i32, %arg2: memref<250000x32xf32, #tpu.memory_space<hbm>>, %arg3: memref<15744x128xi32, #tpu.memory_space<hbm>>, %arg4: memref<6x15744x128xi32, #tpu.memory_space<hbm>>, %arg5: memref<44928x32xf32, #tpu.memory_space<hbm>>, %arg6: memref<250000x32xf32, #tpu.memory_space<hbm>>, %arg7: memref<8x128xi32, #tpu.memory_space<vmem>>, %arg8: memref<8x128xi32, #tpu.memory_space<vmem>>, %arg9: memref<8x128x32xf32, #tpu.memory_space<vmem>>, %arg10: memref<44928x32xf32, #tpu.memory_space<vmem_shared>>, %arg11: memref<!tpu.dma_semaphore, #tpu.memory_space<semaphore_mem>>, %arg12: memref<!tpu.dma_semaphore, #tpu.memory_space<semaphore_mem>>) attributes {dimension_semantics = [#tpu.dimension_semantics<core_parallel>, #tpu.dimension_semantics<subcore_parallel>], iteration_bounds = array<i64: 2, 16>, scalar_prefetch = 0 : i64, scratch_operands = 6 : i64, tpu.core_type = #tpu.core_type<sc_vector_subcore>, window_params = [{transform_indices = #map}, {transform_indices = #map}, {transform_indices = #map1}, {transform_indices = #map}, {transform_indices = #map}]} {
    %scan3A = arith.constant 0 : i32
    %scan3A_0 = arith.constant 0 : i32
    %scan3A_1 = arith.constant 3 : i32
    %scan3A_2 = arith.addi %scan3A_0, %scan3A_1 : i32
    %scan3A_3 = arith.constant 1 : i32
    scf.for %scan3A_5 = %scan3A_0 to %scan3A_2 step %scan3A_3  : i32 {
      %mul3A = arith.constant 3 : i32
      %mul3A_6 = arith.muli %mul3A, %arg0 : i32
      %add3A = arith.addi %mul3A_6, %scan3A_5 : i32
      %mul3A_7 = arith.constant 2808 : i32
      %mul3A_8 = arith.muli %arg1, %mul3A_7 : i32
      %mul3A_9 = arith.constant 2808 : i32
      %mul3A_10 = arith.muli %arg1, %mul3A_9 : i32
      "tpu.region"() ({
        %run_scoped3A = tpu.sem_alloc : memref<!tpu.dma_semaphore, #tpu.memory_space<semaphore_mem>>
        %dma_start3A = arith.constant 0 : i32
        %dma_start3A_27 = tpu.memref_slice %arg10[%mul3A_10, %dma_start3A] : memref<44928x32xf32, #tpu.memory_space<vmem_shared>> -> memref<2808x32xf32, #tpu.memory_space<vmem_shared>>
        %dma_start3A_28 = arith.constant 0 : i32
        %dma_start3A_29 = tpu.memref_slice %arg5[%mul3A_8, %dma_start3A_28] : memref<44928x32xf32, #tpu.memory_space<hbm>> -> memref<2808x32xf32, #tpu.memory_space<hbm>>
        tpu.enqueue_dma source(%dma_start3A_29 : memref<2808x32xf32, #tpu.memory_space<hbm>>) target(%dma_start3A_27 : memref<2808x32xf32, #tpu.memory_space<vmem_shared>>) target_semaphore(%run_scoped3A : memref<!tpu.dma_semaphore, #tpu.memory_space<semaphore_mem>>)
        %dma_wait3A = arith.constant 0 : i32
        %dma_wait3A_30 = tpu.memref_slice %arg10[%mul3A_10, %dma_wait3A] : memref<44928x32xf32, #tpu.memory_space<vmem_shared>> -> memref<2808x32xf32, #tpu.memory_space<vmem_shared>>
        %dma_wait3A_31 = arith.constant 0 : i32
        %dma_wait3A_32 = tpu.memref_slice %arg5[%mul3A_8, %dma_wait3A_31] : memref<44928x32xf32, #tpu.memory_space<hbm>> -> memref<2808x32xf32, #tpu.memory_space<hbm>>
        tpu.wait_dma2 semaphore(%run_scoped3A : memref<!tpu.dma_semaphore, #tpu.memory_space<semaphore_mem>>) src(%dma_wait3A_32 : memref<2808x32xf32, #tpu.memory_space<hbm>>) dst(%dma_wait3A_30 : memref<2808x32xf32, #tpu.memory_space<vmem_shared>>)
        tpu.yield
      }) : () -> ()
      %barrier3A = arith.constant 0 : index
      tpu.barrier barrier_id(%barrier3A)
      %scan3A_11 = arith.constant 0 : i32
      %scan3A_12 = arith.constant 0 : i32
      %scan3A_13 = arith.constant 123 : i32
      %scan3A_14 = arith.addi %scan3A_12, %scan3A_13 : i32
      %scan3A_15 = arith.constant 1 : i32
      scf.for %scan3A_27 = %scan3A_12 to %scan3A_14 step %scan3A_15  : i32 {
        %mul3A_28 = arith.constant 984 : i32
        %mul3A_29 = arith.muli %arg1, %mul3A_28 : i32
        %mul3A_30 = arith.constant 8 : i32
        %mul3A_31 = arith.muli %scan3A_27, %mul3A_30 : i32
        %add3A_32 = arith.addi %mul3A_29, %mul3A_31 : i32
        "tpu.region"() ({
          %run_scoped3A = tpu.sem_alloc : memref<!tpu.dma_semaphore, #tpu.memory_space<semaphore_mem>>
          %dma_start3A_415 = arith.constant 0 : i32
          %dma_start3A_416 = tpu.memref_slice %arg3[%add3A_32, %dma_start3A_415] : memref<15744x128xi32, #tpu.memory_space<hbm>> -> memref<8x128xi32, #tpu.memory_space<hbm>>
          %dma_start3A_417 = arith.constant 0 : i32
          %dma_start3A_418 = tpu.memref_slice %arg3[%add3A_32, %dma_start3A_417] : memref<15744x128xi32, #tpu.memory_space<hbm>> -> memref<8x128xi32, #tpu.memory_space<hbm>>
          tpu.enqueue_dma source(%dma_start3A_418 : memref<8x128xi32, #tpu.memory_space<hbm>>) target(%arg7 : memref<8x128xi32, #tpu.memory_space<vmem>>) target_semaphore(%run_scoped3A : memref<!tpu.dma_semaphore, #tpu.memory_space<semaphore_mem>>)
          %dma_wait3A_419 = arith.constant 0 : i32
          %dma_wait3A_420 = tpu.memref_slice %arg3[%add3A_32, %dma_wait3A_419] : memref<15744x128xi32, #tpu.memory_space<hbm>> -> memref<8x128xi32, #tpu.memory_space<hbm>>
          %dma_wait3A_421 = arith.constant 0 : i32
          %dma_wait3A_422 = tpu.memref_slice %arg3[%add3A_32, %dma_wait3A_421] : memref<15744x128xi32, #tpu.memory_space<hbm>> -> memref<8x128xi32, #tpu.memory_space<hbm>>
          tpu.wait_dma2 semaphore(%run_scoped3A : memref<!tpu.dma_semaphore, #tpu.memory_space<semaphore_mem>>) src(%dma_wait3A_422 : memref<8x128xi32, #tpu.memory_space<hbm>>) dst(%arg7 : memref<8x128xi32, #tpu.memory_space<vmem>>)
          tpu.yield
        }) : () -> ()
        "tpu.region"() ({
          %run_scoped3A = tpu.sem_alloc : memref<!tpu.dma_semaphore, #tpu.memory_space<semaphore_mem>>
          %dma_start3A_415 = arith.constant 0 : i32
          %dma_start3A_416 = tpu.memref_slice %arg4[%add3A, %add3A_32, %dma_start3A_415] : memref<6x15744x128xi32, #tpu.memory_space<hbm>> -> memref<1x8x128xi32, #tpu.memory_space<hbm>>
          %dma_start3A_417 = tpu.memref_squeeze %dma_start3A_416 : memref<1x8x128xi32, #tpu.memory_space<hbm>> -> memref<8x128xi32, #tpu.memory_space<hbm>>
          %dma_start3A_418 = arith.constant 0 : i32
          %dma_start3A_419 = tpu.memref_slice %arg4[%add3A, %add3A_32, %dma_start3A_418] : memref<6x15744x128xi32, #tpu.memory_space<hbm>> -> memref<1x8x128xi32, #tpu.memory_space<hbm>>
          %dma_start3A_420 = tpu.memref_squeeze %dma_start3A_419 : memref<1x8x128xi32, #tpu.memory_space<hbm>> -> memref<8x128xi32, #tpu.memory_space<hbm>>
          tpu.enqueue_dma source(%dma_start3A_420 : memref<8x128xi32, #tpu.memory_space<hbm>>) target(%arg8 : memref<8x128xi32, #tpu.memory_space<vmem>>) target_semaphore(%run_scoped3A : memref<!tpu.dma_semaphore, #tpu.memory_space<semaphore_mem>>)
          %dma_wait3A_421 = arith.constant 0 : i32
          %dma_wait3A_422 = tpu.memref_slice %arg4[%add3A, %add3A_32, %dma_wait3A_421] : memref<6x15744x128xi32, #tpu.memory_space<hbm>> -> memref<1x8x128xi32, #tpu.memory_space<hbm>>
          %dma_wait3A_423 = tpu.memref_squeeze %dma_wait3A_422 : memref<1x8x128xi32, #tpu.memory_space<hbm>> -> memref<8x128xi32, #tpu.memory_space<hbm>>
          %dma_wait3A_424 = arith.constant 0 : i32
          %dma_wait3A_425 = tpu.memref_slice %arg4[%add3A, %add3A_32, %dma_wait3A_424] : memref<6x15744x128xi32, #tpu.memory_space<hbm>> -> memref<1x8x128xi32, #tpu.memory_space<hbm>>
          %dma_wait3A_426 = tpu.memref_squeeze %dma_wait3A_425 : memref<1x8x128xi32, #tpu.memory_space<hbm>> -> memref<8x128xi32, #tpu.memory_space<hbm>>
          tpu.wait_dma2 semaphore(%run_scoped3A : memref<!tpu.dma_semaphore, #tpu.memory_space<semaphore_mem>>) src(%dma_wait3A_426 : memref<8x128xi32, #tpu.memory_space<hbm>>) dst(%arg8 : memref<8x128xi32, #tpu.memory_space<vmem>>)
          tpu.yield
        }) : () -> ()
        %dma_start3A = arith.constant 0 : i32
        %dma_start3A_33 = arith.constant 0 : i32
        %dma_start3A_34 = arith.constant 0 : i32
        %dma_start3A_35 = arith.constant 0 : i32
        %dma_start3A_36 = tpu.memref_slice %arg9[%dma_start3A_33, %dma_start3A_34, %dma_start3A_35] : memref<8x128x32xf32, #tpu.memory_space<vmem>> -> memref<1x128x32xf32, #tpu.memory_space<vmem>>
        %dma_start3A_37 = tpu.memref_squeeze %dma_start3A_36 : memref<1x128x32xf32, #tpu.memory_space<vmem>> -> memref<128x32xf32, #tpu.memory_space<vmem>>
        %dma_start3A_38 = arith.constant 0 : i32
        %dma_start3A_39 = tpu.memref_slice %arg7[%dma_start3A, %dma_start3A_38] : memref<8x128xi32, #tpu.memory_space<vmem>> -> memref<1x128xi32, #tpu.memory_space<vmem>>
        %dma_start3A_40 = tpu.memref_squeeze %dma_start3A_39 : memref<1x128xi32, #tpu.memory_space<vmem>> -> memref<128xi32, #tpu.memory_space<vmem>>
        %dma_start3A_41 = arith.constant 0 : i32
        %dma_start3A_42 = arith.constant 0 : i32
        %dma_start3A_43 = tpu.memref_slice %arg2[%dma_start3A_41, %dma_start3A_42] : memref<250000x32xf32, #tpu.memory_space<hbm>> -> memref<250000x32xf32, #tpu.memory_space<hbm>>
        tpu.enqueue_indirect_dma source(%dma_start3A_43 : memref<250000x32xf32, #tpu.memory_space<hbm>>) target(%dma_start3A_37 : memref<128x32xf32, #tpu.memory_space<vmem>>) offsets(%dma_start3A_40 : memref<128xi32, #tpu.memory_space<vmem>>) semaphore(%arg11 : memref<!tpu.dma_semaphore, #tpu.memory_space<semaphore_mem>>)
        %dma_start3A_44 = arith.constant 1 : i32
        %dma_start3A_45 = arith.constant 1 : i32
        %dma_start3A_46 = arith.constant 0 : i32
        %dma_start3A_47 = arith.constant 0 : i32
        %dma_start3A_48 = tpu.memref_slice %arg9[%dma_start3A_45, %dma_start3A_46, %dma_start3A_47] : memref<8x128x32xf32, #tpu.memory_space<vmem>> -> memref<1x128x32xf32, #tpu.memory_space<vmem>>
        %dma_start3A_49 = tpu.memref_squeeze %dma_start3A_48 : memref<1x128x32xf32, #tpu.memory_space<vmem>> -> memref<128x32xf32, #tpu.memory_space<vmem>>
        %dma_start3A_50 = arith.constant 0 : i32
        %dma_start3A_51 = tpu.memref_slice %arg7[%dma_start3A_44, %dma_start3A_50] : memref<8x128xi32, #tpu.memory_space<vmem>> -> memref<1x128xi32, #tpu.memory_space<vmem>>
        %dma_start3A_52 = tpu.memref_squeeze %dma_start3A_51 : memref<1x128xi32, #tpu.memory_space<vmem>> -> memref<128xi32, #tpu.memory_space<vmem>>
        %dma_start3A_53 = arith.constant 0 : i32
        %dma_start3A_54 = arith.constant 0 : i32
        %dma_start3A_55 = tpu.memref_slice %arg2[%dma_start3A_53, %dma_start3A_54] : memref<250000x32xf32, #tpu.memory_space<hbm>> -> memref<250000x32xf32, #tpu.memory_space<hbm>>
        tpu.enqueue_indirect_dma source(%dma_start3A_55 : memref<250000x32xf32, #tpu.memory_space<hbm>>) target(%dma_start3A_49 : memref<128x32xf32, #tpu.memory_space<vmem>>) offsets(%dma_start3A_52 : memref<128xi32, #tpu.memory_space<vmem>>) semaphore(%arg11 : memref<!tpu.dma_semaphore, #tpu.memory_space<semaphore_mem>>)
        %dma_start3A_56 = arith.constant 2 : i32
        %dma_start3A_57 = arith.constant 2 : i32
        %dma_start3A_58 = arith.constant 0 : i32
        %dma_start3A_59 = arith.constant 0 : i32
        %dma_start3A_60 = tpu.memref_slice %arg9[%dma_start3A_57, %dma_start3A_58, %dma_start3A_59] : memref<8x128x32xf32, #tpu.memory_space<vmem>> -> memref<1x128x32xf32, #tpu.memory_space<vmem>>
        %dma_start3A_61 = tpu.memref_squeeze %dma_start3A_60 : memref<1x128x32xf32, #tpu.memory_space<vmem>> -> memref<128x32xf32, #tpu.memory_space<vmem>>
        %dma_start3A_62 = arith.constant 0 : i32
        %dma_start3A_63 = tpu.memref_slice %arg7[%dma_start3A_56, %dma_start3A_62] : memref<8x128xi32, #tpu.memory_space<vmem>> -> memref<1x128xi32, #tpu.memory_space<vmem>>
        %dma_start3A_64 = tpu.memref_squeeze %dma_start3A_63 : memref<1x128xi32, #tpu.memory_space<vmem>> -> memref<128xi32, #tpu.memory_space<vmem>>
        %dma_start3A_65 = arith.constant 0 : i32
        %dma_start3A_66 = arith.constant 0 : i32
        %dma_start3A_67 = tpu.memref_slice %arg2[%dma_start3A_65, %dma_start3A_66] : memref<250000x32xf32, #tpu.memory_space<hbm>> -> memref<250000x32xf32, #tpu.memory_space<hbm>>
        tpu.enqueue_indirect_dma source(%dma_start3A_67 : memref<250000x32xf32, #tpu.memory_space<hbm>>) target(%dma_start3A_61 : memref<128x32xf32, #tpu.memory_space<vmem>>) offsets(%dma_start3A_64 : memref<128xi32, #tpu.memory_space<vmem>>) semaphore(%arg11 : memref<!tpu.dma_semaphore, #tpu.memory_space<semaphore_mem>>)
        %dma_start3A_68 = arith.constant 3 : i32
        %dma_start3A_69 = arith.constant 3 : i32
        %dma_start3A_70 = arith.constant 0 : i32
        %dma_start3A_71 = arith.constant 0 : i32
        %dma_start3A_72 = tpu.memref_slice %arg9[%dma_start3A_69, %dma_start3A_70, %dma_start3A_71] : memref<8x128x32xf32, #tpu.memory_space<vmem>> -> memref<1x128x32xf32, #tpu.memory_space<vmem>>
        %dma_start3A_73 = tpu.memref_squeeze %dma_start3A_72 : memref<1x128x32xf32, #tpu.memory_space<vmem>> -> memref<128x32xf32, #tpu.memory_space<vmem>>
        %dma_start3A_74 = arith.constant 0 : i32
        %dma_start3A_75 = tpu.memref_slice %arg7[%dma_start3A_68, %dma_start3A_74] : memref<8x128xi32, #tpu.memory_space<vmem>> -> memref<1x128xi32, #tpu.memory_space<vmem>>
        %dma_start3A_76 = tpu.memref_squeeze %dma_start3A_75 : memref<1x128xi32, #tpu.memory_space<vmem>> -> memref<128xi32, #tpu.memory_space<vmem>>
        %dma_start3A_77 = arith.constant 0 : i32
        %dma_start3A_78 = arith.constant 0 : i32
        %dma_start3A_79 = tpu.memref_slice %arg2[%dma_start3A_77, %dma_start3A_78] : memref<250000x32xf32, #tpu.memory_space<hbm>> -> memref<250000x32xf32, #tpu.memory_space<hbm>>
        tpu.enqueue_indirect_dma source(%dma_start3A_79 : memref<250000x32xf32, #tpu.memory_space<hbm>>) target(%dma_start3A_73 : memref<128x32xf32, #tpu.memory_space<vmem>>) offsets(%dma_start3A_76 : memref<128xi32, #tpu.memory_space<vmem>>) semaphore(%arg11 : memref<!tpu.dma_semaphore, #tpu.memory_space<semaphore_mem>>)
        %dma_start3A_80 = arith.constant 4 : i32
        %dma_start3A_81 = arith.constant 4 : i32
        %dma_start3A_82 = arith.constant 0 : i32
        %dma_start3A_83 = arith.constant 0 : i32
        %dma_start3A_84 = tpu.memref_slice %arg9[%dma_start3A_81, %dma_start3A_82, %dma_start3A_83] : memref<8x128x32xf32, #tpu.memory_space<vmem>> -> memref<1x128x32xf32, #tpu.memory_space<vmem>>
        %dma_start3A_85 = tpu.memref_squeeze %dma_start3A_84 : memref<1x128x32xf32, #tpu.memory_space<vmem>> -> memref<128x32xf32, #tpu.memory_space<vmem>>
        %dma_start3A_86 = arith.constant 0 : i32
        %dma_start3A_87 = tpu.memref_slice %arg7[%dma_start3A_80, %dma_start3A_86] : memref<8x128xi32, #tpu.memory_space<vmem>> -> memref<1x128xi32, #tpu.memory_space<vmem>>
        %dma_start3A_88 = tpu.memref_squeeze %dma_start3A_87 : memref<1x128xi32, #tpu.memory_space<vmem>> -> memref<128xi32, #tpu.memory_space<vmem>>
        %dma_start3A_89 = arith.constant 0 : i32
        %dma_start3A_90 = arith.constant 0 : i32
        %dma_start3A_91 = tpu.memref_slice %arg2[%dma_start3A_89, %dma_start3A_90] : memref<250000x32xf32, #tpu.memory_space<hbm>> -> memref<250000x32xf32, #tpu.memory_space<hbm>>
        tpu.enqueue_indirect_dma source(%dma_start3A_91 : memref<250000x32xf32, #tpu.memory_space<hbm>>) target(%dma_start3A_85 : memref<128x32xf32, #tpu.memory_space<vmem>>) offsets(%dma_start3A_88 : memref<128xi32, #tpu.memory_space<vmem>>) semaphore(%arg11 : memref<!tpu.dma_semaphore, #tpu.memory_space<semaphore_mem>>)
        %dma_start3A_92 = arith.constant 5 : i32
        %dma_start3A_93 = arith.constant 5 : i32
        %dma_start3A_94 = arith.constant 0 : i32
        %dma_start3A_95 = arith.constant 0 : i32
        %dma_start3A_96 = tpu.memref_slice %arg9[%dma_start3A_93, %dma_start3A_94, %dma_start3A_95] : memref<8x128x32xf32, #tpu.memory_space<vmem>> -> memref<1x128x32xf32, #tpu.memory_space<vmem>>
        %dma_start3A_97 = tpu.memref_squeeze %dma_start3A_96 : memref<1x128x32xf32, #tpu.memory_space<vmem>> -> memref<128x32xf32, #tpu.memory_space<vmem>>
        %dma_start3A_98 = arith.constant 0 : i32
        %dma_start3A_99 = tpu.memref_slice %arg7[%dma_start3A_92, %dma_start3A_98] : memref<8x128xi32, #tpu.memory_space<vmem>> -> memref<1x128xi32, #tpu.memory_space<vmem>>
        %dma_start3A_100 = tpu.memref_squeeze %dma_start3A_99 : memref<1x128xi32, #tpu.memory_space<vmem>> -> memref<128xi32, #tpu.memory_space<vmem>>
        %dma_start3A_101 = arith.constant 0 : i32
        %dma_start3A_102 = arith.constant 0 : i32
        %dma_start3A_103 = tpu.memref_slice %arg2[%dma_start3A_101, %dma_start3A_102] : memref<250000x32xf32, #tpu.memory_space<hbm>> -> memref<250000x32xf32, #tpu.memory_space<hbm>>
        tpu.enqueue_indirect_dma source(%dma_start3A_103 : memref<250000x32xf32, #tpu.memory_space<hbm>>) target(%dma_start3A_97 : memref<128x32xf32, #tpu.memory_space<vmem>>) offsets(%dma_start3A_100 : memref<128xi32, #tpu.memory_space<vmem>>) semaphore(%arg11 : memref<!tpu.dma_semaphore, #tpu.memory_space<semaphore_mem>>)
        %dma_start3A_104 = arith.constant 6 : i32
        %dma_start3A_105 = arith.constant 6 : i32
        %dma_start3A_106 = arith.constant 0 : i32
        %dma_start3A_107 = arith.constant 0 : i32
        %dma_start3A_108 = tpu.memref_slice %arg9[%dma_start3A_105, %dma_start3A_106, %dma_start3A_107] : memref<8x128x32xf32, #tpu.memory_space<vmem>> -> memref<1x128x32xf32, #tpu.memory_space<vmem>>
        %dma_start3A_109 = tpu.memref_squeeze %dma_start3A_108 : memref<1x128x32xf32, #tpu.memory_space<vmem>> -> memref<128x32xf32, #tpu.memory_space<vmem>>
        %dma_start3A_110 = arith.constant 0 : i32
        %dma_start3A_111 = tpu.memref_slice %arg7[%dma_start3A_104, %dma_start3A_110] : memref<8x128xi32, #tpu.memory_space<vmem>> -> memref<1x128xi32, #tpu.memory_space<vmem>>
        %dma_start3A_112 = tpu.memref_squeeze %dma_start3A_111 : memref<1x128xi32, #tpu.memory_space<vmem>> -> memref<128xi32, #tpu.memory_space<vmem>>
        %dma_start3A_113 = arith.constant 0 : i32
        %dma_start3A_114 = arith.constant 0 : i32
        %dma_start3A_115 = tpu.memref_slice %arg2[%dma_start3A_113, %dma_start3A_114] : memref<250000x32xf32, #tpu.memory_space<hbm>> -> memref<250000x32xf32, #tpu.memory_space<hbm>>
        tpu.enqueue_indirect_dma source(%dma_start3A_115 : memref<250000x32xf32, #tpu.memory_space<hbm>>) target(%dma_start3A_109 : memref<128x32xf32, #tpu.memory_space<vmem>>) offsets(%dma_start3A_112 : memref<128xi32, #tpu.memory_space<vmem>>) semaphore(%arg11 : memref<!tpu.dma_semaphore, #tpu.memory_space<semaphore_mem>>)
        %dma_start3A_116 = arith.constant 7 : i32
        %dma_start3A_117 = arith.constant 7 : i32
        %dma_start3A_118 = arith.constant 0 : i32
        %dma_start3A_119 = arith.constant 0 : i32
        %dma_start3A_120 = tpu.memref_slice %arg9[%dma_start3A_117, %dma_start3A_118, %dma_start3A_119] : memref<8x128x32xf32, #tpu.memory_space<vmem>> -> memref<1x128x32xf32, #tpu.memory_space<vmem>>
        %dma_start3A_121 = tpu.memref_squeeze %dma_start3A_120 : memref<1x128x32xf32, #tpu.memory_space<vmem>> -> memref<128x32xf32, #tpu.memory_space<vmem>>
        %dma_start3A_122 = arith.constant 0 : i32
        %dma_start3A_123 = tpu.memref_slice %arg7[%dma_start3A_116, %dma_start3A_122] : memref<8x128xi32, #tpu.memory_space<vmem>> -> memref<1x128xi32, #tpu.memory_space<vmem>>
        %dma_start3A_124 = tpu.memref_squeeze %dma_start3A_123 : memref<1x128xi32, #tpu.memory_space<vmem>> -> memref<128xi32, #tpu.memory_space<vmem>>
        %dma_start3A_125 = arith.constant 0 : i32
        %dma_start3A_126 = arith.constant 0 : i32
        %dma_start3A_127 = tpu.memref_slice %arg2[%dma_start3A_125, %dma_start3A_126] : memref<250000x32xf32, #tpu.memory_space<hbm>> -> memref<250000x32xf32, #tpu.memory_space<hbm>>
        tpu.enqueue_indirect_dma source(%dma_start3A_127 : memref<250000x32xf32, #tpu.memory_space<hbm>>) target(%dma_start3A_121 : memref<128x32xf32, #tpu.memory_space<vmem>>) offsets(%dma_start3A_124 : memref<128xi32, #tpu.memory_space<vmem>>) semaphore(%arg11 : memref<!tpu.dma_semaphore, #tpu.memory_space<semaphore_mem>>)
        %dma_wait3A = arith.constant 0 : i32
        %dma_wait3A_128 = arith.constant 0 : i32
        %dma_wait3A_129 = arith.constant 0 : i32
        %dma_wait3A_130 = arith.constant 0 : i32
        %dma_wait3A_131 = tpu.memref_slice %arg9[%dma_wait3A_128, %dma_wait3A_129, %dma_wait3A_130] : memref<8x128x32xf32, #tpu.memory_space<vmem>> -> memref<1x128x32xf32, #tpu.memory_space<vmem>>
        %dma_wait3A_132 = tpu.memref_squeeze %dma_wait3A_131 : memref<1x128x32xf32, #tpu.memory_space<vmem>> -> memref<128x32xf32, #tpu.memory_space<vmem>>
        %dma_wait3A_133 = arith.constant 0 : i32
        %dma_wait3A_134 = tpu.memref_slice %arg7[%dma_wait3A, %dma_wait3A_133] : memref<8x128xi32, #tpu.memory_space<vmem>> -> memref<1x128xi32, #tpu.memory_space<vmem>>
        %dma_wait3A_135 = tpu.memref_squeeze %dma_wait3A_134 : memref<1x128xi32, #tpu.memory_space<vmem>> -> memref<128xi32, #tpu.memory_space<vmem>>
        %dma_wait3A_136 = arith.constant 0 : i32
        %dma_wait3A_137 = arith.constant 0 : i32
        %dma_wait3A_138 = tpu.memref_slice %arg2[%dma_wait3A_136, %dma_wait3A_137] : memref<250000x32xf32, #tpu.memory_space<hbm>> -> memref<250000x32xf32, #tpu.memory_space<hbm>>
        tpu.wait_indirect_dma semaphore(%arg11 : memref<!tpu.dma_semaphore, #tpu.memory_space<semaphore_mem>>) src(%dma_wait3A_138 : memref<250000x32xf32, #tpu.memory_space<hbm>>) dst(%dma_wait3A_132 : memref<128x32xf32, #tpu.memory_space<vmem>>)
        %dma_wait3A_139 = arith.constant 1 : i32
        %dma_wait3A_140 = arith.constant 1 : i32
        %dma_wait3A_141 = arith.constant 0 : i32
        %dma_wait3A_142 = arith.constant 0 : i32
        %dma_wait3A_143 = tpu.memref_slice %arg9[%dma_wait3A_140, %dma_wait3A_141, %dma_wait3A_142] : memref<8x128x32xf32, #tpu.memory_space<vmem>> -> memref<1x128x32xf32, #tpu.memory_space<vmem>>
        %dma_wait3A_144 = tpu.memref_squeeze %dma_wait3A_143 : memref<1x128x32xf32, #tpu.memory_space<vmem>> -> memref<128x32xf32, #tpu.memory_space<vmem>>
        %dma_wait3A_145 = arith.constant 0 : i32
        %dma_wait3A_146 = tpu.memref_slice %arg7[%dma_wait3A_139, %dma_wait3A_145] : memref<8x128xi32, #tpu.memory_space<vmem>> -> memref<1x128xi32, #tpu.memory_space<vmem>>
        %dma_wait3A_147 = tpu.memref_squeeze %dma_wait3A_146 : memref<1x128xi32, #tpu.memory_space<vmem>> -> memref<128xi32, #tpu.memory_space<vmem>>
        %dma_wait3A_148 = arith.constant 0 : i32
        %dma_wait3A_149 = arith.constant 0 : i32
        %dma_wait3A_150 = tpu.memref_slice %arg2[%dma_wait3A_148, %dma_wait3A_149] : memref<250000x32xf32, #tpu.memory_space<hbm>> -> memref<250000x32xf32, #tpu.memory_space<hbm>>
        tpu.wait_indirect_dma semaphore(%arg11 : memref<!tpu.dma_semaphore, #tpu.memory_space<semaphore_mem>>) src(%dma_wait3A_150 : memref<250000x32xf32, #tpu.memory_space<hbm>>) dst(%dma_wait3A_144 : memref<128x32xf32, #tpu.memory_space<vmem>>)
        %dma_wait3A_151 = arith.constant 2 : i32
        %dma_wait3A_152 = arith.constant 2 : i32
        %dma_wait3A_153 = arith.constant 0 : i32
        %dma_wait3A_154 = arith.constant 0 : i32
        %dma_wait3A_155 = tpu.memref_slice %arg9[%dma_wait3A_152, %dma_wait3A_153, %dma_wait3A_154] : memref<8x128x32xf32, #tpu.memory_space<vmem>> -> memref<1x128x32xf32, #tpu.memory_space<vmem>>
        %dma_wait3A_156 = tpu.memref_squeeze %dma_wait3A_155 : memref<1x128x32xf32, #tpu.memory_space<vmem>> -> memref<128x32xf32, #tpu.memory_space<vmem>>
        %dma_wait3A_157 = arith.constant 0 : i32
        %dma_wait3A_158 = tpu.memref_slice %arg7[%dma_wait3A_151, %dma_wait3A_157] : memref<8x128xi32, #tpu.memory_space<vmem>> -> memref<1x128xi32, #tpu.memory_space<vmem>>
        %dma_wait3A_159 = tpu.memref_squeeze %dma_wait3A_158 : memref<1x128xi32, #tpu.memory_space<vmem>> -> memref<128xi32, #tpu.memory_space<vmem>>
        %dma_wait3A_160 = arith.constant 0 : i32
        %dma_wait3A_161 = arith.constant 0 : i32
        %dma_wait3A_162 = tpu.memref_slice %arg2[%dma_wait3A_160, %dma_wait3A_161] : memref<250000x32xf32, #tpu.memory_space<hbm>> -> memref<250000x32xf32, #tpu.memory_space<hbm>>
        tpu.wait_indirect_dma semaphore(%arg11 : memref<!tpu.dma_semaphore, #tpu.memory_space<semaphore_mem>>) src(%dma_wait3A_162 : memref<250000x32xf32, #tpu.memory_space<hbm>>) dst(%dma_wait3A_156 : memref<128x32xf32, #tpu.memory_space<vmem>>)
        %dma_wait3A_163 = arith.constant 3 : i32
        %dma_wait3A_164 = arith.constant 3 : i32
        %dma_wait3A_165 = arith.constant 0 : i32
        %dma_wait3A_166 = arith.constant 0 : i32
        %dma_wait3A_167 = tpu.memref_slice %arg9[%dma_wait3A_164, %dma_wait3A_165, %dma_wait3A_166] : memref<8x128x32xf32, #tpu.memory_space<vmem>> -> memref<1x128x32xf32, #tpu.memory_space<vmem>>
        %dma_wait3A_168 = tpu.memref_squeeze %dma_wait3A_167 : memref<1x128x32xf32, #tpu.memory_space<vmem>> -> memref<128x32xf32, #tpu.memory_space<vmem>>
        %dma_wait3A_169 = arith.constant 0 : i32
        %dma_wait3A_170 = tpu.memref_slice %arg7[%dma_wait3A_163, %dma_wait3A_169] : memref<8x128xi32, #tpu.memory_space<vmem>> -> memref<1x128xi32, #tpu.memory_space<vmem>>
        %dma_wait3A_171 = tpu.memref_squeeze %dma_wait3A_170 : memref<1x128xi32, #tpu.memory_space<vmem>> -> memref<128xi32, #tpu.memory_space<vmem>>
        %dma_wait3A_172 = arith.constant 0 : i32
        %dma_wait3A_173 = arith.constant 0 : i32
        %dma_wait3A_174 = tpu.memref_slice %arg2[%dma_wait3A_172, %dma_wait3A_173] : memref<250000x32xf32, #tpu.memory_space<hbm>> -> memref<250000x32xf32, #tpu.memory_space<hbm>>
        tpu.wait_indirect_dma semaphore(%arg11 : memref<!tpu.dma_semaphore, #tpu.memory_space<semaphore_mem>>) src(%dma_wait3A_174 : memref<250000x32xf32, #tpu.memory_space<hbm>>) dst(%dma_wait3A_168 : memref<128x32xf32, #tpu.memory_space<vmem>>)
        %dma_wait3A_175 = arith.constant 4 : i32
        %dma_wait3A_176 = arith.constant 4 : i32
        %dma_wait3A_177 = arith.constant 0 : i32
        %dma_wait3A_178 = arith.constant 0 : i32
        %dma_wait3A_179 = tpu.memref_slice %arg9[%dma_wait3A_176, %dma_wait3A_177, %dma_wait3A_178] : memref<8x128x32xf32, #tpu.memory_space<vmem>> -> memref<1x128x32xf32, #tpu.memory_space<vmem>>
        %dma_wait3A_180 = tpu.memref_squeeze %dma_wait3A_179 : memref<1x128x32xf32, #tpu.memory_space<vmem>> -> memref<128x32xf32, #tpu.memory_space<vmem>>
        %dma_wait3A_181 = arith.constant 0 : i32
        %dma_wait3A_182 = tpu.memref_slice %arg7[%dma_wait3A_175, %dma_wait3A_181] : memref<8x128xi32, #tpu.memory_space<vmem>> -> memref<1x128xi32, #tpu.memory_space<vmem>>
        %dma_wait3A_183 = tpu.memref_squeeze %dma_wait3A_182 : memref<1x128xi32, #tpu.memory_space<vmem>> -> memref<128xi32, #tpu.memory_space<vmem>>
        %dma_wait3A_184 = arith.constant 0 : i32
        %dma_wait3A_185 = arith.constant 0 : i32
        %dma_wait3A_186 = tpu.memref_slice %arg2[%dma_wait3A_184, %dma_wait3A_185] : memref<250000x32xf32, #tpu.memory_space<hbm>> -> memref<250000x32xf32, #tpu.memory_space<hbm>>
        tpu.wait_indirect_dma semaphore(%arg11 : memref<!tpu.dma_semaphore, #tpu.memory_space<semaphore_mem>>) src(%dma_wait3A_186 : memref<250000x32xf32, #tpu.memory_space<hbm>>) dst(%dma_wait3A_180 : memref<128x32xf32, #tpu.memory_space<vmem>>)
        %dma_wait3A_187 = arith.constant 5 : i32
        %dma_wait3A_188 = arith.constant 5 : i32
        %dma_wait3A_189 = arith.constant 0 : i32
        %dma_wait3A_190 = arith.constant 0 : i32
        %dma_wait3A_191 = tpu.memref_slice %arg9[%dma_wait3A_188, %dma_wait3A_189, %dma_wait3A_190] : memref<8x128x32xf32, #tpu.memory_space<vmem>> -> memref<1x128x32xf32, #tpu.memory_space<vmem>>
        %dma_wait3A_192 = tpu.memref_squeeze %dma_wait3A_191 : memref<1x128x32xf32, #tpu.memory_space<vmem>> -> memref<128x32xf32, #tpu.memory_space<vmem>>
        %dma_wait3A_193 = arith.constant 0 : i32
        %dma_wait3A_194 = tpu.memref_slice %arg7[%dma_wait3A_187, %dma_wait3A_193] : memref<8x128xi32, #tpu.memory_space<vmem>> -> memref<1x128xi32, #tpu.memory_space<vmem>>
        %dma_wait3A_195 = tpu.memref_squeeze %dma_wait3A_194 : memref<1x128xi32, #tpu.memory_space<vmem>> -> memref<128xi32, #tpu.memory_space<vmem>>
        %dma_wait3A_196 = arith.constant 0 : i32
        %dma_wait3A_197 = arith.constant 0 : i32
        %dma_wait3A_198 = tpu.memref_slice %arg2[%dma_wait3A_196, %dma_wait3A_197] : memref<250000x32xf32, #tpu.memory_space<hbm>> -> memref<250000x32xf32, #tpu.memory_space<hbm>>
        tpu.wait_indirect_dma semaphore(%arg11 : memref<!tpu.dma_semaphore, #tpu.memory_space<semaphore_mem>>) src(%dma_wait3A_198 : memref<250000x32xf32, #tpu.memory_space<hbm>>) dst(%dma_wait3A_192 : memref<128x32xf32, #tpu.memory_space<vmem>>)
        %dma_wait3A_199 = arith.constant 6 : i32
        %dma_wait3A_200 = arith.constant 6 : i32
        %dma_wait3A_201 = arith.constant 0 : i32
        %dma_wait3A_202 = arith.constant 0 : i32
        %dma_wait3A_203 = tpu.memref_slice %arg9[%dma_wait3A_200, %dma_wait3A_201, %dma_wait3A_202] : memref<8x128x32xf32, #tpu.memory_space<vmem>> -> memref<1x128x32xf32, #tpu.memory_space<vmem>>
        %dma_wait3A_204 = tpu.memref_squeeze %dma_wait3A_203 : memref<1x128x32xf32, #tpu.memory_space<vmem>> -> memref<128x32xf32, #tpu.memory_space<vmem>>
        %dma_wait3A_205 = arith.constant 0 : i32
        %dma_wait3A_206 = tpu.memref_slice %arg7[%dma_wait3A_199, %dma_wait3A_205] : memref<8x128xi32, #tpu.memory_space<vmem>> -> memref<1x128xi32, #tpu.memory_space<vmem>>
        %dma_wait3A_207 = tpu.memref_squeeze %dma_wait3A_206 : memref<1x128xi32, #tpu.memory_space<vmem>> -> memref<128xi32, #tpu.memory_space<vmem>>
        %dma_wait3A_208 = arith.constant 0 : i32
        %dma_wait3A_209 = arith.constant 0 : i32
        %dma_wait3A_210 = tpu.memref_slice %arg2[%dma_wait3A_208, %dma_wait3A_209] : memref<250000x32xf32, #tpu.memory_space<hbm>> -> memref<250000x32xf32, #tpu.memory_space<hbm>>
        tpu.wait_indirect_dma semaphore(%arg11 : memref<!tpu.dma_semaphore, #tpu.memory_space<semaphore_mem>>) src(%dma_wait3A_210 : memref<250000x32xf32, #tpu.memory_space<hbm>>) dst(%dma_wait3A_204 : memref<128x32xf32, #tpu.memory_space<vmem>>)
        %dma_wait3A_211 = arith.constant 7 : i32
        %dma_wait3A_212 = arith.constant 7 : i32
        %dma_wait3A_213 = arith.constant 0 : i32
        %dma_wait3A_214 = arith.constant 0 : i32
        %dma_wait3A_215 = tpu.memref_slice %arg9[%dma_wait3A_212, %dma_wait3A_213, %dma_wait3A_214] : memref<8x128x32xf32, #tpu.memory_space<vmem>> -> memref<1x128x32xf32, #tpu.memory_space<vmem>>
        %dma_wait3A_216 = tpu.memref_squeeze %dma_wait3A_215 : memref<1x128x32xf32, #tpu.memory_space<vmem>> -> memref<128x32xf32, #tpu.memory_space<vmem>>
        %dma_wait3A_217 = arith.constant 0 : i32
        %dma_wait3A_218 = tpu.memref_slice %arg7[%dma_wait3A_211, %dma_wait3A_217] : memref<8x128xi32, #tpu.memory_space<vmem>> -> memref<1x128xi32, #tpu.memory_space<vmem>>
        %dma_wait3A_219 = tpu.memref_squeeze %dma_wait3A_218 : memref<1x128xi32, #tpu.memory_space<vmem>> -> memref<128xi32, #tpu.memory_space<vmem>>
        %dma_wait3A_220 = arith.constant 0 : i32
        %dma_wait3A_221 = arith.constant 0 : i32
        %dma_wait3A_222 = tpu.memref_slice %arg2[%dma_wait3A_220, %dma_wait3A_221] : memref<250000x32xf32, #tpu.memory_space<hbm>> -> memref<250000x32xf32, #tpu.memory_space<hbm>>
        tpu.wait_indirect_dma semaphore(%arg11 : memref<!tpu.dma_semaphore, #tpu.memory_space<semaphore_mem>>) src(%dma_wait3A_222 : memref<250000x32xf32, #tpu.memory_space<hbm>>) dst(%dma_wait3A_216 : memref<128x32xf32, #tpu.memory_space<vmem>>)
        %dma_start3A_223 = arith.constant 0 : i32
        %dma_start3A_224 = arith.constant 0 : i32
        %dma_start3A_225 = arith.constant 0 : i32
        %dma_start3A_226 = arith.constant 0 : i32
        %dma_start3A_227 = tpu.memref_slice %arg9[%dma_start3A_223, %dma_start3A_225, %dma_start3A_226] : memref<8x128x32xf32, #tpu.memory_space<vmem>> -> memref<1x128x32xf32, #tpu.memory_space<vmem>>
        %dma_start3A_228 = tpu.memref_squeeze %dma_start3A_227 : memref<1x128x32xf32, #tpu.memory_space<vmem>> -> memref<128x32xf32, #tpu.memory_space<vmem>>
        %dma_start3A_229 = arith.constant 0 : i32
        %dma_start3A_230 = tpu.memref_slice %arg8[%dma_start3A_224, %dma_start3A_229] : memref<8x128xi32, #tpu.memory_space<vmem>> -> memref<1x128xi32, #tpu.memory_space<vmem>>
        %dma_start3A_231 = tpu.memref_squeeze %dma_start3A_230 : memref<1x128xi32, #tpu.memory_space<vmem>> -> memref<128xi32, #tpu.memory_space<vmem>>
        %dma_start3A_232 = arith.constant 0 : i32
        %dma_start3A_233 = arith.constant 0 : i32
        %dma_start3A_234 = tpu.memref_slice %arg10[%dma_start3A_232, %dma_start3A_233] : memref<44928x32xf32, #tpu.memory_space<vmem_shared>> -> memref<44928x32xf32, #tpu.memory_space<vmem_shared>>
        tpu.enqueue_indirect_dma source(%dma_start3A_228 : memref<128x32xf32, #tpu.memory_space<vmem>>) target(%dma_start3A_234 : memref<44928x32xf32, #tpu.memory_space<vmem_shared>>) offsets(%dma_start3A_231 : memref<128xi32, #tpu.memory_space<vmem>>) semaphore(%arg12 : memref<!tpu.dma_semaphore, #tpu.memory_space<semaphore_mem>>) {add = true}
        %dma_start3A_235 = arith.constant 1 : i32
        %dma_start3A_236 = arith.constant 1 : i32
        %dma_start3A_237 = arith.constant 0 : i32
        %dma_start3A_238 = arith.constant 0 : i32
        %dma_start3A_239 = tpu.memref_slice %arg9[%dma_start3A_235, %dma_start3A_237, %dma_start3A_238] : memref<8x128x32xf32, #tpu.memory_space<vmem>> -> memref<1x128x32xf32, #tpu.memory_space<vmem>>
        %dma_start3A_240 = tpu.memref_squeeze %dma_start3A_239 : memref<1x128x32xf32, #tpu.memory_space<vmem>> -> memref<128x32xf32, #tpu.memory_space<vmem>>
        %dma_start3A_241 = arith.constant 0 : i32
        %dma_start3A_242 = tpu.memref_slice %arg8[%dma_start3A_236, %dma_start3A_241] : memref<8x128xi32, #tpu.memory_space<vmem>> -> memref<1x128xi32, #tpu.memory_space<vmem>>
        %dma_start3A_243 = tpu.memref_squeeze %dma_start3A_242 : memref<1x128xi32, #tpu.memory_space<vmem>> -> memref<128xi32, #tpu.memory_space<vmem>>
        %dma_start3A_244 = arith.constant 0 : i32
        %dma_start3A_245 = arith.constant 0 : i32
        %dma_start3A_246 = tpu.memref_slice %arg10[%dma_start3A_244, %dma_start3A_245] : memref<44928x32xf32, #tpu.memory_space<vmem_shared>> -> memref<44928x32xf32, #tpu.memory_space<vmem_shared>>
        tpu.enqueue_indirect_dma source(%dma_start3A_240 : memref<128x32xf32, #tpu.memory_space<vmem>>) target(%dma_start3A_246 : memref<44928x32xf32, #tpu.memory_space<vmem_shared>>) offsets(%dma_start3A_243 : memref<128xi32, #tpu.memory_space<vmem>>) semaphore(%arg12 : memref<!tpu.dma_semaphore, #tpu.memory_space<semaphore_mem>>) {add = true}
        %dma_start3A_247 = arith.constant 2 : i32
        %dma_start3A_248 = arith.constant 2 : i32
        %dma_start3A_249 = arith.constant 0 : i32
        %dma_start3A_250 = arith.constant 0 : i32
        %dma_start3A_251 = tpu.memref_slice %arg9[%dma_start3A_247, %dma_start3A_249, %dma_start3A_250] : memref<8x128x32xf32, #tpu.memory_space<vmem>> -> memref<1x128x32xf32, #tpu.memory_space<vmem>>
        %dma_start3A_252 = tpu.memref_squeeze %dma_start3A_251 : memref<1x128x32xf32, #tpu.memory_space<vmem>> -> memref<128x32xf32, #tpu.memory_space<vmem>>
        %dma_start3A_253 = arith.constant 0 : i32
        %dma_start3A_254 = tpu.memref_slice %arg8[%dma_start3A_248, %dma_start3A_253] : memref<8x128xi32, #tpu.memory_space<vmem>> -> memref<1x128xi32, #tpu.memory_space<vmem>>
        %dma_start3A_255 = tpu.memref_squeeze %dma_start3A_254 : memref<1x128xi32, #tpu.memory_space<vmem>> -> memref<128xi32, #tpu.memory_space<vmem>>
        %dma_start3A_256 = arith.constant 0 : i32
        %dma_start3A_257 = arith.constant 0 : i32
        %dma_start3A_258 = tpu.memref_slice %arg10[%dma_start3A_256, %dma_start3A_257] : memref<44928x32xf32, #tpu.memory_space<vmem_shared>> -> memref<44928x32xf32, #tpu.memory_space<vmem_shared>>
        tpu.enqueue_indirect_dma source(%dma_start3A_252 : memref<128x32xf32, #tpu.memory_space<vmem>>) target(%dma_start3A_258 : memref<44928x32xf32, #tpu.memory_space<vmem_shared>>) offsets(%dma_start3A_255 : memref<128xi32, #tpu.memory_space<vmem>>) semaphore(%arg12 : memref<!tpu.dma_semaphore, #tpu.memory_space<semaphore_mem>>) {add = true}
        %dma_start3A_259 = arith.constant 3 : i32
        %dma_start3A_260 = arith.constant 3 : i32
        %dma_start3A_261 = arith.constant 0 : i32
        %dma_start3A_262 = arith.constant 0 : i32
        %dma_start3A_263 = tpu.memref_slice %arg9[%dma_start3A_259, %dma_start3A_261, %dma_start3A_262] : memref<8x128x32xf32, #tpu.memory_space<vmem>> -> memref<1x128x32xf32, #tpu.memory_space<vmem>>
        %dma_start3A_264 = tpu.memref_squeeze %dma_start3A_263 : memref<1x128x32xf32, #tpu.memory_space<vmem>> -> memref<128x32xf32, #tpu.memory_space<vmem>>
        %dma_start3A_265 = arith.constant 0 : i32
        %dma_start3A_266 = tpu.memref_slice %arg8[%dma_start3A_260, %dma_start3A_265] : memref<8x128xi32, #tpu.memory_space<vmem>> -> memref<1x128xi32, #tpu.memory_space<vmem>>
        %dma_start3A_267 = tpu.memref_squeeze %dma_start3A_266 : memref<1x128xi32, #tpu.memory_space<vmem>> -> memref<128xi32, #tpu.memory_space<vmem>>
        %dma_start3A_268 = arith.constant 0 : i32
        %dma_start3A_269 = arith.constant 0 : i32
        %dma_start3A_270 = tpu.memref_slice %arg10[%dma_start3A_268, %dma_start3A_269] : memref<44928x32xf32, #tpu.memory_space<vmem_shared>> -> memref<44928x32xf32, #tpu.memory_space<vmem_shared>>
        tpu.enqueue_indirect_dma source(%dma_start3A_264 : memref<128x32xf32, #tpu.memory_space<vmem>>) target(%dma_start3A_270 : memref<44928x32xf32, #tpu.memory_space<vmem_shared>>) offsets(%dma_start3A_267 : memref<128xi32, #tpu.memory_space<vmem>>) semaphore(%arg12 : memref<!tpu.dma_semaphore, #tpu.memory_space<semaphore_mem>>) {add = true}
        %dma_start3A_271 = arith.constant 4 : i32
        %dma_start3A_272 = arith.constant 4 : i32
        %dma_start3A_273 = arith.constant 0 : i32
        %dma_start3A_274 = arith.constant 0 : i32
        %dma_start3A_275 = tpu.memref_slice %arg9[%dma_start3A_271, %dma_start3A_273, %dma_start3A_274] : memref<8x128x32xf32, #tpu.memory_space<vmem>> -> memref<1x128x32xf32, #tpu.memory_space<vmem>>
        %dma_start3A_276 = tpu.memref_squeeze %dma_start3A_275 : memref<1x128x32xf32, #tpu.memory_space<vmem>> -> memref<128x32xf32, #tpu.memory_space<vmem>>
        %dma_start3A_277 = arith.constant 0 : i32
        %dma_start3A_278 = tpu.memref_slice %arg8[%dma_start3A_272, %dma_start3A_277] : memref<8x128xi32, #tpu.memory_space<vmem>> -> memref<1x128xi32, #tpu.memory_space<vmem>>
        %dma_start3A_279 = tpu.memref_squeeze %dma_start3A_278 : memref<1x128xi32, #tpu.memory_space<vmem>> -> memref<128xi32, #tpu.memory_space<vmem>>
        %dma_start3A_280 = arith.constant 0 : i32
        %dma_start3A_281 = arith.constant 0 : i32
        %dma_start3A_282 = tpu.memref_slice %arg10[%dma_start3A_280, %dma_start3A_281] : memref<44928x32xf32, #tpu.memory_space<vmem_shared>> -> memref<44928x32xf32, #tpu.memory_space<vmem_shared>>
        tpu.enqueue_indirect_dma source(%dma_start3A_276 : memref<128x32xf32, #tpu.memory_space<vmem>>) target(%dma_start3A_282 : memref<44928x32xf32, #tpu.memory_space<vmem_shared>>) offsets(%dma_start3A_279 : memref<128xi32, #tpu.memory_space<vmem>>) semaphore(%arg12 : memref<!tpu.dma_semaphore, #tpu.memory_space<semaphore_mem>>) {add = true}
        %dma_start3A_283 = arith.constant 5 : i32
        %dma_start3A_284 = arith.constant 5 : i32
        %dma_start3A_285 = arith.constant 0 : i32
        %dma_start3A_286 = arith.constant 0 : i32
        %dma_start3A_287 = tpu.memref_slice %arg9[%dma_start3A_283, %dma_start3A_285, %dma_start3A_286] : memref<8x128x32xf32, #tpu.memory_space<vmem>> -> memref<1x128x32xf32, #tpu.memory_space<vmem>>
        %dma_start3A_288 = tpu.memref_squeeze %dma_start3A_287 : memref<1x128x32xf32, #tpu.memory_space<vmem>> -> memref<128x32xf32, #tpu.memory_space<vmem>>
        %dma_start3A_289 = arith.constant 0 : i32
        %dma_start3A_290 = tpu.memref_slice %arg8[%dma_start3A_284, %dma_start3A_289] : memref<8x128xi32, #tpu.memory_space<vmem>> -> memref<1x128xi32, #tpu.memory_space<vmem>>
        %dma_start3A_291 = tpu.memref_squeeze %dma_start3A_290 : memref<1x128xi32, #tpu.memory_space<vmem>> -> memref<128xi32, #tpu.memory_space<vmem>>
        %dma_start3A_292 = arith.constant 0 : i32
        %dma_start3A_293 = arith.constant 0 : i32
        %dma_start3A_294 = tpu.memref_slice %arg10[%dma_start3A_292, %dma_start3A_293] : memref<44928x32xf32, #tpu.memory_space<vmem_shared>> -> memref<44928x32xf32, #tpu.memory_space<vmem_shared>>
        tpu.enqueue_indirect_dma source(%dma_start3A_288 : memref<128x32xf32, #tpu.memory_space<vmem>>) target(%dma_start3A_294 : memref<44928x32xf32, #tpu.memory_space<vmem_shared>>) offsets(%dma_start3A_291 : memref<128xi32, #tpu.memory_space<vmem>>) semaphore(%arg12 : memref<!tpu.dma_semaphore, #tpu.memory_space<semaphore_mem>>) {add = true}
        %dma_start3A_295 = arith.constant 6 : i32
        %dma_start3A_296 = arith.constant 6 : i32
        %dma_start3A_297 = arith.constant 0 : i32
        %dma_start3A_298 = arith.constant 0 : i32
        %dma_start3A_299 = tpu.memref_slice %arg9[%dma_start3A_295, %dma_start3A_297, %dma_start3A_298] : memref<8x128x32xf32, #tpu.memory_space<vmem>> -> memref<1x128x32xf32, #tpu.memory_space<vmem>>
        %dma_start3A_300 = tpu.memref_squeeze %dma_start3A_299 : memref<1x128x32xf32, #tpu.memory_space<vmem>> -> memref<128x32xf32, #tpu.memory_space<vmem>>
        %dma_start3A_301 = arith.constant 0 : i32
        %dma_start3A_302 = tpu.memref_slice %arg8[%dma_start3A_296, %dma_start3A_301] : memref<8x128xi32, #tpu.memory_space<vmem>> -> memref<1x128xi32, #tpu.memory_space<vmem>>
        %dma_start3A_303 = tpu.memref_squeeze %dma_start3A_302 : memref<1x128xi32, #tpu.memory_space<vmem>> -> memref<128xi32, #tpu.memory_space<vmem>>
        %dma_start3A_304 = arith.constant 0 : i32
        %dma_start3A_305 = arith.constant 0 : i32
        %dma_start3A_306 = tpu.memref_slice %arg10[%dma_start3A_304, %dma_start3A_305] : memref<44928x32xf32, #tpu.memory_space<vmem_shared>> -> memref<44928x32xf32, #tpu.memory_space<vmem_shared>>
        tpu.enqueue_indirect_dma source(%dma_start3A_300 : memref<128x32xf32, #tpu.memory_space<vmem>>) target(%dma_start3A_306 : memref<44928x32xf32, #tpu.memory_space<vmem_shared>>) offsets(%dma_start3A_303 : memref<128xi32, #tpu.memory_space<vmem>>) semaphore(%arg12 : memref<!tpu.dma_semaphore, #tpu.memory_space<semaphore_mem>>) {add = true}
        %dma_start3A_307 = arith.constant 7 : i32
        %dma_start3A_308 = arith.constant 7 : i32
        %dma_start3A_309 = arith.constant 0 : i32
        %dma_start3A_310 = arith.constant 0 : i32
        %dma_start3A_311 = tpu.memref_slice %arg9[%dma_start3A_307, %dma_start3A_309, %dma_start3A_310] : memref<8x128x32xf32, #tpu.memory_space<vmem>> -> memref<1x128x32xf32, #tpu.memory_space<vmem>>
        %dma_start3A_312 = tpu.memref_squeeze %dma_start3A_311 : memref<1x128x32xf32, #tpu.memory_space<vmem>> -> memref<128x32xf32, #tpu.memory_space<vmem>>
        %dma_start3A_313 = arith.constant 0 : i32
        %dma_start3A_314 = tpu.memref_slice %arg8[%dma_start3A_308, %dma_start3A_313] : memref<8x128xi32, #tpu.memory_space<vmem>> -> memref<1x128xi32, #tpu.memory_space<vmem>>
        %dma_start3A_315 = tpu.memref_squeeze %dma_start3A_314 : memref<1x128xi32, #tpu.memory_space<vmem>> -> memref<128xi32, #tpu.memory_space<vmem>>
        %dma_start3A_316 = arith.constant 0 : i32
        %dma_start3A_317 = arith.constant 0 : i32
        %dma_start3A_318 = tpu.memref_slice %arg10[%dma_start3A_316, %dma_start3A_317] : memref<44928x32xf32, #tpu.memory_space<vmem_shared>> -> memref<44928x32xf32, #tpu.memory_space<vmem_shared>>
        tpu.enqueue_indirect_dma source(%dma_start3A_312 : memref<128x32xf32, #tpu.memory_space<vmem>>) target(%dma_start3A_318 : memref<44928x32xf32, #tpu.memory_space<vmem_shared>>) offsets(%dma_start3A_315 : memref<128xi32, #tpu.memory_space<vmem>>) semaphore(%arg12 : memref<!tpu.dma_semaphore, #tpu.memory_space<semaphore_mem>>) {add = true}
        %dma_wait3A_319 = arith.constant 0 : i32
        %dma_wait3A_320 = arith.constant 0 : i32
        %dma_wait3A_321 = arith.constant 0 : i32
        %dma_wait3A_322 = arith.constant 0 : i32
        %dma_wait3A_323 = tpu.memref_slice %arg9[%dma_wait3A_319, %dma_wait3A_321, %dma_wait3A_322] : memref<8x128x32xf32, #tpu.memory_space<vmem>> -> memref<1x128x32xf32, #tpu.memory_space<vmem>>
        %dma_wait3A_324 = tpu.memref_squeeze %dma_wait3A_323 : memref<1x128x32xf32, #tpu.memory_space<vmem>> -> memref<128x32xf32, #tpu.memory_space<vmem>>
        %dma_wait3A_325 = arith.constant 0 : i32
        %dma_wait3A_326 = tpu.memref_slice %arg8[%dma_wait3A_320, %dma_wait3A_325] : memref<8x128xi32, #tpu.memory_space<vmem>> -> memref<1x128xi32, #tpu.memory_space<vmem>>
        %dma_wait3A_327 = tpu.memref_squeeze %dma_wait3A_326 : memref<1x128xi32, #tpu.memory_space<vmem>> -> memref<128xi32, #tpu.memory_space<vmem>>
        %dma_wait3A_328 = arith.constant 0 : i32
        %dma_wait3A_329 = arith.constant 0 : i32
        %dma_wait3A_330 = tpu.memref_slice %arg10[%dma_wait3A_328, %dma_wait3A_329] : memref<44928x32xf32, #tpu.memory_space<vmem_shared>> -> memref<44928x32xf32, #tpu.memory_space<vmem_shared>>
        tpu.wait_indirect_dma semaphore(%arg12 : memref<!tpu.dma_semaphore, #tpu.memory_space<semaphore_mem>>) src(%dma_wait3A_324 : memref<128x32xf32, #tpu.memory_space<vmem>>) dst(%dma_wait3A_330 : memref<44928x32xf32, #tpu.memory_space<vmem_shared>>)
        %dma_wait3A_331 = arith.constant 1 : i32
        %dma_wait3A_332 = arith.constant 1 : i32
        %dma_wait3A_333 = arith.constant 0 : i32
        %dma_wait3A_334 = arith.constant 0 : i32
        %dma_wait3A_335 = tpu.memref_slice %arg9[%dma_wait3A_331, %dma_wait3A_333, %dma_wait3A_334] : memref<8x128x32xf32, #tpu.memory_space<vmem>> -> memref<1x128x32xf32, #tpu.memory_space<vmem>>
        %dma_wait3A_336 = tpu.memref_squeeze %dma_wait3A_335 : memref<1x128x32xf32, #tpu.memory_space<vmem>> -> memref<128x32xf32, #tpu.memory_space<vmem>>
        %dma_wait3A_337 = arith.constant 0 : i32
        %dma_wait3A_338 = tpu.memref_slice %arg8[%dma_wait3A_332, %dma_wait3A_337] : memref<8x128xi32, #tpu.memory_space<vmem>> -> memref<1x128xi32, #tpu.memory_space<vmem>>
        %dma_wait3A_339 = tpu.memref_squeeze %dma_wait3A_338 : memref<1x128xi32, #tpu.memory_space<vmem>> -> memref<128xi32, #tpu.memory_space<vmem>>
        %dma_wait3A_340 = arith.constant 0 : i32
        %dma_wait3A_341 = arith.constant 0 : i32
        %dma_wait3A_342 = tpu.memref_slice %arg10[%dma_wait3A_340, %dma_wait3A_341] : memref<44928x32xf32, #tpu.memory_space<vmem_shared>> -> memref<44928x32xf32, #tpu.memory_space<vmem_shared>>
        tpu.wait_indirect_dma semaphore(%arg12 : memref<!tpu.dma_semaphore, #tpu.memory_space<semaphore_mem>>) src(%dma_wait3A_336 : memref<128x32xf32, #tpu.memory_space<vmem>>) dst(%dma_wait3A_342 : memref<44928x32xf32, #tpu.memory_space<vmem_shared>>)
        %dma_wait3A_343 = arith.constant 2 : i32
        %dma_wait3A_344 = arith.constant 2 : i32
        %dma_wait3A_345 = arith.constant 0 : i32
        %dma_wait3A_346 = arith.constant 0 : i32
        %dma_wait3A_347 = tpu.memref_slice %arg9[%dma_wait3A_343, %dma_wait3A_345, %dma_wait3A_346] : memref<8x128x32xf32, #tpu.memory_space<vmem>> -> memref<1x128x32xf32, #tpu.memory_space<vmem>>
        %dma_wait3A_348 = tpu.memref_squeeze %dma_wait3A_347 : memref<1x128x32xf32, #tpu.memory_space<vmem>> -> memref<128x32xf32, #tpu.memory_space<vmem>>
        %dma_wait3A_349 = arith.constant 0 : i32
        %dma_wait3A_350 = tpu.memref_slice %arg8[%dma_wait3A_344, %dma_wait3A_349] : memref<8x128xi32, #tpu.memory_space<vmem>> -> memref<1x128xi32, #tpu.memory_space<vmem>>
        %dma_wait3A_351 = tpu.memref_squeeze %dma_wait3A_350 : memref<1x128xi32, #tpu.memory_space<vmem>> -> memref<128xi32, #tpu.memory_space<vmem>>
        %dma_wait3A_352 = arith.constant 0 : i32
        %dma_wait3A_353 = arith.constant 0 : i32
        %dma_wait3A_354 = tpu.memref_slice %arg10[%dma_wait3A_352, %dma_wait3A_353] : memref<44928x32xf32, #tpu.memory_space<vmem_shared>> -> memref<44928x32xf32, #tpu.memory_space<vmem_shared>>
        tpu.wait_indirect_dma semaphore(%arg12 : memref<!tpu.dma_semaphore, #tpu.memory_space<semaphore_mem>>) src(%dma_wait3A_348 : memref<128x32xf32, #tpu.memory_space<vmem>>) dst(%dma_wait3A_354 : memref<44928x32xf32, #tpu.memory_space<vmem_shared>>)
        %dma_wait3A_355 = arith.constant 3 : i32
        %dma_wait3A_356 = arith.constant 3 : i32
        %dma_wait3A_357 = arith.constant 0 : i32
        %dma_wait3A_358 = arith.constant 0 : i32
        %dma_wait3A_359 = tpu.memref_slice %arg9[%dma_wait3A_355, %dma_wait3A_357, %dma_wait3A_358] : memref<8x128x32xf32, #tpu.memory_space<vmem>> -> memref<1x128x32xf32, #tpu.memory_space<vmem>>
        %dma_wait3A_360 = tpu.memref_squeeze %dma_wait3A_359 : memref<1x128x32xf32, #tpu.memory_space<vmem>> -> memref<128x32xf32, #tpu.memory_space<vmem>>
        %dma_wait3A_361 = arith.constant 0 : i32
        %dma_wait3A_362 = tpu.memref_slice %arg8[%dma_wait3A_356, %dma_wait3A_361] : memref<8x128xi32, #tpu.memory_space<vmem>> -> memref<1x128xi32, #tpu.memory_space<vmem>>
        %dma_wait3A_363 = tpu.memref_squeeze %dma_wait3A_362 : memref<1x128xi32, #tpu.memory_space<vmem>> -> memref<128xi32, #tpu.memory_space<vmem>>
        %dma_wait3A_364 = arith.constant 0 : i32
        %dma_wait3A_365 = arith.constant 0 : i32
        %dma_wait3A_366 = tpu.memref_slice %arg10[%dma_wait3A_364, %dma_wait3A_365] : memref<44928x32xf32, #tpu.memory_space<vmem_shared>> -> memref<44928x32xf32, #tpu.memory_space<vmem_shared>>
        tpu.wait_indirect_dma semaphore(%arg12 : memref<!tpu.dma_semaphore, #tpu.memory_space<semaphore_mem>>) src(%dma_wait3A_360 : memref<128x32xf32, #tpu.memory_space<vmem>>) dst(%dma_wait3A_366 : memref<44928x32xf32, #tpu.memory_space<vmem_shared>>)
        %dma_wait3A_367 = arith.constant 4 : i32
        %dma_wait3A_368 = arith.constant 4 : i32
        %dma_wait3A_369 = arith.constant 0 : i32
        %dma_wait3A_370 = arith.constant 0 : i32
        %dma_wait3A_371 = tpu.memref_slice %arg9[%dma_wait3A_367, %dma_wait3A_369, %dma_wait3A_370] : memref<8x128x32xf32, #tpu.memory_space<vmem>> -> memref<1x128x32xf32, #tpu.memory_space<vmem>>
        %dma_wait3A_372 = tpu.memref_squeeze %dma_wait3A_371 : memref<1x128x32xf32, #tpu.memory_space<vmem>> -> memref<128x32xf32, #tpu.memory_space<vmem>>
        %dma_wait3A_373 = arith.constant 0 : i32
        %dma_wait3A_374 = tpu.memref_slice %arg8[%dma_wait3A_368, %dma_wait3A_373] : memref<8x128xi32, #tpu.memory_space<vmem>> -> memref<1x128xi32, #tpu.memory_space<vmem>>
        %dma_wait3A_375 = tpu.memref_squeeze %dma_wait3A_374 : memref<1x128xi32, #tpu.memory_space<vmem>> -> memref<128xi32, #tpu.memory_space<vmem>>
        %dma_wait3A_376 = arith.constant 0 : i32
        %dma_wait3A_377 = arith.constant 0 : i32
        %dma_wait3A_378 = tpu.memref_slice %arg10[%dma_wait3A_376, %dma_wait3A_377] : memref<44928x32xf32, #tpu.memory_space<vmem_shared>> -> memref<44928x32xf32, #tpu.memory_space<vmem_shared>>
        tpu.wait_indirect_dma semaphore(%arg12 : memref<!tpu.dma_semaphore, #tpu.memory_space<semaphore_mem>>) src(%dma_wait3A_372 : memref<128x32xf32, #tpu.memory_space<vmem>>) dst(%dma_wait3A_378 : memref<44928x32xf32, #tpu.memory_space<vmem_shared>>)
        %dma_wait3A_379 = arith.constant 5 : i32
        %dma_wait3A_380 = arith.constant 5 : i32
        %dma_wait3A_381 = arith.constant 0 : i32
        %dma_wait3A_382 = arith.constant 0 : i32
        %dma_wait3A_383 = tpu.memref_slice %arg9[%dma_wait3A_379, %dma_wait3A_381, %dma_wait3A_382] : memref<8x128x32xf32, #tpu.memory_space<vmem>> -> memref<1x128x32xf32, #tpu.memory_space<vmem>>
        %dma_wait3A_384 = tpu.memref_squeeze %dma_wait3A_383 : memref<1x128x32xf32, #tpu.memory_space<vmem>> -> memref<128x32xf32, #tpu.memory_space<vmem>>
        %dma_wait3A_385 = arith.constant 0 : i32
        %dma_wait3A_386 = tpu.memref_slice %arg8[%dma_wait3A_380, %dma_wait3A_385] : memref<8x128xi32, #tpu.memory_space<vmem>> -> memref<1x128xi32, #tpu.memory_space<vmem>>
        %dma_wait3A_387 = tpu.memref_squeeze %dma_wait3A_386 : memref<1x128xi32, #tpu.memory_space<vmem>> -> memref<128xi32, #tpu.memory_space<vmem>>
        %dma_wait3A_388 = arith.constant 0 : i32
        %dma_wait3A_389 = arith.constant 0 : i32
        %dma_wait3A_390 = tpu.memref_slice %arg10[%dma_wait3A_388, %dma_wait3A_389] : memref<44928x32xf32, #tpu.memory_space<vmem_shared>> -> memref<44928x32xf32, #tpu.memory_space<vmem_shared>>
        tpu.wait_indirect_dma semaphore(%arg12 : memref<!tpu.dma_semaphore, #tpu.memory_space<semaphore_mem>>) src(%dma_wait3A_384 : memref<128x32xf32, #tpu.memory_space<vmem>>) dst(%dma_wait3A_390 : memref<44928x32xf32, #tpu.memory_space<vmem_shared>>)
        %dma_wait3A_391 = arith.constant 6 : i32
        %dma_wait3A_392 = arith.constant 6 : i32
        %dma_wait3A_393 = arith.constant 0 : i32
        %dma_wait3A_394 = arith.constant 0 : i32
        %dma_wait3A_395 = tpu.memref_slice %arg9[%dma_wait3A_391, %dma_wait3A_393, %dma_wait3A_394] : memref<8x128x32xf32, #tpu.memory_space<vmem>> -> memref<1x128x32xf32, #tpu.memory_space<vmem>>
        %dma_wait3A_396 = tpu.memref_squeeze %dma_wait3A_395 : memref<1x128x32xf32, #tpu.memory_space<vmem>> -> memref<128x32xf32, #tpu.memory_space<vmem>>
        %dma_wait3A_397 = arith.constant 0 : i32
        %dma_wait3A_398 = tpu.memref_slice %arg8[%dma_wait3A_392, %dma_wait3A_397] : memref<8x128xi32, #tpu.memory_space<vmem>> -> memref<1x128xi32, #tpu.memory_space<vmem>>
        %dma_wait3A_399 = tpu.memref_squeeze %dma_wait3A_398 : memref<1x128xi32, #tpu.memory_space<vmem>> -> memref<128xi32, #tpu.memory_space<vmem>>
        %dma_wait3A_400 = arith.constant 0 : i32
        %dma_wait3A_401 = arith.constant 0 : i32
        %dma_wait3A_402 = tpu.memref_slice %arg10[%dma_wait3A_400, %dma_wait3A_401] : memref<44928x32xf32, #tpu.memory_space<vmem_shared>> -> memref<44928x32xf32, #tpu.memory_space<vmem_shared>>
        tpu.wait_indirect_dma semaphore(%arg12 : memref<!tpu.dma_semaphore, #tpu.memory_space<semaphore_mem>>) src(%dma_wait3A_396 : memref<128x32xf32, #tpu.memory_space<vmem>>) dst(%dma_wait3A_402 : memref<44928x32xf32, #tpu.memory_space<vmem_shared>>)
        %dma_wait3A_403 = arith.constant 7 : i32
        %dma_wait3A_404 = arith.constant 7 : i32
        %dma_wait3A_405 = arith.constant 0 : i32
        %dma_wait3A_406 = arith.constant 0 : i32
        %dma_wait3A_407 = tpu.memref_slice %arg9[%dma_wait3A_403, %dma_wait3A_405, %dma_wait3A_406] : memref<8x128x32xf32, #tpu.memory_space<vmem>> -> memref<1x128x32xf32, #tpu.memory_space<vmem>>
        %dma_wait3A_408 = tpu.memref_squeeze %dma_wait3A_407 : memref<1x128x32xf32, #tpu.memory_space<vmem>> -> memref<128x32xf32, #tpu.memory_space<vmem>>
        %dma_wait3A_409 = arith.constant 0 : i32
        %dma_wait3A_410 = tpu.memref_slice %arg8[%dma_wait3A_404, %dma_wait3A_409] : memref<8x128xi32, #tpu.memory_space<vmem>> -> memref<1x128xi32, #tpu.memory_space<vmem>>
        %dma_wait3A_411 = tpu.memref_squeeze %dma_wait3A_410 : memref<1x128xi32, #tpu.memory_space<vmem>> -> memref<128xi32, #tpu.memory_space<vmem>>
        %dma_wait3A_412 = arith.constant 0 : i32
        %dma_wait3A_413 = arith.constant 0 : i32
        %dma_wait3A_414 = tpu.memref_slice %arg10[%dma_wait3A_412, %dma_wait3A_413] : memref<44928x32xf32, #tpu.memory_space<vmem_shared>> -> memref<44928x32xf32, #tpu.memory_space<vmem_shared>>
        tpu.wait_indirect_dma semaphore(%arg12 : memref<!tpu.dma_semaphore, #tpu.memory_space<semaphore_mem>>) src(%dma_wait3A_408 : memref<128x32xf32, #tpu.memory_space<vmem>>) dst(%dma_wait3A_414 : memref<44928x32xf32, #tpu.memory_space<vmem_shared>>)
      }
      %scan3A_16 = arith.constant 123 : i32
      %barrier3A_17 = arith.constant 0 : index
      tpu.barrier barrier_id(%barrier3A_17)
      %eq3A = arith.constant 5 : i32
      %eq3A_18 = arith.cmpi eq, %add3A, %eq3A : i32
      %jit3A = arith.constant 65 : i32
      %jit3A_19 = arith.constant 112 : i32
      %select_n3A = arith.select %eq3A_18, %jit3A, %jit3A_19 : i32
      %scan3A_20 = arith.constant 0 : i32
      %scan3A_21 = arith.constant 0 : i32
      %scan3A_22 = arith.constant 7 : i32
      %scan3A_23 = arith.addi %scan3A_21, %scan3A_22 : i32
      %scan3A_24 = arith.constant 1 : i32
      scf.for %scan3A_27 = %scan3A_21 to %scan3A_23 step %scan3A_24  : i32 {
        %mul3A_28 = arith.constant 16 : i32
        %mul3A_29 = arith.muli %mul3A_28, %scan3A_27 : i32
        %add3A_30 = arith.addi %arg1, %mul3A_29 : i32
        %lt3A = arith.cmpi slt, %add3A_30, %select_n3A : i32
        %convert_element_type3A = arith.extui %lt3A : i1 to i32
        %cond3A = arith.constant 0 : i32
        %cond3A_31 = arith.cmpi ne, %convert_element_type3A, %cond3A : i32
        scf.if %cond3A_31 {
          %mul3A_32 = arith.constant 400 : i32
          %mul3A_33 = arith.muli %add3A_30, %mul3A_32 : i32
          %mul3A_34 = arith.constant 44800 : i32
          %mul3A_35 = arith.muli %add3A, %mul3A_34 : i32
          %add3A_36 = arith.addi %mul3A_35, %mul3A_33 : i32
          "tpu.region"() ({
            %run_scoped3A = tpu.sem_alloc : memref<!tpu.dma_semaphore, #tpu.memory_space<semaphore_mem>>
            %dma_start3A = arith.constant 0 : i32
            %dma_start3A_37 = tpu.memref_slice %arg6[%add3A_36, %dma_start3A] : memref<250000x32xf32, #tpu.memory_space<hbm>> -> memref<400x32xf32, #tpu.memory_space<hbm>>
            %dma_start3A_38 = arith.constant 0 : i32
            %dma_start3A_39 = tpu.memref_slice %arg10[%mul3A_33, %dma_start3A_38] : memref<44928x32xf32, #tpu.memory_space<vmem_shared>> -> memref<400x32xf32, #tpu.memory_space<vmem_shared>>
            tpu.enqueue_dma source(%dma_start3A_39 : memref<400x32xf32, #tpu.memory_space<vmem_shared>>) target(%dma_start3A_37 : memref<400x32xf32, #tpu.memory_space<hbm>>) target_semaphore(%run_scoped3A : memref<!tpu.dma_semaphore, #tpu.memory_space<semaphore_mem>>)
            %dma_wait3A = arith.constant 0 : i32
            %dma_wait3A_40 = tpu.memref_slice %arg6[%add3A_36, %dma_wait3A] : memref<250000x32xf32, #tpu.memory_space<hbm>> -> memref<400x32xf32, #tpu.memory_space<hbm>>
            %dma_wait3A_41 = arith.constant 0 : i32
            %dma_wait3A_42 = tpu.memref_slice %arg10[%mul3A_33, %dma_wait3A_41] : memref<44928x32xf32, #tpu.memory_space<vmem_shared>> -> memref<400x32xf32, #tpu.memory_space<vmem_shared>>
            tpu.wait_dma2 semaphore(%run_scoped3A : memref<!tpu.dma_semaphore, #tpu.memory_space<semaphore_mem>>) src(%dma_wait3A_42 : memref<400x32xf32, #tpu.memory_space<vmem_shared>>) dst(%dma_wait3A_40 : memref<400x32xf32, #tpu.memory_space<hbm>>)
            tpu.yield
          }) : () -> ()
        } else {
        }
      }
      %scan3A_25 = arith.constant 7 : i32
      %barrier3A_26 = arith.constant 0 : index
      tpu.barrier barrier_id(%barrier3A_26)
    }
    %scan3A_4 = arith.constant 3 : i32
    return
  }
}

module attributes {stable_mosaic.version = 14 : i64} {
  func.func @_tc_pre_body(%arg0: i32, %arg1: memref<2000x16xf32, #tpu.memory_space<vmem>>, %arg2: memref<2000x16xf32, #tpu.memory_space<vmem>>, %arg3: memref<2000x1xf32, #tpu.memory_space<vmem>>, %arg4: memref<2000x16xf32, #tpu.memory_space<vmem>>) attributes {dimension_semantics = [#tpu.dimension_semantics<arbitrary>], iteration_bounds = array<i64: 125>, scalar_prefetch = 0 : i64, scratch_operands = 0 : i64, tpu.core_type = #tpu.core_type<tc>, window_params = [{transform_indices = @transform_0, window_bounds = array<i64: 2000, 16>}, {transform_indices = @transform_1, window_bounds = array<i64: 2000, 16>}, {transform_indices = @transform_2, window_bounds = array<i64: 2000, 1>}, {transform_indices = @transform_3, window_bounds = array<i64: 2000, 16>}]} {
    %get3A = arith.constant 0 : index
    %get3A_0 = arith.constant 0 : index
    %get3A_1 = vector.load %arg1[%get3A, %get3A_0] : memref<2000x16xf32, #tpu.memory_space<vmem>>, vector<2000x1xf32>
    %add3A = arith.constant 1.000000e+00 : f32
    %add3A_2 = vector.broadcast %add3A : f32 to vector<2000x1xf32>
    %add3A_3 = arith.addf %get3A_1, %add3A_2 : vector<2000x1xf32>
    %rsqrt3A = math.rsqrt %add3A_3 : vector<2000x1xf32>
    %swap3A = arith.constant 0 : index
    %swap3A_4 = arith.constant 0 : index
    %swap3A_5 = vector.load %arg3[%swap3A, %swap3A_4] : memref<2000x1xf32, #tpu.memory_space<vmem>>, vector<2000x1xf32>
    tpu.vector_store %arg3[%swap3A, %swap3A_4], %rsqrt3A {strides = array<i32>} : memref<2000x1xf32, #tpu.memory_space<vmem>>, vector<2000x1xf32>,
    %get3A_6 = arith.constant 0 : index
    %get3A_7 = arith.constant 0 : index
    %get3A_8 = vector.load %arg2[%get3A_6, %get3A_7] : memref<2000x16xf32, #tpu.memory_space<vmem>>, vector<2000x16xf32>
    %mul3A = vector.broadcast %rsqrt3A : vector<2000x1xf32> to vector<2000x16xf32>
    %mul3A_9 = arith.mulf %get3A_8, %mul3A : vector<2000x16xf32>
    %swap3A_10 = arith.constant 0 : index
    %swap3A_11 = arith.constant 0 : index
    %swap3A_12 = vector.load %arg4[%swap3A_10, %swap3A_11] : memref<2000x16xf32, #tpu.memory_space<vmem>>, vector<2000x16xf32>
    tpu.vector_store %arg4[%swap3A_10, %swap3A_11], %mul3A_9 {strides = array<i32>} : memref<2000x16xf32, #tpu.memory_space<vmem>>, vector<2000x16xf32>,
    return
  }
  func.func @transform_0(%arg0: i32) -> (i32, i32) {
    %c0_i32 = arith.constant 0 : i32
    %c0_i32_0 = arith.constant 0 : i32
    return %arg0, %c0_i32 : i32, i32
  }
  func.func @transform_1(%arg0: i32) -> (i32, i32) {
    %c0_i32 = arith.constant 0 : i32
    %c0_i32_0 = arith.constant 0 : i32
    return %arg0, %c0_i32 : i32, i32
  }
  func.func @transform_2(%arg0: i32) -> (i32, i32) {
    %c0_i32 = arith.constant 0 : i32
    %c0_i32_0 = arith.constant 0 : i32
    return %arg0, %c0_i32 : i32, i32
  }
  func.func @transform_3(%arg0: i32) -> (i32, i32) {
    %c0_i32 = arith.constant 0 : i32
    %c0_i32_0 = arith.constant 0 : i32
    return %arg0, %c0_i32 : i32, i32
  }
}

module attributes {stable_mosaic.version = 14 : i64} {
  func.func @body(%arg0: i32, %arg1: memref<2000x16xf32, #tpu.memory_space<vmem>>, %arg2: memref<2000x16xf32, #tpu.memory_space<vmem>>, %arg3: memref<2000x1xf32, #tpu.memory_space<vmem>>, %arg4: memref<16x32xf32, #tpu.memory_space<vmem>>, %arg5: memref<1x32xf32, #tpu.memory_space<vmem>>, %arg6: memref<2000x32xf32, #tpu.memory_space<vmem>>) attributes {dimension_semantics = [#tpu.dimension_semantics<arbitrary>], iteration_bounds = array<i64: 125>, scalar_prefetch = 0 : i64, scratch_operands = 0 : i64, tpu.core_type = #tpu.core_type<tc>, window_params = [{transform_indices = @transform_0, window_bounds = array<i64: 2000, 16>}, {transform_indices = @transform_1, window_bounds = array<i64: 2000, 16>}, {transform_indices = @transform_2, window_bounds = array<i64: 2000, 1>}, {pipeline_mode = #tpu.pipeline_mode<synchronous>, transform_indices = @transform_3, window_bounds = array<i64: 16, 32>}, {pipeline_mode = #tpu.pipeline_mode<synchronous>, transform_indices = @transform_4, window_bounds = array<i64: 1, 32>}, {transform_indices = @transform_5, window_bounds = array<i64: 2000, 32>}]} {
    %get3A = arith.constant 0 : index
    %get3A_0 = arith.constant 0 : index
    %get3A_1 = vector.load %arg3[%get3A, %get3A_0] : memref<2000x1xf32, #tpu.memory_space<vmem>>, vector<2000x1xf32>
    %get3A_2 = arith.constant 0 : index
    %get3A_3 = arith.constant 0 : index
    %get3A_4 = vector.load %arg1[%get3A_2, %get3A_3] : memref<2000x16xf32, #tpu.memory_space<vmem>>, vector<2000x16xf32>
    %get3A_5 = arith.constant 0 : index
    %get3A_6 = arith.constant 0 : index
    %get3A_7 = vector.load %arg2[%get3A_5, %get3A_6] : memref<2000x16xf32, #tpu.memory_space<vmem>>, vector<2000x16xf32>
    %add3A = arith.addf %get3A_4, %get3A_7 : vector<2000x16xf32>
    %mul3A = vector.broadcast %get3A_1 : vector<2000x1xf32> to vector<2000x16xf32>
    %mul3A_8 = arith.mulf %add3A, %mul3A : vector<2000x16xf32>
    %get3A_9 = arith.constant 0 : index
    %get3A_10 = arith.constant 0 : index
    %get3A_11 = vector.load %arg4[%get3A_9, %get3A_10] : memref<16x32xf32, #tpu.memory_space<vmem>>, vector<16x32xf32>
    %dot_general3A = arith.constant dense<0.000000e+00> : vector<2000x32xf32>
    %dot_general3A_12 = tpu.matmul %mul3A_8, %get3A_11, %dot_general3A {dimension_numbers = #tpu.dot_dimension_numbers<[1], [0], [0], [1], [0, 0, 1, 1], [], []>, precision = #tpu.contract_precision<fp32>, transpose_lhs_hint = false} : vector<2000x16xf32>, vector<16x32xf32>, vector<2000x32xf32> -> vector<2000x32xf32>
    %get3A_13 = arith.constant 0 : index
    %get3A_14 = arith.constant 0 : index
    %get3A_15 = vector.load %arg5[%get3A_13, %get3A_14] : memref<1x32xf32, #tpu.memory_space<vmem>>, vector<1x32xf32>
    %add3A_16 = vector.broadcast %get3A_15 : vector<1x32xf32> to vector<2000x32xf32>
    %add3A_17 = arith.addf %dot_general3A_12, %add3A_16 : vector<2000x32xf32>
    %max3A = arith.constant 0.000000e+00 : f32
    %max3A_18 = vector.broadcast %max3A : f32 to vector<2000x32xf32>
    %max3A_19 = arith.maximumf %add3A_17, %max3A_18 : vector<2000x32xf32>
    %mul3A_20 = vector.broadcast %get3A_1 : vector<2000x1xf32> to vector<2000x32xf32>
    %mul3A_21 = arith.mulf %max3A_19, %mul3A_20 : vector<2000x32xf32>
    %swap3A = arith.constant 0 : index
    %swap3A_22 = arith.constant 0 : index
    %swap3A_23 = vector.load %arg6[%swap3A, %swap3A_22] : memref<2000x32xf32, #tpu.memory_space<vmem>>, vector<2000x32xf32>
    tpu.vector_store %arg6[%swap3A, %swap3A_22], %mul3A_21 {strides = array<i32>} : memref<2000x32xf32, #tpu.memory_space<vmem>>, vector<2000x32xf32>,
    return
  }
  func.func @transform_0(%arg0: i32) -> (i32, i32) {
    %c0_i32 = arith.constant 0 : i32
    %c0_i32_0 = arith.constant 0 : i32
    return %arg0, %c0_i32 : i32, i32
  }
  func.func @transform_1(%arg0: i32) -> (i32, i32) {
    %c0_i32 = arith.constant 0 : i32
    %c0_i32_0 = arith.constant 0 : i32
    return %arg0, %c0_i32 : i32, i32
  }
  func.func @transform_2(%arg0: i32) -> (i32, i32) {
    %c0_i32 = arith.constant 0 : i32
    %c0_i32_0 = arith.constant 0 : i32
    return %arg0, %c0_i32 : i32, i32
  }
  func.func @transform_3(%arg0: i32) -> (i32, i32) {
    %c0_i32 = arith.constant 0 : i32
    %c0_i32_0 = arith.constant 0 : i32
    %c0_i32_1 = arith.constant 0 : i32
    return %c0_i32, %c0_i32_0 : i32, i32
  }
  func.func @transform_4(%arg0: i32) -> (i32, i32) {
    %c0_i32 = arith.constant 0 : i32
    %c0_i32_0 = arith.constant 0 : i32
    %c0_i32_1 = arith.constant 0 : i32
    return %c0_i32, %c0_i32_0 : i32, i32
  }
  func.func @transform_5(%arg0: i32) -> (i32, i32) {
    %c0_i32 = arith.constant 0 : i32
    %c0_i32_0 = arith.constant 0 : i32
    return %arg0, %c0_i32 : i32, i32
  }
}

module attributes {stable_mosaic.version = 14 : i64} {
  func.func @body(%arg0: i32, %arg1: memref<2000x32xf32, #tpu.memory_space<vmem>>, %arg2: memref<2000x32xf32, #tpu.memory_space<vmem>>, %arg3: memref<2000x1xf32, #tpu.memory_space<vmem>>, %arg4: memref<32x32xf32, #tpu.memory_space<vmem>>, %arg5: memref<1x32xf32, #tpu.memory_space<vmem>>, %arg6: memref<2000x32xf32, #tpu.memory_space<vmem>>) attributes {dimension_semantics = [#tpu.dimension_semantics<arbitrary>], iteration_bounds = array<i64: 125>, scalar_prefetch = 0 : i64, scratch_operands = 0 : i64, tpu.core_type = #tpu.core_type<tc>, window_params = [{transform_indices = @transform_0, window_bounds = array<i64: 2000, 32>}, {transform_indices = @transform_1, window_bounds = array<i64: 2000, 32>}, {transform_indices = @transform_2, window_bounds = array<i64: 2000, 1>}, {pipeline_mode = #tpu.pipeline_mode<synchronous>, transform_indices = @transform_3, window_bounds = array<i64: 32, 32>}, {pipeline_mode = #tpu.pipeline_mode<synchronous>, transform_indices = @transform_4, window_bounds = array<i64: 1, 32>}, {transform_indices = @transform_5, window_bounds = array<i64: 2000, 32>}]} {
    %get3A = arith.constant 0 : index
    %get3A_0 = arith.constant 0 : index
    %get3A_1 = vector.load %arg3[%get3A, %get3A_0] : memref<2000x1xf32, #tpu.memory_space<vmem>>, vector<2000x1xf32>
    %get3A_2 = arith.constant 0 : index
    %get3A_3 = arith.constant 0 : index
    %get3A_4 = vector.load %arg1[%get3A_2, %get3A_3] : memref<2000x32xf32, #tpu.memory_space<vmem>>, vector<2000x32xf32>
    %get3A_5 = arith.constant 0 : index
    %get3A_6 = arith.constant 0 : index
    %get3A_7 = vector.load %arg2[%get3A_5, %get3A_6] : memref<2000x32xf32, #tpu.memory_space<vmem>>, vector<2000x32xf32>
    %add3A = arith.addf %get3A_4, %get3A_7 : vector<2000x32xf32>
    %mul3A = vector.broadcast %get3A_1 : vector<2000x1xf32> to vector<2000x32xf32>
    %mul3A_8 = arith.mulf %add3A, %mul3A : vector<2000x32xf32>
    %get3A_9 = arith.constant 0 : index
    %get3A_10 = arith.constant 0 : index
    %get3A_11 = vector.load %arg4[%get3A_9, %get3A_10] : memref<32x32xf32, #tpu.memory_space<vmem>>, vector<32x32xf32>
    %dot_general3A = arith.constant dense<0.000000e+00> : vector<2000x32xf32>
    %dot_general3A_12 = tpu.matmul %mul3A_8, %get3A_11, %dot_general3A {dimension_numbers = #tpu.dot_dimension_numbers<[1], [0], [0], [1], [0, 0, 1, 1], [], []>, precision = #tpu.contract_precision<fp32>, transpose_lhs_hint = false} : vector<2000x32xf32>, vector<32x32xf32>, vector<2000x32xf32> -> vector<2000x32xf32>
    %get3A_13 = arith.constant 0 : index
    %get3A_14 = arith.constant 0 : index
    %get3A_15 = vector.load %arg5[%get3A_13, %get3A_14] : memref<1x32xf32, #tpu.memory_space<vmem>>, vector<1x32xf32>
    %add3A_16 = vector.broadcast %get3A_15 : vector<1x32xf32> to vector<2000x32xf32>
    %add3A_17 = arith.addf %dot_general3A_12, %add3A_16 : vector<2000x32xf32>
    %max3A = arith.constant 0.000000e+00 : f32
    %max3A_18 = vector.broadcast %max3A : f32 to vector<2000x32xf32>
    %max3A_19 = arith.maximumf %add3A_17, %max3A_18 : vector<2000x32xf32>
    %mul3A_20 = vector.broadcast %get3A_1 : vector<2000x1xf32> to vector<2000x32xf32>
    %mul3A_21 = arith.mulf %max3A_19, %mul3A_20 : vector<2000x32xf32>
    %swap3A = arith.constant 0 : index
    %swap3A_22 = arith.constant 0 : index
    %swap3A_23 = vector.load %arg6[%swap3A, %swap3A_22] : memref<2000x32xf32, #tpu.memory_space<vmem>>, vector<2000x32xf32>
    tpu.vector_store %arg6[%swap3A, %swap3A_22], %mul3A_21 {strides = array<i32>} : memref<2000x32xf32, #tpu.memory_space<vmem>>, vector<2000x32xf32>,
    return
  }
  func.func @transform_0(%arg0: i32) -> (i32, i32) {
    %c0_i32 = arith.constant 0 : i32
    %c0_i32_0 = arith.constant 0 : i32
    return %arg0, %c0_i32 : i32, i32
  }
  func.func @transform_1(%arg0: i32) -> (i32, i32) {
    %c0_i32 = arith.constant 0 : i32
    %c0_i32_0 = arith.constant 0 : i32
    return %arg0, %c0_i32 : i32, i32
  }
  func.func @transform_2(%arg0: i32) -> (i32, i32) {
    %c0_i32 = arith.constant 0 : i32
    %c0_i32_0 = arith.constant 0 : i32
    return %arg0, %c0_i32 : i32, i32
  }
  func.func @transform_3(%arg0: i32) -> (i32, i32) {
    %c0_i32 = arith.constant 0 : i32
    %c0_i32_0 = arith.constant 0 : i32
    %c0_i32_1 = arith.constant 0 : i32
    return %c0_i32, %c0_i32_0 : i32, i32
  }
  func.func @transform_4(%arg0: i32) -> (i32, i32) {
    %c0_i32 = arith.constant 0 : i32
    %c0_i32_0 = arith.constant 0 : i32
    %c0_i32_1 = arith.constant 0 : i32
    return %c0_i32, %c0_i32_0 : i32, i32
  }
  func.func @transform_5(%arg0: i32) -> (i32, i32) {
    %c0_i32 = arith.constant 0 : i32
    %c0_i32_0 = arith.constant 0 : i32
    return %arg0, %c0_i32 : i32, i32
  }
}

module attributes {stable_mosaic.version = 14 : i64} {
  func.func @body(%arg0: i32, %arg1: memref<2000x32xf32, #tpu.memory_space<vmem>>, %arg2: memref<2000x32xf32, #tpu.memory_space<vmem>>, %arg3: memref<2000x1xf32, #tpu.memory_space<vmem>>, %arg4: memref<32x144xf32, #tpu.memory_space<vmem>>, %arg5: memref<1x144xf32, #tpu.memory_space<vmem>>, %arg6: memref<2000x144xf32, #tpu.memory_space<vmem>>) attributes {dimension_semantics = [#tpu.dimension_semantics<arbitrary>], iteration_bounds = array<i64: 125>, scalar_prefetch = 0 : i64, scratch_operands = 0 : i64, tpu.core_type = #tpu.core_type<tc>, window_params = [{transform_indices = @transform_0, window_bounds = array<i64: 2000, 32>}, {transform_indices = @transform_1, window_bounds = array<i64: 2000, 32>}, {transform_indices = @transform_2, window_bounds = array<i64: 2000, 1>}, {pipeline_mode = #tpu.pipeline_mode<synchronous>, transform_indices = @transform_3, window_bounds = array<i64: 32, 144>}, {pipeline_mode = #tpu.pipeline_mode<synchronous>, transform_indices = @transform_4, window_bounds = array<i64: 1, 144>}, {transform_indices = @transform_5, window_bounds = array<i64: 2000, 144>}]} {
    %get3A = arith.constant 0 : index
    %get3A_0 = arith.constant 0 : index
    %get3A_1 = vector.load %arg3[%get3A, %get3A_0] : memref<2000x1xf32, #tpu.memory_space<vmem>>, vector<2000x1xf32>
    %get3A_2 = arith.constant 0 : index
    %get3A_3 = arith.constant 0 : index
    %get3A_4 = vector.load %arg1[%get3A_2, %get3A_3] : memref<2000x32xf32, #tpu.memory_space<vmem>>, vector<2000x32xf32>
    %get3A_5 = arith.constant 0 : index
    %get3A_6 = arith.constant 0 : index
    %get3A_7 = vector.load %arg2[%get3A_5, %get3A_6] : memref<2000x32xf32, #tpu.memory_space<vmem>>, vector<2000x32xf32>
    %add3A = arith.addf %get3A_4, %get3A_7 : vector<2000x32xf32>
    %mul3A = vector.broadcast %get3A_1 : vector<2000x1xf32> to vector<2000x32xf32>
    %mul3A_8 = arith.mulf %add3A, %mul3A : vector<2000x32xf32>
    %get3A_9 = arith.constant 0 : index
    %get3A_10 = arith.constant 0 : index
    %get3A_11 = vector.load %arg4[%get3A_9, %get3A_10] : memref<32x144xf32, #tpu.memory_space<vmem>>, vector<32x144xf32>
    %dot_general3A = arith.constant dense<0.000000e+00> : vector<2000x144xf32>
    %dot_general3A_12 = tpu.matmul %mul3A_8, %get3A_11, %dot_general3A {dimension_numbers = #tpu.dot_dimension_numbers<[1], [0], [0], [1], [0, 0, 1, 1], [], []>, precision = #tpu.contract_precision<fp32>, transpose_lhs_hint = false} : vector<2000x32xf32>, vector<32x144xf32>, vector<2000x144xf32> -> vector<2000x144xf32>
    %get3A_13 = arith.constant 0 : index
    %get3A_14 = arith.constant 0 : index
    %get3A_15 = vector.load %arg5[%get3A_13, %get3A_14] : memref<1x144xf32, #tpu.memory_space<vmem>>, vector<1x144xf32>
    %add3A_16 = vector.broadcast %get3A_15 : vector<1x144xf32> to vector<2000x144xf32>
    %add3A_17 = arith.addf %dot_general3A_12, %add3A_16 : vector<2000x144xf32>
    %swap3A = arith.constant 0 : index
    %swap3A_18 = arith.constant 0 : index
    %swap3A_19 = vector.load %arg6[%swap3A, %swap3A_18] : memref<2000x144xf32, #tpu.memory_space<vmem>>, vector<2000x144xf32>
    tpu.vector_store %arg6[%swap3A, %swap3A_18], %add3A_17 {strides = array<i32>} : memref<2000x144xf32, #tpu.memory_space<vmem>>, vector<2000x144xf32>,
    return
  }
  func.func @transform_0(%arg0: i32) -> (i32, i32) {
    %c0_i32 = arith.constant 0 : i32
    %c0_i32_0 = arith.constant 0 : i32
    return %arg0, %c0_i32 : i32, i32
  }
  func.func @transform_1(%arg0: i32) -> (i32, i32) {
    %c0_i32 = arith.constant 0 : i32
    %c0_i32_0 = arith.constant 0 : i32
    return %arg0, %c0_i32 : i32, i32
  }
  func.func @transform_2(%arg0: i32) -> (i32, i32) {
    %c0_i32 = arith.constant 0 : i32
    %c0_i32_0 = arith.constant 0 : i32
    return %arg0, %c0_i32 : i32, i32
  }
  func.func @transform_3(%arg0: i32) -> (i32, i32) {
    %c0_i32 = arith.constant 0 : i32
    %c0_i32_0 = arith.constant 0 : i32
    %c0_i32_1 = arith.constant 0 : i32
    return %c0_i32, %c0_i32_0 : i32, i32
  }
  func.func @transform_4(%arg0: i32) -> (i32, i32) {
    %c0_i32 = arith.constant 0 : i32
    %c0_i32_0 = arith.constant 0 : i32
    %c0_i32_1 = arith.constant 0 : i32
    return %c0_i32, %c0_i32_0 : i32, i32
  }
  func.func @transform_5(%arg0: i32) -> (i32, i32) {
    %c0_i32 = arith.constant 0 : i32
    %c0_i32_0 = arith.constant 0 : i32
    return %arg0, %c0_i32 : i32, i32
  }
}

</mosaic_0001>

<sc_bundles>
// kernel: kernel.10.cloned.1.call-start
scs
__scs_entry_jumppad:
0x0: {  	(pc) =	sbr.rel $0x88, $3  }
0x1: {  	(tag) =	ssettag $0x0;
	lr =	simm.s32 $0x1  }
0x2: {  	[smem:$0x3F99] =	sst lr;
	_ =	strace $0xD0000000  }
0x3: {  	_ = 	snop  }
0x4: {  	_ = 	snop  }
0x5: {  	_ = 	snop  }
0x6: {  	_ = 	snop  }
0x7: {  	_ = 	snop  }
__scs_overlays_trampoline_lowered:
0x8: {  	[smem:$0x3FA8] =	sst s0  }
0x9: {  	[smem:$0x3FA9] =	sst s1  }
0xa: {  	[smem:$0x3FAA] =	sst s2  }
0xb: {  	[smem:$0x3FAB] =	sst s3  }
0xc: {  	[smem:$0x3FAC] =	sst s4  }
0xd: {  	[smem:$0x3FAD] =	sst s5  }
0xe: {  	[smem:$0x3FAE] =	sst s6  }
0xf: {  	[smem:$0x3FAF] =	sst s7  }
0x10: {  	[smem:$0x3FB0] =	sst s8  }
0x11: {  	[smem:$0x3FB1] =	sst s9;
	s0 =	simm.s32 @!p0 $0x0  }
0x12: {  	s1 =	sld [smem:$0x3F97];
	s0 =	simm.s32 @p0 $0x1  }
0x13: {  	[smem:$0x3FB2] =	sst s0;
	s0 =	simm.s32 @!p1 $0x0  }
0x14: {  	s2 =	sld [smem:$0x3F96];
	s0 =	simm.s32 @p1 $0x1  }
0x15: {  	[smem:$0x3FB3] =	sst s0;
	s0 =	simm.s32 @!p2 $0x0  }
0x16: {  	s3 =	sld [smem:$0x3FDB];
	s0 =	simm.s32 @p2 $0x1  }
0x17: {  	s4 =	simm.s32 $0x1BF5;
	[smem:$0x3FB5] =	sst s0  }
0x18: {  	s0 =	sld [smem:$0x3F98];
	_ =	swait.ge [sflag:s4], $0x0  }
0x19: {  	s7 =	sld [smem:$0x3F99]  }
0x1a: {  	s8 =	sadd.s32 $0xFFFFE003, lr  }
0x1b: {  	s9 =	sadd.s32 $0xFFFFFEF7, lr;
	s5 =	simm.s32 $0xFFFFFFFF;
	p2 =	slt.u32 s8, $0xFFFFF086  }
0x1c: {  	p1 =	slt.u32 s9, $0xF7A;
	s5 =	simm.s32 @!p2 $0x0  }
0x1d: {  	s5 =	simm.s32 @p1 $0x1;
	p0 =	seq.s32 s7, s2  }
0x1e: {  	s7 =	smul.u32 @!p0 $0xF7A, s2;
	p2 =	seq.s32 @!p0 s5, $0x0  }
0x1f: {  	s9 =	smul.u32 $0xF7A, s1;
	s8 =	simm.s32 @!p0 $0x1BF5;
	p2 =	por !p2, p0  }
0x20: {  	[sflag:s8] =	ssyncset.s32 @!p0 $0xFFFFF086;
	s6 =	sadd.s32 @!p0 s3, s7;
	s7 =	simm.s32 @!p0 $0x108  }
0x21: {  	s3 =	sadd.s32 s3, s9;
	s6 =	sadd.s32 @!p0 $0x88, s6;
	s7 =	simm.s32 @p2 $0x1082  }
0x22: {  	[simem:s7], [sflag:s8] =	dma.local @!p0 [hbm:s6], $0xF7A  }
0x23: {  	s9 =	sor.u32 $0xD0000000, s2;
	s6 =	simm.s32 $0x108;
	_ =	swait.ge @!p0 [sflag:s8], $0x0  }
0x24: {  	s3 =	sadd.s32 $0x88, s3;
	s6 =	simm.s32 @!p1 $0x1082;
	[sflag:s4] =	ssyncset.s32 $0xFFFFF086  }
0x25: {  	[simem:s6], [sflag:s4] =	dma.local [hbm:s3], $0xF7A  }
0x26: {  	[smem:$0x3F99] =	sst s1;
	(tag) =	ssettag s2;
	_ =	strace s9  }
0x27: {  	s1 =	sld [smem:$0x3FA9]  }
0x28: {  	s2 =	sld [smem:$0x3FAA]  }
0x29: {  	s4 =	sld [smem:$0x3FAC]  }
0x2a: {  	p0 =	seq.s32 s5, $0x0;
	s5 =	sld [smem:$0x3FAD]  }
0x2b: {  	s6 =	sld [smem:$0x3FAE]  }
0x2c: {  	s7 =	sld [smem:$0x3FAF]  }
0x2d: {  	s3 =	simm.s32 $0x108;
	s8 =	sld [smem:$0x3FB0]  }
0x2e: {  	s3 =	simm.s32 @!p0 $0x1082;
	s9 =	sld [smem:$0x3FB1]  }
0x2f: {  	lr =	sadd.s32 s0, s3;
	s0 =	sld [smem:$0x3FA8]  }
0x30: {  	s3 =	sld [smem:$0x3FAB]  }
0x31: {  	[smem:$0x3FB4] =	sst s10  }
0x32: {  	s10 =	sld [smem:$0x3FB2];
	_ =	sdelay $0x3  }
0x33: {  	p0 =	seq.s32 s10, $0x1;
	s10 =	sld [smem:$0x3FB4];
	_ =	sdelay $0x3  }
0x34: {  	[smem:$0x3FB4] =	sst s10  }
0x35: {  	s10 =	sld [smem:$0x3FB3];
	_ =	sdelay $0x3  }
0x36: {  	p1 =	seq.s32 s10, $0x1;
	s10 =	sld [smem:$0x3FB4];
	_ =	sdelay $0x3  }
0x37: {  	[smem:$0x3FB4] =	sst s10  }
0x38: {  	s10 =	sld [smem:$0x3FB5]  }
0x39: {  	_ = 	snop;
	(pc) =	sbr.ind lr, $3  }
0x3a: {  	_ = 	snop  }
0x3b: {  	_ = 	snop  }
0x3c: {  	p2 =	seq.s32 s10, $0x1;
	s10 =	sld [smem:$0x3FB4]  }
0x3d: {  	_ =	shalt  }
0x3e: {  	_ =	shalt  }
0x3f: {  	_ =	shalt  }
0x40: {  	_ =	shalt  }
0x41: {  	_ =	shalt  }
0x42: {  	_ =	shalt  }
0x43: {  	_ =	shalt  }
0x44: {  	_ =	shalt  }
0x45: {  	_ =	shalt  }
0x46: {  	_ =	shalt  }
0x47: {  	_ =	shalt  }
0x48: {  	_ =	shalt  }
0x49: {  	_ =	shalt  }
0x4a: {  	_ =	shalt  }
0x4b: {  	_ =	shalt  }
0x4c: {  	_ =	shalt  }
0x4d: {  	_ =	shalt  }
0x4e: {  	_ =	shalt  }
0x4f: {  	_ =	shalt  }
0x50: {  	_ =	shalt  }
0x51: {  	_ =	shalt  }
0x52: {  	_ =	shalt  }
0x53: {  	_ =	shalt  }
0x54: {  	_ =	shalt  }
0x55: {  	_ =	shalt  }
0x56: {  	_ =	shalt  }
0x57: {  	_ =	shalt  }
0x58: {  	_ =	shalt  }
0x59: {  	_ =	shalt  }
0x5a: {  	_ =	shalt  }
0x5b: {  	_ =	shalt  }
0x5c: {  	_ =	shalt  }
0x5d: {  	_ =	shalt  }
0x5e: {  	_ =	shalt  }
0x5f: {  	_ =	shalt  }
0x60: {  	_ =	shalt  }
0x61: {  	_ =	shalt  }
0x62: {  	_ =	shalt  }
0x63: {  	_ =	shalt  }
0x64: {  	_ =	shalt  }
0x65: {  	_ =	shalt  }
0x66: {  	_ =	shalt  }
0x67: {  	_ =	shalt  }
0x68: {  	_ =	shalt  }
0x69: {  	_ =	shalt  }
0x6a: {  	_ =	shalt  }
0x6b: {  	_ =	shalt  }
0x6c: {  	_ =	shalt  }
0x6d: {  	_ =	shalt  }
0x6e: {  	_ =	shalt  }
0x6f: {  	_ =	shalt  }
0x70: {  	_ =	shalt  }
0x71: {  	_ =	shalt  }
0x72: {  	_ =	shalt  }
0x73: {  	_ =	shalt  }
0x74: {  	_ =	shalt  }
0x75: {  	_ =	shalt  }
0x76: {  	_ =	shalt  }
0x77: {  	_ =	shalt  }
0x78: {  	_ =	shalt  }
0x79: {  	_ =	shalt  }
0x7a: {  	_ =	shalt  }
0x7b: {  	_ =	shalt  }
0x7c: {  	_ =	shalt  }
0x7d: {  	_ =	shalt  }
0x7e: {  	_ =	shalt  }
0x7f: {  	_ =	shalt  }
0x80: {  	_ =	shalt  }
0x81: {  	_ =	shalt  }
0x82: {  	_ =	shalt  }
0x83: {  	_ =	shalt  }
0x84: {  	_ =	shalt  }
0x85: {  	_ =	shalt  }
0x86: {  	_ =	shalt  }
0x87: {  	_ =	shalt  }
.Lfunc_end0:
.L_simem_size_0:
called_computation.1_lowered:
.L_overlay_start_0:
0x88: {  	s2 =	sld [smem:$0x3FD9]  }
0x89: {  	s3 =	sld [smem:$0x3FFE];
	_ =	sdelay $0x1  }
0x8a: {  	s1 =	srdreg.scid  }
0x8b: {  	s0 =	sand.u32 $0x1, s1  }
0x8c: {  	s16 =	sshll.u32 s0, $0xA;
	s2 =	sadd.s32 s3, s2  }
0x8d: {  	s2 =	sadd.s32 s2, s16  }
0x8e: {  	[smem:$0x3FC0] =	sst s2  }
0x8f: {  	_ = 	snop  }
0x90: {  	(tm) =	ssettm $0x1  }
0x91: {  	s17 =	sld [smem:$0x3FFB];
	_ =	sdelay $0x3  }
0x92: {  	_ =	strace s17  }
0x93: {  	s2 =	sld [smem:$0x3FFC];
	_ =	sdelay $0x3  }
0x94: {  	_ =	strace s2  }
0x95: {  	s2 =	sld [smem:$0x3FFD];
	_ =	sdelay $0x3  }
0x96: {  	_ =	strace s2  }
0x97: {  	_ =	strace $0x8FFFFFFF  }
0x98: {  	s18 =	sld [smem:$0x3FDB];
	_ =	sdelay $0x1  }
0x99: {  	s19 =	simm.s32 $_scs_section_size  }
0x9a: {  	s4 =	simm.s32 $_size__tile_overlayer_lowered;
	s5 =	simm.s32 $_tile_overlayer_lowered  }
0x9b: {  	s22 =	simm.s32 $0x1BFF;
	s21 =	sshll.u32 s5, $0x1;
	s2 =	sadd.s32 s19, s18  }
0x9c: {  	s6 =	simm.s32 $0x0;
	s20 =	sshll.u32 s4, $0x1;
	s4 =	sadd.s32 s21, s2  }
0x9d: {  	[timem:s6], [sflag:s22] =	dma.local [hbm:s4], s20  }
0x9e: {  	_ =	swait.ge [sflag:s22], s20  }
0x9f: {  	s3 =	ssub.s32 $0x0, s20;
	[sflag:s22] =	ssyncset.done $0x0  }
0xa0: {  	[sflag:s22] =	ssyncadd.s32 s3;
	_ =	sdelay $0x1  }
0xa1: {  	s23 =	simm.s32 $0x1B8B  }
0xa2: {  	_ =	swait.ge [sflag:s23], $0x1  }
0xa3: {  	[sflag:s23] =	ssyncset.done $0x0  }
0xa4: {  	s25 =	simm.s32 $0x1B8E;
	s24 =	sld [smem:$0x3FFE];
	[sflag:s23] =	ssyncadd.s32 $0xFFFFFFFF  }
0xa5: {  	s26 =	simm.s32 $execute0_lowered;
	[smem:$0x3FD2] =	sst s25  }
0xa6: {  	s4 =	sshll.u32 s26, $0x1;
	_ =	strace $0x80000046;
	[dreg:$0x1] =	wrdreg $0xFFFFFFFF  }
0xa7: {  	s28 =	simm.s32 $_size_execute0_lowered;
	s2 =	sadd.s32 s2, s4;
	[dreg:$0x0] =	wrdreg $0x0  }
0xa8: {  	s4 =	sshll.u32 s28, $0x1;
	[dreg:$0x2] =	wrdreg s2  }
0xa9: {  	[dreg:$0x3] =	wrdreg s4  }
0xaa: {  	[dreg:$0x4] =	wrdreg $0xC0  }
0xab: {  	_ =	task [dreg:s6], $0x5FFFF  }
0xac: {  	[dreg:$0x1] =	wrdreg $0xFFFFFFFF  }
0xad: {  	[dreg:$0x0] =	wrdreg $0x60  }
0xae: {  	[dreg:$0x2] =	wrdreg s24  }
0xaf: {  	[dreg:$0x3] =	wrdreg $0x48000  }
0xb0: {  	[dreg:$0x4] =	wrdreg $0x9  }
0xb1: {  	_ =	task.clear_ibuf [dreg:s6], $0x5FFFF;
	_ =	strace $0x90000046  }
0xb2: {  	s29 =	simm.s32 $0x9;
	_ =	strace $0x80000048  }
0xb3: {  	_ =	swait.ge [sflag:s29], $0x1  }
0xb4: {  	[sflag:s29] =	ssyncadd.s32 $0xFFFFFFFF  }
0xb5: {  	_ =	strace $0x90000048  }
0xb6: {  	_ =	sfence  }
0xb7: {  	s30 =	sld [smem:$0x0];
	_ =	sdelay $0x2  }
0xb8: {  	s31 =	sshll.u32 s1, $0xD;
	s1 =	sshrl.u32 s1, $0x2  }
0xb9: {  	s3 =	sand.u32 $0x4000, s31;
	s1 =	sadd.s32 s1, s30  }
0xba: {  	s0 =	sor.u32 s3, s0;
	s1 =	sshll.u32 s1, $0x11  }
0xbb: {  	s0 =	sor.u32 s1, s0  }
0xbc: {  	s0 =	sadd.s32 $0x8F2B, s0  }
0xbd: {  	[sflag:s0] =	ssyncadd.remote.s32 $0x1  }
0xbe: {  	_ =	sfence.sel $0xFFFF  }
0xbf: {  	[dreg:$0x0] =	wrdreg $0xFFFFFFFF;
	(pc) =	sbr.abs _section_cstart, $3  }
0xc0: {  	[dreg:$0x1] =	wrdreg $0xFFFFFFFF  }
0xc1: {  	_ =	task.clear_ibuf [dreg:s6], $0x2FFFF;
	_ =	strace $0x9FFFFFFF  }
0xc2: {  	(tm) =	ssettm $0x7FFFFFFF  }
0xc3: {  	_ =	shalt  }
tec
execute0_lowered:
.L_overlay_start_1:
0x0: {  	(tag) =	ssettag $0x1  }
0x1: {  	s0 =	rddreg [dreg:$0x0]  }
0x2: {  	s2 =	rddreg [dreg:$0x1];
	s17 =	stileid.u32;
	s3 =	simm.s32 $0x0  }
0x3: {  	s7 =	srdreg.scid;
	s28 =	simm.s32 $0x600;
	s1 =	smul.u32 $0x3D80, s17  }
0x4: {  	s29 =	simm.s32 $0x680;
	s30 =	simm.s32 $0x700;
	s5 =	smul.u32 $0xFA80, s17  }
0x5: {  	s31 =	simm.s32 $0x780;
	[smem:$0x7FF] =	sst s3;
	s8 =	smul.u32 $0x1EC00, s17  }
0x6: {  	s4 =	sadd.s32 $0x1D0E00, s0;
	s10 =	smul.u32 $0x6400, s17;
	s11 =	sor.u32 $0x10, s17  }
0x7: {  	s6 =	sadd.s32 $0xBB800, s0;
	s7 =	sand.u32 $0x1, s7;
	s12 =	smul.u32 $0x190, s11  }
0x8: {  	s13 =	sor.u32 $0x20, s17;
	s16 =	sshll.u32 s17, $0x6;
	s26 =	smul.u32 $0x6400, s11  }
0x9: {  	s21 =	sor.u32 $0x40, s17;
	_ =	strace $0x80000047;
	s15 =	smul.u32 $0x190, s13  }
0xa: {  	[dreg:$0x7] =	wrdreg s6;
	s9 =	ssub.s32 $0x2, s7;
	s13 =	smul.u32 $0x6400, s13  }
0xb: {  	s14 =	sshll.u32 s7, $0x1;
	s11 =	sor.u32 $0x1C03, s16;
	s22 =	smul.u32 $0x190, s21  }
0xc: {  	s7 =	smul.u32 $0x3D8000, s7;
	s1 =	sadd.s32 s1, s0;
	s24 =	sshrl.u32 s5, $0x3  }
0xd: {  	s25 =	sshrl.u32 s9, $0x1;
	[dreg:$0xa] =	wrdreg s14;
	s5 =	sadd.s32 s5, s2  }
0xe: {  	s14 =	sor.u32 $0x30, s17;
	s19 =	sshrl.u32 s10, $0x2;
	[dreg:$0x9] =	wrdreg s12  }
0xf: {  	s6 =	sadd.s32 s24, s0;
	[dreg:$0xb] =	wrdreg s15;
	s18 =	smul.u32 $0x190, s14  }
0x10: {  	s0 =	sadd.s32 $0x24B000, s0;
	s20 =	smul.u32 $0x6400, s14;
	[dreg:$0x10] =	wrdreg s22  }
0x11: {  	s23 =	sshrl.u32 s26, $0x2;
	s24 =	smul.u32 $0x6400, s21;
	s13 =	sshrl.u32 s13, $0x2  }
0x12: {  	s1 =	sadd.s32 $0x7E000, s1;
	s7 =	sadd.s32 s8, s7;
	[dreg:$0x8] =	wrdreg s0  }
0x13: {  	s8 =	simm.s32 $0x100;
	s14 =	sor.u32 $0x60, s17;
	[dreg:$0x12] =	wrdreg s7  }
0x14: {  	s15 =	simm.s32 $0x180;
	s22 =	sor.u32 $0x80, s17;
	[dreg:$0x3] =	wrdreg s1  }
0x15: {  	s5 =	sshrl.u32 s5, $0x3;
	s0 =	ssub.s32 s9, s25;
	[dreg:$0x5] =	wrdreg s8  }
0x16: {  	s6 =	sadd.s32 $0x1B1800, s6;
	[dreg:$0x6] =	wrdreg s15;
	s7 =	smul.u32 $0x6400, s14  }
0x17: {  	s25 =	sor.u32 $0x50, s17;
	s15 =	smul.u32 $0x6400, s22;
	[dreg:$0x18] =	wrdreg s5  }
0x18: {  	s13 =	sadd.s32 s13, s2;
	[dreg:$0xc] =	wrdreg s6;
	s26 =	smul.u32 $0x190, s25  }
0x19: {  	s5 =	simm.s32 $0x3;
	[dreg:$0xe] =	wrdreg s18;
	s12 =	smul.u32 $0x6400, s25  }
0x1a: {  	s0 =	smax.u32 s0, $0x1;
	s6 =	sadd.s32 s23, s2;
	s18 =	smul.u32 $0x190, s14  }
0x1b: {  	s10 =	sshrl.u32 s20, $0x2;
	s16 =	sshrl.u32 s24, $0x2;
	s24 =	smul.u32 $0x190, s22  }
0x1c: {  	[dreg:$0xf] =	wrdreg s0;
	s0 =	sadd.s32 s19, s2;
	s10 =	sadd.s32 s10, s2  }
0x1d: {  	s1 =	sadd.s32 s16, s2;
	s19 =	sor.u32 $0x70, s17;
	s7 =	sshrl.u32 s7, $0x2  }
0x1e: {  	s25 =	sshrl.u32 s15, $0x2;
	s15 =	sshrl.u32 s6, $0x3;
	[dreg:$0x11] =	wrdreg s26  }
0x1f: {  	s6 =	simm.s32 $0x0;
	[dreg:$0x13] =	wrdreg s18;
	s20 =	sshrl.u32 s12, $0x2  }
0x20: {  	s21 =	smul.u32 $0x6400, s19;
	s18 =	sor.u32 $0x90, s17;
	s7 =	sadd.s32 s7, s2  }
0x21: {  	s8 =	smul.u32 $0x190, s19;
	[dreg:$0x16] =	wrdreg s24;
	s0 =	sshrl.u32 s0, $0x3  }
0x22: {  	[dreg:$0x1a] =	wrdreg s15;
	s19 =	sshrl.u32 s10, $0x3;
	s24 =	smul.u32 $0x190, s17  }
0x23: {  	s10 =	simm.s32 $0x1000;
	s15 =	simm.s32 $0x200;
	[dreg:$0x19] =	wrdreg s0  }
0x24: {  	s17 =	simm.s32 $0x280;
	s9 =	sadd.s32 s20, s2;
	[dreg:$0x1c] =	wrdreg s19  }
0x25: {  	s16 =	smul.u32 $0x6400, s18;
	s20 =	sshrl.u32 s1, $0x3;
	[dreg:$0x14] =	wrdreg s18  }
0x26: {  	s22 =	sshrl.u32 s7, $0x3;
	s7 =	simm.s32 $0x400;
	[dreg:$0x15] =	wrdreg s8  }
0x27: {  	s19 =	simm.s32 $0x300;
	s0 =	simm.s32 $0x2;
	[dreg:$0x1d] =	wrdreg s20  }
0x28: {  	s12 =	sshrl.u32 s21, $0x2;
	s21 =	sshrl.u32 s9, $0x3;
	[dreg:$0x1f] =	wrdreg s22  }
0x29: {  	[smem:$0x7FB] =	sst s24;
	s8 =	simm.s32 $0x80;
	s9 =	simm.s32 $0x800  }
0x2a: {  	s20 =	simm.s32 $0x3800;
	s22 =	simm.s32 $0x4000;
	s24 =	simm.s32 $0x480  }
0x2b: {  	s23 =	sadd.s32 s12, s2;
	s26 =	sshrl.u32 s16, $0x2;
	s12 =	sadd.s32 s25, s2  }
0x2c: {  	s16 =	sshrl.u32 s13, $0x3;
	s13 =	smov.u32 s11;
	[dreg:$0x1e] =	wrdreg s21  }
0x2d: {  	s21 =	simm.s32 $0x380;
	s14 =	sadd.s32 s26, s2;
	[dreg:$0x1b] =	wrdreg s16  }
0x2e: {  	s23 =	sshrl.u32 s23, $0x3;
	s25 =	sshrl.u32 s12, $0x3;
	[dreg:$0xd] =	wrdreg s13  }
0x2f: {  	s26 =	smul.u32 $0x190, s18;
	s12 =	simm.s32 $0x1800;
	[dreg:$0x17] =	wrdreg s14  }
0x30: {  	s16 =	simm.s32 $0x2800;
	s18 =	simm.s32 $0x3000;
	[smem:$0x7FA] =	sst s23  }
0x31: {  	[smem:$0x7FC] =	sst s25;
	s14 =	simm.s32 $0x2000;
	s23 =	simm.s32 $0x1  }
0x32: {  	s25 =	simm.s32 $0x500;
	[smem:$0x7FD] =	sst s26;
	s26 =	simm.s32 $0x580  }
.LBB2_1:
0x33: {  	[smem:$0x7F9] =	sst s6;
	p1 =	por $0x1, $0x1;
	s1 =	simm.s32 $0x0  }
.LBB2_2:
0x34: {  	s6 =	rddreg [dreg:$0xc]  }
0x35: {  	s11 =	rddreg [dreg:$0x18]  }
0x36: {  	[spmem:s11], [sflag:s13] =	dma.local [hbm:s6], $0x1F50  }
0x37: {  	_ =	swait.ge [sflag:s5], $0x1F50  }
0x38: {  	[sflag:s5] =	ssyncset.done $0x0  }
0x39: {  	[sflag:s5] =	ssyncadd.s32 $0xFFFFE0B0  }
0x3a: {  	s11 =	smul.u32 $0x1EC000, s1;
	[bflag:$0x0] =	sbarrier.arrive $0xFFFF  }
0x3b: {  	s13 =	rddreg [dreg:$0x12]  }
0x3c: {  	s6 =	sadd.s32 s11, s13;
	s13 =	rddreg [dreg:$0x3]  }
0x3d: {  	s11 =	rddreg [dreg:$0x7];
	s6 =	sshrl.u32 s6, $0x3  }
0x3e: {  	s13 =	sadd.s32 $0x0, s13;
	s6 =	sadd.s32 s6, s11  }
0x3f: {  	[tilespmem:s3], [sflag:$0x3] =	stream.linear.gather [hbm4b:s13+s3], $0x400, $0x38;
	[tilespmem:$0x14280] =	vst v63  }
0x40: {  	[dreg:$0x4] =	wrdreg s6  }
0x41: {  	_ =	swait.ge [sflag:s5], $0x400  }
0x42: {  	s11 =	rddreg [dreg:$0x4];
	[sflag:s5] =	ssyncset.done $0x0  }
0x43: {  	[sflag:s5] =	ssyncadd.s32 $0xFFFFFC00;
	s6 =	sadd.s32 $0x0, s11  }
0x44: {  	[tilespmem:s7], [sflag:$0x3] =	stream.linear.gather [hbm4b:s6+s3], $0x400, $0x38;
	[tilespmem:$0x14280] =	vst v63  }
0x45: {  	_ =	swait.ge [sflag:s5], $0x400  }
0x46: {  	[sflag:s5] =	ssyncset.done $0x0  }
0x47: {  	[sflag:s5] =	ssyncadd.s32 $0xFFFFFC00  }
0x48: {  	[tilespmem:s9], [sflag:$0x1] =	stream.indirect.gather [hbm4b:s4+s8], $0x10, s3, s8, $0xb8;
	[tilespmem:$0x14280] =	vst v63  }
0x49: {  	_ = 	snop  }
0x4a: {  	[tilespmem:s10], [sflag:$0x1] =	stream.indirect.gather [hbm4b:s4+s8], $0x10, s8, s8, $0xb8;
	[tilespmem:$0x14280] =	vst v63  }
0x4b: {  	s13 =	rddreg [dreg:$0x5]  }
0x4c: {  	[tilespmem:s12], [sflag:$0x1] =	stream.indirect.gather [hbm4b:s4+s8], $0x10, s13, s8, $0xb8;
	[tilespmem:$0x14280] =	vst v63  }
0x4d: {  	s11 =	rddreg [dreg:$0x6]  }
0x4e: {  	[tilespmem:s14], [sflag:$0x1] =	stream.indirect.gather [hbm4b:s4+s8], $0x10, s11, s8, $0xb8;
	[tilespmem:$0x14280] =	vst v63  }
0x4f: {  	_ = 	snop  }
0x50: {  	[tilespmem:s16], [sflag:$0x1] =	stream.indirect.gather [hbm4b:s4+s8], $0x10, s15, s8, $0xb8;
	[tilespmem:$0x14280] =	vst v63  }
0x51: {  	_ = 	snop  }
0x52: {  	[tilespmem:s18], [sflag:$0x1] =	stream.indirect.gather [hbm4b:s4+s8], $0x10, s17, s8, $0xb8;
	[tilespmem:$0x14280] =	vst v63  }
0x53: {  	_ = 	snop  }
0x54: {  	[tilespmem:s20], [sflag:$0x1] =	stream.indirect.gather [hbm4b:s4+s8], $0x10, s19, s8, $0xb8;
	[tilespmem:$0x14280] =	vst v63  }
0x55: {  	_ = 	snop  }
0x56: {  	[tilespmem:s22], [sflag:$0x1] =	stream.indirect.gather [hbm4b:s4+s8], $0x10, s21, s8, $0xb8;
	[tilespmem:$0x14280] =	vst v63  }
0x57: {  	_ =	swait.ge [sflag:s23], $0x800  }
0x58: {  	[sflag:s23] =	ssyncset.done $0x0  }
0x59: {  	[sflag:s23] =	ssyncadd.s32 $0xFFFFF800  }
0x5a: {  	_ =	swait.ge [sflag:s23], $0x800  }
0x5b: {  	[sflag:s23] =	ssyncset.done $0x0  }
0x5c: {  	[sflag:s23] =	ssyncadd.s32 $0xFFFFF800  }
0x5d: {  	_ =	swait.ge [sflag:s23], $0x800  }
0x5e: {  	[sflag:s23] =	ssyncset.done $0x0  }
0x5f: {  	[sflag:s23] =	ssyncadd.s32 $0xFFFFF800  }
0x60: {  	_ =	swait.ge [sflag:s23], $0x800  }
0x61: {  	[sflag:s23] =	ssyncset.done $0x0  }
0x62: {  	[sflag:s23] =	ssyncadd.s32 $0xFFFFF800  }
0x63: {  	_ =	swait.ge [sflag:s23], $0x800  }
0x64: {  	[sflag:s23] =	ssyncset.done $0x0  }
0x65: {  	[sflag:s23] =	ssyncadd.s32 $0xFFFFF800  }
0x66: {  	_ =	swait.ge [sflag:s23], $0x800  }
0x67: {  	[sflag:s23] =	ssyncset.done $0x0  }
0x68: {  	[sflag:s23] =	ssyncadd.s32 $0xFFFFF800  }
0x69: {  	_ =	swait.ge [sflag:s23], $0x800  }
0x6a: {  	[sflag:s23] =	ssyncset.done $0x0  }
0x6b: {  	[sflag:s23] =	ssyncadd.s32 $0xFFFFF800  }
0x6c: {  	_ =	swait.ge [sflag:s23], $0x800  }
0x6d: {  	[sflag:s23] =	ssyncset.done $0x0  }
0x6e: {  	[sflag:s23] =	ssyncadd.s32 $0xFFFFF800  }
0x6f: {  	[spmem:s2] =	stream.indirect.scatter.add.f32 [tilespmem:s9], [sflag:$0x2], $0x10, s7, s8, $0xb8;
	[tilespmem:$0x14280] =	vst v63  }
0x70: {  	_ = 	snop  }
0x71: {  	[spmem:s2] =	stream.indirect.scatter.add.f32 [tilespmem:s10], [sflag:$0x2], $0x10, s24, s8, $0xb8;
	[tilespmem:$0x14280] =	vst v63  }
0x72: {  	_ = 	snop  }
0x73: {  	[spmem:s2] =	stream.indirect.scatter.add.f32 [tilespmem:s12], [sflag:$0x2], $0x10, s25, s8, $0xb8;
	[tilespmem:$0x14280] =	vst v63  }
0x74: {  	_ = 	snop  }
0x75: {  	[spmem:s2] =	stream.indirect.scatter.add.f32 [tilespmem:s14], [sflag:$0x2], $0x10, s26, s8, $0xb8;
	[tilespmem:$0x14280] =	vst v63  }
0x76: {  	_ = 	snop  }
0x77: {  	[spmem:s2] =	stream.indirect.scatter.add.f32 [tilespmem:s16], [sflag:$0x2], $0x10, s28, s8, $0xb8;
	[tilespmem:$0x14280] =	vst v63  }
0x78: {  	_ = 	snop  }
0x79: {  	[spmem:s2] =	stream.indirect.scatter.add.f32 [tilespmem:s18], [sflag:$0x2], $0x10, s29, s8, $0xb8;
	[tilespmem:$0x14280] =	vst v63  }
0x7a: {  	_ = 	snop  }
0x7b: {  	[spmem:s2] =	stream.indirect.scatter.add.f32 [tilespmem:s20], [sflag:$0x2], $0x10, s30, s8, $0xb8;
	[tilespmem:$0x14280] =	vst v63  }
0x7c: {  	_ = 	snop  }
0x7d: {  	[spmem:s2] =	stream.indirect.scatter.add.f32 [tilespmem:s22], [sflag:$0x2], $0x10, s31, s8, $0xb8;
	[tilespmem:$0x14280] =	vst v63  }
0x7e: {  	_ =	swait.ge [sflag:s0], $0x800  }
0x7f: {  	[sflag:s0] =	ssyncset.done $0x0  }
0x80: {  	[sflag:s0] =	ssyncadd.s32 $0xFFFFF800  }
0x81: {  	_ =	swait.ge [sflag:s0], $0x800  }
0x82: {  	[sflag:s0] =	ssyncset.done $0x0  }
0x83: {  	[sflag:s0] =	ssyncadd.s32 $0xFFFFF800  }
0x84: {  	_ =	swait.ge [sflag:s0], $0x800  }
0x85: {  	[sflag:s0] =	ssyncset.done $0x0  }
0x86: {  	[sflag:s0] =	ssyncadd.s32 $0xFFFFF800  }
0x87: {  	_ =	swait.ge [sflag:s0], $0x800  }
0x88: {  	[sflag:s0] =	ssyncset.done $0x0  }
0x89: {  	[sflag:s0] =	ssyncadd.s32 $0xFFFFF800  }
0x8a: {  	_ =	swait.ge [sflag:s0], $0x800  }
0x8b: {  	[sflag:s0] =	ssyncset.done $0x0  }
0x8c: {  	[sflag:s0] =	ssyncadd.s32 $0xFFFFF800  }
0x8d: {  	_ =	swait.ge [sflag:s0], $0x800  }
0x8e: {  	[sflag:s0] =	ssyncset.done $0x0  }
0x8f: {  	[sflag:s0] =	ssyncadd.s32 $0xFFFFF800  }
0x90: {  	_ =	swait.ge [sflag:s0], $0x800  }
0x91: {  	s11 =	rddreg [dreg:$0xa]  }
0x92: {  	[sflag:s0] =	ssyncset.done $0x0;
	s13 =	sor.u32 s11, s1  }
0x93: {  	[sflag:s0] =	ssyncadd.s32 $0xFFFFF800;
	[smem:$0x7F8] =	sst s13  }
0x94: {  	p0 =	por p1, p1;
	s1 =	simm.s32 $0x100;
	_ =	swait.ge [sflag:s0], $0x800  }
0x95: {  	s13 =	simm.s32 $0x80;
	s6 =	rddreg [dreg:$0x3];
	[sflag:s0] =	ssyncset.done $0x0  }
.LBB2_3:
0x96: {  	[sflag:s0] =	ssyncadd.s32 $0xFFFFF800;
	s6 =	sadd.s32 s13, s6  }
0x97: {  	[tilespmem:s3], [sflag:$0x3] =	stream.linear.gather [hbm4b:s6+s3], $0x400, $0x38;
	[tilespmem:$0x14280] =	vst v63  }
0x98: {  	_ =	swait.ge [sflag:s5], $0x400  }
0x99: {  	s6 =	rddreg [dreg:$0x4];
	[sflag:s5] =	ssyncset.done $0x0  }
0x9a: {  	[sflag:s5] =	ssyncadd.s32 $0xFFFFFC00;
	s6 =	sadd.s32 s13, s6  }
0x9b: {  	[tilespmem:s7], [sflag:$0x3] =	stream.linear.gather [hbm4b:s6+s3], $0x400, $0x38;
	[tilespmem:$0x14280] =	vst v63  }
0x9c: {  	_ =	swait.ge [sflag:s5], $0x400  }
0x9d: {  	[sflag:s5] =	ssyncset.done $0x0  }
0x9e: {  	[sflag:s5] =	ssyncadd.s32 $0xFFFFFC00  }
0x9f: {  	[tilespmem:s9], [sflag:$0x1] =	stream.indirect.gather [hbm4b:s4+s8], $0x10, s3, s8, $0xb8;
	[tilespmem:$0x14280] =	vst v63  }
0xa0: {  	_ = 	snop  }
0xa1: {  	[tilespmem:s10], [sflag:$0x1] =	stream.indirect.gather [hbm4b:s4+s8], $0x10, s8, s8, $0xb8;
	[tilespmem:$0x14280] =	vst v63  }
0xa2: {  	s11 =	smov.u32 s1;
	s6 =	rddreg [dreg:$0x5]  }
0xa3: {  	[tilespmem:s12], [sflag:$0x1] =	stream.indirect.gather [hbm4b:s4+s8], $0x10, s6, s8, $0xb8;
	[tilespmem:$0x14280] =	vst v63  }
0xa4: {  	s13 =	smov.u32 s11;
	s11 =	rddreg [dreg:$0x6]  }
0xa5: {  	[tilespmem:s14], [sflag:$0x1] =	stream.indirect.gather [hbm4b:s4+s8], $0x10, s11, s8, $0xb8;
	[tilespmem:$0x14280] =	vst v63  }
0xa6: {  	_ = 	snop  }
0xa7: {  	[tilespmem:s16], [sflag:$0x1] =	stream.indirect.gather [hbm4b:s4+s8], $0x10, s15, s8, $0xb8;
	[tilespmem:$0x14280] =	vst v63  }
0xa8: {  	_ = 	snop  }
0xa9: {  	[tilespmem:s18], [sflag:$0x1] =	stream.indirect.gather [hbm4b:s4+s8], $0x10, s17, s8, $0xb8;
	[tilespmem:$0x14280] =	vst v63  }
0xaa: {  	_ = 	snop  }
0xab: {  	[tilespmem:s20], [sflag:$0x1] =	stream.indirect.gather [hbm4b:s4+s8], $0x10, s19, s8, $0xb8;
	[tilespmem:$0x14280] =	vst v63  }
0xac: {  	_ = 	snop  }
0xad: {  	[tilespmem:s22], [sflag:$0x1] =	stream.indirect.gather [hbm4b:s4+s8], $0x10, s21, s8, $0xb8;
	[tilespmem:$0x14280] =	vst v63  }
0xae: {  	_ =	swait.ge [sflag:s23], $0x800  }
0xaf: {  	[sflag:s23] =	ssyncset.done $0x0  }
0xb0: {  	[sflag:s23] =	ssyncadd.s32 $0xFFFFF800  }
0xb1: {  	_ =	swait.ge [sflag:s23], $0x800  }
0xb2: {  	[sflag:s23] =	ssyncset.done $0x0  }
0xb3: {  	[sflag:s23] =	ssyncadd.s32 $0xFFFFF800  }
0xb4: {  	_ =	swait.ge [sflag:s23], $0x800  }
0xb5: {  	[sflag:s23] =	ssyncset.done $0x0  }
0xb6: {  	[sflag:s23] =	ssyncadd.s32 $0xFFFFF800  }
0xb7: {  	_ =	swait.ge [sflag:s23], $0x800  }
0xb8: {  	[sflag:s23] =	ssyncset.done $0x0  }
0xb9: {  	[sflag:s23] =	ssyncadd.s32 $0xFFFFF800  }
0xba: {  	_ =	swait.ge [sflag:s23], $0x800  }
0xbb: {  	[sflag:s23] =	ssyncset.done $0x0  }
0xbc: {  	[sflag:s23] =	ssyncadd.s32 $0xFFFFF800  }
0xbd: {  	_ =	swait.ge [sflag:s23], $0x800  }
0xbe: {  	[sflag:s23] =	ssyncset.done $0x0  }
0xbf: {  	[sflag:s23] =	ssyncadd.s32 $0xFFFFF800  }
0xc0: {  	_ =	swait.ge [sflag:s23], $0x800  }
0xc1: {  	[sflag:s23] =	ssyncset.done $0x0  }
0xc2: {  	[sflag:s23] =	ssyncadd.s32 $0xFFFFF800  }
0xc3: {  	_ =	swait.ge [sflag:s23], $0x800  }
0xc4: {  	[sflag:s23] =	ssyncset.done $0x0  }
0xc5: {  	[sflag:s23] =	ssyncadd.s32 $0xFFFFF800  }
0xc6: {  	[spmem:s2] =	stream.indirect.scatter.add.f32 [tilespmem:s9], [sflag:$0x2], $0x10, s7, s8, $0xb8;
	[tilespmem:$0x14280] =	vst v63  }
0xc7: {  	_ = 	snop  }
0xc8: {  	[spmem:s2] =	stream.indirect.scatter.add.f32 [tilespmem:s10], [sflag:$0x2], $0x10, s24, s8, $0xb8;
	[tilespmem:$0x14280] =	vst v63  }
0xc9: {  	_ = 	snop  }
0xca: {  	[spmem:s2] =	stream.indirect.scatter.add.f32 [tilespmem:s12], [sflag:$0x2], $0x10, s25, s8, $0xb8;
	[tilespmem:$0x14280] =	vst v63  }
0xcb: {  	_ = 	snop  }
0xcc: {  	[spmem:s2] =	stream.indirect.scatter.add.f32 [tilespmem:s14], [sflag:$0x2], $0x10, s26, s8, $0xb8;
	[tilespmem:$0x14280] =	vst v63  }
0xcd: {  	_ = 	snop  }
0xce: {  	[spmem:s2] =	stream.indirect.scatter.add.f32 [tilespmem:s16], [sflag:$0x2], $0x10, s28, s8, $0xb8;
	[tilespmem:$0x14280] =	vst v63  }
0xcf: {  	_ = 	snop  }
0xd0: {  	[spmem:s2] =	stream.indirect.scatter.add.f32 [tilespmem:s18], [sflag:$0x2], $0x10, s29, s8, $0xb8;
	[tilespmem:$0x14280] =	vst v63  }
0xd1: {  	_ = 	snop  }
0xd2: {  	[spmem:s2] =	stream.indirect.scatter.add.f32 [tilespmem:s20], [sflag:$0x2], $0x10, s30, s8, $0xb8;
	[tilespmem:$0x14280] =	vst v63  }
0xd3: {  	_ = 	snop  }
0xd4: {  	[spmem:s2] =	stream.indirect.scatter.add.f32 [tilespmem:s22], [sflag:$0x2], $0x10, s31, s8, $0xb8;
	[tilespmem:$0x14280] =	vst v63  }
0xd5: {  	_ =	swait.ge [sflag:s0], $0x800  }
0xd6: {  	[sflag:s0] =	ssyncset.done $0x0  }
0xd7: {  	[sflag:s0] =	ssyncadd.s32 $0xFFFFF800  }
0xd8: {  	_ =	swait.ge [sflag:s0], $0x800  }
0xd9: {  	[sflag:s0] =	ssyncset.done $0x0  }
0xda: {  	[sflag:s0] =	ssyncadd.s32 $0xFFFFF800  }
0xdb: {  	_ =	swait.ge [sflag:s0], $0x800  }
0xdc: {  	[sflag:s0] =	ssyncset.done $0x0  }
0xdd: {  	[sflag:s0] =	ssyncadd.s32 $0xFFFFF800  }
0xde: {  	_ =	swait.ge [sflag:s0], $0x800  }
0xdf: {  	[sflag:s0] =	ssyncset.done $0x0  }
0xe0: {  	[sflag:s0] =	ssyncadd.s32 $0xFFFFF800  }
0xe1: {  	_ =	swait.ge [sflag:s0], $0x800  }
0xe2: {  	[sflag:s0] =	ssyncset.done $0x0  }
0xe3: {  	[sflag:s0] =	ssyncadd.s32 $0xFFFFF800  }
0xe4: {  	_ =	swait.ge [sflag:s0], $0x800  }
0xe5: {  	[sflag:s0] =	ssyncset.done $0x0  }
0xe6: {  	p1 =	sne.s32 s1, $0x3D00;
	[sflag:s0] =	ssyncadd.s32 $0xFFFFF800  }
.Ltmp0:
0xe7: {  	_ =	swait.ge [sflag:s0], $0x800;
	(pc) =	sbr.rel @p1 .LBB2_3-.Ltmp0, $4  }
0xe8: {  	[sflag:s0] =	ssyncset.done $0x0  }
0xe9: {  	[sflag:s0] =	ssyncadd.s32 $0xFFFFF800  }
0xea: {  	_ =	swait.ge [sflag:s0], $0x800  }
0xeb: {  	s1 =	sadd.s32 $0x80, s1;
	s6 =	rddreg [dreg:$0x3];
	[sflag:s0] =	ssyncset.done $0x0  }
0xec: {  	[sflag:s0] =	ssyncadd.s32 $0xFFFFF800;
	s1 =	sadd.s32 s13, s6  }
0xed: {  	[tilespmem:s3], [sflag:$0x3] =	stream.linear.gather [hbm4b:s1+s3], $0x400, $0x38;
	[tilespmem:$0x14280] =	vst v63  }
0xee: {  	_ =	swait.ge [sflag:s5], $0x400  }
0xef: {  	s6 =	rddreg [dreg:$0x4];
	[sflag:s5] =	ssyncset.done $0x0  }
0xf0: {  	[sflag:s5] =	ssyncadd.s32 $0xFFFFFC00;
	s1 =	sadd.s32 s13, s6  }
0xf1: {  	[tilespmem:s7], [sflag:$0x3] =	stream.linear.gather [hbm4b:s1+s3], $0x400, $0x38;
	[tilespmem:$0x14280] =	vst v63  }
0xf2: {  	_ =	swait.ge [sflag:s5], $0x400  }
0xf3: {  	[sflag:s5] =	ssyncset.done $0x0  }
0xf4: {  	[sflag:s5] =	ssyncadd.s32 $0xFFFFFC00  }
0xf5: {  	[tilespmem:s9], [sflag:$0x1] =	stream.indirect.gather [hbm4b:s4+s8], $0x10, s3, s8, $0xb8;
	[tilespmem:$0x14280] =	vst v63  }
0xf6: {  	_ = 	snop  }
0xf7: {  	[tilespmem:s10], [sflag:$0x1] =	stream.indirect.gather [hbm4b:s4+s8], $0x10, s8, s8, $0xb8;
	[tilespmem:$0x14280] =	vst v63  }
0xf8: {  	s11 =	rddreg [dreg:$0x5]  }
0xf9: {  	[tilespmem:s12], [sflag:$0x1] =	stream.indirect.gather [hbm4b:s4+s8], $0x10, s11, s8, $0xb8;
	[tilespmem:$0x14280] =	vst v63  }
0xfa: {  	s13 =	rddreg [dreg:$0x6]  }
0xfb: {  	[tilespmem:s14], [sflag:$0x1] =	stream.indirect.gather [hbm4b:s4+s8], $0x10, s13, s8, $0xb8;
	[tilespmem:$0x14280] =	vst v63  }
0xfc: {  	_ = 	snop  }
0xfd: {  	[tilespmem:s16], [sflag:$0x1] =	stream.indirect.gather [hbm4b:s4+s8], $0x10, s15, s8, $0xb8;
	[tilespmem:$0x14280] =	vst v63  }
0xfe: {  	_ = 	snop  }
0xff: {  	[tilespmem:s18], [sflag:$0x1] =	stream.indirect.gather [hbm4b:s4+s8], $0x10, s17, s8, $0xb8;
	[tilespmem:$0x14280] =	vst v63  }
0x100: {  	_ = 	snop  }
0x101: {  	[tilespmem:s20], [sflag:$0x1] =	stream.indirect.gather [hbm4b:s4+s8], $0x10, s19, s8, $0xb8;
	[tilespmem:$0x14280] =	vst v63  }
0x102: {  	_ = 	snop  }
0x103: {  	[tilespmem:s22], [sflag:$0x1] =	stream.indirect.gather [hbm4b:s4+s8], $0x10, s21, s8, $0xb8;
	[tilespmem:$0x14280] =	vst v63  }
0x104: {  	_ =	swait.ge [sflag:s23], $0x800  }
0x105: {  	[sflag:s23] =	ssyncset.done $0x0  }
0x106: {  	[sflag:s23] =	ssyncadd.s32 $0xFFFFF800  }
0x107: {  	_ =	swait.ge [sflag:s23], $0x800  }
0x108: {  	[sflag:s23] =	ssyncset.done $0x0  }
0x109: {  	[sflag:s23] =	ssyncadd.s32 $0xFFFFF800  }
0x10a: {  	_ =	swait.ge [sflag:s23], $0x800  }
0x10b: {  	[sflag:s23] =	ssyncset.done $0x0  }
0x10c: {  	[sflag:s23] =	ssyncadd.s32 $0xFFFFF800  }
0x10d: {  	_ =	swait.ge [sflag:s23], $0x800  }
0x10e: {  	[sflag:s23] =	ssyncset.done $0x0  }
0x10f: {  	[sflag:s23] =	ssyncadd.s32 $0xFFFFF800  }
0x110: {  	_ =	swait.ge [sflag:s23], $0x800  }
0x111: {  	[sflag:s23] =	ssyncset.done $0x0  }
0x112: {  	[sflag:s23] =	ssyncadd.s32 $0xFFFFF800  }
0x113: {  	_ =	swait.ge [sflag:s23], $0x800  }
0x114: {  	[sflag:s23] =	ssyncset.done $0x0  }
0x115: {  	[sflag:s23] =	ssyncadd.s32 $0xFFFFF800  }
0x116: {  	_ =	swait.ge [sflag:s23], $0x800  }
0x117: {  	[sflag:s23] =	ssyncset.done $0x0  }
0x118: {  	[sflag:s23] =	ssyncadd.s32 $0xFFFFF800  }
0x119: {  	_ =	swait.ge [sflag:s23], $0x800  }
0x11a: {  	[sflag:s23] =	ssyncset.done $0x0  }
0x11b: {  	[sflag:s23] =	ssyncadd.s32 $0xFFFFF800  }
0x11c: {  	[spmem:s2] =	stream.indirect.scatter.add.f32 [tilespmem:s9], [sflag:$0x2], $0x10, s7, s8, $0xb8;
	[tilespmem:$0x14280] =	vst v63  }
0x11d: {  	_ = 	snop  }
0x11e: {  	[spmem:s2] =	stream.indirect.scatter.add.f32 [tilespmem:s10], [sflag:$0x2], $0x10, s24, s8, $0xb8;
	[tilespmem:$0x14280] =	vst v63  }
0x11f: {  	_ = 	snop  }
0x120: {  	[spmem:s2] =	stream.indirect.scatter.add.f32 [tilespmem:s12], [sflag:$0x2], $0x10, s25, s8, $0xb8;
	[tilespmem:$0x14280] =	vst v63  }
0x121: {  	_ = 	snop  }
0x122: {  	[spmem:s2] =	stream.indirect.scatter.add.f32 [tilespmem:s14], [sflag:$0x2], $0x10, s26, s8, $0xb8;
	[tilespmem:$0x14280] =	vst v63  }
0x123: {  	_ = 	snop  }
0x124: {  	[spmem:s2] =	stream.indirect.scatter.add.f32 [tilespmem:s16], [sflag:$0x2], $0x10, s28, s8, $0xb8;
	[tilespmem:$0x14280] =	vst v63  }
0x125: {  	_ = 	snop  }
0x126: {  	[spmem:s2] =	stream.indirect.scatter.add.f32 [tilespmem:s18], [sflag:$0x2], $0x10, s29, s8, $0xb8;
	[tilespmem:$0x14280] =	vst v63  }
0x127: {  	_ = 	snop  }
0x128: {  	[spmem:s2] =	stream.indirect.scatter.add.f32 [tilespmem:s20], [sflag:$0x2], $0x10, s30, s8, $0xb8;
	[tilespmem:$0x14280] =	vst v63  }
0x129: {  	_ = 	snop  }
0x12a: {  	[spmem:s2] =	stream.indirect.scatter.add.f32 [tilespmem:s22], [sflag:$0x2], $0x10, s31, s8, $0xb8;
	[tilespmem:$0x14280] =	vst v63  }
0x12b: {  	_ =	swait.ge [sflag:s0], $0x800  }
0x12c: {  	[sflag:s0] =	ssyncset.done $0x0  }
0x12d: {  	[sflag:s0] =	ssyncadd.s32 $0xFFFFF800  }
0x12e: {  	_ =	swait.ge [sflag:s0], $0x800  }
0x12f: {  	[sflag:s0] =	ssyncset.done $0x0  }
0x130: {  	[sflag:s0] =	ssyncadd.s32 $0xFFFFF800  }
0x131: {  	_ =	swait.ge [sflag:s0], $0x800  }
0x132: {  	[sflag:s0] =	ssyncset.done $0x0  }
0x133: {  	[sflag:s0] =	ssyncadd.s32 $0xFFFFF800  }
0x134: {  	_ =	swait.ge [sflag:s0], $0x800  }
0x135: {  	[sflag:s0] =	ssyncset.done $0x0  }
0x136: {  	[sflag:s0] =	ssyncadd.s32 $0xFFFFF800  }
0x137: {  	_ =	swait.ge [sflag:s0], $0x800  }
0x138: {  	[sflag:s0] =	ssyncset.done $0x0  }
0x139: {  	[sflag:s0] =	ssyncadd.s32 $0xFFFFF800  }
0x13a: {  	_ =	swait.ge [sflag:s0], $0x800  }
0x13b: {  	[sflag:s0] =	ssyncset.done $0x0  }
0x13c: {  	[sflag:s0] =	ssyncadd.s32 $0xFFFFF800  }
0x13d: {  	_ =	swait.ge [sflag:s0], $0x800  }
0x13e: {  	s11 =	sld [smem:$0x7F8];
	_ =	sdelay $0x2  }
0x13f: {  	s1 =	smul.u32 $0xFA00, s11  }
0x140: {  	[sflag:s0] =	ssyncset.done $0x0  }
0x141: {  	[sflag:s0] =	ssyncadd.s32 $0xFFFFF800;
	[smem:$0x7F7] =	sst s1  }
0x142: {  	_ =	swait.ge [sflag:s0], $0x800  }
0x143: {  	[sflag:s0] =	ssyncset.done $0x0;
	s13 =	sld [smem:$0x7FB]  }
0x144: {  	[sflag:s0] =	ssyncadd.s32 $0xFFFFF800  }
0x145: {  	[bflag:$0x0] =	sbarrier.arrive $0xFFFF  }
0x146: {  	s6 =	sadd.s32 s1, s13;
	s11 =	rddreg [dreg:$0x8]  }
0x147: {  	s1 =	rddreg [dreg:$0xd];
	s6 =	sshll.u32 s6, $0x1  }
0x148: {  	s13 =	rddreg [dreg:$0x19];
	s6 =	sadd.s32 s11, s6  }
0x149: {  	[hbm:s6], [sflag:s1] =	dma.local [spmem:s13], $0x320  }
0x14a: {  	_ =	swait.ge [sflag:s5], $0x320  }
0x14b: {  	s13 =	sld [smem:$0x7F7];
	_ =	sdelay $0x1  }
0x14c: {  	s6 =	rddreg [dreg:$0x9]  }
0x14d: {  	s6 =	sadd.s32 s13, s6  }
0x14e: {  	[sflag:s5] =	ssyncset.done $0x0;
	s6 =	sshll.u32 s6, $0x1  }
0x14f: {  	[sflag:s5] =	ssyncadd.s32 $0xFFFFFCE0;
	s13 =	rddreg [dreg:$0x1a];
	s6 =	sadd.s32 s11, s6  }
0x150: {  	[hbm:s6], [sflag:s1] =	dma.local [spmem:s13], $0x320  }
0x151: {  	_ =	swait.ge [sflag:s5], $0x320  }
0x152: {  	s13 =	sld [smem:$0x7F7];
	_ =	sdelay $0x1  }
0x153: {  	s6 =	rddreg [dreg:$0xb]  }
0x154: {  	s6 =	sadd.s32 s13, s6  }
0x155: {  	[sflag:s5] =	ssyncset.done $0x0;
	s6 =	sshll.u32 s6, $0x1  }
0x156: {  	[sflag:s5] =	ssyncadd.s32 $0xFFFFFCE0;
	s13 =	rddreg [dreg:$0x1b];
	s6 =	sadd.s32 s11, s6  }
0x157: {  	[hbm:s6], [sflag:s1] =	dma.local [spmem:s13], $0x320  }
0x158: {  	_ =	swait.ge [sflag:s5], $0x320  }
0x159: {  	s13 =	sld [smem:$0x7F7];
	_ =	sdelay $0x1  }
0x15a: {  	s6 =	rddreg [dreg:$0xe]  }
0x15b: {  	s6 =	sadd.s32 s13, s6  }
0x15c: {  	[sflag:s5] =	ssyncset.done $0x0;
	s6 =	sshll.u32 s6, $0x1  }
0x15d: {  	[sflag:s5] =	ssyncadd.s32 $0xFFFFFCE0;
	s13 =	rddreg [dreg:$0x1c];
	s6 =	sadd.s32 s11, s6  }
0x15e: {  	[hbm:s6], [sflag:s1] =	dma.local [spmem:s13], $0x320  }
0x15f: {  	_ =	swait.ge [sflag:s5], $0x320  }
0x160: {  	s13 =	sld [smem:$0x7F7];
	_ =	sdelay $0x1  }
0x161: {  	s6 =	rddreg [dreg:$0x10]  }
0x162: {  	s6 =	sadd.s32 s13, s6  }
0x163: {  	[sflag:s5] =	ssyncset.done $0x0;
	s6 =	sshll.u32 s6, $0x1  }
0x164: {  	[sflag:s5] =	ssyncadd.s32 $0xFFFFFCE0;
	s13 =	rddreg [dreg:$0x1d];
	s6 =	sadd.s32 s11, s6  }
0x165: {  	[hbm:s6], [sflag:s1] =	dma.local [spmem:s13], $0x320  }
0x166: {  	_ =	swait.ge [sflag:s5], $0x320  }
0x167: {  	s13 =	sld [smem:$0x7F7];
	_ =	sdelay $0x1  }
0x168: {  	s6 =	rddreg [dreg:$0x11]  }
0x169: {  	s6 =	sadd.s32 s13, s6  }
0x16a: {  	[sflag:s5] =	ssyncset.done $0x0;
	s6 =	sshll.u32 s6, $0x1  }
0x16b: {  	[sflag:s5] =	ssyncadd.s32 $0xFFFFFCE0;
	s13 =	rddreg [dreg:$0x1e];
	s6 =	sadd.s32 s11, s6  }
0x16c: {  	[hbm:s6], [sflag:s1] =	dma.local [spmem:s13], $0x320  }
0x16d: {  	_ =	swait.ge [sflag:s5], $0x320  }
0x16e: {  	s13 =	sld [smem:$0x7F7];
	_ =	sdelay $0x1  }
0x16f: {  	s6 =	rddreg [dreg:$0x13]  }
0x170: {  	s6 =	sadd.s32 s13, s6  }
0x171: {  	[sflag:s5] =	ssyncset.done $0x0;
	s6 =	sshll.u32 s6, $0x1  }
0x172: {  	[sflag:s5] =	ssyncadd.s32 $0xFFFFFCE0;
	s13 =	rddreg [dreg:$0x1f];
	s6 =	sadd.s32 s11, s6  }
0x173: {  	[hbm:s6], [sflag:s1] =	dma.local [spmem:s13], $0x320  }
0x174: {  	_ =	swait.ge [sflag:s5], $0x320  }
0x175: {  	s13 =	sld [smem:$0x7F7];
	_ =	sdelay $0x1  }
0x176: {  	s6 =	rddreg [dreg:$0x15]  }
0x177: {  	s6 =	sadd.s32 s13, s6;
	s13 =	sld [smem:$0x7FA]  }
0x178: {  	[sflag:s5] =	ssyncset.done $0x0;
	s6 =	sshll.u32 s6, $0x1  }
0x179: {  	[sflag:s5] =	ssyncadd.s32 $0xFFFFFCE0;
	s6 =	sadd.s32 s11, s6  }
0x17a: {  	[hbm:s6], [sflag:s1] =	dma.local [spmem:s13], $0x320  }
0x17b: {  	_ =	swait.ge [sflag:s5], $0x320  }
0x17c: {  	s13 =	sld [smem:$0x7F7];
	_ =	sdelay $0x1  }
0x17d: {  	s6 =	rddreg [dreg:$0x16]  }
0x17e: {  	s6 =	sadd.s32 s13, s6;
	s13 =	sld [smem:$0x7FC]  }
0x17f: {  	[sflag:s5] =	ssyncset.done $0x0;
	s6 =	sshll.u32 s6, $0x1  }
0x180: {  	[sflag:s5] =	ssyncadd.s32 $0xFFFFFCE0;
	s6 =	sadd.s32 s11, s6  }
0x181: {  	[hbm:s6], [sflag:s1] =	dma.local [spmem:s13], $0x320  }
0x182: {  	s6 =	sld [smem:$0x7F8];
	_ =	sdelay $0x2  }
0x183: {  	p1 =	seq.s32 s6, $0x3;
	s6 =	simm.s32 $0x91  }
0x184: {  	s13 =	rddreg [dreg:$0x14];
	_ =	swait.ge [sflag:s5], $0x320;
	s6 =	simm.s32 @!p1 $0xA0  }
0x185: {  	p1 =	sge.u32 s13, s6;
	s6 =	sld [smem:$0x7FD]  }
0x186: {  	s13 =	smov.u32 s1;
	s1 =	sld [smem:$0x7F7];
	_ =	sdelay $0x2  }
0x187: {  	s1 =	sadd.s32 @!p1 s1, s6  }
0x188: {  	[sflag:s5] =	ssyncset.done $0x0;
	s6 =	rddreg [dreg:$0x17];
	s1 =	sshll.u32 @!p1 s1, $0x1  }
0x189: {  	[sflag:s5] =	ssyncadd.s32 $0xFFFFFCE0;
	s6 =	sshrl.u32 @!p1 s6, $0x3;
	s1 =	sadd.s32 @!p1 s11, s1  }
0x18a: {  	[hbm:s1], [sflag:s13] =	dma.local @!p1 [spmem:s6], $0x320  }
0x18b: {  	s1 =	simm.s32 @!p1 $0x3  }
.Ltmp1:
0x18c: {  	_ =	swait.ge @!p1 [sflag:s1], $0x320;
	(pc) =	sbr.rel @p0 .LBB2_2-.Ltmp1, $4  }
0x18d: {  	[sflag:s1] =	ssyncset.done @!p1 $0x0  }
0x18e: {  	[sflag:s1] =	ssyncadd.s32 @!p1 $0xFFFFFCE0  }
0x18f: {  	[bflag:$0x0] =	sbarrier.arrive $0xFFFF  }
0x190: {  	s1 =	simm.s32 $0x1;
	p1 =	por $0x0, $0x0  }
0x191: {  	s6 =	sld [smem:$0x7F9];
	_ =	sdelay $0x2  }
0x192: {  	s1 =	rddreg [dreg:$0xf];
	s6 =	sadd.s32 $0x1, s6  }
0x193: {  	p0 =	sne.s32 s6, s1  }
.Ltmp2:
0x194: {  	_ = 	snop;
	(pc) =	sbr.rel @p0 .LBB2_1-.Ltmp2, $1  }
0x195: {  	_ =	sdelay $0x3  }
0x196: {  	_ =	sfence.sel $0x180000  }
0x197: {  	[bflag:$0x0] =	sbarrier.arrive $0xFFFF  }
0x198: {  	_ =	strace $0x90000047  }
0x199: {  	s0 =	stileid.u32;
	[bflag:$0x2] =	sbarrier.arrive $0xFFFF  }
0x19a: {  	p0 =	sne.s32 s0, $0x0;
	s0 =	rddreg [dreg:$0x2]  }
0x19b: {  	s0 =	sadd.s32 @!p0 $0x100000, s0  }
0x19c: {  	[sflag:s0] =	ssyncadd.tile.s32 @!p0 $0x1;
	_ =	shalt  }
.Lfunc_end2:
_tile_overlayer_lowered:
.L_overlay_start_2:
0x19d: {  	(tag) =	ssettag $0x2  }
0x19e: {  	s0 =	rddreg [dreg:$0x0];
	s2 =	stileid.u32  }
0x19f: {  	s1 =	rddreg [dreg:$0x1];
	p0 =	sne.s32 s2, $0x0  }
0x1a0: {  	s3 =	rddreg [dreg:$0x2];
	[bflag:$0x3] =	sbarrier.arrive $0xFFFF;
	s2 =	simm.s32 @!p0 $0x1C03  }
0x1a1: {  	[timem:s3], [sflag:s2] =	dma.local @!p0 [hbm:s0], s1  }
0x1a2: {  	s0 =	simm.s32 @!p0 $0x3  }
0x1a3: {  	_ =	swait.ge @!p0 [sflag:s0], s1  }
0x1a4: {  	s1 =	ssub.s32 @!p0 $0x0, s1;
	[sflag:s0] =	ssyncset.done @!p0 $0x0  }
0x1a5: {  	[sflag:s0] =	ssyncadd.s32 @!p0 s1  }
0x1a6: {  	[bflag:$0x3] =	sbarrier.arrive $0xFFFF  }
0x1a7: {  	_ =	shalt  }

// kernel: kernel.13.cloned.1.call-start
scs
__scs_entry_jumppad:
0x0: {  	(pc) =	sbr.rel $0x88, $3  }
0x1: {  	(tag) =	ssettag $0x0;
	lr =	simm.s32 $0x1  }
0x2: {  	[smem:$0x3F99] =	sst lr;
	_ =	strace $0xD0000000  }
0x3: {  	_ = 	snop  }
0x4: {  	_ = 	snop  }
0x5: {  	_ = 	snop  }
0x6: {  	_ = 	snop  }
0x7: {  	_ = 	snop  }
__scs_overlays_trampoline_lowered:
0x8: {  	[smem:$0x3FA8] =	sst s0  }
0x9: {  	[smem:$0x3FA9] =	sst s1  }
0xa: {  	[smem:$0x3FAA] =	sst s2  }
0xb: {  	[smem:$0x3FAB] =	sst s3  }
0xc: {  	[smem:$0x3FAC] =	sst s4  }
0xd: {  	[smem:$0x3FAD] =	sst s5  }
0xe: {  	[smem:$0x3FAE] =	sst s6  }
0xf: {  	[smem:$0x3FAF] =	sst s7  }
0x10: {  	[smem:$0x3FB0] =	sst s8  }
0x11: {  	[smem:$0x3FB1] =	sst s9;
	s0 =	simm.s32 @!p0 $0x0  }
0x12: {  	s1 =	sld [smem:$0x3F97];
	s0 =	simm.s32 @p0 $0x1  }
0x13: {  	[smem:$0x3FB2] =	sst s0;
	s0 =	simm.s32 @!p1 $0x0  }
0x14: {  	s2 =	sld [smem:$0x3F96];
	s0 =	simm.s32 @p1 $0x1  }
0x15: {  	[smem:$0x3FB3] =	sst s0;
	s0 =	simm.s32 @!p2 $0x0  }
0x16: {  	s3 =	sld [smem:$0x3FDB];
	s0 =	simm.s32 @p2 $0x1  }
0x17: {  	s4 =	simm.s32 $0x1BF5;
	[smem:$0x3FB5] =	sst s0  }
0x18: {  	s0 =	sld [smem:$0x3F98];
	_ =	swait.ge [sflag:s4], $0x0  }
0x19: {  	s7 =	sld [smem:$0x3F99]  }
0x1a: {  	s8 =	sadd.s32 $0xFFFFE003, lr  }
0x1b: {  	s9 =	sadd.s32 $0xFFFFFEF7, lr;
	s5 =	simm.s32 $0xFFFFFFFF;
	p2 =	slt.u32 s8, $0xFFFFF086  }
0x1c: {  	p1 =	slt.u32 s9, $0xF7A;
	s5 =	simm.s32 @!p2 $0x0  }
0x1d: {  	s5 =	simm.s32 @p1 $0x1;
	p0 =	seq.s32 s7, s2  }
0x1e: {  	s7 =	smul.u32 @!p0 $0xF7A, s2;
	p2 =	seq.s32 @!p0 s5, $0x0  }
0x1f: {  	s9 =	smul.u32 $0xF7A, s1;
	s8 =	simm.s32 @!p0 $0x1BF5;
	p2 =	por !p2, p0  }
0x20: {  	[sflag:s8] =	ssyncset.s32 @!p0 $0xFFFFF086;
	s6 =	sadd.s32 @!p0 s3, s7;
	s7 =	simm.s32 @!p0 $0x108  }
0x21: {  	s3 =	sadd.s32 s3, s9;
	s6 =	sadd.s32 @!p0 $0x88, s6;
	s7 =	simm.s32 @p2 $0x1082  }
0x22: {  	[simem:s7], [sflag:s8] =	dma.local @!p0 [hbm:s6], $0xF7A  }
0x23: {  	s9 =	sor.u32 $0xD0000000, s2;
	s6 =	simm.s32 $0x108;
	_ =	swait.ge @!p0 [sflag:s8], $0x0  }
0x24: {  	s3 =	sadd.s32 $0x88, s3;
	s6 =	simm.s32 @!p1 $0x1082;
	[sflag:s4] =	ssyncset.s32 $0xFFFFF086  }
0x25: {  	[simem:s6], [sflag:s4] =	dma.local [hbm:s3], $0xF7A  }
0x26: {  	[smem:$0x3F99] =	sst s1;
	(tag) =	ssettag s2;
	_ =	strace s9  }
0x27: {  	s1 =	sld [smem:$0x3FA9]  }
0x28: {  	s2 =	sld [smem:$0x3FAA]  }
0x29: {  	s4 =	sld [smem:$0x3FAC]  }
0x2a: {  	p0 =	seq.s32 s5, $0x0;
	s5 =	sld [smem:$0x3FAD]  }
0x2b: {  	s6 =	sld [smem:$0x3FAE]  }
0x2c: {  	s7 =	sld [smem:$0x3FAF]  }
0x2d: {  	s3 =	simm.s32 $0x108;
	s8 =	sld [smem:$0x3FB0]  }
0x2e: {  	s3 =	simm.s32 @!p0 $0x1082;
	s9 =	sld [smem:$0x3FB1]  }
0x2f: {  	lr =	sadd.s32 s0, s3;
	s0 =	sld [smem:$0x3FA8]  }
0x30: {  	s3 =	sld [smem:$0x3FAB]  }
0x31: {  	[smem:$0x3FB4] =	sst s10  }
0x32: {  	s10 =	sld [smem:$0x3FB2];
	_ =	sdelay $0x3  }
0x33: {  	p0 =	seq.s32 s10, $0x1;
	s10 =	sld [smem:$0x3FB4];
	_ =	sdelay $0x3  }
0x34: {  	[smem:$0x3FB4] =	sst s10  }
0x35: {  	s10 =	sld [smem:$0x3FB3];
	_ =	sdelay $0x3  }
0x36: {  	p1 =	seq.s32 s10, $0x1;
	s10 =	sld [smem:$0x3FB4];
	_ =	sdelay $0x3  }
0x37: {  	[smem:$0x3FB4] =	sst s10  }
0x38: {  	s10 =	sld [smem:$0x3FB5]  }
0x39: {  	_ = 	snop;
	(pc) =	sbr.ind lr, $3  }
0x3a: {  	_ = 	snop  }
0x3b: {  	_ = 	snop  }
0x3c: {  	p2 =	seq.s32 s10, $0x1;
	s10 =	sld [smem:$0x3FB4]  }
0x3d: {  	_ =	shalt  }
0x3e: {  	_ =	shalt  }
0x3f: {  	_ =	shalt  }
0x40: {  	_ =	shalt  }
0x41: {  	_ =	shalt  }
0x42: {  	_ =	shalt  }
0x43: {  	_ =	shalt  }
0x44: {  	_ =	shalt  }
0x45: {  	_ =	shalt  }
0x46: {  	_ =	shalt  }
0x47: {  	_ =	shalt  }
0x48: {  	_ =	shalt  }
0x49: {  	_ =	shalt  }
0x4a: {  	_ =	shalt  }
0x4b: {  	_ =	shalt  }
0x4c: {  	_ =	shalt  }
0x4d: {  	_ =	shalt  }
0x4e: {  	_ =	shalt  }
0x4f: {  	_ =	shalt  }
0x50: {  	_ =	shalt  }
0x51: {  	_ =	shalt  }
0x52: {  	_ =	shalt  }
0x53: {  	_ =	shalt  }
0x54: {  	_ =	shalt  }
0x55: {  	_ =	shalt  }
0x56: {  	_ =	shalt  }
0x57: {  	_ =	shalt  }
0x58: {  	_ =	shalt  }
0x59: {  	_ =	shalt  }
0x5a: {  	_ =	shalt  }
0x5b: {  	_ =	shalt  }
0x5c: {  	_ =	shalt  }
0x5d: {  	_ =	shalt  }
0x5e: {  	_ =	shalt  }
0x5f: {  	_ =	shalt  }
0x60: {  	_ =	shalt  }
0x61: {  	_ =	shalt  }
0x62: {  	_ =	shalt  }
0x63: {  	_ =	shalt  }
0x64: {  	_ =	shalt  }
0x65: {  	_ =	shalt  }
0x66: {  	_ =	shalt  }
0x67: {  	_ =	shalt  }
0x68: {  	_ =	shalt  }
0x69: {  	_ =	shalt  }
0x6a: {  	_ =	shalt  }
0x6b: {  	_ =	shalt  }
0x6c: {  	_ =	shalt  }
0x6d: {  	_ =	shalt  }
0x6e: {  	_ =	shalt  }
0x6f: {  	_ =	shalt  }
0x70: {  	_ =	shalt  }
0x71: {  	_ =	shalt  }
0x72: {  	_ =	shalt  }
0x73: {  	_ =	shalt  }
0x74: {  	_ =	shalt  }
0x75: {  	_ =	shalt  }
0x76: {  	_ =	shalt  }
0x77: {  	_ =	shalt  }
0x78: {  	_ =	shalt  }
0x79: {  	_ =	shalt  }
0x7a: {  	_ =	shalt  }
0x7b: {  	_ =	shalt  }
0x7c: {  	_ =	shalt  }
0x7d: {  	_ =	shalt  }
0x7e: {  	_ =	shalt  }
0x7f: {  	_ =	shalt  }
0x80: {  	_ =	shalt  }
0x81: {  	_ =	shalt  }
0x82: {  	_ =	shalt  }
0x83: {  	_ =	shalt  }
0x84: {  	_ =	shalt  }
0x85: {  	_ =	shalt  }
0x86: {  	_ =	shalt  }
0x87: {  	_ =	shalt  }
.Lfunc_end0:
.L_simem_size_0:
called_computation.2_lowered:
.L_overlay_start_0:
0x88: {  	s2 =	sld [smem:$0x3FD9]  }
0x89: {  	s3 =	sld [smem:$0x3FFE];
	_ =	sdelay $0x1  }
0x8a: {  	s1 =	srdreg.scid  }
0x8b: {  	s0 =	sand.u32 $0x1, s1  }
0x8c: {  	s17 =	sshll.u32 s0, $0xA;
	s2 =	sadd.s32 s3, s2  }
0x8d: {  	s2 =	sadd.s32 s2, s17  }
0x8e: {  	[smem:$0x3FC0] =	sst s2  }
0x8f: {  	_ = 	snop  }
0x90: {  	s2 =	sld [smem:$0x3FD0];
	(tm) =	ssettm $0x1  }
0x91: {  	s18 =	sld [smem:$0x3FFB];
	_ =	sdelay $0x3  }
0x92: {  	_ =	strace s18  }
0x93: {  	s3 =	sld [smem:$0x3FFC];
	_ =	sdelay $0x3  }
0x94: {  	_ =	strace s3  }
0x95: {  	s3 =	sld [smem:$0x3FFD];
	_ =	sdelay $0x3  }
0x96: {  	_ =	strace s3  }
0x97: {  	_ =	strace $0x8FFFFFFF  }
0x98: {  	s19 =	sld [smem:$0x3FDB];
	_ =	sdelay $0x1  }
0x99: {  	s4 =	simm.s32 $_scs_section_size  }
0x9a: {  	s5 =	simm.s32 $_size__tile_overlayer_lowered;
	s6 =	simm.s32 $_tile_overlayer_lowered  }
0x9b: {  	s22 =	simm.s32 $0x1BFF;
	s21 =	sshll.u32 s6, $0x1;
	s3 =	sadd.s32 s4, s19  }
0x9c: {  	s7 =	simm.s32 $0x0;
	s20 =	sshll.u32 s5, $0x1;
	s5 =	sadd.s32 s21, s3  }
0x9d: {  	[timem:s7], [sflag:s22] =	dma.local [hbm:s5], s20  }
0x9e: {  	_ =	swait.ge [sflag:s22], s20  }
0x9f: {  	s4 =	ssub.s32 $0x0, s20;
	[sflag:s22] =	ssyncset.done $0x0  }
0xa0: {  	[sflag:s22] =	ssyncadd.s32 s4;
	_ =	sdelay $0x1  }
0xa1: {  	s23 =	simm.s32 $0x1B8B  }
0xa2: {  	_ =	swait.ge [sflag:s23], $0x1  }
0xa3: {  	[sflag:s23] =	ssyncset.done $0x0  }
0xa4: {  	s25 =	simm.s32 $0x1B8E;
	s24 =	sld [smem:$0x3FFE];
	[sflag:s23] =	ssyncadd.s32 $0xFFFFFFFF  }
0xa5: {  	s26 =	simm.s32 $execute0_lowered;
	[smem:$0x3FD2] =	sst s25  }
0xa6: {  	s5 =	sshll.u32 s26, $0x1;
	_ =	strace $0x80000049;
	[dreg:$0x1] =	wrdreg $0xFFFFFFFF  }
0xa7: {  	s28 =	simm.s32 $_size_execute0_lowered;
	s3 =	sadd.s32 s3, s5;
	[dreg:$0x0] =	wrdreg $0x0  }
0xa8: {  	s5 =	sshll.u32 s28, $0x1;
	[dreg:$0x2] =	wrdreg s3  }
0xa9: {  	[dreg:$0x3] =	wrdreg s5  }
0xaa: {  	[dreg:$0x4] =	wrdreg $0xC0  }
0xab: {  	_ =	task [dreg:s7], $0x5FFFF  }
0xac: {  	[dreg:$0x1] =	wrdreg $0xFFFFFFFF  }
0xad: {  	[dreg:$0x0] =	wrdreg $0x60  }
0xae: {  	[dreg:$0x2] =	wrdreg s2  }
0xaf: {  	[dreg:$0x3] =	wrdreg s24  }
0xb0: {  	[dreg:$0x4] =	wrdreg $0x48000  }
0xb1: {  	[dreg:$0x5] =	wrdreg $0x9  }
0xb2: {  	_ =	task.clear_ibuf [dreg:s7], $0x6FFFF;
	_ =	strace $0x90000049  }
0xb3: {  	s29 =	simm.s32 $0x9;
	_ =	strace $0x8000004B  }
0xb4: {  	_ =	swait.ge [sflag:s29], $0x1  }
0xb5: {  	[sflag:s29] =	ssyncadd.s32 $0xFFFFFFFF  }
0xb6: {  	_ =	strace $0x9000004B  }
0xb7: {  	_ =	sfence  }
0xb8: {  	s30 =	sld [smem:$0x0];
	_ =	sdelay $0x2  }
0xb9: {  	s31 =	sshll.u32 s1, $0xD;
	s1 =	sshrl.u32 s1, $0x2  }
0xba: {  	s3 =	sand.u32 $0x4000, s31;
	s1 =	sadd.s32 s1, s30  }
0xbb: {  	s0 =	sor.u32 s3, s0;
	s1 =	sshll.u32 s1, $0x11  }
0xbc: {  	s0 =	sor.u32 s1, s0  }
0xbd: {  	s0 =	sadd.s32 $0x8F2B, s0  }
0xbe: {  	[sflag:s0] =	ssyncadd.remote.s32 $0x1  }
0xbf: {  	_ =	sfence.sel $0xFFFF  }
0xc0: {  	[dreg:$0x0] =	wrdreg $0xFFFFFFFF;
	(pc) =	sbr.abs _section_cstart, $3  }
0xc1: {  	[dreg:$0x1] =	wrdreg $0xFFFFFFFF  }
0xc2: {  	_ =	task.clear_ibuf [dreg:s7], $0x2FFFF;
	_ =	strace $0x9FFFFFFF  }
0xc3: {  	(tm) =	ssettm $0x7FFFFFFF  }
tec
execute0_lowered:
.L_overlay_start_1:
0x0: {  	(tag) =	ssettag $0x1  }
0x1: {  	s2 =	rddreg [dreg:$0x0]  }
0x2: {  	s0 =	rddreg [dreg:$0x1]  }
0x3: {  	s3 =	rddreg [dreg:$0x2];
	s17 =	stileid.u32  }
0x4: {  	s4 =	simm.s32 $0x0;
	s7 =	srdreg.scid;
	s1 =	smul.u32 $0x3D80, s17  }
0x5: {  	s28 =	simm.s32 $0x600;
	s29 =	simm.s32 $0x680;
	s5 =	smul.u32 $0xFA80, s17  }
0x6: {  	s30 =	simm.s32 $0x700;
	s31 =	simm.s32 $0x780;
	s8 =	smul.u32 $0x1EC00, s17  }
0x7: {  	[smem:$0x7FF] =	sst s4;
	s10 =	smul.u32 $0x6400, s17;
	s11 =	sor.u32 $0x10, s17  }
0x8: {  	s6 =	sadd.s32 $0xBB800, s0;
	s7 =	sand.u32 $0x1, s7;
	s12 =	smul.u32 $0x190, s11  }
0x9: {  	s13 =	sor.u32 $0x20, s17;
	s16 =	sshll.u32 s17, $0x6;
	s26 =	smul.u32 $0x6400, s11  }
0xa: {  	s21 =	sor.u32 $0x40, s17;
	_ =	strace $0x8000004A;
	s15 =	smul.u32 $0x190, s13  }
0xb: {  	[dreg:$0x8] =	wrdreg s6;
	s9 =	ssub.s32 $0x2, s7;
	s13 =	smul.u32 $0x6400, s13  }
0xc: {  	s14 =	sshll.u32 s7, $0x1;
	s11 =	sor.u32 $0x1C03, s16;
	s22 =	smul.u32 $0x190, s21  }
0xd: {  	s7 =	smul.u32 $0x3D8000, s7;
	s1 =	sadd.s32 s1, s0;
	s24 =	sshrl.u32 s5, $0x3  }
0xe: {  	s25 =	sshrl.u32 s9, $0x1;
	[dreg:$0xb] =	wrdreg s14;
	s5 =	sadd.s32 s5, s3  }
0xf: {  	s14 =	sor.u32 $0x30, s17;
	s19 =	sshrl.u32 s10, $0x2;
	[dreg:$0xa] =	wrdreg s12  }
0x10: {  	s6 =	sadd.s32 s24, s0;
	[dreg:$0xc] =	wrdreg s15;
	s18 =	smul.u32 $0x190, s14  }
0x11: {  	s0 =	sadd.s32 $0x1D0E00, s0;
	s20 =	smul.u32 $0x6400, s14;
	[dreg:$0x11] =	wrdreg s22  }
0x12: {  	s23 =	sshrl.u32 s26, $0x2;
	s24 =	smul.u32 $0x6400, s21;
	s13 =	sshrl.u32 s13, $0x2  }
0x13: {  	s1 =	sadd.s32 $0x7E000, s1;
	s7 =	sadd.s32 s8, s7;
	[dreg:$0x9] =	wrdreg s0  }
0x14: {  	s8 =	simm.s32 $0x100;
	s14 =	sor.u32 $0x60, s17;
	[dreg:$0x13] =	wrdreg s7  }
0x15: {  	s15 =	simm.s32 $0x180;
	s22 =	sor.u32 $0x80, s17;
	[dreg:$0x4] =	wrdreg s1  }
0x16: {  	s5 =	sshrl.u32 s5, $0x3;
	s0 =	ssub.s32 s9, s25;
	[dreg:$0x6] =	wrdreg s8  }
0x17: {  	s6 =	sadd.s32 $0x1B1800, s6;
	[dreg:$0x7] =	wrdreg s15;
	s7 =	smul.u32 $0x6400, s14  }
0x18: {  	s25 =	sor.u32 $0x50, s17;
	s15 =	smul.u32 $0x6400, s22;
	[dreg:$0x19] =	wrdreg s5  }
0x19: {  	s13 =	sadd.s32 s13, s3;
	[dreg:$0xd] =	wrdreg s6;
	s26 =	smul.u32 $0x190, s25  }
0x1a: {  	s5 =	simm.s32 $0x3;
	[dreg:$0xf] =	wrdreg s18;
	s12 =	smul.u32 $0x6400, s25  }
0x1b: {  	s0 =	smax.u32 s0, $0x1;
	s6 =	sadd.s32 s23, s3;
	s18 =	smul.u32 $0x190, s14  }
0x1c: {  	s10 =	sshrl.u32 s20, $0x2;
	s16 =	sshrl.u32 s24, $0x2;
	s24 =	smul.u32 $0x190, s22  }
0x1d: {  	[dreg:$0x10] =	wrdreg s0;
	s0 =	sadd.s32 s19, s3;
	s10 =	sadd.s32 s10, s3  }
0x1e: {  	s1 =	sadd.s32 s16, s3;
	s19 =	sor.u32 $0x70, s17;
	s7 =	sshrl.u32 s7, $0x2  }
0x1f: {  	s25 =	sshrl.u32 s15, $0x2;
	s15 =	sshrl.u32 s6, $0x3;
	[dreg:$0x12] =	wrdreg s26  }
0x20: {  	s6 =	simm.s32 $0x0;
	[dreg:$0x14] =	wrdreg s18;
	s20 =	sshrl.u32 s12, $0x2  }
0x21: {  	s21 =	smul.u32 $0x6400, s19;
	s18 =	sor.u32 $0x90, s17;
	s7 =	sadd.s32 s7, s3  }
0x22: {  	s8 =	smul.u32 $0x190, s19;
	[dreg:$0x17] =	wrdreg s24;
	s0 =	sshrl.u32 s0, $0x3  }
0x23: {  	[dreg:$0x1b] =	wrdreg s15;
	s19 =	sshrl.u32 s10, $0x3;
	s24 =	smul.u32 $0x190, s17  }
0x24: {  	s10 =	simm.s32 $0x1000;
	s15 =	simm.s32 $0x200;
	[dreg:$0x1a] =	wrdreg s0  }
0x25: {  	s17 =	simm.s32 $0x280;
	s9 =	sadd.s32 s20, s3;
	[dreg:$0x1d] =	wrdreg s19  }
0x26: {  	s16 =	smul.u32 $0x6400, s18;
	s20 =	sshrl.u32 s1, $0x3;
	[dreg:$0x15] =	wrdreg s18  }
0x27: {  	s22 =	sshrl.u32 s7, $0x3;
	s7 =	simm.s32 $0x400;
	[dreg:$0x16] =	wrdreg s8  }
0x28: {  	s19 =	simm.s32 $0x300;
	s0 =	simm.s32 $0x2;
	[dreg:$0x1e] =	wrdreg s20  }
0x29: {  	s12 =	sshrl.u32 s21, $0x2;
	s21 =	sshrl.u32 s9, $0x3;
	[smem:$0x7F9] =	sst s22  }
0x2a: {  	[smem:$0x7FB] =	sst s24;
	s8 =	simm.s32 $0x80;
	s9 =	simm.s32 $0x800  }
0x2b: {  	s20 =	simm.s32 $0x3800;
	s22 =	simm.s32 $0x4000;
	s24 =	simm.s32 $0x480  }
0x2c: {  	s23 =	sadd.s32 s12, s3;
	s26 =	sshrl.u32 s16, $0x2;
	s12 =	sadd.s32 s25, s3  }
0x2d: {  	s16 =	sshrl.u32 s13, $0x3;
	s13 =	smov.u32 s11;
	[dreg:$0x1f] =	wrdreg s21  }
0x2e: {  	s21 =	simm.s32 $0x380;
	s14 =	sadd.s32 s26, s3;
	[dreg:$0x1c] =	wrdreg s16  }
0x2f: {  	s23 =	sshrl.u32 s23, $0x3;
	s25 =	sshrl.u32 s12, $0x3;
	[dreg:$0xe] =	wrdreg s13  }
0x30: {  	s26 =	smul.u32 $0x190, s18;
	s12 =	simm.s32 $0x1800;
	[dreg:$0x18] =	wrdreg s14  }
0x31: {  	s16 =	simm.s32 $0x2800;
	s18 =	simm.s32 $0x3000;
	[smem:$0x7FA] =	sst s23  }
0x32: {  	[smem:$0x7FC] =	sst s25;
	s14 =	simm.s32 $0x2000;
	s23 =	simm.s32 $0x1  }
0x33: {  	s25 =	simm.s32 $0x500;
	[smem:$0x7FD] =	sst s26;
	s26 =	simm.s32 $0x580  }
.LBB2_1:
0x34: {  	[smem:$0x7F8] =	sst s6;
	p1 =	por $0x1, $0x1;
	s1 =	simm.s32 $0x0  }
.LBB2_2:
0x35: {  	s6 =	rddreg [dreg:$0xd]  }
0x36: {  	s11 =	rddreg [dreg:$0x19]  }
0x37: {  	[spmem:s11], [sflag:s13] =	dma.local [hbm:s6], $0x1F50  }
0x38: {  	_ =	swait.ge [sflag:s5], $0x1F50  }
0x39: {  	[sflag:s5] =	ssyncset.done $0x0  }
0x3a: {  	[sflag:s5] =	ssyncadd.s32 $0xFFFFE0B0  }
0x3b: {  	s11 =	smul.u32 $0x1EC000, s1;
	[bflag:$0x0] =	sbarrier.arrive $0xFFFF  }
0x3c: {  	s13 =	rddreg [dreg:$0x13]  }
0x3d: {  	s6 =	sadd.s32 s11, s13;
	s13 =	rddreg [dreg:$0x4]  }
0x3e: {  	s11 =	rddreg [dreg:$0x8];
	s6 =	sshrl.u32 s6, $0x3  }
0x3f: {  	s13 =	sadd.s32 $0x0, s13;
	s6 =	sadd.s32 s6, s11  }
0x40: {  	[tilespmem:s4], [sflag:$0x3] =	stream.linear.gather [hbm4b:s13+s4], $0x400, $0x38;
	[tilespmem:$0x14280] =	vst v63  }
0x41: {  	[dreg:$0x5] =	wrdreg s6  }
0x42: {  	_ =	swait.ge [sflag:s5], $0x400  }
0x43: {  	s11 =	rddreg [dreg:$0x5];
	[sflag:s5] =	ssyncset.done $0x0  }
0x44: {  	[sflag:s5] =	ssyncadd.s32 $0xFFFFFC00;
	s6 =	sadd.s32 $0x0, s11  }
0x45: {  	[tilespmem:s7], [sflag:$0x3] =	stream.linear.gather [hbm4b:s6+s4], $0x400, $0x38;
	[tilespmem:$0x14280] =	vst v63  }
0x46: {  	_ =	swait.ge [sflag:s5], $0x400  }
0x47: {  	[sflag:s5] =	ssyncset.done $0x0  }
0x48: {  	[sflag:s5] =	ssyncadd.s32 $0xFFFFFC00  }
0x49: {  	[tilespmem:s9], [sflag:$0x1] =	stream.indirect.gather [hbm4b:s2+s8], $0x10, s4, s8, $0xb8;
	[tilespmem:$0x14280] =	vst v63  }
0x4a: {  	_ = 	snop  }
0x4b: {  	[tilespmem:s10], [sflag:$0x1] =	stream.indirect.gather [hbm4b:s2+s8], $0x10, s8, s8, $0xb8;
	[tilespmem:$0x14280] =	vst v63  }
0x4c: {  	s13 =	rddreg [dreg:$0x6]  }
0x4d: {  	[tilespmem:s12], [sflag:$0x1] =	stream.indirect.gather [hbm4b:s2+s8], $0x10, s13, s8, $0xb8;
	[tilespmem:$0x14280] =	vst v63  }
0x4e: {  	s11 =	rddreg [dreg:$0x7]  }
0x4f: {  	[tilespmem:s14], [sflag:$0x1] =	stream.indirect.gather [hbm4b:s2+s8], $0x10, s11, s8, $0xb8;
	[tilespmem:$0x14280] =	vst v63  }
0x50: {  	_ = 	snop  }
0x51: {  	[tilespmem:s16], [sflag:$0x1] =	stream.indirect.gather [hbm4b:s2+s8], $0x10, s15, s8, $0xb8;
	[tilespmem:$0x14280] =	vst v63  }
0x52: {  	_ = 	snop  }
0x53: {  	[tilespmem:s18], [sflag:$0x1] =	stream.indirect.gather [hbm4b:s2+s8], $0x10, s17, s8, $0xb8;
	[tilespmem:$0x14280] =	vst v63  }
0x54: {  	_ = 	snop  }
0x55: {  	[tilespmem:s20], [sflag:$0x1] =	stream.indirect.gather [hbm4b:s2+s8], $0x10, s19, s8, $0xb8;
	[tilespmem:$0x14280] =	vst v63  }
0x56: {  	_ = 	snop  }
0x57: {  	[tilespmem:s22], [sflag:$0x1] =	stream.indirect.gather [hbm4b:s2+s8], $0x10, s21, s8, $0xb8;
	[tilespmem:$0x14280] =	vst v63  }
0x58: {  	_ =	swait.ge [sflag:s23], $0x800  }
0x59: {  	[sflag:s23] =	ssyncset.done $0x0  }
0x5a: {  	[sflag:s23] =	ssyncadd.s32 $0xFFFFF800  }
0x5b: {  	_ =	swait.ge [sflag:s23], $0x800  }
0x5c: {  	[sflag:s23] =	ssyncset.done $0x0  }
0x5d: {  	[sflag:s23] =	ssyncadd.s32 $0xFFFFF800  }
0x5e: {  	_ =	swait.ge [sflag:s23], $0x800  }
0x5f: {  	[sflag:s23] =	ssyncset.done $0x0  }
0x60: {  	[sflag:s23] =	ssyncadd.s32 $0xFFFFF800  }
0x61: {  	_ =	swait.ge [sflag:s23], $0x800  }
0x62: {  	[sflag:s23] =	ssyncset.done $0x0  }
0x63: {  	[sflag:s23] =	ssyncadd.s32 $0xFFFFF800  }
0x64: {  	_ =	swait.ge [sflag:s23], $0x800  }
0x65: {  	[sflag:s23] =	ssyncset.done $0x0  }
0x66: {  	[sflag:s23] =	ssyncadd.s32 $0xFFFFF800  }
0x67: {  	_ =	swait.ge [sflag:s23], $0x800  }
0x68: {  	[sflag:s23] =	ssyncset.done $0x0  }
0x69: {  	[sflag:s23] =	ssyncadd.s32 $0xFFFFF800  }
0x6a: {  	_ =	swait.ge [sflag:s23], $0x800  }
0x6b: {  	[sflag:s23] =	ssyncset.done $0x0  }
0x6c: {  	[sflag:s23] =	ssyncadd.s32 $0xFFFFF800  }
0x6d: {  	_ =	swait.ge [sflag:s23], $0x800  }
0x6e: {  	[sflag:s23] =	ssyncset.done $0x0  }
0x6f: {  	[sflag:s23] =	ssyncadd.s32 $0xFFFFF800  }
0x70: {  	[spmem:s3] =	stream.indirect.scatter.add.f32 [tilespmem:s9], [sflag:$0x2], $0x10, s7, s8, $0xb8;
	[tilespmem:$0x14280] =	vst v63  }
0x71: {  	_ = 	snop  }
0x72: {  	[spmem:s3] =	stream.indirect.scatter.add.f32 [tilespmem:s10], [sflag:$0x2], $0x10, s24, s8, $0xb8;
	[tilespmem:$0x14280] =	vst v63  }
0x73: {  	_ = 	snop  }
0x74: {  	[spmem:s3] =	stream.indirect.scatter.add.f32 [tilespmem:s12], [sflag:$0x2], $0x10, s25, s8, $0xb8;
	[tilespmem:$0x14280] =	vst v63  }
0x75: {  	_ = 	snop  }
0x76: {  	[spmem:s3] =	stream.indirect.scatter.add.f32 [tilespmem:s14], [sflag:$0x2], $0x10, s26, s8, $0xb8;
	[tilespmem:$0x14280] =	vst v63  }
0x77: {  	_ = 	snop  }
0x78: {  	[spmem:s3] =	stream.indirect.scatter.add.f32 [tilespmem:s16], [sflag:$0x2], $0x10, s28, s8, $0xb8;
	[tilespmem:$0x14280] =	vst v63  }
0x79: {  	_ = 	snop  }
0x7a: {  	[spmem:s3] =	stream.indirect.scatter.add.f32 [tilespmem:s18], [sflag:$0x2], $0x10, s29, s8, $0xb8;
	[tilespmem:$0x14280] =	vst v63  }
0x7b: {  	_ = 	snop  }
0x7c: {  	[spmem:s3] =	stream.indirect.scatter.add.f32 [tilespmem:s20], [sflag:$0x2], $0x10, s30, s8, $0xb8;
	[tilespmem:$0x14280] =	vst v63  }
0x7d: {  	_ = 	snop  }
0x7e: {  	[spmem:s3] =	stream.indirect.scatter.add.f32 [tilespmem:s22], [sflag:$0x2], $0x10, s31, s8, $0xb8;
	[tilespmem:$0x14280] =	vst v63  }
0x7f: {  	_ =	swait.ge [sflag:s0], $0x800  }
0x80: {  	[sflag:s0] =	ssyncset.done $0x0  }
0x81: {  	[sflag:s0] =	ssyncadd.s32 $0xFFFFF800  }
0x82: {  	_ =	swait.ge [sflag:s0], $0x800  }
0x83: {  	[sflag:s0] =	ssyncset.done $0x0  }
0x84: {  	[sflag:s0] =	ssyncadd.s32 $0xFFFFF800  }
0x85: {  	_ =	swait.ge [sflag:s0], $0x800  }
0x86: {  	[sflag:s0] =	ssyncset.done $0x0  }
0x87: {  	[sflag:s0] =	ssyncadd.s32 $0xFFFFF800  }
0x88: {  	_ =	swait.ge [sflag:s0], $0x800  }
0x89: {  	[sflag:s0] =	ssyncset.done $0x0  }
0x8a: {  	[sflag:s0] =	ssyncadd.s32 $0xFFFFF800  }
0x8b: {  	_ =	swait.ge [sflag:s0], $0x800  }
0x8c: {  	[sflag:s0] =	ssyncset.done $0x0  }
0x8d: {  	[sflag:s0] =	ssyncadd.s32 $0xFFFFF800  }
0x8e: {  	_ =	swait.ge [sflag:s0], $0x800  }
0x8f: {  	[sflag:s0] =	ssyncset.done $0x0  }
0x90: {  	[sflag:s0] =	ssyncadd.s32 $0xFFFFF800  }
0x91: {  	_ =	swait.ge [sflag:s0], $0x800  }
0x92: {  	s11 =	rddreg [dreg:$0xb]  }
0x93: {  	[sflag:s0] =	ssyncset.done $0x0;
	s13 =	sor.u32 s11, s1  }
0x94: {  	[sflag:s0] =	ssyncadd.s32 $0xFFFFF800;
	[smem:$0x7F7] =	sst s13  }
0x95: {  	p0 =	por p1, p1;
	s1 =	simm.s32 $0x100;
	_ =	swait.ge [sflag:s0], $0x800  }
0x96: {  	s13 =	simm.s32 $0x80;
	s6 =	rddreg [dreg:$0x4];
	[sflag:s0] =	ssyncset.done $0x0  }
.LBB2_3:
0x97: {  	[sflag:s0] =	ssyncadd.s32 $0xFFFFF800;
	s6 =	sadd.s32 s13, s6  }
0x98: {  	[tilespmem:s4], [sflag:$0x3] =	stream.linear.gather [hbm4b:s6+s4], $0x400, $0x38;
	[tilespmem:$0x14280] =	vst v63  }
0x99: {  	_ =	swait.ge [sflag:s5], $0x400  }
0x9a: {  	s6 =	rddreg [dreg:$0x5];
	[sflag:s5] =	ssyncset.done $0x0  }
0x9b: {  	[sflag:s5] =	ssyncadd.s32 $0xFFFFFC00;
	s6 =	sadd.s32 s13, s6  }
0x9c: {  	[tilespmem:s7], [sflag:$0x3] =	stream.linear.gather [hbm4b:s6+s4], $0x400, $0x38;
	[tilespmem:$0x14280] =	vst v63  }
0x9d: {  	_ =	swait.ge [sflag:s5], $0x400  }
0x9e: {  	[sflag:s5] =	ssyncset.done $0x0  }
0x9f: {  	[sflag:s5] =	ssyncadd.s32 $0xFFFFFC00  }
0xa0: {  	[tilespmem:s9], [sflag:$0x1] =	stream.indirect.gather [hbm4b:s2+s8], $0x10, s4, s8, $0xb8;
	[tilespmem:$0x14280] =	vst v63  }
0xa1: {  	_ = 	snop  }
0xa2: {  	[tilespmem:s10], [sflag:$0x1] =	stream.indirect.gather [hbm4b:s2+s8], $0x10, s8, s8, $0xb8;
	[tilespmem:$0x14280] =	vst v63  }
0xa3: {  	s11 =	smov.u32 s1;
	s6 =	rddreg [dreg:$0x6]  }
0xa4: {  	[tilespmem:s12], [sflag:$0x1] =	stream.indirect.gather [hbm4b:s2+s8], $0x10, s6, s8, $0xb8;
	[tilespmem:$0x14280] =	vst v63  }
0xa5: {  	s13 =	smov.u32 s11;
	s11 =	rddreg [dreg:$0x7]  }
0xa6: {  	[tilespmem:s14], [sflag:$0x1] =	stream.indirect.gather [hbm4b:s2+s8], $0x10, s11, s8, $0xb8;
	[tilespmem:$0x14280] =	vst v63  }
0xa7: {  	_ = 	snop  }
0xa8: {  	[tilespmem:s16], [sflag:$0x1] =	stream.indirect.gather [hbm4b:s2+s8], $0x10, s15, s8, $0xb8;
	[tilespmem:$0x14280] =	vst v63  }
0xa9: {  	_ = 	snop  }
0xaa: {  	[tilespmem:s18], [sflag:$0x1] =	stream.indirect.gather [hbm4b:s2+s8], $0x10, s17, s8, $0xb8;
	[tilespmem:$0x14280] =	vst v63  }
0xab: {  	_ = 	snop  }
0xac: {  	[tilespmem:s20], [sflag:$0x1] =	stream.indirect.gather [hbm4b:s2+s8], $0x10, s19, s8, $0xb8;
	[tilespmem:$0x14280] =	vst v63  }
0xad: {  	_ = 	snop  }
0xae: {  	[tilespmem:s22], [sflag:$0x1] =	stream.indirect.gather [hbm4b:s2+s8], $0x10, s21, s8, $0xb8;
	[tilespmem:$0x14280] =	vst v63  }
0xaf: {  	_ =	swait.ge [sflag:s23], $0x800  }
0xb0: {  	[sflag:s23] =	ssyncset.done $0x0  }
0xb1: {  	[sflag:s23] =	ssyncadd.s32 $0xFFFFF800  }
0xb2: {  	_ =	swait.ge [sflag:s23], $0x800  }
0xb3: {  	[sflag:s23] =	ssyncset.done $0x0  }
0xb4: {  	[sflag:s23] =	ssyncadd.s32 $0xFFFFF800  }
0xb5: {  	_ =	swait.ge [sflag:s23], $0x800  }
0xb6: {  	[sflag:s23] =	ssyncset.done $0x0  }
0xb7: {  	[sflag:s23] =	ssyncadd.s32 $0xFFFFF800  }
0xb8: {  	_ =	swait.ge [sflag:s23], $0x800  }
0xb9: {  	[sflag:s23] =	ssyncset.done $0x0  }
0xba: {  	[sflag:s23] =	ssyncadd.s32 $0xFFFFF800  }
0xbb: {  	_ =	swait.ge [sflag:s23], $0x800  }
0xbc: {  	[sflag:s23] =	ssyncset.done $0x0  }
0xbd: {  	[sflag:s23] =	ssyncadd.s32 $0xFFFFF800  }
0xbe: {  	_ =	swait.ge [sflag:s23], $0x800  }
0xbf: {  	[sflag:s23] =	ssyncset.done $0x0  }
0xc0: {  	[sflag:s23] =	ssyncadd.s32 $0xFFFFF800  }
0xc1: {  	_ =	swait.ge [sflag:s23], $0x800  }
0xc2: {  	[sflag:s23] =	ssyncset.done $0x0  }
0xc3: {  	[sflag:s23] =	ssyncadd.s32 $0xFFFFF800  }
0xc4: {  	_ =	swait.ge [sflag:s23], $0x800  }
0xc5: {  	[sflag:s23] =	ssyncset.done $0x0  }
0xc6: {  	[sflag:s23] =	ssyncadd.s32 $0xFFFFF800  }
0xc7: {  	[spmem:s3] =	stream.indirect.scatter.add.f32 [tilespmem:s9], [sflag:$0x2], $0x10, s7, s8, $0xb8;
	[tilespmem:$0x14280] =	vst v63  }
0xc8: {  	_ = 	snop  }
0xc9: {  	[spmem:s3] =	stream.indirect.scatter.add.f32 [tilespmem:s10], [sflag:$0x2], $0x10, s24, s8, $0xb8;
	[tilespmem:$0x14280] =	vst v63  }
0xca: {  	_ = 	snop  }
0xcb: {  	[spmem:s3] =	stream.indirect.scatter.add.f32 [tilespmem:s12], [sflag:$0x2], $0x10, s25, s8, $0xb8;
	[tilespmem:$0x14280] =	vst v63  }
0xcc: {  	_ = 	snop  }
0xcd: {  	[spmem:s3] =	stream.indirect.scatter.add.f32 [tilespmem:s14], [sflag:$0x2], $0x10, s26, s8, $0xb8;
	[tilespmem:$0x14280] =	vst v63  }
0xce: {  	_ = 	snop  }
0xcf: {  	[spmem:s3] =	stream.indirect.scatter.add.f32 [tilespmem:s16], [sflag:$0x2], $0x10, s28, s8, $0xb8;
	[tilespmem:$0x14280] =	vst v63  }
0xd0: {  	_ = 	snop  }
0xd1: {  	[spmem:s3] =	stream.indirect.scatter.add.f32 [tilespmem:s18], [sflag:$0x2], $0x10, s29, s8, $0xb8;
	[tilespmem:$0x14280] =	vst v63  }
0xd2: {  	_ = 	snop  }
0xd3: {  	[spmem:s3] =	stream.indirect.scatter.add.f32 [tilespmem:s20], [sflag:$0x2], $0x10, s30, s8, $0xb8;
	[tilespmem:$0x14280] =	vst v63  }
0xd4: {  	_ = 	snop  }
0xd5: {  	[spmem:s3] =	stream.indirect.scatter.add.f32 [tilespmem:s22], [sflag:$0x2], $0x10, s31, s8, $0xb8;
	[tilespmem:$0x14280] =	vst v63  }
0xd6: {  	_ =	swait.ge [sflag:s0], $0x800  }
0xd7: {  	[sflag:s0] =	ssyncset.done $0x0  }
0xd8: {  	[sflag:s0] =	ssyncadd.s32 $0xFFFFF800  }
0xd9: {  	_ =	swait.ge [sflag:s0], $0x800  }
0xda: {  	[sflag:s0] =	ssyncset.done $0x0  }
0xdb: {  	[sflag:s0] =	ssyncadd.s32 $0xFFFFF800  }
0xdc: {  	_ =	swait.ge [sflag:s0], $0x800  }
0xdd: {  	[sflag:s0] =	ssyncset.done $0x0  }
0xde: {  	[sflag:s0] =	ssyncadd.s32 $0xFFFFF800  }
0xdf: {  	_ =	swait.ge [sflag:s0], $0x800  }
0xe0: {  	[sflag:s0] =	ssyncset.done $0x0  }
0xe1: {  	[sflag:s0] =	ssyncadd.s32 $0xFFFFF800  }
0xe2: {  	_ =	swait.ge [sflag:s0], $0x800  }
0xe3: {  	[sflag:s0] =	ssyncset.done $0x0  }
0xe4: {  	[sflag:s0] =	ssyncadd.s32 $0xFFFFF800  }
0xe5: {  	_ =	swait.ge [sflag:s0], $0x800  }
0xe6: {  	[sflag:s0] =	ssyncset.done $0x0  }
0xe7: {  	p1 =	sne.s32 s1, $0x3D00;
	[sflag:s0] =	ssyncadd.s32 $0xFFFFF800  }
.Ltmp0:
0xe8: {  	_ =	swait.ge [sflag:s0], $0x800;
	(pc) =	sbr.rel @p1 .LBB2_3-.Ltmp0, $4  }
0xe9: {  	[sflag:s0] =	ssyncset.done $0x0  }
0xea: {  	[sflag:s0] =	ssyncadd.s32 $0xFFFFF800  }
0xeb: {  	_ =	swait.ge [sflag:s0], $0x800  }
0xec: {  	s1 =	sadd.s32 $0x80, s1;
	s6 =	rddreg [dreg:$0x4];
	[sflag:s0] =	ssyncset.done $0x0  }
0xed: {  	[sflag:s0] =	ssyncadd.s32 $0xFFFFF800;
	s1 =	sadd.s32 s13, s6  }
0xee: {  	[tilespmem:s4], [sflag:$0x3] =	stream.linear.gather [hbm4b:s1+s4], $0x400, $0x38;
	[tilespmem:$0x14280] =	vst v63  }
0xef: {  	_ =	swait.ge [sflag:s5], $0x400  }
0xf0: {  	s6 =	rddreg [dreg:$0x5];
	[sflag:s5] =	ssyncset.done $0x0  }
0xf1: {  	[sflag:s5] =	ssyncadd.s32 $0xFFFFFC00;
	s1 =	sadd.s32 s13, s6  }
0xf2: {  	[tilespmem:s7], [sflag:$0x3] =	stream.linear.gather [hbm4b:s1+s4], $0x400, $0x38;
	[tilespmem:$0x14280] =	vst v63  }
0xf3: {  	_ =	swait.ge [sflag:s5], $0x400  }
0xf4: {  	[sflag:s5] =	ssyncset.done $0x0  }
0xf5: {  	[sflag:s5] =	ssyncadd.s32 $0xFFFFFC00  }
0xf6: {  	[tilespmem:s9], [sflag:$0x1] =	stream.indirect.gather [hbm4b:s2+s8], $0x10, s4, s8, $0xb8;
	[tilespmem:$0x14280] =	vst v63  }
0xf7: {  	_ = 	snop  }
0xf8: {  	[tilespmem:s10], [sflag:$0x1] =	stream.indirect.gather [hbm4b:s2+s8], $0x10, s8, s8, $0xb8;
	[tilespmem:$0x14280] =	vst v63  }
0xf9: {  	s11 =	rddreg [dreg:$0x6]  }
0xfa: {  	[tilespmem:s12], [sflag:$0x1] =	stream.indirect.gather [hbm4b:s2+s8], $0x10, s11, s8, $0xb8;
	[tilespmem:$0x14280] =	vst v63  }
0xfb: {  	s13 =	rddreg [dreg:$0x7]  }
0xfc: {  	[tilespmem:s14], [sflag:$0x1] =	stream.indirect.gather [hbm4b:s2+s8], $0x10, s13, s8, $0xb8;
	[tilespmem:$0x14280] =	vst v63  }
0xfd: {  	_ = 	snop  }
0xfe: {  	[tilespmem:s16], [sflag:$0x1] =	stream.indirect.gather [hbm4b:s2+s8], $0x10, s15, s8, $0xb8;
	[tilespmem:$0x14280] =	vst v63  }
0xff: {  	_ = 	snop  }
0x100: {  	[tilespmem:s18], [sflag:$0x1] =	stream.indirect.gather [hbm4b:s2+s8], $0x10, s17, s8, $0xb8;
	[tilespmem:$0x14280] =	vst v63  }
0x101: {  	_ = 	snop  }
0x102: {  	[tilespmem:s20], [sflag:$0x1] =	stream.indirect.gather [hbm4b:s2+s8], $0x10, s19, s8, $0xb8;
	[tilespmem:$0x14280] =	vst v63  }
0x103: {  	_ = 	snop  }
0x104: {  	[tilespmem:s22], [sflag:$0x1] =	stream.indirect.gather [hbm4b:s2+s8], $0x10, s21, s8, $0xb8;
	[tilespmem:$0x14280] =	vst v63  }
0x105: {  	_ =	swait.ge [sflag:s23], $0x800  }
0x106: {  	[sflag:s23] =	ssyncset.done $0x0  }
0x107: {  	[sflag:s23] =	ssyncadd.s32 $0xFFFFF800  }
0x108: {  	_ =	swait.ge [sflag:s23], $0x800  }
0x109: {  	[sflag:s23] =	ssyncset.done $0x0  }
0x10a: {  	[sflag:s23] =	ssyncadd.s32 $0xFFFFF800  }
0x10b: {  	_ =	swait.ge [sflag:s23], $0x800  }
0x10c: {  	[sflag:s23] =	ssyncset.done $0x0  }
0x10d: {  	[sflag:s23] =	ssyncadd.s32 $0xFFFFF800  }
0x10e: {  	_ =	swait.ge [sflag:s23], $0x800  }
0x10f: {  	[sflag:s23] =	ssyncset.done $0x0  }
0x110: {  	[sflag:s23] =	ssyncadd.s32 $0xFFFFF800  }
0x111: {  	_ =	swait.ge [sflag:s23], $0x800  }
0x112: {  	[sflag:s23] =	ssyncset.done $0x0  }
0x113: {  	[sflag:s23] =	ssyncadd.s32 $0xFFFFF800  }
0x114: {  	_ =	swait.ge [sflag:s23], $0x800  }
0x115: {  	[sflag:s23] =	ssyncset.done $0x0  }
0x116: {  	[sflag:s23] =	ssyncadd.s32 $0xFFFFF800  }
0x117: {  	_ =	swait.ge [sflag:s23], $0x800  }
0x118: {  	[sflag:s23] =	ssyncset.done $0x0  }
0x119: {  	[sflag:s23] =	ssyncadd.s32 $0xFFFFF800  }
0x11a: {  	_ =	swait.ge [sflag:s23], $0x800  }
0x11b: {  	[sflag:s23] =	ssyncset.done $0x0  }
0x11c: {  	[sflag:s23] =	ssyncadd.s32 $0xFFFFF800  }
0x11d: {  	[spmem:s3] =	stream.indirect.scatter.add.f32 [tilespmem:s9], [sflag:$0x2], $0x10, s7, s8, $0xb8;
	[tilespmem:$0x14280] =	vst v63  }
0x11e: {  	_ = 	snop  }
0x11f: {  	[spmem:s3] =	stream.indirect.scatter.add.f32 [tilespmem:s10], [sflag:$0x2], $0x10, s24, s8, $0xb8;
	[tilespmem:$0x14280] =	vst v63  }
0x120: {  	_ = 	snop  }
0x121: {  	[spmem:s3] =	stream.indirect.scatter.add.f32 [tilespmem:s12], [sflag:$0x2], $0x10, s25, s8, $0xb8;
	[tilespmem:$0x14280] =	vst v63  }
0x122: {  	_ = 	snop  }
0x123: {  	[spmem:s3] =	stream.indirect.scatter.add.f32 [tilespmem:s14], [sflag:$0x2], $0x10, s26, s8, $0xb8;
	[tilespmem:$0x14280] =	vst v63  }
0x124: {  	_ = 	snop  }
0x125: {  	[spmem:s3] =	stream.indirect.scatter.add.f32 [tilespmem:s16], [sflag:$0x2], $0x10, s28, s8, $0xb8;
	[tilespmem:$0x14280] =	vst v63  }
0x126: {  	_ = 	snop  }
0x127: {  	[spmem:s3] =	stream.indirect.scatter.add.f32 [tilespmem:s18], [sflag:$0x2], $0x10, s29, s8, $0xb8;
	[tilespmem:$0x14280] =	vst v63  }
0x128: {  	_ = 	snop  }
0x129: {  	[spmem:s3] =	stream.indirect.scatter.add.f32 [tilespmem:s20], [sflag:$0x2], $0x10, s30, s8, $0xb8;
	[tilespmem:$0x14280] =	vst v63  }
0x12a: {  	_ = 	snop  }
0x12b: {  	[spmem:s3] =	stream.indirect.scatter.add.f32 [tilespmem:s22], [sflag:$0x2], $0x10, s31, s8, $0xb8;
	[tilespmem:$0x14280] =	vst v63  }
0x12c: {  	_ =	swait.ge [sflag:s0], $0x800  }
0x12d: {  	[sflag:s0] =	ssyncset.done $0x0  }
0x12e: {  	[sflag:s0] =	ssyncadd.s32 $0xFFFFF800  }
0x12f: {  	_ =	swait.ge [sflag:s0], $0x800  }
0x130: {  	[sflag:s0] =	ssyncset.done $0x0  }
0x131: {  	[sflag:s0] =	ssyncadd.s32 $0xFFFFF800  }
0x132: {  	_ =	swait.ge [sflag:s0], $0x800  }
0x133: {  	[sflag:s0] =	ssyncset.done $0x0  }
0x134: {  	[sflag:s0] =	ssyncadd.s32 $0xFFFFF800  }
0x135: {  	_ =	swait.ge [sflag:s0], $0x800  }
0x136: {  	[sflag:s0] =	ssyncset.done $0x0  }
0x137: {  	[sflag:s0] =	ssyncadd.s32 $0xFFFFF800  }
0x138: {  	_ =	swait.ge [sflag:s0], $0x800  }
0x139: {  	[sflag:s0] =	ssyncset.done $0x0  }
0x13a: {  	[sflag:s0] =	ssyncadd.s32 $0xFFFFF800  }
0x13b: {  	_ =	swait.ge [sflag:s0], $0x800  }
0x13c: {  	[sflag:s0] =	ssyncset.done $0x0  }
0x13d: {  	[sflag:s0] =	ssyncadd.s32 $0xFFFFF800  }
0x13e: {  	_ =	swait.ge [sflag:s0], $0x800  }
0x13f: {  	s11 =	sld [smem:$0x7F7];
	_ =	sdelay $0x2  }
0x140: {  	s1 =	smul.u32 $0xFA00, s11  }
0x141: {  	[sflag:s0] =	ssyncset.done $0x0  }
0x142: {  	[sflag:s0] =	ssyncadd.s32 $0xFFFFF800;
	[smem:$0x7F6] =	sst s1  }
0x143: {  	_ =	swait.ge [sflag:s0], $0x800  }
0x144: {  	[sflag:s0] =	ssyncset.done $0x0;
	s13 =	sld [smem:$0x7FB]  }
0x145: {  	[sflag:s0] =	ssyncadd.s32 $0xFFFFF800  }
0x146: {  	[bflag:$0x0] =	sbarrier.arrive $0xFFFF  }
0x147: {  	s6 =	sadd.s32 s1, s13;
	s11 =	rddreg [dreg:$0x9]  }
0x148: {  	s1 =	rddreg [dreg:$0xe];
	s6 =	sshll.u32 s6, $0x1  }
0x149: {  	s13 =	rddreg [dreg:$0x1a];
	s6 =	sadd.s32 s11, s6  }
0x14a: {  	[hbm:s6], [sflag:s1] =	dma.local [spmem:s13], $0x320  }
0x14b: {  	_ =	swait.ge [sflag:s5], $0x320  }
0x14c: {  	s13 =	sld [smem:$0x7F6];
	_ =	sdelay $0x1  }
0x14d: {  	s6 =	rddreg [dreg:$0xa]  }
0x14e: {  	s6 =	sadd.s32 s13, s6  }
0x14f: {  	[sflag:s5] =	ssyncset.done $0x0;
	s6 =	sshll.u32 s6, $0x1  }
0x150: {  	[sflag:s5] =	ssyncadd.s32 $0xFFFFFCE0;
	s13 =	rddreg [dreg:$0x1b];
	s6 =	sadd.s32 s11, s6  }
0x151: {  	[hbm:s6], [sflag:s1] =	dma.local [spmem:s13], $0x320  }
0x152: {  	_ =	swait.ge [sflag:s5], $0x320  }
0x153: {  	s13 =	sld [smem:$0x7F6];
	_ =	sdelay $0x1  }
0x154: {  	s6 =	rddreg [dreg:$0xc]  }
0x155: {  	s6 =	sadd.s32 s13, s6  }
0x156: {  	[sflag:s5] =	ssyncset.done $0x0;
	s6 =	sshll.u32 s6, $0x1  }
0x157: {  	[sflag:s5] =	ssyncadd.s32 $0xFFFFFCE0;
	s13 =	rddreg [dreg:$0x1c];
	s6 =	sadd.s32 s11, s6  }
0x158: {  	[hbm:s6], [sflag:s1] =	dma.local [spmem:s13], $0x320  }
0x159: {  	_ =	swait.ge [sflag:s5], $0x320  }
0x15a: {  	s13 =	sld [smem:$0x7F6];
	_ =	sdelay $0x1  }
0x15b: {  	s6 =	rddreg [dreg:$0xf]  }
0x15c: {  	s6 =	sadd.s32 s13, s6  }
0x15d: {  	[sflag:s5] =	ssyncset.done $0x0;
	s6 =	sshll.u32 s6, $0x1  }
0x15e: {  	[sflag:s5] =	ssyncadd.s32 $0xFFFFFCE0;
	s13 =	rddreg [dreg:$0x1d];
	s6 =	sadd.s32 s11, s6  }
0x15f: {  	[hbm:s6], [sflag:s1] =	dma.local [spmem:s13], $0x320  }
0x160: {  	_ =	swait.ge [sflag:s5], $0x320  }
0x161: {  	s13 =	sld [smem:$0x7F6];
	_ =	sdelay $0x1  }
0x162: {  	s6 =	rddreg [dreg:$0x11]  }
0x163: {  	s6 =	sadd.s32 s13, s6  }
0x164: {  	[sflag:s5] =	ssyncset.done $0x0;
	s6 =	sshll.u32 s6, $0x1  }
0x165: {  	[sflag:s5] =	ssyncadd.s32 $0xFFFFFCE0;
	s13 =	rddreg [dreg:$0x1e];
	s6 =	sadd.s32 s11, s6  }
0x166: {  	[hbm:s6], [sflag:s1] =	dma.local [spmem:s13], $0x320  }
0x167: {  	_ =	swait.ge [sflag:s5], $0x320  }
0x168: {  	s13 =	sld [smem:$0x7F6];
	_ =	sdelay $0x1  }
0x169: {  	s6 =	rddreg [dreg:$0x12]  }
0x16a: {  	s6 =	sadd.s32 s13, s6  }
0x16b: {  	[sflag:s5] =	ssyncset.done $0x0;
	s6 =	sshll.u32 s6, $0x1  }
0x16c: {  	[sflag:s5] =	ssyncadd.s32 $0xFFFFFCE0;
	s13 =	rddreg [dreg:$0x1f];
	s6 =	sadd.s32 s11, s6  }
0x16d: {  	[hbm:s6], [sflag:s1] =	dma.local [spmem:s13], $0x320  }
0x16e: {  	_ =	swait.ge [sflag:s5], $0x320  }
0x16f: {  	s13 =	sld [smem:$0x7F6];
	_ =	sdelay $0x1  }
0x170: {  	s6 =	rddreg [dreg:$0x14]  }
0x171: {  	s6 =	sadd.s32 s13, s6;
	s13 =	sld [smem:$0x7F9]  }
0x172: {  	[sflag:s5] =	ssyncset.done $0x0;
	s6 =	sshll.u32 s6, $0x1  }
0x173: {  	[sflag:s5] =	ssyncadd.s32 $0xFFFFFCE0;
	s6 =	sadd.s32 s11, s6  }
0x174: {  	[hbm:s6], [sflag:s1] =	dma.local [spmem:s13], $0x320  }
0x175: {  	_ =	swait.ge [sflag:s5], $0x320  }
0x176: {  	s13 =	sld [smem:$0x7F6];
	_ =	sdelay $0x1  }
0x177: {  	s6 =	rddreg [dreg:$0x16]  }
0x178: {  	s6 =	sadd.s32 s13, s6;
	s13 =	sld [smem:$0x7FA]  }
0x179: {  	[sflag:s5] =	ssyncset.done $0x0;
	s6 =	sshll.u32 s6, $0x1  }
0x17a: {  	[sflag:s5] =	ssyncadd.s32 $0xFFFFFCE0;
	s6 =	sadd.s32 s11, s6  }
0x17b: {  	[hbm:s6], [sflag:s1] =	dma.local [spmem:s13], $0x320  }
0x17c: {  	_ =	swait.ge [sflag:s5], $0x320  }
0x17d: {  	s13 =	sld [smem:$0x7F6];
	_ =	sdelay $0x1  }
0x17e: {  	s6 =	rddreg [dreg:$0x17]  }
0x17f: {  	s6 =	sadd.s32 s13, s6;
	s13 =	sld [smem:$0x7FC]  }
0x180: {  	[sflag:s5] =	ssyncset.done $0x0;
	s6 =	sshll.u32 s6, $0x1  }
0x181: {  	[sflag:s5] =	ssyncadd.s32 $0xFFFFFCE0;
	s6 =	sadd.s32 s11, s6  }
0x182: {  	[hbm:s6], [sflag:s1] =	dma.local [spmem:s13], $0x320  }
0x183: {  	s6 =	sld [smem:$0x7F7];
	_ =	sdelay $0x2  }
0x184: {  	p1 =	seq.s32 s6, $0x3;
	s6 =	simm.s32 $0x91  }
0x185: {  	s13 =	rddreg [dreg:$0x15];
	_ =	swait.ge [sflag:s5], $0x320;
	s6 =	simm.s32 @!p1 $0xA0  }
0x186: {  	p1 =	sge.u32 s13, s6;
	s6 =	sld [smem:$0x7FD]  }
0x187: {  	s13 =	smov.u32 s1;
	s1 =	sld [smem:$0x7F6];
	_ =	sdelay $0x2  }
0x188: {  	s1 =	sadd.s32 @!p1 s1, s6  }
0x189: {  	[sflag:s5] =	ssyncset.done $0x0;
	s6 =	rddreg [dreg:$0x18];
	s1 =	sshll.u32 @!p1 s1, $0x1  }
0x18a: {  	[sflag:s5] =	ssyncadd.s32 $0xFFFFFCE0;
	s6 =	sshrl.u32 @!p1 s6, $0x3;
	s1 =	sadd.s32 @!p1 s11, s1  }
0x18b: {  	[hbm:s1], [sflag:s13] =	dma.local @!p1 [spmem:s6], $0x320  }
0x18c: {  	s1 =	simm.s32 @!p1 $0x3  }
.Ltmp1:
0x18d: {  	_ =	swait.ge @!p1 [sflag:s1], $0x320;
	(pc) =	sbr.rel @p0 .LBB2_2-.Ltmp1, $4  }
0x18e: {  	[sflag:s1] =	ssyncset.done @!p1 $0x0  }
0x18f: {  	[sflag:s1] =	ssyncadd.s32 @!p1 $0xFFFFFCE0  }
0x190: {  	[bflag:$0x0] =	sbarrier.arrive $0xFFFF  }
0x191: {  	s1 =	simm.s32 $0x1;
	p1 =	por $0x0, $0x0  }
0x192: {  	s6 =	sld [smem:$0x7F8];
	_ =	sdelay $0x2  }
0x193: {  	s1 =	rddreg [dreg:$0x10];
	s6 =	sadd.s32 $0x1, s6  }
0x194: {  	p0 =	sne.s32 s6, s1  }
.Ltmp2:
0x195: {  	_ = 	snop;
	(pc) =	sbr.rel @p0 .LBB2_1-.Ltmp2, $1  }
0x196: {  	_ =	sdelay $0x3  }
0x197: {  	_ =	sfence.sel $0x180000  }
0x198: {  	[bflag:$0x0] =	sbarrier.arrive $0xFFFF  }
0x199: {  	_ =	strace $0x9000004A  }
0x19a: {  	s0 =	stileid.u32;
	[bflag:$0x2] =	sbarrier.arrive $0xFFFF  }
0x19b: {  	p0 =	sne.s32 s0, $0x0;
	s0 =	rddreg [dreg:$0x3]  }
0x19c: {  	s0 =	sadd.s32 @!p0 $0x100000, s0  }
0x19d: {  	[sflag:s0] =	ssyncadd.tile.s32 @!p0 $0x1;
	_ =	shalt  }
.Lfunc_end2:
_tile_overlayer_lowered:
.L_overlay_start_2:
0x19e: {  	(tag) =	ssettag $0x2  }
0x19f: {  	s0 =	rddreg [dreg:$0x0];
	s2 =	stileid.u32  }
0x1a0: {  	s1 =	rddreg [dreg:$0x1];
	p0 =	sne.s32 s2, $0x0  }
0x1a1: {  	s3 =	rddreg [dreg:$0x2];
	[bflag:$0x3] =	sbarrier.arrive $0xFFFF;
	s2 =	simm.s32 @!p0 $0x1C03  }
0x1a2: {  	[timem:s3], [sflag:s2] =	dma.local @!p0 [hbm:s0], s1  }
0x1a3: {  	s0 =	simm.s32 @!p0 $0x3  }
0x1a4: {  	_ =	swait.ge @!p0 [sflag:s0], s1  }
0x1a5: {  	s1 =	ssub.s32 @!p0 $0x0, s1;
	[sflag:s0] =	ssyncset.done @!p0 $0x0  }
0x1a6: {  	[sflag:s0] =	ssyncadd.s32 @!p0 s1  }
0x1a7: {  	[bflag:$0x3] =	sbarrier.arrive $0xFFFF  }
0x1a8: {  	_ =	shalt  }

// kernel: kernel.16.cloned.1.call-start
scs
__scs_entry_jumppad:
0x0: {  	(pc) =	sbr.rel $0x88, $3  }
0x1: {  	(tag) =	ssettag $0x0;
	lr =	simm.s32 $0x1  }
0x2: {  	[smem:$0x3F99] =	sst lr;
	_ =	strace $0xD0000000  }
0x3: {  	_ = 	snop  }
0x4: {  	_ = 	snop  }
0x5: {  	_ = 	snop  }
0x6: {  	_ = 	snop  }
0x7: {  	_ = 	snop  }
__scs_overlays_trampoline_lowered:
0x8: {  	[smem:$0x3FA8] =	sst s0  }
0x9: {  	[smem:$0x3FA9] =	sst s1  }
0xa: {  	[smem:$0x3FAA] =	sst s2  }
0xb: {  	[smem:$0x3FAB] =	sst s3  }
0xc: {  	[smem:$0x3FAC] =	sst s4  }
0xd: {  	[smem:$0x3FAD] =	sst s5  }
0xe: {  	[smem:$0x3FAE] =	sst s6  }
0xf: {  	[smem:$0x3FAF] =	sst s7  }
0x10: {  	[smem:$0x3FB0] =	sst s8  }
0x11: {  	[smem:$0x3FB1] =	sst s9;
	s0 =	simm.s32 @!p0 $0x0  }
0x12: {  	s1 =	sld [smem:$0x3F97];
	s0 =	simm.s32 @p0 $0x1  }
0x13: {  	[smem:$0x3FB2] =	sst s0;
	s0 =	simm.s32 @!p1 $0x0  }
0x14: {  	s2 =	sld [smem:$0x3F96];
	s0 =	simm.s32 @p1 $0x1  }
0x15: {  	[smem:$0x3FB3] =	sst s0;
	s0 =	simm.s32 @!p2 $0x0  }
0x16: {  	s3 =	sld [smem:$0x3FDB];
	s0 =	simm.s32 @p2 $0x1  }
0x17: {  	s4 =	simm.s32 $0x1BF5;
	[smem:$0x3FB5] =	sst s0  }
0x18: {  	s0 =	sld [smem:$0x3F98];
	_ =	swait.ge [sflag:s4], $0x0  }
0x19: {  	s7 =	sld [smem:$0x3F99]  }
0x1a: {  	s8 =	sadd.s32 $0xFFFFE003, lr  }
0x1b: {  	s9 =	sadd.s32 $0xFFFFFEF7, lr;
	s5 =	simm.s32 $0xFFFFFFFF;
	p2 =	slt.u32 s8, $0xFFFFF086  }
0x1c: {  	p1 =	slt.u32 s9, $0xF7A;
	s5 =	simm.s32 @!p2 $0x0  }
0x1d: {  	s5 =	simm.s32 @p1 $0x1;
	p0 =	seq.s32 s7, s2  }
0x1e: {  	s7 =	smul.u32 @!p0 $0xF7A, s2;
	p2 =	seq.s32 @!p0 s5, $0x0  }
0x1f: {  	s9 =	smul.u32 $0xF7A, s1;
	s8 =	simm.s32 @!p0 $0x1BF5;
	p2 =	por !p2, p0  }
0x20: {  	[sflag:s8] =	ssyncset.s32 @!p0 $0xFFFFF086;
	s6 =	sadd.s32 @!p0 s3, s7;
	s7 =	simm.s32 @!p0 $0x108  }
0x21: {  	s3 =	sadd.s32 s3, s9;
	s6 =	sadd.s32 @!p0 $0x88, s6;
	s7 =	simm.s32 @p2 $0x1082  }
0x22: {  	[simem:s7], [sflag:s8] =	dma.local @!p0 [hbm:s6], $0xF7A  }
0x23: {  	s9 =	sor.u32 $0xD0000000, s2;
	s6 =	simm.s32 $0x108;
	_ =	swait.ge @!p0 [sflag:s8], $0x0  }
0x24: {  	s3 =	sadd.s32 $0x88, s3;
	s6 =	simm.s32 @!p1 $0x1082;
	[sflag:s4] =	ssyncset.s32 $0xFFFFF086  }
0x25: {  	[simem:s6], [sflag:s4] =	dma.local [hbm:s3], $0xF7A  }
0x26: {  	[smem:$0x3F99] =	sst s1;
	(tag) =	ssettag s2;
	_ =	strace s9  }
0x27: {  	s1 =	sld [smem:$0x3FA9]  }
0x28: {  	s2 =	sld [smem:$0x3FAA]  }
0x29: {  	s4 =	sld [smem:$0x3FAC]  }
0x2a: {  	p0 =	seq.s32 s5, $0x0;
	s5 =	sld [smem:$0x3FAD]  }
0x2b: {  	s6 =	sld [smem:$0x3FAE]  }
0x2c: {  	s7 =	sld [smem:$0x3FAF]  }
0x2d: {  	s3 =	simm.s32 $0x108;
	s8 =	sld [smem:$0x3FB0]  }
0x2e: {  	s3 =	simm.s32 @!p0 $0x1082;
	s9 =	sld [smem:$0x3FB1]  }
0x2f: {  	lr =	sadd.s32 s0, s3;
	s0 =	sld [smem:$0x3FA8]  }
0x30: {  	s3 =	sld [smem:$0x3FAB]  }
0x31: {  	[smem:$0x3FB4] =	sst s10  }
0x32: {  	s10 =	sld [smem:$0x3FB2];
	_ =	sdelay $0x3  }
0x33: {  	p0 =	seq.s32 s10, $0x1;
	s10 =	sld [smem:$0x3FB4];
	_ =	sdelay $0x3  }
0x34: {  	[smem:$0x3FB4] =	sst s10  }
0x35: {  	s10 =	sld [smem:$0x3FB3];
	_ =	sdelay $0x3  }
0x36: {  	p1 =	seq.s32 s10, $0x1;
	s10 =	sld [smem:$0x3FB4];
	_ =	sdelay $0x3  }
0x37: {  	[smem:$0x3FB4] =	sst s10  }
0x38: {  	s10 =	sld [smem:$0x3FB5]  }
0x39: {  	_ = 	snop;
	(pc) =	sbr.ind lr, $3  }
0x3a: {  	_ = 	snop  }
0x3b: {  	_ = 	snop  }
0x3c: {  	p2 =	seq.s32 s10, $0x1;
	s10 =	sld [smem:$0x3FB4]  }
0x3d: {  	_ =	shalt  }
0x3e: {  	_ =	shalt  }
0x3f: {  	_ =	shalt  }
0x40: {  	_ =	shalt  }
0x41: {  	_ =	shalt  }
0x42: {  	_ =	shalt  }
0x43: {  	_ =	shalt  }
0x44: {  	_ =	shalt  }
0x45: {  	_ =	shalt  }
0x46: {  	_ =	shalt  }
0x47: {  	_ =	shalt  }
0x48: {  	_ =	shalt  }
0x49: {  	_ =	shalt  }
0x4a: {  	_ =	shalt  }
0x4b: {  	_ =	shalt  }
0x4c: {  	_ =	shalt  }
0x4d: {  	_ =	shalt  }
0x4e: {  	_ =	shalt  }
0x4f: {  	_ =	shalt  }
0x50: {  	_ =	shalt  }
0x51: {  	_ =	shalt  }
0x52: {  	_ =	shalt  }
0x53: {  	_ =	shalt  }
0x54: {  	_ =	shalt  }
0x55: {  	_ =	shalt  }
0x56: {  	_ =	shalt  }
0x57: {  	_ =	shalt  }
0x58: {  	_ =	shalt  }
0x59: {  	_ =	shalt  }
0x5a: {  	_ =	shalt  }
0x5b: {  	_ =	shalt  }
0x5c: {  	_ =	shalt  }
0x5d: {  	_ =	shalt  }
0x5e: {  	_ =	shalt  }
0x5f: {  	_ =	shalt  }
0x60: {  	_ =	shalt  }
0x61: {  	_ =	shalt  }
0x62: {  	_ =	shalt  }
0x63: {  	_ =	shalt  }
0x64: {  	_ =	shalt  }
0x65: {  	_ =	shalt  }
0x66: {  	_ =	shalt  }
0x67: {  	_ =	shalt  }
0x68: {  	_ =	shalt  }
0x69: {  	_ =	shalt  }
0x6a: {  	_ =	shalt  }
0x6b: {  	_ =	shalt  }
0x6c: {  	_ =	shalt  }
0x6d: {  	_ =	shalt  }
0x6e: {  	_ =	shalt  }
0x6f: {  	_ =	shalt  }
0x70: {  	_ =	shalt  }
0x71: {  	_ =	shalt  }
0x72: {  	_ =	shalt  }
0x73: {  	_ =	shalt  }
0x74: {  	_ =	shalt  }
0x75: {  	_ =	shalt  }
0x76: {  	_ =	shalt  }
0x77: {  	_ =	shalt  }
0x78: {  	_ =	shalt  }
0x79: {  	_ =	shalt  }
0x7a: {  	_ =	shalt  }
0x7b: {  	_ =	shalt  }
0x7c: {  	_ =	shalt  }
0x7d: {  	_ =	shalt  }
0x7e: {  	_ =	shalt  }
0x7f: {  	_ =	shalt  }
0x80: {  	_ =	shalt  }
0x81: {  	_ =	shalt  }
0x82: {  	_ =	shalt  }
0x83: {  	_ =	shalt  }
0x84: {  	_ =	shalt  }
0x85: {  	_ =	shalt  }
0x86: {  	_ =	shalt  }
0x87: {  	_ =	shalt  }
.Lfunc_end0:
.L_simem_size_0:
called_computation.3_lowered:
.L_overlay_start_0:
0x88: {  	s2 =	sld [smem:$0x3FD9]  }
0x89: {  	s3 =	sld [smem:$0x3FFE];
	_ =	sdelay $0x1  }
0x8a: {  	s1 =	srdreg.scid  }
0x8b: {  	s0 =	sand.u32 $0x1, s1  }
0x8c: {  	s17 =	sshll.u32 s0, $0xA;
	s2 =	sadd.s32 s3, s2  }
0x8d: {  	s2 =	sadd.s32 s2, s17  }
0x8e: {  	[smem:$0x3FC0] =	sst s2  }
0x8f: {  	_ = 	snop  }
0x90: {  	s2 =	sld [smem:$0x3FD0];
	(tm) =	ssettm $0x1  }
0x91: {  	s18 =	sld [smem:$0x3FFB];
	_ =	sdelay $0x3  }
0x92: {  	_ =	strace s18  }
0x93: {  	s3 =	sld [smem:$0x3FFC];
	_ =	sdelay $0x3  }
0x94: {  	_ =	strace s3  }
0x95: {  	s3 =	sld [smem:$0x3FFD];
	_ =	sdelay $0x3  }
0x96: {  	_ =	strace s3  }
0x97: {  	_ =	strace $0x8FFFFFFF  }
0x98: {  	s19 =	sld [smem:$0x3FDB];
	_ =	sdelay $0x1  }
0x99: {  	s4 =	simm.s32 $_scs_section_size  }
0x9a: {  	s5 =	simm.s32 $_size__tile_overlayer_lowered;
	s6 =	simm.s32 $_tile_overlayer_lowered  }
0x9b: {  	s22 =	simm.s32 $0x1BFF;
	s21 =	sshll.u32 s6, $0x1;
	s3 =	sadd.s32 s4, s19  }
0x9c: {  	s7 =	simm.s32 $0x0;
	s20 =	sshll.u32 s5, $0x1;
	s5 =	sadd.s32 s21, s3  }
0x9d: {  	[timem:s7], [sflag:s22] =	dma.local [hbm:s5], s20  }
0x9e: {  	_ =	swait.ge [sflag:s22], s20  }
0x9f: {  	s4 =	ssub.s32 $0x0, s20;
	[sflag:s22] =	ssyncset.done $0x0  }
0xa0: {  	[sflag:s22] =	ssyncadd.s32 s4;
	_ =	sdelay $0x1  }
0xa1: {  	s23 =	simm.s32 $0x1B8B  }
0xa2: {  	_ =	swait.ge [sflag:s23], $0x1  }
0xa3: {  	[sflag:s23] =	ssyncset.done $0x0  }
0xa4: {  	s25 =	simm.s32 $0x1B8E;
	s24 =	sld [smem:$0x3FFE];
	[sflag:s23] =	ssyncadd.s32 $0xFFFFFFFF  }
0xa5: {  	s26 =	simm.s32 $execute0_lowered;
	[smem:$0x3FD2] =	sst s25  }
0xa6: {  	s5 =	sshll.u32 s26, $0x1;
	_ =	strace $0x8000004C;
	[dreg:$0x1] =	wrdreg $0xFFFFFFFF  }
0xa7: {  	s28 =	simm.s32 $_size_execute0_lowered;
	s3 =	sadd.s32 s3, s5;
	[dreg:$0x0] =	wrdreg $0x0  }
0xa8: {  	s5 =	sshll.u32 s28, $0x1;
	[dreg:$0x2] =	wrdreg s3  }
0xa9: {  	[dreg:$0x3] =	wrdreg s5  }
0xaa: {  	[dreg:$0x4] =	wrdreg $0xC0  }
0xab: {  	_ =	task [dreg:s7], $0x5FFFF  }
0xac: {  	[dreg:$0x1] =	wrdreg $0xFFFFFFFF  }
0xad: {  	[dreg:$0x0] =	wrdreg $0x60  }
0xae: {  	[dreg:$0x2] =	wrdreg s2  }
0xaf: {  	[dreg:$0x3] =	wrdreg s24  }
0xb0: {  	[dreg:$0x4] =	wrdreg $0x88000  }
0xb1: {  	[dreg:$0x5] =	wrdreg $0x9  }
0xb2: {  	_ =	task.clear_ibuf [dreg:s7], $0x6FFFF;
	_ =	strace $0x9000004C  }
0xb3: {  	s29 =	simm.s32 $0x9;
	_ =	strace $0x8000004E  }
0xb4: {  	_ =	swait.ge [sflag:s29], $0x1  }
0xb5: {  	[sflag:s29] =	ssyncadd.s32 $0xFFFFFFFF  }
0xb6: {  	_ =	strace $0x9000004E  }
0xb7: {  	_ =	sfence  }
0xb8: {  	s30 =	sld [smem:$0x0];
	_ =	sdelay $0x2  }
0xb9: {  	s31 =	sshll.u32 s1, $0xD;
	s1 =	sshrl.u32 s1, $0x2  }
0xba: {  	s3 =	sand.u32 $0x4000, s31;
	s1 =	sadd.s32 s1, s30  }
0xbb: {  	s0 =	sor.u32 s3, s0;
	s1 =	sshll.u32 s1, $0x11  }
0xbc: {  	s0 =	sor.u32 s1, s0  }
0xbd: {  	s0 =	sadd.s32 $0x8F2B, s0  }
0xbe: {  	[sflag:s0] =	ssyncadd.remote.s32 $0x1  }
0xbf: {  	_ =	sfence.sel $0xFFFF  }
0xc0: {  	[dreg:$0x0] =	wrdreg $0xFFFFFFFF;
	(pc) =	sbr.abs _section_cstart, $3  }
0xc1: {  	[dreg:$0x1] =	wrdreg $0xFFFFFFFF  }
0xc2: {  	_ =	task.clear_ibuf [dreg:s7], $0x2FFFF;
	_ =	strace $0x9FFFFFFF  }
0xc3: {  	(tm) =	ssettm $0x7FFFFFFF  }
tec
execute0_lowered:
.L_overlay_start_1:
0x0: {  	(tag) =	ssettag $0x1  }
0x1: {  	s1 =	rddreg [dreg:$0x0]  }
0x2: {  	s0 =	rddreg [dreg:$0x1];
	s13 =	stileid.u32  }
0x3: {  	s4 =	srdreg.scid;
	s2 =	smul.u32 $0x3D80, s13  }
0x4: {  	s3 =	rddreg [dreg:$0x2];
	s24 =	simm.s32 $0x100;
	s6 =	smul.u32 $0x1EC00, s13  }
0x5: {  	s25 =	simm.s32 $0x180;
	s26 =	simm.s32 $0x200;
	s8 =	smul.u32 $0x15F00, s13  }
0x6: {  	s30 =	simm.s32 $0x3;
	s31 =	simm.s32 $0x400;
	s11 =	smul.u32 $0x190, s13  }
0x7: {  	s5 =	sand.u32 $0x1, s4;
	s4 =	simm.s32 $0x0;
	s14 =	smul.u32 $0xC800, s13  }
0x8: {  	s12 =	sshll.u32 s13, $0x6;
	s18 =	sor.u32 $0x20, s13;
	s7 =	smul.u32 $0x5C4000, s5  }
0x9: {  	s22 =	sor.u32 $0x30, s13;
	[smem:$0x7FF] =	sst s4;
	s19 =	smul.u32 $0x190, s18  }
0xa: {  	s21 =	smul.u32 $0xC800, s18;
	_ =	strace $0x8000004D;
	[dreg:$0xa] =	wrdreg s11  }
0xb: {  	s29 =	sor.u32 $0x1C03, s12;
	s23 =	smul.u32 $0xC800, s22;
	[dreg:$0x5] =	wrdreg s24  }
0xc: {  	s2 =	sadd.s32 s2, s0;
	s9 =	sshrl.u32 s8, $0x3;
	[dreg:$0x6] =	wrdreg s25  }
0xd: {  	s16 =	sshrl.u32 s14, $0x2;
	s14 =	sor.u32 $0x40, s13;
	[dreg:$0x7] =	wrdreg s26  }
0xe: {  	[dreg:$0xc] =	wrdreg s29;
	s6 =	sadd.s32 s6, s7;
	s7 =	sadd.s32 s9, s0  }
0xf: {  	s9 =	ssub.s32 $0x2, s5;
	s5 =	smul.u32 $0x3, s5;
	[dreg:$0xf] =	wrdreg s19  }
0x10: {  	s11 =	smul.u32 $0xC800, s14;
	s2 =	sadd.s32 $0x7E000, s2;
	[dreg:$0x10] =	wrdreg s14  }
0x11: {  	s6 =	sshrl.u32 s6, $0x3;
	s10 =	sshrl.u32 s9, $0x1;
	[dreg:$0x4] =	wrdreg s2  }
0x12: {  	s7 =	sadd.s32 $0x3000, s7;
	s6 =	sadd.s32 s6, s0;
	[dreg:$0x9] =	wrdreg s5  }
0x13: {  	s0 =	sadd.s32 $0xBB800, s0;
	s5 =	sadd.s32 s8, s3;
	[dreg:$0xb] =	wrdreg s7  }
0x14: {  	s8 =	sshrl.u32 s21, $0x2;
	[dreg:$0x8] =	wrdreg s0;
	s0 =	ssub.s32 s9, s10  }
0x15: {  	s10 =	sor.u32 $0x10, s13;
	s8 =	sadd.s32 s8, s3;
	s9 =	smul.u32 $0x190, s22  }
0x16: {  	s21 =	sshrl.u32 s5, $0x3;
	s22 =	smul.u32 $0x190, s14;
	s14 =	simm.s32 $0x380  }
0x17: {  	s15 =	smul.u32 $0x190, s10;
	s0 =	smax.u32 s0, $0x1;
	[dreg:$0x18] =	wrdreg s21  }
0x18: {  	s17 =	smul.u32 $0xC800, s10;
	s10 =	sshrl.u32 s23, $0x2;
	[dreg:$0xe] =	wrdreg s0  }
0x19: {  	s25 =	sshrl.u32 s8, $0x3;
	s8 =	simm.s32 $0x280;
	[dreg:$0x13] =	wrdreg s9  }
0x1a: {  	s21 =	simm.s32 $0x600;
	s0 =	sadd.s32 s16, s3;
	[dreg:$0x19] =	wrdreg s22  }
0x1b: {  	s16 =	sadd.s32 s10, s3;
	[dreg:$0x1d] =	wrdreg s25;
	s22 =	simm.s32 $0x680  }
0x1c: {  	s25 =	simm.s32 $0x2;
	s9 =	simm.s32 $0x0;
	[dreg:$0xd] =	wrdreg s15  }
0x1d: {  	s20 =	sshrl.u32 s17, $0x2;
	s15 =	sor.u32 $0x50, s13;
	s13 =	sor.u32 $0x60, s13  }
0x1e: {  	s17 =	sshrl.u32 s11, $0x2;
	s0 =	sshrl.u32 s0, $0x3;
	s26 =	sshrl.u32 s16, $0x3  }
0x1f: {  	s11 =	simm.s32 $0x1800;
	s16 =	simm.s32 $0x1;
	[dreg:$0x1a] =	wrdreg s0  }
0x20: {  	s7 =	sadd.s32 s20, s3;
	s12 =	smul.u32 $0xC800, s15;
	[dreg:$0x11] =	wrdreg s15  }
0x21: {  	s28 =	smul.u32 $0xC800, s13;
	s10 =	sadd.s32 s17, s3;
	[dreg:$0x1e] =	wrdreg s26  }
0x22: {  	s20 =	sadd.s32 $0x24B000, s6;
	s24 =	smul.u32 $0x190, s15;
	[dreg:$0x12] =	wrdreg s13  }
0x23: {  	s0 =	simm.s32 $0x800;
	s6 =	simm.s32 $0x3800;
	[dreg:$0x14] =	wrdreg s10  }
0x24: {  	s15 =	simm.s32 $0x7800;
	s17 =	simm.s32 $0x480;
	[dreg:$0x17] =	wrdreg s20  }
0x25: {  	s23 =	sshrl.u32 s7, $0x3;
	s20 =	simm.s32 $0x2800;
	s7 =	simm.s32 $0x4800  }
0x26: {  	s10 =	simm.s32 $0x5800;
	s18 =	sshrl.u32 s12, $0x2;
	[dreg:$0x1b] =	wrdreg s23  }
0x27: {  	s2 =	sshrl.u32 s28, $0x2;
	[dreg:$0x1c] =	wrdreg s24;
	s28 =	smul.u32 $0x190, s13  }
0x28: {  	s12 =	simm.s32 $0x300;
	s13 =	simm.s32 $0x6800;
	s19 =	sadd.s32 s18, s3  }
0x29: {  	s23 =	simm.s32 $0x700;
	s2 =	sadd.s32 s2, s3;
	[dreg:$0x15] =	wrdreg s19  }
0x2a: {  	s24 =	simm.s32 $0x780;
	s18 =	simm.s32 $0x500;
	[dreg:$0x16] =	wrdreg s2  }
0x2b: {  	[dreg:$0x1f] =	wrdreg s28;
	s2 =	simm.s32 $0x80;
	s19 =	simm.s32 $0x580  }
.LBB2_1:
0x2c: {  	[smem:$0x7FD] =	sst s9  }
0x2d: {  	s26 =	rddreg [dreg:$0x17];
	s28 =	simm.s32 $0x0  }
.LBB2_2:
0x2e: {  	s5 =	rddreg [dreg:$0xb]  }
0x2f: {  	s9 =	rddreg [dreg:$0x18]  }
0x30: {  	[spmem:s9], [sflag:s29] =	dma.local [hbm:s5], $0x2BE0  }
0x31: {  	_ =	swait.ge [sflag:s30], $0x2BE0  }
0x32: {  	[sflag:s30] =	ssyncset.done $0x0  }
0x33: {  	[sflag:s30] =	ssyncadd.s32 $0xFFFFD420  }
0x34: {  	[bflag:$0x0] =	sbarrier.arrive $0xFFFF  }
0x35: {  	s9 =	rddreg [dreg:$0x4]  }
0x36: {  	s5 =	sadd.s32 $0x0, s9  }
0x37: {  	[tilespmem:s4], [sflag:$0x3] =	stream.linear.gather [hbm4b:s5+s4], $0x400, $0x38;
	[tilespmem:$0x1E700] =	vst v63  }
0x38: {  	_ =	swait.ge [sflag:s30], $0x400  }
0x39: {  	[sflag:s30] =	ssyncset.done $0x0  }
0x3a: {  	s9 =	sadd.s32 $0x0, s26;
	[sflag:s30] =	ssyncadd.s32 $0xFFFFFC00  }
0x3b: {  	[tilespmem:s31], [sflag:$0x3] =	stream.linear.gather [hbm4b:s9+s4], $0x400, $0x38;
	[tilespmem:$0x1E700] =	vst v63  }
0x3c: {  	_ =	swait.ge [sflag:s30], $0x400  }
0x3d: {  	[sflag:s30] =	ssyncset.done $0x0  }
0x3e: {  	[sflag:s30] =	ssyncadd.s32 $0xFFFFFC00  }
0x3f: {  	[tilespmem:s0], [sflag:$0x1] =	stream.indirect.gather [hbm4b:s1+s2], $0x20, s4, s2, $0xb8;
	[tilespmem:$0x1E700] =	vst v63  }
0x40: {  	_ = 	snop  }
0x41: {  	[tilespmem:s11], [sflag:$0x1] =	stream.indirect.gather [hbm4b:s1+s2], $0x20, s2, s2, $0xb8;
	[tilespmem:$0x1E700] =	vst v63  }
0x42: {  	s5 =	rddreg [dreg:$0x5]  }
0x43: {  	[tilespmem:s20], [sflag:$0x1] =	stream.indirect.gather [hbm4b:s1+s2], $0x20, s5, s2, $0xb8;
	[tilespmem:$0x1E700] =	vst v63  }
0x44: {  	s9 =	rddreg [dreg:$0x6]  }
0x45: {  	[tilespmem:s6], [sflag:$0x1] =	stream.indirect.gather [hbm4b:s1+s2], $0x20, s9, s2, $0xb8;
	[tilespmem:$0x1E700] =	vst v63  }
0x46: {  	s5 =	rddreg [dreg:$0x7]  }
0x47: {  	[tilespmem:s7], [sflag:$0x1] =	stream.indirect.gather [hbm4b:s1+s2], $0x20, s5, s2, $0xb8;
	[tilespmem:$0x1E700] =	vst v63  }
0x48: {  	_ = 	snop  }
0x49: {  	[tilespmem:s10], [sflag:$0x1] =	stream.indirect.gather [hbm4b:s1+s2], $0x20, s8, s2, $0xb8;
	[tilespmem:$0x1E700] =	vst v63  }
0x4a: {  	_ = 	snop  }
0x4b: {  	[tilespmem:s13], [sflag:$0x1] =	stream.indirect.gather [hbm4b:s1+s2], $0x20, s12, s2, $0xb8;
	[tilespmem:$0x1E700] =	vst v63  }
0x4c: {  	_ = 	snop  }
0x4d: {  	[tilespmem:s15], [sflag:$0x1] =	stream.indirect.gather [hbm4b:s1+s2], $0x20, s14, s2, $0xb8;
	[tilespmem:$0x1E700] =	vst v63  }
0x4e: {  	_ =	swait.ge [sflag:s16], $0x1000  }
0x4f: {  	[sflag:s16] =	ssyncset.done $0x0  }
0x50: {  	[sflag:s16] =	ssyncadd.s32 $0xFFFFF000  }
0x51: {  	_ =	swait.ge [sflag:s16], $0x1000  }
0x52: {  	[sflag:s16] =	ssyncset.done $0x0  }
0x53: {  	[sflag:s16] =	ssyncadd.s32 $0xFFFFF000  }
0x54: {  	_ =	swait.ge [sflag:s16], $0x1000  }
0x55: {  	[sflag:s16] =	ssyncset.done $0x0  }
0x56: {  	[sflag:s16] =	ssyncadd.s32 $0xFFFFF000  }
0x57: {  	_ =	swait.ge [sflag:s16], $0x1000  }
0x58: {  	[sflag:s16] =	ssyncset.done $0x0  }
0x59: {  	[sflag:s16] =	ssyncadd.s32 $0xFFFFF000  }
0x5a: {  	_ =	swait.ge [sflag:s16], $0x1000  }
0x5b: {  	[sflag:s16] =	ssyncset.done $0x0  }
0x5c: {  	[sflag:s16] =	ssyncadd.s32 $0xFFFFF000  }
0x5d: {  	_ =	swait.ge [sflag:s16], $0x1000  }
0x5e: {  	[sflag:s16] =	ssyncset.done $0x0  }
0x5f: {  	[sflag:s16] =	ssyncadd.s32 $0xFFFFF000  }
0x60: {  	_ =	swait.ge [sflag:s16], $0x1000  }
0x61: {  	[sflag:s16] =	ssyncset.done $0x0  }
0x62: {  	[sflag:s16] =	ssyncadd.s32 $0xFFFFF000  }
0x63: {  	_ =	swait.ge [sflag:s16], $0x1000  }
0x64: {  	[sflag:s16] =	ssyncset.done $0x0  }
0x65: {  	[sflag:s16] =	ssyncadd.s32 $0xFFFFF000  }
0x66: {  	[spmem:s3] =	stream.indirect.scatter.add.f32 [tilespmem:s0], [sflag:$0x2], $0x20, s31, s2, $0xb8;
	[tilespmem:$0x1E700] =	vst v63  }
0x67: {  	_ = 	snop  }
0x68: {  	[spmem:s3] =	stream.indirect.scatter.add.f32 [tilespmem:s11], [sflag:$0x2], $0x20, s17, s2, $0xb8;
	[tilespmem:$0x1E700] =	vst v63  }
0x69: {  	_ = 	snop  }
0x6a: {  	[spmem:s3] =	stream.indirect.scatter.add.f32 [tilespmem:s20], [sflag:$0x2], $0x20, s18, s2, $0xb8;
	[tilespmem:$0x1E700] =	vst v63  }
0x6b: {  	_ = 	snop  }
0x6c: {  	[spmem:s3] =	stream.indirect.scatter.add.f32 [tilespmem:s6], [sflag:$0x2], $0x20, s19, s2, $0xb8;
	[tilespmem:$0x1E700] =	vst v63  }
0x6d: {  	_ = 	snop  }
0x6e: {  	[spmem:s3] =	stream.indirect.scatter.add.f32 [tilespmem:s7], [sflag:$0x2], $0x20, s21, s2, $0xb8;
	[tilespmem:$0x1E700] =	vst v63  }
0x6f: {  	_ = 	snop  }
0x70: {  	[spmem:s3] =	stream.indirect.scatter.add.f32 [tilespmem:s10], [sflag:$0x2], $0x20, s22, s2, $0xb8;
	[tilespmem:$0x1E700] =	vst v63  }
0x71: {  	_ = 	snop  }
0x72: {  	[spmem:s3] =	stream.indirect.scatter.add.f32 [tilespmem:s13], [sflag:$0x2], $0x20, s23, s2, $0xb8;
	[tilespmem:$0x1E700] =	vst v63  }
0x73: {  	_ = 	snop  }
0x74: {  	[spmem:s3] =	stream.indirect.scatter.add.f32 [tilespmem:s15], [sflag:$0x2], $0x20, s24, s2, $0xb8;
	[tilespmem:$0x1E700] =	vst v63  }
0x75: {  	_ =	swait.ge [sflag:s25], $0x1000  }
0x76: {  	[sflag:s25] =	ssyncset.done $0x0  }
0x77: {  	[sflag:s25] =	ssyncadd.s32 $0xFFFFF000  }
0x78: {  	_ =	swait.ge [sflag:s25], $0x1000  }
0x79: {  	[sflag:s25] =	ssyncset.done $0x0  }
0x7a: {  	[sflag:s25] =	ssyncadd.s32 $0xFFFFF000  }
0x7b: {  	_ =	swait.ge [sflag:s25], $0x1000  }
0x7c: {  	[sflag:s25] =	ssyncset.done $0x0  }
0x7d: {  	[sflag:s25] =	ssyncadd.s32 $0xFFFFF000  }
0x7e: {  	_ =	swait.ge [sflag:s25], $0x1000  }
0x7f: {  	[sflag:s25] =	ssyncset.done $0x0  }
0x80: {  	[sflag:s25] =	ssyncadd.s32 $0xFFFFF000  }
0x81: {  	_ =	swait.ge [sflag:s25], $0x1000  }
0x82: {  	[sflag:s25] =	ssyncset.done $0x0  }
0x83: {  	[sflag:s25] =	ssyncadd.s32 $0xFFFFF000  }
0x84: {  	_ =	swait.ge [sflag:s25], $0x1000  }
0x85: {  	[sflag:s25] =	ssyncset.done $0x0  }
0x86: {  	[sflag:s25] =	ssyncadd.s32 $0xFFFFF000  }
0x87: {  	_ =	swait.ge [sflag:s25], $0x1000  }
0x88: {  	s9 =	rddreg [dreg:$0x9]  }
0x89: {  	[sflag:s25] =	ssyncset.done $0x0;
	[smem:$0x7FB] =	sst s28;
	s5 =	sadd.s32 s9, s28  }
0x8a: {  	[sflag:s25] =	ssyncadd.s32 $0xFFFFF000;
	[smem:$0x7FC] =	sst s5  }
0x8b: {  	s29 =	simm.s32 $0x80;
	_ =	swait.ge [sflag:s25], $0x1000  }
0x8c: {  	s5 =	simm.s32 $0x100;
	s9 =	rddreg [dreg:$0x4];
	[sflag:s25] =	ssyncset.done $0x0  }
.LBB2_3:
0x8d: {  	[sflag:s25] =	ssyncadd.s32 $0xFFFFF000;
	s9 =	sadd.s32 s29, s9  }
0x8e: {  	[tilespmem:s4], [sflag:$0x3] =	stream.linear.gather [hbm4b:s9+s4], $0x400, $0x38;
	[tilespmem:$0x1E700] =	vst v63  }
0x8f: {  	_ =	swait.ge [sflag:s30], $0x400  }
0x90: {  	[sflag:s30] =	ssyncset.done $0x0  }
0x91: {  	s9 =	sadd.s32 s29, s26;
	[sflag:s30] =	ssyncadd.s32 $0xFFFFFC00  }
0x92: {  	[tilespmem:s31], [sflag:$0x3] =	stream.linear.gather [hbm4b:s9+s4], $0x400, $0x38;
	[tilespmem:$0x1E700] =	vst v63  }
0x93: {  	_ =	swait.ge [sflag:s30], $0x400  }
0x94: {  	[sflag:s30] =	ssyncset.done $0x0  }
0x95: {  	[sflag:s30] =	ssyncadd.s32 $0xFFFFFC00  }
0x96: {  	[tilespmem:s0], [sflag:$0x1] =	stream.indirect.gather [hbm4b:s1+s2], $0x20, s4, s2, $0xb8;
	[tilespmem:$0x1E700] =	vst v63  }
0x97: {  	_ = 	snop  }
0x98: {  	[tilespmem:s11], [sflag:$0x1] =	stream.indirect.gather [hbm4b:s1+s2], $0x20, s2, s2, $0xb8;
	[tilespmem:$0x1E700] =	vst v63  }
0x99: {  	s28 =	smov.u32 s5;
	s9 =	rddreg [dreg:$0x5]  }
0x9a: {  	[tilespmem:s20], [sflag:$0x1] =	stream.indirect.gather [hbm4b:s1+s2], $0x20, s9, s2, $0xb8;
	[tilespmem:$0x1E700] =	vst v63  }
0x9b: {  	s29 =	smov.u32 s28;
	s28 =	rddreg [dreg:$0x6]  }
0x9c: {  	[tilespmem:s6], [sflag:$0x1] =	stream.indirect.gather [hbm4b:s1+s2], $0x20, s28, s2, $0xb8;
	[tilespmem:$0x1E700] =	vst v63  }
0x9d: {  	s9 =	rddreg [dreg:$0x7]  }
0x9e: {  	[tilespmem:s7], [sflag:$0x1] =	stream.indirect.gather [hbm4b:s1+s2], $0x20, s9, s2, $0xb8;
	[tilespmem:$0x1E700] =	vst v63  }
0x9f: {  	_ = 	snop  }
0xa0: {  	[tilespmem:s10], [sflag:$0x1] =	stream.indirect.gather [hbm4b:s1+s2], $0x20, s8, s2, $0xb8;
	[tilespmem:$0x1E700] =	vst v63  }
0xa1: {  	_ = 	snop  }
0xa2: {  	[tilespmem:s13], [sflag:$0x1] =	stream.indirect.gather [hbm4b:s1+s2], $0x20, s12, s2, $0xb8;
	[tilespmem:$0x1E700] =	vst v63  }
0xa3: {  	_ = 	snop  }
0xa4: {  	[tilespmem:s15], [sflag:$0x1] =	stream.indirect.gather [hbm4b:s1+s2], $0x20, s14, s2, $0xb8;
	[tilespmem:$0x1E700] =	vst v63  }
0xa5: {  	_ =	swait.ge [sflag:s16], $0x1000  }
0xa6: {  	[sflag:s16] =	ssyncset.done $0x0  }
0xa7: {  	[sflag:s16] =	ssyncadd.s32 $0xFFFFF000  }
0xa8: {  	_ =	swait.ge [sflag:s16], $0x1000  }
0xa9: {  	[sflag:s16] =	ssyncset.done $0x0  }
0xaa: {  	[sflag:s16] =	ssyncadd.s32 $0xFFFFF000  }
0xab: {  	_ =	swait.ge [sflag:s16], $0x1000  }
0xac: {  	[sflag:s16] =	ssyncset.done $0x0  }
0xad: {  	[sflag:s16] =	ssyncadd.s32 $0xFFFFF000  }
0xae: {  	_ =	swait.ge [sflag:s16], $0x1000  }
0xaf: {  	[sflag:s16] =	ssyncset.done $0x0  }
0xb0: {  	[sflag:s16] =	ssyncadd.s32 $0xFFFFF000  }
0xb1: {  	_ =	swait.ge [sflag:s16], $0x1000  }
0xb2: {  	[sflag:s16] =	ssyncset.done $0x0  }
0xb3: {  	[sflag:s16] =	ssyncadd.s32 $0xFFFFF000  }
0xb4: {  	_ =	swait.ge [sflag:s16], $0x1000  }
0xb5: {  	[sflag:s16] =	ssyncset.done $0x0  }
0xb6: {  	[sflag:s16] =	ssyncadd.s32 $0xFFFFF000  }
0xb7: {  	_ =	swait.ge [sflag:s16], $0x1000  }
0xb8: {  	[sflag:s16] =	ssyncset.done $0x0  }
0xb9: {  	[sflag:s16] =	ssyncadd.s32 $0xFFFFF000  }
0xba: {  	_ =	swait.ge [sflag:s16], $0x1000  }
0xbb: {  	[sflag:s16] =	ssyncset.done $0x0  }
0xbc: {  	[sflag:s16] =	ssyncadd.s32 $0xFFFFF000  }
0xbd: {  	[spmem:s3] =	stream.indirect.scatter.add.f32 [tilespmem:s0], [sflag:$0x2], $0x20, s31, s2, $0xb8;
	[tilespmem:$0x1E700] =	vst v63  }
0xbe: {  	_ = 	snop  }
0xbf: {  	[spmem:s3] =	stream.indirect.scatter.add.f32 [tilespmem:s11], [sflag:$0x2], $0x20, s17, s2, $0xb8;
	[tilespmem:$0x1E700] =	vst v63  }
0xc0: {  	_ = 	snop  }
0xc1: {  	[spmem:s3] =	stream.indirect.scatter.add.f32 [tilespmem:s20], [sflag:$0x2], $0x20, s18, s2, $0xb8;
	[tilespmem:$0x1E700] =	vst v63  }
0xc2: {  	_ = 	snop  }
0xc3: {  	[spmem:s3] =	stream.indirect.scatter.add.f32 [tilespmem:s6], [sflag:$0x2], $0x20, s19, s2, $0xb8;
	[tilespmem:$0x1E700] =	vst v63  }
0xc4: {  	_ = 	snop  }
0xc5: {  	[spmem:s3] =	stream.indirect.scatter.add.f32 [tilespmem:s7], [sflag:$0x2], $0x20, s21, s2, $0xb8;
	[tilespmem:$0x1E700] =	vst v63  }
0xc6: {  	_ = 	snop  }
0xc7: {  	[spmem:s3] =	stream.indirect.scatter.add.f32 [tilespmem:s10], [sflag:$0x2], $0x20, s22, s2, $0xb8;
	[tilespmem:$0x1E700] =	vst v63  }
0xc8: {  	_ = 	snop  }
0xc9: {  	[spmem:s3] =	stream.indirect.scatter.add.f32 [tilespmem:s13], [sflag:$0x2], $0x20, s23, s2, $0xb8;
	[tilespmem:$0x1E700] =	vst v63  }
0xca: {  	_ = 	snop  }
0xcb: {  	[spmem:s3] =	stream.indirect.scatter.add.f32 [tilespmem:s15], [sflag:$0x2], $0x20, s24, s2, $0xb8;
	[tilespmem:$0x1E700] =	vst v63  }
0xcc: {  	_ =	swait.ge [sflag:s25], $0x1000  }
0xcd: {  	[sflag:s25] =	ssyncset.done $0x0  }
0xce: {  	[sflag:s25] =	ssyncadd.s32 $0xFFFFF000  }
0xcf: {  	_ =	swait.ge [sflag:s25], $0x1000  }
0xd0: {  	[sflag:s25] =	ssyncset.done $0x0  }
0xd1: {  	[sflag:s25] =	ssyncadd.s32 $0xFFFFF000  }
0xd2: {  	_ =	swait.ge [sflag:s25], $0x1000  }
0xd3: {  	[sflag:s25] =	ssyncset.done $0x0  }
0xd4: {  	[sflag:s25] =	ssyncadd.s32 $0xFFFFF000  }
0xd5: {  	_ =	swait.ge [sflag:s25], $0x1000  }
0xd6: {  	[sflag:s25] =	ssyncset.done $0x0  }
0xd7: {  	[sflag:s25] =	ssyncadd.s32 $0xFFFFF000  }
0xd8: {  	_ =	swait.ge [sflag:s25], $0x1000  }
0xd9: {  	[sflag:s25] =	ssyncset.done $0x0  }
0xda: {  	[sflag:s25] =	ssyncadd.s32 $0xFFFFF000  }
0xdb: {  	_ =	swait.ge [sflag:s25], $0x1000  }
0xdc: {  	[sflag:s25] =	ssyncset.done $0x0  }
0xdd: {  	p0 =	sne.s32 s5, $0x3D00;
	[sflag:s25] =	ssyncadd.s32 $0xFFFFF000  }
.Ltmp0:
0xde: {  	_ =	swait.ge [sflag:s25], $0x1000;
	(pc) =	sbr.rel @p0 .LBB2_3-.Ltmp0, $4  }
0xdf: {  	[sflag:s25] =	ssyncset.done $0x0  }
0xe0: {  	[sflag:s25] =	ssyncadd.s32 $0xFFFFF000  }
0xe1: {  	_ =	swait.ge [sflag:s25], $0x1000  }
0xe2: {  	s5 =	sadd.s32 $0x80, s5;
	s9 =	rddreg [dreg:$0x4];
	[sflag:s25] =	ssyncset.done $0x0  }
0xe3: {  	[sflag:s25] =	ssyncadd.s32 $0xFFFFF000;
	s5 =	sadd.s32 s29, s9  }
0xe4: {  	[tilespmem:s4], [sflag:$0x3] =	stream.linear.gather [hbm4b:s5+s4], $0x400, $0x38;
	[tilespmem:$0x1E700] =	vst v63  }
0xe5: {  	_ =	swait.ge [sflag:s30], $0x400  }
0xe6: {  	[sflag:s30] =	ssyncset.done $0x0  }
0xe7: {  	s9 =	sadd.s32 s29, s26;
	[sflag:s30] =	ssyncadd.s32 $0xFFFFFC00  }
0xe8: {  	[tilespmem:s31], [sflag:$0x3] =	stream.linear.gather [hbm4b:s9+s4], $0x400, $0x38;
	[tilespmem:$0x1E700] =	vst v63  }
0xe9: {  	_ =	swait.ge [sflag:s30], $0x400  }
0xea: {  	[sflag:s30] =	ssyncset.done $0x0  }
0xeb: {  	[sflag:s30] =	ssyncadd.s32 $0xFFFFFC00  }
0xec: {  	[tilespmem:s0], [sflag:$0x1] =	stream.indirect.gather [hbm4b:s1+s2], $0x20, s4, s2, $0xb8;
	[tilespmem:$0x1E700] =	vst v63  }
0xed: {  	_ = 	snop  }
0xee: {  	[tilespmem:s11], [sflag:$0x1] =	stream.indirect.gather [hbm4b:s1+s2], $0x20, s2, s2, $0xb8;
	[tilespmem:$0x1E700] =	vst v63  }
0xef: {  	s5 =	rddreg [dreg:$0x5]  }
0xf0: {  	[tilespmem:s20], [sflag:$0x1] =	stream.indirect.gather [hbm4b:s1+s2], $0x20, s5, s2, $0xb8;
	[tilespmem:$0x1E700] =	vst v63  }
0xf1: {  	s9 =	rddreg [dreg:$0x6]  }
0xf2: {  	[tilespmem:s6], [sflag:$0x1] =	stream.indirect.gather [hbm4b:s1+s2], $0x20, s9, s2, $0xb8;
	[tilespmem:$0x1E700] =	vst v63  }
0xf3: {  	s5 =	rddreg [dreg:$0x7]  }
0xf4: {  	[tilespmem:s7], [sflag:$0x1] =	stream.indirect.gather [hbm4b:s1+s2], $0x20, s5, s2, $0xb8;
	[tilespmem:$0x1E700] =	vst v63  }
0xf5: {  	_ = 	snop  }
0xf6: {  	[tilespmem:s10], [sflag:$0x1] =	stream.indirect.gather [hbm4b:s1+s2], $0x20, s8, s2, $0xb8;
	[tilespmem:$0x1E700] =	vst v63  }
0xf7: {  	_ = 	snop  }
0xf8: {  	[tilespmem:s13], [sflag:$0x1] =	stream.indirect.gather [hbm4b:s1+s2], $0x20, s12, s2, $0xb8;
	[tilespmem:$0x1E700] =	vst v63  }
0xf9: {  	_ = 	snop  }
0xfa: {  	[tilespmem:s15], [sflag:$0x1] =	stream.indirect.gather [hbm4b:s1+s2], $0x20, s14, s2, $0xb8;
	[tilespmem:$0x1E700] =	vst v63  }
0xfb: {  	_ =	swait.ge [sflag:s16], $0x1000  }
0xfc: {  	[sflag:s16] =	ssyncset.done $0x0  }
0xfd: {  	[sflag:s16] =	ssyncadd.s32 $0xFFFFF000  }
0xfe: {  	_ =	swait.ge [sflag:s16], $0x1000  }
0xff: {  	[sflag:s16] =	ssyncset.done $0x0  }
0x100: {  	[sflag:s16] =	ssyncadd.s32 $0xFFFFF000  }
0x101: {  	_ =	swait.ge [sflag:s16], $0x1000  }
0x102: {  	[sflag:s16] =	ssyncset.done $0x0  }
0x103: {  	[sflag:s16] =	ssyncadd.s32 $0xFFFFF000  }
0x104: {  	_ =	swait.ge [sflag:s16], $0x1000  }
0x105: {  	[sflag:s16] =	ssyncset.done $0x0  }
0x106: {  	[sflag:s16] =	ssyncadd.s32 $0xFFFFF000  }
0x107: {  	_ =	swait.ge [sflag:s16], $0x1000  }
0x108: {  	[sflag:s16] =	ssyncset.done $0x0  }
0x109: {  	[sflag:s16] =	ssyncadd.s32 $0xFFFFF000  }
0x10a: {  	_ =	swait.ge [sflag:s16], $0x1000  }
0x10b: {  	[sflag:s16] =	ssyncset.done $0x0  }
0x10c: {  	[sflag:s16] =	ssyncadd.s32 $0xFFFFF000  }
0x10d: {  	_ =	swait.ge [sflag:s16], $0x1000  }
0x10e: {  	[sflag:s16] =	ssyncset.done $0x0  }
0x10f: {  	[sflag:s16] =	ssyncadd.s32 $0xFFFFF000  }
0x110: {  	_ =	swait.ge [sflag:s16], $0x1000  }
0x111: {  	[sflag:s16] =	ssyncset.done $0x0  }
0x112: {  	[sflag:s16] =	ssyncadd.s32 $0xFFFFF000  }
0x113: {  	[spmem:s3] =	stream.indirect.scatter.add.f32 [tilespmem:s0], [sflag:$0x2], $0x20, s31, s2, $0xb8;
	[tilespmem:$0x1E700] =	vst v63  }
0x114: {  	_ = 	snop  }
0x115: {  	[spmem:s3] =	stream.indirect.scatter.add.f32 [tilespmem:s11], [sflag:$0x2], $0x20, s17, s2, $0xb8;
	[tilespmem:$0x1E700] =	vst v63  }
0x116: {  	_ = 	snop  }
0x117: {  	[spmem:s3] =	stream.indirect.scatter.add.f32 [tilespmem:s20], [sflag:$0x2], $0x20, s18, s2, $0xb8;
	[tilespmem:$0x1E700] =	vst v63  }
0x118: {  	_ = 	snop  }
0x119: {  	[spmem:s3] =	stream.indirect.scatter.add.f32 [tilespmem:s6], [sflag:$0x2], $0x20, s19, s2, $0xb8;
	[tilespmem:$0x1E700] =	vst v63  }
0x11a: {  	_ = 	snop  }
0x11b: {  	[spmem:s3] =	stream.indirect.scatter.add.f32 [tilespmem:s7], [sflag:$0x2], $0x20, s21, s2, $0xb8;
	[tilespmem:$0x1E700] =	vst v63  }
0x11c: {  	_ = 	snop  }
0x11d: {  	[spmem:s3] =	stream.indirect.scatter.add.f32 [tilespmem:s10], [sflag:$0x2], $0x20, s22, s2, $0xb8;
	[tilespmem:$0x1E700] =	vst v63  }
0x11e: {  	_ = 	snop  }
0x11f: {  	[spmem:s3] =	stream.indirect.scatter.add.f32 [tilespmem:s13], [sflag:$0x2], $0x20, s23, s2, $0xb8;
	[tilespmem:$0x1E700] =	vst v63  }
0x120: {  	_ = 	snop  }
0x121: {  	[spmem:s3] =	stream.indirect.scatter.add.f32 [tilespmem:s15], [sflag:$0x2], $0x20, s24, s2, $0xb8;
	[tilespmem:$0x1E700] =	vst v63  }
0x122: {  	_ =	swait.ge [sflag:s25], $0x1000  }
0x123: {  	[sflag:s25] =	ssyncset.done $0x0  }
0x124: {  	[sflag:s25] =	ssyncadd.s32 $0xFFFFF000  }
0x125: {  	_ =	swait.ge [sflag:s25], $0x1000  }
0x126: {  	[sflag:s25] =	ssyncset.done $0x0  }
0x127: {  	[sflag:s25] =	ssyncadd.s32 $0xFFFFF000  }
0x128: {  	_ =	swait.ge [sflag:s25], $0x1000  }
0x129: {  	[sflag:s25] =	ssyncset.done $0x0  }
0x12a: {  	[sflag:s25] =	ssyncadd.s32 $0xFFFFF000  }
0x12b: {  	_ =	swait.ge [sflag:s25], $0x1000  }
0x12c: {  	[sflag:s25] =	ssyncset.done $0x0  }
0x12d: {  	[sflag:s25] =	ssyncadd.s32 $0xFFFFF000  }
0x12e: {  	_ =	swait.ge [sflag:s25], $0x1000  }
0x12f: {  	[sflag:s25] =	ssyncset.done $0x0  }
0x130: {  	[sflag:s25] =	ssyncadd.s32 $0xFFFFF000  }
0x131: {  	_ =	swait.ge [sflag:s25], $0x1000  }
0x132: {  	[sflag:s25] =	ssyncset.done $0x0  }
0x133: {  	[sflag:s25] =	ssyncadd.s32 $0xFFFFF000  }
0x134: {  	_ =	swait.ge [sflag:s25], $0x1000  }
0x135: {  	s9 =	sld [smem:$0x7FC];
	_ =	sdelay $0x2  }
0x136: {  	s9 =	smul.u32 $0xAF00, s9  }
0x137: {  	[sflag:s25] =	ssyncset.done $0x0  }
0x138: {  	[sflag:s25] =	ssyncadd.s32 $0xFFFFF000;
	[smem:$0x7FA] =	sst s9  }
0x139: {  	_ =	swait.ge [sflag:s25], $0x1000  }
0x13a: {  	[sflag:s25] =	ssyncset.done $0x0  }
0x13b: {  	[sflag:s25] =	ssyncadd.s32 $0xFFFFF000  }
0x13c: {  	s5 =	rddreg [dreg:$0xa];
	[bflag:$0x0] =	sbarrier.arrive $0xFFFF  }
0x13d: {  	s9 =	sadd.s32 s9, s5;
	s5 =	rddreg [dreg:$0x8]  }
0x13e: {  	s9 =	sshll.u32 s9, $0x2;
	s28 =	rddreg [dreg:$0x1a]  }
0x13f: {  	s9 =	sadd.s32 s5, s9;
	s29 =	smov.u32 s5;
	s5 =	rddreg [dreg:$0xc]  }
0x140: {  	[hbm:s9], [sflag:s5] =	dma.local [spmem:s28], $0x640  }
0x141: {  	_ =	swait.ge [sflag:s30], $0x640  }
0x142: {  	s5 =	sld [smem:$0x7FA];
	_ =	sdelay $0x1  }
0x143: {  	s9 =	rddreg [dreg:$0xd]  }
0x144: {  	s9 =	sadd.s32 s5, s9  }
0x145: {  	[sflag:s30] =	ssyncset.done $0x0;
	s28 =	rddreg [dreg:$0x1b];
	s9 =	sshll.u32 s9, $0x2  }
0x146: {  	[sflag:s30] =	ssyncadd.s32 $0xFFFFF9C0;
	s9 =	sadd.s32 s29, s9;
	s29 =	rddreg [dreg:$0xc]  }
0x147: {  	[hbm:s9], [sflag:s29] =	dma.local [spmem:s28], $0x640  }
0x148: {  	_ =	swait.ge [sflag:s30], $0x640  }
0x149: {  	s9 =	rddreg [dreg:$0xf]  }
0x14a: {  	s9 =	sadd.s32 s5, s9  }
0x14b: {  	[sflag:s30] =	ssyncset.done $0x0;
	s28 =	rddreg [dreg:$0x8];
	s9 =	sshll.u32 s9, $0x2  }
0x14c: {  	[sflag:s30] =	ssyncadd.s32 $0xFFFFF9C0;
	s9 =	sadd.s32 s28, s9;
	s28 =	rddreg [dreg:$0x1d]  }
0x14d: {  	[hbm:s9], [sflag:s29] =	dma.local [spmem:s28], $0x640  }
0x14e: {  	s9 =	sld [smem:$0x7FC];
	_ =	sdelay $0x1  }
0x14f: {  	_ =	swait.ge [sflag:s30], $0x640  }
0x150: {  	p0 =	seq.s32 s9, $0x5;
	s9 =	rddreg [dreg:$0x13]  }
0x151: {  	s29 =	rddreg [dreg:$0x1e];
	s9 =	sadd.s32 s5, s9  }
0x152: {  	[sflag:s30] =	ssyncset.done $0x0;
	s5 =	rddreg [dreg:$0x8];
	s9 =	sshll.u32 s9, $0x2  }
0x153: {  	[sflag:s30] =	ssyncadd.s32 $0xFFFFF9C0;
	s9 =	sadd.s32 s5, s9;
	s5 =	rddreg [dreg:$0xc]  }
0x154: {  	[hbm:s9], [sflag:s5] =	dma.local [spmem:s29], $0x640  }
0x155: {  	s9 =	rddreg [dreg:$0x10];
	_ =	swait.ge [sflag:s30], $0x640  }
0x156: {  	s28 =	simm.s32 $0x41;
	s5 =	sld [smem:$0x7FA]  }
0x157: {  	s28 =	simm.s32 @!p0 $0x70  }
0x158: {  	p0 =	sge.u32 s9, s28;
	s9 =	rddreg [dreg:$0x19]  }
0x159: {  	s9 =	sadd.s32 @!p0 s5, s9  }
0x15a: {  	s5 =	rddreg [dreg:$0x8];
	s9 =	sshll.u32 @!p0 s9, $0x2  }
0x15b: {  	s9 =	sadd.s32 @!p0 s5, s9  }
0x15c: {  	[smem:$0x7F7] =	sst s9  }
0x15d: {  	s5 =	sld [smem:$0x7F7]  }
0x15e: {  	[sflag:s30] =	ssyncset.done $0x0;
	s29 =	rddreg [dreg:$0x14]  }
0x15f: {  	[sflag:s30] =	ssyncadd.s32 $0xFFFFF9C0;
	s29 =	sshrl.u32 @!p0 s29, $0x3;
	s9 =	rddreg [dreg:$0xc]  }
0x160: {  	[hbm:s5], [sflag:s9] =	dma.local @!p0 [spmem:s29], $0x640  }
0x161: {  	s9 =	simm.s32 @!p0 $0x3  }
0x162: {  	s29 =	rddreg [dreg:$0x11];
	_ =	swait.ge @!p0 [sflag:s9], $0x640  }
0x163: {  	s5 =	sld [smem:$0x7FA];
	_ =	sdelay $0x1  }
0x164: {  	p1 =	sge.u32 s29, s28;
	s29 =	rddreg [dreg:$0x1c]  }
0x165: {  	s5 =	sadd.s32 @!p1 s5, s29  }
0x166: {  	s29 =	simm.s32 @!p0 $0x3;
	s5 =	sshll.u32 @!p1 s5, $0x2  }
0x167: {  	[sflag:s29] =	ssyncset.done @!p0 $0x0;
	s29 =	simm.s32 @!p0 $0x3;
	[smem:$0x7F8] =	sst s5  }
0x168: {  	[sflag:s29] =	ssyncadd.s32 @!p0 $0xFFFFF9C0;
	s29 =	sld [smem:$0x7F8];
	_ =	sdelay $0x1  }
0x169: {  	s5 =	rddreg [dreg:$0x8]  }
0x16a: {  	s5 =	sadd.s32 @!p1 s5, s29  }
0x16b: {  	[smem:$0x7F9] =	sst s5  }
0x16c: {  	s9 =	sld [smem:$0x7F9]  }
0x16d: {  	s29 =	rddreg [dreg:$0x15]  }
0x16e: {  	s29 =	sshrl.u32 @!p1 s29, $0x3;
	s5 =	rddreg [dreg:$0xc]  }
0x16f: {  	[hbm:s9], [sflag:s5] =	dma.local @!p1 [spmem:s29], $0x640  }
0x170: {  	s29 =	simm.s32 @!p1 $0x3  }
0x171: {  	s5 =	rddreg [dreg:$0x12];
	_ =	swait.ge @!p1 [sflag:s29], $0x640  }
0x172: {  	s9 =	sld [smem:$0x7FA];
	_ =	sdelay $0x1  }
0x173: {  	p0 =	sge.u32 s5, s28;
	s5 =	rddreg [dreg:$0x1f]  }
0x174: {  	[sflag:s29] =	ssyncset.done @!p1 $0x0;
	s28 =	sadd.s32 @!p0 s9, s5;
	s5 =	rddreg [dreg:$0x8]  }
0x175: {  	[sflag:s29] =	ssyncadd.s32 @!p1 $0xFFFFF9C0;
	s9 =	rddreg [dreg:$0x16];
	s28 =	sshll.u32 @!p0 s28, $0x2  }
0x176: {  	s29 =	rddreg [dreg:$0xc];
	s9 =	sshrl.u32 @!p0 s9, $0x3;
	s5 =	sadd.s32 @!p0 s5, s28  }
0x177: {  	[hbm:s5], [sflag:s29] =	dma.local @!p0 [spmem:s9], $0x640  }
0x178: {  	s5 =	simm.s32 @!p0 $0x3  }
0x179: {  	_ =	swait.ge @!p0 [sflag:s5], $0x640  }
0x17a: {  	s28 =	sld [smem:$0x7FB];
	_ =	sdelay $0x2  }
0x17b: {  	[sflag:s5] =	ssyncset.done @!p0 $0x0;
	s28 =	sadd.s32 $0x1, s28  }
0x17c: {  	[sflag:s5] =	ssyncadd.s32 @!p0 $0xFFFFF9C0;
	p0 =	sne.s32 s28, $0x3  }
.Ltmp1:
0x17d: {  	_ = 	snop;
	(pc) =	sbr.rel @p0 .LBB2_2-.Ltmp1, $3  }
0x17e: {  	_ =	sdelay $0x1  }
0x17f: {  	[bflag:$0x0] =	sbarrier.arrive $0xFFFF  }
0x180: {  	s26 =	sadd.s32 $0x3D800, s26  }
0x181: {  	s9 =	sld [smem:$0x7FD];
	_ =	sdelay $0x2  }
0x182: {  	s5 =	rddreg [dreg:$0xe];
	s9 =	sadd.s32 $0x1, s9  }
0x183: {  	p0 =	sne.s32 s9, s5  }
.Ltmp2:
0x184: {  	_ = 	snop;
	(pc) =	sbr.rel @p0 .LBB2_1-.Ltmp2, $1  }
0x185: {  	_ =	sdelay $0x3  }
0x186: {  	_ =	sfence.sel $0x180000  }
0x187: {  	[bflag:$0x0] =	sbarrier.arrive $0xFFFF  }
0x188: {  	_ =	strace $0x9000004D  }
0x189: {  	s0 =	stileid.u32;
	[bflag:$0x2] =	sbarrier.arrive $0xFFFF  }
0x18a: {  	p0 =	sne.s32 s0, $0x0;
	s0 =	rddreg [dreg:$0x3]  }
0x18b: {  	s0 =	sadd.s32 @!p0 $0x100000, s0  }
0x18c: {  	[sflag:s0] =	ssyncadd.tile.s32 @!p0 $0x1;
	_ =	shalt  }
.Lfunc_end2:
_tile_overlayer_lowered:
.L_overlay_start_2:
0x18d: {  	(tag) =	ssettag $0x2  }
0x18e: {  	s0 =	rddreg [dreg:$0x0];
	s2 =	stileid.u32  }
0x18f: {  	s1 =	rddreg [dreg:$0x1];
	p0 =	sne.s32 s2, $0x0  }
0x190: {  	s3 =	rddreg [dreg:$0x2];
	[bflag:$0x3] =	sbarrier.arrive $0xFFFF;
	s2 =	simm.s32 @!p0 $0x1C03  }
0x191: {  	[timem:s3], [sflag:s2] =	dma.local @!p0 [hbm:s0], s1  }
0x192: {  	s0 =	simm.s32 @!p0 $0x3  }
0x193: {  	_ =	swait.ge @!p0 [sflag:s0], s1  }
0x194: {  	s1 =	ssub.s32 @!p0 $0x0, s1;
	[sflag:s0] =	ssyncset.done @!p0 $0x0  }
0x195: {  	[sflag:s0] =	ssyncadd.s32 @!p0 s1  }
0x196: {  	[bflag:$0x3] =	sbarrier.arrive $0xFFFF  }
0x197: {  	_ =	shalt  }

// kernel: kernel.19.cloned.1.call-start
scs
__scs_entry_jumppad:
0x0: {  	(pc) =	sbr.rel $0x88, $3  }
0x1: {  	(tag) =	ssettag $0x0;
	lr =	simm.s32 $0x1  }
0x2: {  	[smem:$0x3F99] =	sst lr;
	_ =	strace $0xD0000000  }
0x3: {  	_ = 	snop  }
0x4: {  	_ = 	snop  }
0x5: {  	_ = 	snop  }
0x6: {  	_ = 	snop  }
0x7: {  	_ = 	snop  }
__scs_overlays_trampoline_lowered:
0x8: {  	[smem:$0x3FA8] =	sst s0  }
0x9: {  	[smem:$0x3FA9] =	sst s1  }
0xa: {  	[smem:$0x3FAA] =	sst s2  }
0xb: {  	[smem:$0x3FAB] =	sst s3  }
0xc: {  	[smem:$0x3FAC] =	sst s4  }
0xd: {  	[smem:$0x3FAD] =	sst s5  }
0xe: {  	[smem:$0x3FAE] =	sst s6  }
0xf: {  	[smem:$0x3FAF] =	sst s7  }
0x10: {  	[smem:$0x3FB0] =	sst s8  }
0x11: {  	[smem:$0x3FB1] =	sst s9;
	s0 =	simm.s32 @!p0 $0x0  }
0x12: {  	s1 =	sld [smem:$0x3F97];
	s0 =	simm.s32 @p0 $0x1  }
0x13: {  	[smem:$0x3FB2] =	sst s0;
	s0 =	simm.s32 @!p1 $0x0  }
0x14: {  	s2 =	sld [smem:$0x3F96];
	s0 =	simm.s32 @p1 $0x1  }
0x15: {  	[smem:$0x3FB3] =	sst s0;
	s0 =	simm.s32 @!p2 $0x0  }
0x16: {  	s3 =	sld [smem:$0x3FDB];
	s0 =	simm.s32 @p2 $0x1  }
0x17: {  	s4 =	simm.s32 $0x1BF5;
	[smem:$0x3FB5] =	sst s0  }
0x18: {  	s0 =	sld [smem:$0x3F98];
	_ =	swait.ge [sflag:s4], $0x0  }
0x19: {  	s7 =	sld [smem:$0x3F99]  }
0x1a: {  	s8 =	sadd.s32 $0xFFFFE003, lr  }
0x1b: {  	s9 =	sadd.s32 $0xFFFFFEF7, lr;
	s5 =	simm.s32 $0xFFFFFFFF;
	p2 =	slt.u32 s8, $0xFFFFF086  }
0x1c: {  	p1 =	slt.u32 s9, $0xF7A;
	s5 =	simm.s32 @!p2 $0x0  }
0x1d: {  	s5 =	simm.s32 @p1 $0x1;
	p0 =	seq.s32 s7, s2  }
0x1e: {  	s7 =	smul.u32 @!p0 $0xF7A, s2;
	p2 =	seq.s32 @!p0 s5, $0x0  }
0x1f: {  	s9 =	smul.u32 $0xF7A, s1;
	s8 =	simm.s32 @!p0 $0x1BF5;
	p2 =	por !p2, p0  }
0x20: {  	[sflag:s8] =	ssyncset.s32 @!p0 $0xFFFFF086;
	s6 =	sadd.s32 @!p0 s3, s7;
	s7 =	simm.s32 @!p0 $0x108  }
0x21: {  	s3 =	sadd.s32 s3, s9;
	s6 =	sadd.s32 @!p0 $0x88, s6;
	s7 =	simm.s32 @p2 $0x1082  }
0x22: {  	[simem:s7], [sflag:s8] =	dma.local @!p0 [hbm:s6], $0xF7A  }
0x23: {  	s9 =	sor.u32 $0xD0000000, s2;
	s6 =	simm.s32 $0x108;
	_ =	swait.ge @!p0 [sflag:s8], $0x0  }
0x24: {  	s3 =	sadd.s32 $0x88, s3;
	s6 =	simm.s32 @!p1 $0x1082;
	[sflag:s4] =	ssyncset.s32 $0xFFFFF086  }
0x25: {  	[simem:s6], [sflag:s4] =	dma.local [hbm:s3], $0xF7A  }
0x26: {  	[smem:$0x3F99] =	sst s1;
	(tag) =	ssettag s2;
	_ =	strace s9  }
0x27: {  	s1 =	sld [smem:$0x3FA9]  }
0x28: {  	s2 =	sld [smem:$0x3FAA]  }
0x29: {  	s4 =	sld [smem:$0x3FAC]  }
0x2a: {  	p0 =	seq.s32 s5, $0x0;
	s5 =	sld [smem:$0x3FAD]  }
0x2b: {  	s6 =	sld [smem:$0x3FAE]  }
0x2c: {  	s7 =	sld [smem:$0x3FAF]  }
0x2d: {  	s3 =	simm.s32 $0x108;
	s8 =	sld [smem:$0x3FB0]  }
0x2e: {  	s3 =	simm.s32 @!p0 $0x1082;
	s9 =	sld [smem:$0x3FB1]  }
0x2f: {  	lr =	sadd.s32 s0, s3;
	s0 =	sld [smem:$0x3FA8]  }
0x30: {  	s3 =	sld [smem:$0x3FAB]  }
0x31: {  	[smem:$0x3FB4] =	sst s10  }
0x32: {  	s10 =	sld [smem:$0x3FB2];
	_ =	sdelay $0x3  }
0x33: {  	p0 =	seq.s32 s10, $0x1;
	s10 =	sld [smem:$0x3FB4];
	_ =	sdelay $0x3  }
0x34: {  	[smem:$0x3FB4] =	sst s10  }
0x35: {  	s10 =	sld [smem:$0x3FB3];
	_ =	sdelay $0x3  }
0x36: {  	p1 =	seq.s32 s10, $0x1;
	s10 =	sld [smem:$0x3FB4];
	_ =	sdelay $0x3  }
0x37: {  	[smem:$0x3FB4] =	sst s10  }
0x38: {  	s10 =	sld [smem:$0x3FB5]  }
0x39: {  	_ = 	snop;
	(pc) =	sbr.ind lr, $3  }
0x3a: {  	_ = 	snop  }
0x3b: {  	_ = 	snop  }
0x3c: {  	p2 =	seq.s32 s10, $0x1;
	s10 =	sld [smem:$0x3FB4]  }
0x3d: {  	_ =	shalt  }
0x3e: {  	_ =	shalt  }
0x3f: {  	_ =	shalt  }
0x40: {  	_ =	shalt  }
0x41: {  	_ =	shalt  }
0x42: {  	_ =	shalt  }
0x43: {  	_ =	shalt  }
0x44: {  	_ =	shalt  }
0x45: {  	_ =	shalt  }
0x46: {  	_ =	shalt  }
0x47: {  	_ =	shalt  }
0x48: {  	_ =	shalt  }
0x49: {  	_ =	shalt  }
0x4a: {  	_ =	shalt  }
0x4b: {  	_ =	shalt  }
0x4c: {  	_ =	shalt  }
0x4d: {  	_ =	shalt  }
0x4e: {  	_ =	shalt  }
0x4f: {  	_ =	shalt  }
0x50: {  	_ =	shalt  }
0x51: {  	_ =	shalt  }
0x52: {  	_ =	shalt  }
0x53: {  	_ =	shalt  }
0x54: {  	_ =	shalt  }
0x55: {  	_ =	shalt  }
0x56: {  	_ =	shalt  }
0x57: {  	_ =	shalt  }
0x58: {  	_ =	shalt  }
0x59: {  	_ =	shalt  }
0x5a: {  	_ =	shalt  }
0x5b: {  	_ =	shalt  }
0x5c: {  	_ =	shalt  }
0x5d: {  	_ =	shalt  }
0x5e: {  	_ =	shalt  }
0x5f: {  	_ =	shalt  }
0x60: {  	_ =	shalt  }
0x61: {  	_ =	shalt  }
0x62: {  	_ =	shalt  }
0x63: {  	_ =	shalt  }
0x64: {  	_ =	shalt  }
0x65: {  	_ =	shalt  }
0x66: {  	_ =	shalt  }
0x67: {  	_ =	shalt  }
0x68: {  	_ =	shalt  }
0x69: {  	_ =	shalt  }
0x6a: {  	_ =	shalt  }
0x6b: {  	_ =	shalt  }
0x6c: {  	_ =	shalt  }
0x6d: {  	_ =	shalt  }
0x6e: {  	_ =	shalt  }
0x6f: {  	_ =	shalt  }
0x70: {  	_ =	shalt  }
0x71: {  	_ =	shalt  }
0x72: {  	_ =	shalt  }
0x73: {  	_ =	shalt  }
0x74: {  	_ =	shalt  }
0x75: {  	_ =	shalt  }
0x76: {  	_ =	shalt  }
0x77: {  	_ =	shalt  }
0x78: {  	_ =	shalt  }
0x79: {  	_ =	shalt  }
0x7a: {  	_ =	shalt  }
0x7b: {  	_ =	shalt  }
0x7c: {  	_ =	shalt  }
0x7d: {  	_ =	shalt  }
0x7e: {  	_ =	shalt  }
0x7f: {  	_ =	shalt  }
0x80: {  	_ =	shalt  }
0x81: {  	_ =	shalt  }
0x82: {  	_ =	shalt  }
0x83: {  	_ =	shalt  }
0x84: {  	_ =	shalt  }
0x85: {  	_ =	shalt  }
0x86: {  	_ =	shalt  }
0x87: {  	_ =	shalt  }
.Lfunc_end0:
.L_simem_size_0:
called_computation.4_lowered:
.L_overlay_start_0:
0x88: {  	s2 =	sld [smem:$0x3FD9]  }
0x89: {  	s3 =	sld [smem:$0x3FFE];
	_ =	sdelay $0x1  }
0x8a: {  	s1 =	srdreg.scid  }
0x8b: {  	s0 =	sand.u32 $0x1, s1  }
0x8c: {  	s17 =	sshll.u32 s0, $0xA;
	s2 =	sadd.s32 s3, s2  }
0x8d: {  	s2 =	sadd.s32 s2, s17  }
0x8e: {  	[smem:$0x3FC0] =	sst s2  }
0x8f: {  	_ = 	snop  }
0x90: {  	s2 =	sld [smem:$0x3FD0];
	(tm) =	ssettm $0x1  }
0x91: {  	s18 =	sld [smem:$0x3FFB];
	_ =	sdelay $0x3  }
0x92: {  	_ =	strace s18  }
0x93: {  	s3 =	sld [smem:$0x3FFC];
	_ =	sdelay $0x3  }
0x94: {  	_ =	strace s3  }
0x95: {  	s3 =	sld [smem:$0x3FFD];
	_ =	sdelay $0x3  }
0x96: {  	_ =	strace s3  }
0x97: {  	_ =	strace $0x8FFFFFFF  }
0x98: {  	s19 =	sld [smem:$0x3FDB];
	_ =	sdelay $0x1  }
0x99: {  	s4 =	simm.s32 $_scs_section_size  }
0x9a: {  	s5 =	simm.s32 $_size__tile_overlayer_lowered;
	s6 =	simm.s32 $_tile_overlayer_lowered  }
0x9b: {  	s22 =	simm.s32 $0x1BFF;
	s21 =	sshll.u32 s6, $0x1;
	s3 =	sadd.s32 s4, s19  }
0x9c: {  	s7 =	simm.s32 $0x0;
	s20 =	sshll.u32 s5, $0x1;
	s5 =	sadd.s32 s21, s3  }
0x9d: {  	[timem:s7], [sflag:s22] =	dma.local [hbm:s5], s20  }
0x9e: {  	_ =	swait.ge [sflag:s22], s20  }
0x9f: {  	s4 =	ssub.s32 $0x0, s20;
	[sflag:s22] =	ssyncset.done $0x0  }
0xa0: {  	[sflag:s22] =	ssyncadd.s32 s4;
	_ =	sdelay $0x1  }
0xa1: {  	s23 =	simm.s32 $0x1B8B  }
0xa2: {  	_ =	swait.ge [sflag:s23], $0x1  }
0xa3: {  	[sflag:s23] =	ssyncset.done $0x0  }
0xa4: {  	s25 =	simm.s32 $0x1B8E;
	s24 =	sld [smem:$0x3FFE];
	[sflag:s23] =	ssyncadd.s32 $0xFFFFFFFF  }
0xa5: {  	s26 =	simm.s32 $execute0_lowered;
	[smem:$0x3FD2] =	sst s25  }
0xa6: {  	s5 =	sshll.u32 s26, $0x1;
	_ =	strace $0x8000004F;
	[dreg:$0x1] =	wrdreg $0xFFFFFFFF  }
0xa7: {  	s28 =	simm.s32 $_size_execute0_lowered;
	s3 =	sadd.s32 s3, s5;
	[dreg:$0x0] =	wrdreg $0x0  }
0xa8: {  	s5 =	sshll.u32 s28, $0x1;
	[dreg:$0x2] =	wrdreg s3  }
0xa9: {  	[dreg:$0x3] =	wrdreg s5  }
0xaa: {  	[dreg:$0x4] =	wrdreg $0xC0  }
0xab: {  	_ =	task [dreg:s7], $0x5FFFF  }
0xac: {  	[dreg:$0x1] =	wrdreg $0xFFFFFFFF  }
0xad: {  	[dreg:$0x0] =	wrdreg $0x60  }
0xae: {  	[dreg:$0x2] =	wrdreg s2  }
0xaf: {  	[dreg:$0x3] =	wrdreg s24  }
0xb0: {  	[dreg:$0x4] =	wrdreg $0x88000  }
0xb1: {  	[dreg:$0x5] =	wrdreg $0x9  }
0xb2: {  	_ =	task.clear_ibuf [dreg:s7], $0x6FFFF;
	_ =	strace $0x9000004F  }
0xb3: {  	s29 =	simm.s32 $0x9;
	_ =	strace $0x80000051  }
0xb4: {  	_ =	swait.ge [sflag:s29], $0x1  }
0xb5: {  	[sflag:s29] =	ssyncadd.s32 $0xFFFFFFFF  }
0xb6: {  	_ =	strace $0x90000051  }
0xb7: {  	_ =	sfence  }
0xb8: {  	s30 =	sld [smem:$0x0];
	_ =	sdelay $0x2  }
0xb9: {  	s31 =	sshll.u32 s1, $0xD;
	s1 =	sshrl.u32 s1, $0x2  }
0xba: {  	s3 =	sand.u32 $0x4000, s31;
	s1 =	sadd.s32 s1, s30  }
0xbb: {  	s0 =	sor.u32 s3, s0;
	s1 =	sshll.u32 s1, $0x11  }
0xbc: {  	s0 =	sor.u32 s1, s0  }
0xbd: {  	s0 =	sadd.s32 $0x8F2B, s0  }
0xbe: {  	[sflag:s0] =	ssyncadd.remote.s32 $0x1  }
0xbf: {  	_ =	sfence.sel $0xFFFF  }
0xc0: {  	[dreg:$0x0] =	wrdreg $0xFFFFFFFF;
	(pc) =	sbr.abs _section_cstart, $3  }
0xc1: {  	[dreg:$0x1] =	wrdreg $0xFFFFFFFF  }
0xc2: {  	_ =	task.clear_ibuf [dreg:s7], $0x2FFFF;
	_ =	strace $0x9FFFFFFF  }
0xc3: {  	(tm) =	ssettm $0x7FFFFFFF  }
tec
execute0_lowered:
.L_overlay_start_1:
0x0: {  	(tag) =	ssettag $0x1  }
0x1: {  	s1 =	rddreg [dreg:$0x0]  }
0x2: {  	s0 =	rddreg [dreg:$0x1];
	s13 =	stileid.u32  }
0x3: {  	s4 =	srdreg.scid;
	s2 =	smul.u32 $0x3D80, s13  }
0x4: {  	s3 =	rddreg [dreg:$0x2];
	s24 =	simm.s32 $0x100;
	s6 =	smul.u32 $0x1EC00, s13  }
0x5: {  	s25 =	simm.s32 $0x180;
	s26 =	simm.s32 $0x200;
	s8 =	smul.u32 $0x15F00, s13  }
0x6: {  	s30 =	simm.s32 $0x3;
	s31 =	simm.s32 $0x400;
	s11 =	smul.u32 $0x190, s13  }
0x7: {  	s5 =	sand.u32 $0x1, s4;
	s4 =	simm.s32 $0x0;
	s14 =	smul.u32 $0xC800, s13  }
0x8: {  	s12 =	sshll.u32 s13, $0x6;
	s18 =	sor.u32 $0x20, s13;
	s7 =	smul.u32 $0x5C4000, s5  }
0x9: {  	s22 =	sor.u32 $0x30, s13;
	[smem:$0x7FF] =	sst s4;
	s19 =	smul.u32 $0x190, s18  }
0xa: {  	s21 =	smul.u32 $0xC800, s18;
	_ =	strace $0x80000050;
	[dreg:$0xa] =	wrdreg s11  }
0xb: {  	s29 =	sor.u32 $0x1C03, s12;
	s23 =	smul.u32 $0xC800, s22;
	[dreg:$0x5] =	wrdreg s24  }
0xc: {  	s2 =	sadd.s32 s2, s0;
	s9 =	sshrl.u32 s8, $0x3;
	[dreg:$0x6] =	wrdreg s25  }
0xd: {  	s16 =	sshrl.u32 s14, $0x2;
	s14 =	sor.u32 $0x40, s13;
	[dreg:$0x7] =	wrdreg s26  }
0xe: {  	[dreg:$0xc] =	wrdreg s29;
	s6 =	sadd.s32 s6, s7;
	s7 =	sadd.s32 s9, s0  }
0xf: {  	s9 =	ssub.s32 $0x2, s5;
	s5 =	smul.u32 $0x3, s5;
	[dreg:$0xf] =	wrdreg s19  }
0x10: {  	s11 =	smul.u32 $0xC800, s14;
	s2 =	sadd.s32 $0x7E000, s2;
	[dreg:$0x10] =	wrdreg s14  }
0x11: {  	s6 =	sshrl.u32 s6, $0x3;
	s10 =	sshrl.u32 s9, $0x1;
	[dreg:$0x4] =	wrdreg s2  }
0x12: {  	s7 =	sadd.s32 $0x3000, s7;
	s6 =	sadd.s32 s6, s0;
	[dreg:$0x9] =	wrdreg s5  }
0x13: {  	s0 =	sadd.s32 $0xBB800, s0;
	s5 =	sadd.s32 s8, s3;
	[dreg:$0xb] =	wrdreg s7  }
0x14: {  	s8 =	sshrl.u32 s21, $0x2;
	[dreg:$0x8] =	wrdreg s0;
	s0 =	ssub.s32 s9, s10  }
0x15: {  	s10 =	sor.u32 $0x10, s13;
	s8 =	sadd.s32 s8, s3;
	s9 =	smul.u32 $0x190, s22  }
0x16: {  	s21 =	sshrl.u32 s5, $0x3;
	s22 =	smul.u32 $0x190, s14;
	s14 =	simm.s32 $0x380  }
0x17: {  	s15 =	smul.u32 $0x190, s10;
	s0 =	smax.u32 s0, $0x1;
	[dreg:$0x18] =	wrdreg s21  }
0x18: {  	s17 =	smul.u32 $0xC800, s10;
	s10 =	sshrl.u32 s23, $0x2;
	[dreg:$0xe] =	wrdreg s0  }
0x19: {  	s25 =	sshrl.u32 s8, $0x3;
	s8 =	simm.s32 $0x280;
	[dreg:$0x13] =	wrdreg s9  }
0x1a: {  	s21 =	simm.s32 $0x600;
	s0 =	sadd.s32 s16, s3;
	[dreg:$0x19] =	wrdreg s22  }
0x1b: {  	s16 =	sadd.s32 s10, s3;
	[dreg:$0x1d] =	wrdreg s25;
	s22 =	simm.s32 $0x680  }
0x1c: {  	s25 =	simm.s32 $0x2;
	s9 =	simm.s32 $0x0;
	[dreg:$0xd] =	wrdreg s15  }
0x1d: {  	s20 =	sshrl.u32 s17, $0x2;
	s15 =	sor.u32 $0x50, s13;
	s13 =	sor.u32 $0x60, s13  }
0x1e: {  	s17 =	sshrl.u32 s11, $0x2;
	s0 =	sshrl.u32 s0, $0x3;
	s26 =	sshrl.u32 s16, $0x3  }
0x1f: {  	s11 =	simm.s32 $0x1800;
	s16 =	simm.s32 $0x1;
	[dreg:$0x1a] =	wrdreg s0  }
0x20: {  	s7 =	sadd.s32 s20, s3;
	s12 =	smul.u32 $0xC800, s15;
	[dreg:$0x11] =	wrdreg s15  }
0x21: {  	s28 =	smul.u32 $0xC800, s13;
	s10 =	sadd.s32 s17, s3;
	[dreg:$0x1e] =	wrdreg s26  }
0x22: {  	s20 =	sadd.s32 $0x24B000, s6;
	s24 =	smul.u32 $0x190, s15;
	[dreg:$0x12] =	wrdreg s13  }
0x23: {  	s0 =	simm.s32 $0x800;
	s6 =	simm.s32 $0x3800;
	[dreg:$0x14] =	wrdreg s10  }
0x24: {  	s15 =	simm.s32 $0x7800;
	s17 =	simm.s32 $0x480;
	[dreg:$0x17] =	wrdreg s20  }
0x25: {  	s23 =	sshrl.u32 s7, $0x3;
	s20 =	simm.s32 $0x2800;
	s7 =	simm.s32 $0x4800  }
0x26: {  	s10 =	simm.s32 $0x5800;
	s18 =	sshrl.u32 s12, $0x2;
	[dreg:$0x1b] =	wrdreg s23  }
0x27: {  	s2 =	sshrl.u32 s28, $0x2;
	[dreg:$0x1c] =	wrdreg s24;
	s28 =	smul.u32 $0x190, s13  }
0x28: {  	s12 =	simm.s32 $0x300;
	s13 =	simm.s32 $0x6800;
	s19 =	sadd.s32 s18, s3  }
0x29: {  	s23 =	simm.s32 $0x700;
	s2 =	sadd.s32 s2, s3;
	[dreg:$0x15] =	wrdreg s19  }
0x2a: {  	s24 =	simm.s32 $0x780;
	s18 =	simm.s32 $0x500;
	[dreg:$0x16] =	wrdreg s2  }
0x2b: {  	[dreg:$0x1f] =	wrdreg s28;
	s2 =	simm.s32 $0x80;
	s19 =	simm.s32 $0x580  }
.LBB2_1:
0x2c: {  	[smem:$0x7FD] =	sst s9  }
0x2d: {  	s26 =	rddreg [dreg:$0x17];
	s28 =	simm.s32 $0x0  }
.LBB2_2:
0x2e: {  	s5 =	rddreg [dreg:$0xb]  }
0x2f: {  	s9 =	rddreg [dreg:$0x18]  }
0x30: {  	[spmem:s9], [sflag:s29] =	dma.local [hbm:s5], $0x2BE0  }
0x31: {  	_ =	swait.ge [sflag:s30], $0x2BE0  }
0x32: {  	[sflag:s30] =	ssyncset.done $0x0  }
0x33: {  	[sflag:s30] =	ssyncadd.s32 $0xFFFFD420  }
0x34: {  	[bflag:$0x0] =	sbarrier.arrive $0xFFFF  }
0x35: {  	s9 =	rddreg [dreg:$0x4]  }
0x36: {  	s5 =	sadd.s32 $0x0, s9  }
0x37: {  	[tilespmem:s4], [sflag:$0x3] =	stream.linear.gather [hbm4b:s5+s4], $0x400, $0x38;
	[tilespmem:$0x1E700] =	vst v63  }
0x38: {  	_ =	swait.ge [sflag:s30], $0x400  }
0x39: {  	[sflag:s30] =	ssyncset.done $0x0  }
0x3a: {  	s9 =	sadd.s32 $0x0, s26;
	[sflag:s30] =	ssyncadd.s32 $0xFFFFFC00  }
0x3b: {  	[tilespmem:s31], [sflag:$0x3] =	stream.linear.gather [hbm4b:s9+s4], $0x400, $0x38;
	[tilespmem:$0x1E700] =	vst v63  }
0x3c: {  	_ =	swait.ge [sflag:s30], $0x400  }
0x3d: {  	[sflag:s30] =	ssyncset.done $0x0  }
0x3e: {  	[sflag:s30] =	ssyncadd.s32 $0xFFFFFC00  }
0x3f: {  	[tilespmem:s0], [sflag:$0x1] =	stream.indirect.gather [hbm4b:s1+s2], $0x20, s4, s2, $0xb8;
	[tilespmem:$0x1E700] =	vst v63  }
0x40: {  	_ = 	snop  }
0x41: {  	[tilespmem:s11], [sflag:$0x1] =	stream.indirect.gather [hbm4b:s1+s2], $0x20, s2, s2, $0xb8;
	[tilespmem:$0x1E700] =	vst v63  }
0x42: {  	s5 =	rddreg [dreg:$0x5]  }
0x43: {  	[tilespmem:s20], [sflag:$0x1] =	stream.indirect.gather [hbm4b:s1+s2], $0x20, s5, s2, $0xb8;
	[tilespmem:$0x1E700] =	vst v63  }
0x44: {  	s9 =	rddreg [dreg:$0x6]  }
0x45: {  	[tilespmem:s6], [sflag:$0x1] =	stream.indirect.gather [hbm4b:s1+s2], $0x20, s9, s2, $0xb8;
	[tilespmem:$0x1E700] =	vst v63  }
0x46: {  	s5 =	rddreg [dreg:$0x7]  }
0x47: {  	[tilespmem:s7], [sflag:$0x1] =	stream.indirect.gather [hbm4b:s1+s2], $0x20, s5, s2, $0xb8;
	[tilespmem:$0x1E700] =	vst v63  }
0x48: {  	_ = 	snop  }
0x49: {  	[tilespmem:s10], [sflag:$0x1] =	stream.indirect.gather [hbm4b:s1+s2], $0x20, s8, s2, $0xb8;
	[tilespmem:$0x1E700] =	vst v63  }
0x4a: {  	_ = 	snop  }
0x4b: {  	[tilespmem:s13], [sflag:$0x1] =	stream.indirect.gather [hbm4b:s1+s2], $0x20, s12, s2, $0xb8;
	[tilespmem:$0x1E700] =	vst v63  }
0x4c: {  	_ = 	snop  }
0x4d: {  	[tilespmem:s15], [sflag:$0x1] =	stream.indirect.gather [hbm4b:s1+s2], $0x20, s14, s2, $0xb8;
	[tilespmem:$0x1E700] =	vst v63  }
0x4e: {  	_ =	swait.ge [sflag:s16], $0x1000  }
0x4f: {  	[sflag:s16] =	ssyncset.done $0x0  }
0x50: {  	[sflag:s16] =	ssyncadd.s32 $0xFFFFF000  }
0x51: {  	_ =	swait.ge [sflag:s16], $0x1000  }
0x52: {  	[sflag:s16] =	ssyncset.done $0x0  }
0x53: {  	[sflag:s16] =	ssyncadd.s32 $0xFFFFF000  }
0x54: {  	_ =	swait.ge [sflag:s16], $0x1000  }
0x55: {  	[sflag:s16] =	ssyncset.done $0x0  }
0x56: {  	[sflag:s16] =	ssyncadd.s32 $0xFFFFF000  }
0x57: {  	_ =	swait.ge [sflag:s16], $0x1000  }
0x58: {  	[sflag:s16] =	ssyncset.done $0x0  }
0x59: {  	[sflag:s16] =	ssyncadd.s32 $0xFFFFF000  }
0x5a: {  	_ =	swait.ge [sflag:s16], $0x1000  }
0x5b: {  	[sflag:s16] =	ssyncset.done $0x0  }
0x5c: {  	[sflag:s16] =	ssyncadd.s32 $0xFFFFF000  }
0x5d: {  	_ =	swait.ge [sflag:s16], $0x1000  }
0x5e: {  	[sflag:s16] =	ssyncset.done $0x0  }
0x5f: {  	[sflag:s16] =	ssyncadd.s32 $0xFFFFF000  }
0x60: {  	_ =	swait.ge [sflag:s16], $0x1000  }
0x61: {  	[sflag:s16] =	ssyncset.done $0x0  }
0x62: {  	[sflag:s16] =	ssyncadd.s32 $0xFFFFF000  }
0x63: {  	_ =	swait.ge [sflag:s16], $0x1000  }
0x64: {  	[sflag:s16] =	ssyncset.done $0x0  }
0x65: {  	[sflag:s16] =	ssyncadd.s32 $0xFFFFF000  }
0x66: {  	[spmem:s3] =	stream.indirect.scatter.add.f32 [tilespmem:s0], [sflag:$0x2], $0x20, s31, s2, $0xb8;
	[tilespmem:$0x1E700] =	vst v63  }
0x67: {  	_ = 	snop  }
0x68: {  	[spmem:s3] =	stream.indirect.scatter.add.f32 [tilespmem:s11], [sflag:$0x2], $0x20, s17, s2, $0xb8;
	[tilespmem:$0x1E700] =	vst v63  }
0x69: {  	_ = 	snop  }
0x6a: {  	[spmem:s3] =	stream.indirect.scatter.add.f32 [tilespmem:s20], [sflag:$0x2], $0x20, s18, s2, $0xb8;
	[tilespmem:$0x1E700] =	vst v63  }
0x6b: {  	_ = 	snop  }
0x6c: {  	[spmem:s3] =	stream.indirect.scatter.add.f32 [tilespmem:s6], [sflag:$0x2], $0x20, s19, s2, $0xb8;
	[tilespmem:$0x1E700] =	vst v63  }
0x6d: {  	_ = 	snop  }
0x6e: {  	[spmem:s3] =	stream.indirect.scatter.add.f32 [tilespmem:s7], [sflag:$0x2], $0x20, s21, s2, $0xb8;
	[tilespmem:$0x1E700] =	vst v63  }
0x6f: {  	_ = 	snop  }
0x70: {  	[spmem:s3] =	stream.indirect.scatter.add.f32 [tilespmem:s10], [sflag:$0x2], $0x20, s22, s2, $0xb8;
	[tilespmem:$0x1E700] =	vst v63  }
0x71: {  	_ = 	snop  }
0x72: {  	[spmem:s3] =	stream.indirect.scatter.add.f32 [tilespmem:s13], [sflag:$0x2], $0x20, s23, s2, $0xb8;
	[tilespmem:$0x1E700] =	vst v63  }
0x73: {  	_ = 	snop  }
0x74: {  	[spmem:s3] =	stream.indirect.scatter.add.f32 [tilespmem:s15], [sflag:$0x2], $0x20, s24, s2, $0xb8;
	[tilespmem:$0x1E700] =	vst v63  }
0x75: {  	_ =	swait.ge [sflag:s25], $0x1000  }
0x76: {  	[sflag:s25] =	ssyncset.done $0x0  }
0x77: {  	[sflag:s25] =	ssyncadd.s32 $0xFFFFF000  }
0x78: {  	_ =	swait.ge [sflag:s25], $0x1000  }
0x79: {  	[sflag:s25] =	ssyncset.done $0x0  }
0x7a: {  	[sflag:s25] =	ssyncadd.s32 $0xFFFFF000  }
0x7b: {  	_ =	swait.ge [sflag:s25], $0x1000  }
0x7c: {  	[sflag:s25] =	ssyncset.done $0x0  }
0x7d: {  	[sflag:s25] =	ssyncadd.s32 $0xFFFFF000  }
0x7e: {  	_ =	swait.ge [sflag:s25], $0x1000  }
0x7f: {  	[sflag:s25] =	ssyncset.done $0x0  }
0x80: {  	[sflag:s25] =	ssyncadd.s32 $0xFFFFF000  }
0x81: {  	_ =	swait.ge [sflag:s25], $0x1000  }
0x82: {  	[sflag:s25] =	ssyncset.done $0x0  }
0x83: {  	[sflag:s25] =	ssyncadd.s32 $0xFFFFF000  }
0x84: {  	_ =	swait.ge [sflag:s25], $0x1000  }
0x85: {  	[sflag:s25] =	ssyncset.done $0x0  }
0x86: {  	[sflag:s25] =	ssyncadd.s32 $0xFFFFF000  }
0x87: {  	_ =	swait.ge [sflag:s25], $0x1000  }
0x88: {  	s9 =	rddreg [dreg:$0x9]  }
0x89: {  	[sflag:s25] =	ssyncset.done $0x0;
	[smem:$0x7FB] =	sst s28;
	s5 =	sadd.s32 s9, s28  }
0x8a: {  	[sflag:s25] =	ssyncadd.s32 $0xFFFFF000;
	[smem:$0x7FC] =	sst s5  }
0x8b: {  	s29 =	simm.s32 $0x80;
	_ =	swait.ge [sflag:s25], $0x1000  }
0x8c: {  	s5 =	simm.s32 $0x100;
	s9 =	rddreg [dreg:$0x4];
	[sflag:s25] =	ssyncset.done $0x0  }
.LBB2_3:
0x8d: {  	[sflag:s25] =	ssyncadd.s32 $0xFFFFF000;
	s9 =	sadd.s32 s29, s9  }
0x8e: {  	[tilespmem:s4], [sflag:$0x3] =	stream.linear.gather [hbm4b:s9+s4], $0x400, $0x38;
	[tilespmem:$0x1E700] =	vst v63  }
0x8f: {  	_ =	swait.ge [sflag:s30], $0x400  }
0x90: {  	[sflag:s30] =	ssyncset.done $0x0  }
0x91: {  	s9 =	sadd.s32 s29, s26;
	[sflag:s30] =	ssyncadd.s32 $0xFFFFFC00  }
0x92: {  	[tilespmem:s31], [sflag:$0x3] =	stream.linear.gather [hbm4b:s9+s4], $0x400, $0x38;
	[tilespmem:$0x1E700] =	vst v63  }
0x93: {  	_ =	swait.ge [sflag:s30], $0x400  }
0x94: {  	[sflag:s30] =	ssyncset.done $0x0  }
0x95: {  	[sflag:s30] =	ssyncadd.s32 $0xFFFFFC00  }
0x96: {  	[tilespmem:s0], [sflag:$0x1] =	stream.indirect.gather [hbm4b:s1+s2], $0x20, s4, s2, $0xb8;
	[tilespmem:$0x1E700] =	vst v63  }
0x97: {  	_ = 	snop  }
0x98: {  	[tilespmem:s11], [sflag:$0x1] =	stream.indirect.gather [hbm4b:s1+s2], $0x20, s2, s2, $0xb8;
	[tilespmem:$0x1E700] =	vst v63  }
0x99: {  	s28 =	smov.u32 s5;
	s9 =	rddreg [dreg:$0x5]  }
0x9a: {  	[tilespmem:s20], [sflag:$0x1] =	stream.indirect.gather [hbm4b:s1+s2], $0x20, s9, s2, $0xb8;
	[tilespmem:$0x1E700] =	vst v63  }
0x9b: {  	s29 =	smov.u32 s28;
	s28 =	rddreg [dreg:$0x6]  }
0x9c: {  	[tilespmem:s6], [sflag:$0x1] =	stream.indirect.gather [hbm4b:s1+s2], $0x20, s28, s2, $0xb8;
	[tilespmem:$0x1E700] =	vst v63  }
0x9d: {  	s9 =	rddreg [dreg:$0x7]  }
0x9e: {  	[tilespmem:s7], [sflag:$0x1] =	stream.indirect.gather [hbm4b:s1+s2], $0x20, s9, s2, $0xb8;
	[tilespmem:$0x1E700] =	vst v63  }
0x9f: {  	_ = 	snop  }
0xa0: {  	[tilespmem:s10], [sflag:$0x1] =	stream.indirect.gather [hbm4b:s1+s2], $0x20, s8, s2, $0xb8;
	[tilespmem:$0x1E700] =	vst v63  }
0xa1: {  	_ = 	snop  }
0xa2: {  	[tilespmem:s13], [sflag:$0x1] =	stream.indirect.gather [hbm4b:s1+s2], $0x20, s12, s2, $0xb8;
	[tilespmem:$0x1E700] =	vst v63  }
0xa3: {  	_ = 	snop  }
0xa4: {  	[tilespmem:s15], [sflag:$0x1] =	stream.indirect.gather [hbm4b:s1+s2], $0x20, s14, s2, $0xb8;
	[tilespmem:$0x1E700] =	vst v63  }
0xa5: {  	_ =	swait.ge [sflag:s16], $0x1000  }
0xa6: {  	[sflag:s16] =	ssyncset.done $0x0  }
0xa7: {  	[sflag:s16] =	ssyncadd.s32 $0xFFFFF000  }
0xa8: {  	_ =	swait.ge [sflag:s16], $0x1000  }
0xa9: {  	[sflag:s16] =	ssyncset.done $0x0  }
0xaa: {  	[sflag:s16] =	ssyncadd.s32 $0xFFFFF000  }
0xab: {  	_ =	swait.ge [sflag:s16], $0x1000  }
0xac: {  	[sflag:s16] =	ssyncset.done $0x0  }
0xad: {  	[sflag:s16] =	ssyncadd.s32 $0xFFFFF000  }
0xae: {  	_ =	swait.ge [sflag:s16], $0x1000  }
0xaf: {  	[sflag:s16] =	ssyncset.done $0x0  }
0xb0: {  	[sflag:s16] =	ssyncadd.s32 $0xFFFFF000  }
0xb1: {  	_ =	swait.ge [sflag:s16], $0x1000  }
0xb2: {  	[sflag:s16] =	ssyncset.done $0x0  }
0xb3: {  	[sflag:s16] =	ssyncadd.s32 $0xFFFFF000  }
0xb4: {  	_ =	swait.ge [sflag:s16], $0x1000  }
0xb5: {  	[sflag:s16] =	ssyncset.done $0x0  }
0xb6: {  	[sflag:s16] =	ssyncadd.s32 $0xFFFFF000  }
0xb7: {  	_ =	swait.ge [sflag:s16], $0x1000  }
0xb8: {  	[sflag:s16] =	ssyncset.done $0x0  }
0xb9: {  	[sflag:s16] =	ssyncadd.s32 $0xFFFFF000  }
0xba: {  	_ =	swait.ge [sflag:s16], $0x1000  }
0xbb: {  	[sflag:s16] =	ssyncset.done $0x0  }
0xbc: {  	[sflag:s16] =	ssyncadd.s32 $0xFFFFF000  }
0xbd: {  	[spmem:s3] =	stream.indirect.scatter.add.f32 [tilespmem:s0], [sflag:$0x2], $0x20, s31, s2, $0xb8;
	[tilespmem:$0x1E700] =	vst v63  }
0xbe: {  	_ = 	snop  }
0xbf: {  	[spmem:s3] =	stream.indirect.scatter.add.f32 [tilespmem:s11], [sflag:$0x2], $0x20, s17, s2, $0xb8;
	[tilespmem:$0x1E700] =	vst v63  }
0xc0: {  	_ = 	snop  }
0xc1: {  	[spmem:s3] =	stream.indirect.scatter.add.f32 [tilespmem:s20], [sflag:$0x2], $0x20, s18, s2, $0xb8;
	[tilespmem:$0x1E700] =	vst v63  }
0xc2: {  	_ = 	snop  }
0xc3: {  	[spmem:s3] =	stream.indirect.scatter.add.f32 [tilespmem:s6], [sflag:$0x2], $0x20, s19, s2, $0xb8;
	[tilespmem:$0x1E700] =	vst v63  }
0xc4: {  	_ = 	snop  }
0xc5: {  	[spmem:s3] =	stream.indirect.scatter.add.f32 [tilespmem:s7], [sflag:$0x2], $0x20, s21, s2, $0xb8;
	[tilespmem:$0x1E700] =	vst v63  }
0xc6: {  	_ = 	snop  }
0xc7: {  	[spmem:s3] =	stream.indirect.scatter.add.f32 [tilespmem:s10], [sflag:$0x2], $0x20, s22, s2, $0xb8;
	[tilespmem:$0x1E700] =	vst v63  }
0xc8: {  	_ = 	snop  }
0xc9: {  	[spmem:s3] =	stream.indirect.scatter.add.f32 [tilespmem:s13], [sflag:$0x2], $0x20, s23, s2, $0xb8;
	[tilespmem:$0x1E700] =	vst v63  }
0xca: {  	_ = 	snop  }
0xcb: {  	[spmem:s3] =	stream.indirect.scatter.add.f32 [tilespmem:s15], [sflag:$0x2], $0x20, s24, s2, $0xb8;
	[tilespmem:$0x1E700] =	vst v63  }
0xcc: {  	_ =	swait.ge [sflag:s25], $0x1000  }
0xcd: {  	[sflag:s25] =	ssyncset.done $0x0  }
0xce: {  	[sflag:s25] =	ssyncadd.s32 $0xFFFFF000  }
0xcf: {  	_ =	swait.ge [sflag:s25], $0x1000  }
0xd0: {  	[sflag:s25] =	ssyncset.done $0x0  }
0xd1: {  	[sflag:s25] =	ssyncadd.s32 $0xFFFFF000  }
0xd2: {  	_ =	swait.ge [sflag:s25], $0x1000  }
0xd3: {  	[sflag:s25] =	ssyncset.done $0x0  }
0xd4: {  	[sflag:s25] =	ssyncadd.s32 $0xFFFFF000  }
0xd5: {  	_ =	swait.ge [sflag:s25], $0x1000  }
0xd6: {  	[sflag:s25] =	ssyncset.done $0x0  }
0xd7: {  	[sflag:s25] =	ssyncadd.s32 $0xFFFFF000  }
0xd8: {  	_ =	swait.ge [sflag:s25], $0x1000  }
0xd9: {  	[sflag:s25] =	ssyncset.done $0x0  }
0xda: {  	[sflag:s25] =	ssyncadd.s32 $0xFFFFF000  }
0xdb: {  	_ =	swait.ge [sflag:s25], $0x1000  }
0xdc: {  	[sflag:s25] =	ssyncset.done $0x0  }
0xdd: {  	p0 =	sne.s32 s5, $0x3D00;
	[sflag:s25] =	ssyncadd.s32 $0xFFFFF000  }
.Ltmp0:
0xde: {  	_ =	swait.ge [sflag:s25], $0x1000;
	(pc) =	sbr.rel @p0 .LBB2_3-.Ltmp0, $4  }
0xdf: {  	[sflag:s25] =	ssyncset.done $0x0  }
0xe0: {  	[sflag:s25] =	ssyncadd.s32 $0xFFFFF000  }
0xe1: {  	_ =	swait.ge [sflag:s25], $0x1000  }
0xe2: {  	s5 =	sadd.s32 $0x80, s5;
	s9 =	rddreg [dreg:$0x4];
	[sflag:s25] =	ssyncset.done $0x0  }
0xe3: {  	[sflag:s25] =	ssyncadd.s32 $0xFFFFF000;
	s5 =	sadd.s32 s29, s9  }
0xe4: {  	[tilespmem:s4], [sflag:$0x3] =	stream.linear.gather [hbm4b:s5+s4], $0x400, $0x38;
	[tilespmem:$0x1E700] =	vst v63  }
0xe5: {  	_ =	swait.ge [sflag:s30], $0x400  }
0xe6: {  	[sflag:s30] =	ssyncset.done $0x0  }
0xe7: {  	s9 =	sadd.s32 s29, s26;
	[sflag:s30] =	ssyncadd.s32 $0xFFFFFC00  }
0xe8: {  	[tilespmem:s31], [sflag:$0x3] =	stream.linear.gather [hbm4b:s9+s4], $0x400, $0x38;
	[tilespmem:$0x1E700] =	vst v63  }
0xe9: {  	_ =	swait.ge [sflag:s30], $0x400  }
0xea: {  	[sflag:s30] =	ssyncset.done $0x0  }
0xeb: {  	[sflag:s30] =	ssyncadd.s32 $0xFFFFFC00  }
0xec: {  	[tilespmem:s0], [sflag:$0x1] =	stream.indirect.gather [hbm4b:s1+s2], $0x20, s4, s2, $0xb8;
	[tilespmem:$0x1E700] =	vst v63  }
0xed: {  	_ = 	snop  }
0xee: {  	[tilespmem:s11], [sflag:$0x1] =	stream.indirect.gather [hbm4b:s1+s2], $0x20, s2, s2, $0xb8;
	[tilespmem:$0x1E700] =	vst v63  }
0xef: {  	s5 =	rddreg [dreg:$0x5]  }
0xf0: {  	[tilespmem:s20], [sflag:$0x1] =	stream.indirect.gather [hbm4b:s1+s2], $0x20, s5, s2, $0xb8;
	[tilespmem:$0x1E700] =	vst v63  }
0xf1: {  	s9 =	rddreg [dreg:$0x6]  }
0xf2: {  	[tilespmem:s6], [sflag:$0x1] =	stream.indirect.gather [hbm4b:s1+s2], $0x20, s9, s2, $0xb8;
	[tilespmem:$0x1E700] =	vst v63  }
0xf3: {  	s5 =	rddreg [dreg:$0x7]  }
0xf4: {  	[tilespmem:s7], [sflag:$0x1] =	stream.indirect.gather [hbm4b:s1+s2], $0x20, s5, s2, $0xb8;
	[tilespmem:$0x1E700] =	vst v63  }
0xf5: {  	_ = 	snop  }
0xf6: {  	[tilespmem:s10], [sflag:$0x1] =	stream.indirect.gather [hbm4b:s1+s2], $0x20, s8, s2, $0xb8;
	[tilespmem:$0x1E700] =	vst v63  }
0xf7: {  	_ = 	snop  }
0xf8: {  	[tilespmem:s13], [sflag:$0x1] =	stream.indirect.gather [hbm4b:s1+s2], $0x20, s12, s2, $0xb8;
	[tilespmem:$0x1E700] =	vst v63  }
0xf9: {  	_ = 	snop  }
0xfa: {  	[tilespmem:s15], [sflag:$0x1] =	stream.indirect.gather [hbm4b:s1+s2], $0x20, s14, s2, $0xb8;
	[tilespmem:$0x1E700] =	vst v63  }
0xfb: {  	_ =	swait.ge [sflag:s16], $0x1000  }
0xfc: {  	[sflag:s16] =	ssyncset.done $0x0  }
0xfd: {  	[sflag:s16] =	ssyncadd.s32 $0xFFFFF000  }
0xfe: {  	_ =	swait.ge [sflag:s16], $0x1000  }
0xff: {  	[sflag:s16] =	ssyncset.done $0x0  }
0x100: {  	[sflag:s16] =	ssyncadd.s32 $0xFFFFF000  }
0x101: {  	_ =	swait.ge [sflag:s16], $0x1000  }
0x102: {  	[sflag:s16] =	ssyncset.done $0x0  }
0x103: {  	[sflag:s16] =	ssyncadd.s32 $0xFFFFF000  }
0x104: {  	_ =	swait.ge [sflag:s16], $0x1000  }
0x105: {  	[sflag:s16] =	ssyncset.done $0x0  }
0x106: {  	[sflag:s16] =	ssyncadd.s32 $0xFFFFF000  }
0x107: {  	_ =	swait.ge [sflag:s16], $0x1000  }
0x108: {  	[sflag:s16] =	ssyncset.done $0x0  }
0x109: {  	[sflag:s16] =	ssyncadd.s32 $0xFFFFF000  }
0x10a: {  	_ =	swait.ge [sflag:s16], $0x1000  }
0x10b: {  	[sflag:s16] =	ssyncset.done $0x0  }
0x10c: {  	[sflag:s16] =	ssyncadd.s32 $0xFFFFF000  }
0x10d: {  	_ =	swait.ge [sflag:s16], $0x1000  }
0x10e: {  	[sflag:s16] =	ssyncset.done $0x0  }
0x10f: {  	[sflag:s16] =	ssyncadd.s32 $0xFFFFF000  }
0x110: {  	_ =	swait.ge [sflag:s16], $0x1000  }
0x111: {  	[sflag:s16] =	ssyncset.done $0x0  }
0x112: {  	[sflag:s16] =	ssyncadd.s32 $0xFFFFF000  }
0x113: {  	[spmem:s3] =	stream.indirect.scatter.add.f32 [tilespmem:s0], [sflag:$0x2], $0x20, s31, s2, $0xb8;
	[tilespmem:$0x1E700] =	vst v63  }
0x114: {  	_ = 	snop  }
0x115: {  	[spmem:s3] =	stream.indirect.scatter.add.f32 [tilespmem:s11], [sflag:$0x2], $0x20, s17, s2, $0xb8;
	[tilespmem:$0x1E700] =	vst v63  }
0x116: {  	_ = 	snop  }
0x117: {  	[spmem:s3] =	stream.indirect.scatter.add.f32 [tilespmem:s20], [sflag:$0x2], $0x20, s18, s2, $0xb8;
	[tilespmem:$0x1E700] =	vst v63  }
0x118: {  	_ = 	snop  }
0x119: {  	[spmem:s3] =	stream.indirect.scatter.add.f32 [tilespmem:s6], [sflag:$0x2], $0x20, s19, s2, $0xb8;
	[tilespmem:$0x1E700] =	vst v63  }
0x11a: {  	_ = 	snop  }
0x11b: {  	[spmem:s3] =	stream.indirect.scatter.add.f32 [tilespmem:s7], [sflag:$0x2], $0x20, s21, s2, $0xb8;
	[tilespmem:$0x1E700] =	vst v63  }
0x11c: {  	_ = 	snop  }
0x11d: {  	[spmem:s3] =	stream.indirect.scatter.add.f32 [tilespmem:s10], [sflag:$0x2], $0x20, s22, s2, $0xb8;
	[tilespmem:$0x1E700] =	vst v63  }
0x11e: {  	_ = 	snop  }
0x11f: {  	[spmem:s3] =	stream.indirect.scatter.add.f32 [tilespmem:s13], [sflag:$0x2], $0x20, s23, s2, $0xb8;
	[tilespmem:$0x1E700] =	vst v63  }
0x120: {  	_ = 	snop  }
0x121: {  	[spmem:s3] =	stream.indirect.scatter.add.f32 [tilespmem:s15], [sflag:$0x2], $0x20, s24, s2, $0xb8;
	[tilespmem:$0x1E700] =	vst v63  }
0x122: {  	_ =	swait.ge [sflag:s25], $0x1000  }
0x123: {  	[sflag:s25] =	ssyncset.done $0x0  }
0x124: {  	[sflag:s25] =	ssyncadd.s32 $0xFFFFF000  }
0x125: {  	_ =	swait.ge [sflag:s25], $0x1000  }
0x126: {  	[sflag:s25] =	ssyncset.done $0x0  }
0x127: {  	[sflag:s25] =	ssyncadd.s32 $0xFFFFF000  }
0x128: {  	_ =	swait.ge [sflag:s25], $0x1000  }
0x129: {  	[sflag:s25] =	ssyncset.done $0x0  }
0x12a: {  	[sflag:s25] =	ssyncadd.s32 $0xFFFFF000  }
0x12b: {  	_ =	swait.ge [sflag:s25], $0x1000  }
0x12c: {  	[sflag:s25] =	ssyncset.done $0x0  }
0x12d: {  	[sflag:s25] =	ssyncadd.s32 $0xFFFFF000  }
0x12e: {  	_ =	swait.ge [sflag:s25], $0x1000  }
0x12f: {  	[sflag:s25] =	ssyncset.done $0x0  }
0x130: {  	[sflag:s25] =	ssyncadd.s32 $0xFFFFF000  }
0x131: {  	_ =	swait.ge [sflag:s25], $0x1000  }
0x132: {  	[sflag:s25] =	ssyncset.done $0x0  }
0x133: {  	[sflag:s25] =	ssyncadd.s32 $0xFFFFF000  }
0x134: {  	_ =	swait.ge [sflag:s25], $0x1000  }
0x135: {  	s9 =	sld [smem:$0x7FC];
	_ =	sdelay $0x2  }
0x136: {  	s9 =	smul.u32 $0xAF00, s9  }
0x137: {  	[sflag:s25] =	ssyncset.done $0x0  }
0x138: {  	[sflag:s25] =	ssyncadd.s32 $0xFFFFF000;
	[smem:$0x7FA] =	sst s9  }
0x139: {  	_ =	swait.ge [sflag:s25], $0x1000  }
0x13a: {  	[sflag:s25] =	ssyncset.done $0x0  }
0x13b: {  	[sflag:s25] =	ssyncadd.s32 $0xFFFFF000  }
0x13c: {  	s5 =	rddreg [dreg:$0xa];
	[bflag:$0x0] =	sbarrier.arrive $0xFFFF  }
0x13d: {  	s9 =	sadd.s32 s9, s5;
	s5 =	rddreg [dreg:$0x8]  }
0x13e: {  	s9 =	sshll.u32 s9, $0x2;
	s28 =	rddreg [dreg:$0x1a]  }
0x13f: {  	s9 =	sadd.s32 s5, s9;
	s29 =	smov.u32 s5;
	s5 =	rddreg [dreg:$0xc]  }
0x140: {  	[hbm:s9], [sflag:s5] =	dma.local [spmem:s28], $0x640  }
0x141: {  	_ =	swait.ge [sflag:s30], $0x640  }
0x142: {  	s5 =	sld [smem:$0x7FA];
	_ =	sdelay $0x1  }
0x143: {  	s9 =	rddreg [dreg:$0xd]  }
0x144: {  	s9 =	sadd.s32 s5, s9  }
0x145: {  	[sflag:s30] =	ssyncset.done $0x0;
	s28 =	rddreg [dreg:$0x1b];
	s9 =	sshll.u32 s9, $0x2  }
0x146: {  	[sflag:s30] =	ssyncadd.s32 $0xFFFFF9C0;
	s9 =	sadd.s32 s29, s9;
	s29 =	rddreg [dreg:$0xc]  }
0x147: {  	[hbm:s9], [sflag:s29] =	dma.local [spmem:s28], $0x640  }
0x148: {  	_ =	swait.ge [sflag:s30], $0x640  }
0x149: {  	s9 =	rddreg [dreg:$0xf]  }
0x14a: {  	s9 =	sadd.s32 s5, s9  }
0x14b: {  	[sflag:s30] =	ssyncset.done $0x0;
	s28 =	rddreg [dreg:$0x8];
	s9 =	sshll.u32 s9, $0x2  }
0x14c: {  	[sflag:s30] =	ssyncadd.s32 $0xFFFFF9C0;
	s9 =	sadd.s32 s28, s9;
	s28 =	rddreg [dreg:$0x1d]  }
0x14d: {  	[hbm:s9], [sflag:s29] =	dma.local [spmem:s28], $0x640  }
0x14e: {  	s9 =	sld [smem:$0x7FC];
	_ =	sdelay $0x1  }
0x14f: {  	_ =	swait.ge [sflag:s30], $0x640  }
0x150: {  	p0 =	seq.s32 s9, $0x5;
	s9 =	rddreg [dreg:$0x13]  }
0x151: {  	s29 =	rddreg [dreg:$0x1e];
	s9 =	sadd.s32 s5, s9  }
0x152: {  	[sflag:s30] =	ssyncset.done $0x0;
	s5 =	rddreg [dreg:$0x8];
	s9 =	sshll.u32 s9, $0x2  }
0x153: {  	[sflag:s30] =	ssyncadd.s32 $0xFFFFF9C0;
	s9 =	sadd.s32 s5, s9;
	s5 =	rddreg [dreg:$0xc]  }
0x154: {  	[hbm:s9], [sflag:s5] =	dma.local [spmem:s29], $0x640  }
0x155: {  	s9 =	rddreg [dreg:$0x10];
	_ =	swait.ge [sflag:s30], $0x640  }
0x156: {  	s28 =	simm.s32 $0x41;
	s5 =	sld [smem:$0x7FA]  }
0x157: {  	s28 =	simm.s32 @!p0 $0x70  }
0x158: {  	p0 =	sge.u32 s9, s28;
	s9 =	rddreg [dreg:$0x19]  }
0x159: {  	s9 =	sadd.s32 @!p0 s5, s9  }
0x15a: {  	s5 =	rddreg [dreg:$0x8];
	s9 =	sshll.u32 @!p0 s9, $0x2  }
0x15b: {  	s9 =	sadd.s32 @!p0 s5, s9  }
0x15c: {  	[smem:$0x7F7] =	sst s9  }
0x15d: {  	s5 =	sld [smem:$0x7F7]  }
0x15e: {  	[sflag:s30] =	ssyncset.done $0x0;
	s29 =	rddreg [dreg:$0x14]  }
0x15f: {  	[sflag:s30] =	ssyncadd.s32 $0xFFFFF9C0;
	s29 =	sshrl.u32 @!p0 s29, $0x3;
	s9 =	rddreg [dreg:$0xc]  }
0x160: {  	[hbm:s5], [sflag:s9] =	dma.local @!p0 [spmem:s29], $0x640  }
0x161: {  	s9 =	simm.s32 @!p0 $0x3  }
0x162: {  	s29 =	rddreg [dreg:$0x11];
	_ =	swait.ge @!p0 [sflag:s9], $0x640  }
0x163: {  	s5 =	sld [smem:$0x7FA];
	_ =	sdelay $0x1  }
0x164: {  	p1 =	sge.u32 s29, s28;
	s29 =	rddreg [dreg:$0x1c]  }
0x165: {  	s5 =	sadd.s32 @!p1 s5, s29  }
0x166: {  	s29 =	simm.s32 @!p0 $0x3;
	s5 =	sshll.u32 @!p1 s5, $0x2  }
0x167: {  	[sflag:s29] =	ssyncset.done @!p0 $0x0;
	s29 =	simm.s32 @!p0 $0x3;
	[smem:$0x7F8] =	sst s5  }
0x168: {  	[sflag:s29] =	ssyncadd.s32 @!p0 $0xFFFFF9C0;
	s29 =	sld [smem:$0x7F8];
	_ =	sdelay $0x1  }
0x169: {  	s5 =	rddreg [dreg:$0x8]  }
0x16a: {  	s5 =	sadd.s32 @!p1 s5, s29  }
0x16b: {  	[smem:$0x7F9] =	sst s5  }
0x16c: {  	s9 =	sld [smem:$0x7F9]  }
0x16d: {  	s29 =	rddreg [dreg:$0x15]  }
0x16e: {  	s29 =	sshrl.u32 @!p1 s29, $0x3;
	s5 =	rddreg [dreg:$0xc]  }
0x16f: {  	[hbm:s9], [sflag:s5] =	dma.local @!p1 [spmem:s29], $0x640  }
0x170: {  	s29 =	simm.s32 @!p1 $0x3  }
0x171: {  	s5 =	rddreg [dreg:$0x12];
	_ =	swait.ge @!p1 [sflag:s29], $0x640  }
0x172: {  	s9 =	sld [smem:$0x7FA];
	_ =	sdelay $0x1  }
0x173: {  	p0 =	sge.u32 s5, s28;
	s5 =	rddreg [dreg:$0x1f]  }
0x174: {  	[sflag:s29] =	ssyncset.done @!p1 $0x0;
	s28 =	sadd.s32 @!p0 s9, s5;
	s5 =	rddreg [dreg:$0x8]  }
0x175: {  	[sflag:s29] =	ssyncadd.s32 @!p1 $0xFFFFF9C0;
	s9 =	rddreg [dreg:$0x16];
	s28 =	sshll.u32 @!p0 s28, $0x2  }
0x176: {  	s29 =	rddreg [dreg:$0xc];
	s9 =	sshrl.u32 @!p0 s9, $0x3;
	s5 =	sadd.s32 @!p0 s5, s28  }
0x177: {  	[hbm:s5], [sflag:s29] =	dma.local @!p0 [spmem:s9], $0x640  }
0x178: {  	s5 =	simm.s32 @!p0 $0x3  }
0x179: {  	_ =	swait.ge @!p0 [sflag:s5], $0x640  }
0x17a: {  	s28 =	sld [smem:$0x7FB];
	_ =	sdelay $0x2  }
0x17b: {  	[sflag:s5] =	ssyncset.done @!p0 $0x0;
	s28 =	sadd.s32 $0x1, s28  }
0x17c: {  	[sflag:s5] =	ssyncadd.s32 @!p0 $0xFFFFF9C0;
	p0 =	sne.s32 s28, $0x3  }
.Ltmp1:
0x17d: {  	_ = 	snop;
	(pc) =	sbr.rel @p0 .LBB2_2-.Ltmp1, $3  }
0x17e: {  	_ =	sdelay $0x1  }
0x17f: {  	[bflag:$0x0] =	sbarrier.arrive $0xFFFF  }
0x180: {  	s26 =	sadd.s32 $0x3D800, s26  }
0x181: {  	s9 =	sld [smem:$0x7FD];
	_ =	sdelay $0x2  }
0x182: {  	s5 =	rddreg [dreg:$0xe];
	s9 =	sadd.s32 $0x1, s9  }
0x183: {  	p0 =	sne.s32 s9, s5  }
.Ltmp2:
0x184: {  	_ = 	snop;
	(pc) =	sbr.rel @p0 .LBB2_1-.Ltmp2, $1  }
0x185: {  	_ =	sdelay $0x3  }
0x186: {  	_ =	sfence.sel $0x180000  }
0x187: {  	[bflag:$0x0] =	sbarrier.arrive $0xFFFF  }
0x188: {  	_ =	strace $0x90000050  }
0x189: {  	s0 =	stileid.u32;
	[bflag:$0x2] =	sbarrier.arrive $0xFFFF  }
0x18a: {  	p0 =	sne.s32 s0, $0x0;
	s0 =	rddreg [dreg:$0x3]  }
0x18b: {  	s0 =	sadd.s32 @!p0 $0x100000, s0  }
0x18c: {  	[sflag:s0] =	ssyncadd.tile.s32 @!p0 $0x1;
	_ =	shalt  }
.Lfunc_end2:
_tile_overlayer_lowered:
.L_overlay_start_2:
0x18d: {  	(tag) =	ssettag $0x2  }
0x18e: {  	s0 =	rddreg [dreg:$0x0];
	s2 =	stileid.u32  }
0x18f: {  	s1 =	rddreg [dreg:$0x1];
	p0 =	sne.s32 s2, $0x0  }
0x190: {  	s3 =	rddreg [dreg:$0x2];
	[bflag:$0x3] =	sbarrier.arrive $0xFFFF;
	s2 =	simm.s32 @!p0 $0x1C03  }
0x191: {  	[timem:s3], [sflag:s2] =	dma.local @!p0 [hbm:s0], s1  }
0x192: {  	s0 =	simm.s32 @!p0 $0x3  }
0x193: {  	_ =	swait.ge @!p0 [sflag:s0], s1  }
0x194: {  	s1 =	ssub.s32 @!p0 $0x0, s1;
	[sflag:s0] =	ssyncset.done @!p0 $0x0  }
0x195: {  	[sflag:s0] =	ssyncadd.s32 @!p0 s1  }
0x196: {  	[bflag:$0x3] =	sbarrier.arrive $0xFFFF  }
0x197: {  	_ =	shalt  }

// kernel: sparse-core-data-format-call.cloned.1.call-start
scs
called_computation_lowered:
.L_overlay_start_0:
0x0: {  	s1 =	sld [smem:$0x3FD9]  }
0x1: {  	s2 =	sld [smem:$0x3FFE];
	_ =	sdelay $0x1  }
0x2: {  	s3 =	srdreg.scid  }
0x3: {  	s0 =	sand.u32 $0x1, s3  }
0x4: {  	s17 =	sshll.u32 s0, $0xA;
	s1 =	sadd.s32 s2, s1  }
0x5: {  	s1 =	sadd.s32 s1, s17  }
0x6: {  	[smem:$0x3FC0] =	sst s1  }
0x7: {  	_ = 	snop  }
0x8: {  	(tm) =	ssettm $0x1  }
0x9: {  	s18 =	sld [smem:$0x3FFB];
	_ =	sdelay $0x3  }
0xa: {  	_ =	strace s18  }
0xb: {  	s1 =	sld [smem:$0x3FFC];
	_ =	sdelay $0x3  }
0xc: {  	_ =	strace s1  }
0xd: {  	s1 =	sld [smem:$0x3FFD];
	_ =	sdelay $0x3  }
0xe: {  	_ =	strace s1  }
0xf: {  	_ =	strace $0x8FFFFFFF  }
0x10: {  	s19 =	sld [smem:$0x3FDB];
	_ =	sdelay $0x1  }
0x11: {  	s20 =	simm.s32 $_scs_section_size  }
0x12: {  	s4 =	simm.s32 $_size__tile_overlayer_lowered;
	s5 =	simm.s32 $_tile_overlayer_lowered  }
0x13: {  	s23 =	simm.s32 $0x1BFF;
	s22 =	sshll.u32 s5, $0x1;
	s1 =	sadd.s32 s20, s19  }
0x14: {  	s6 =	simm.s32 $0x0;
	s21 =	sshll.u32 s4, $0x1;
	s4 =	sadd.s32 s22, s1  }
0x15: {  	[timem:s6], [sflag:s23] =	dma.local [hbm:s4], s21  }
0x16: {  	_ =	swait.ge [sflag:s23], s21  }
0x17: {  	s2 =	ssub.s32 $0x0, s21;
	[sflag:s23] =	ssyncset.done $0x0  }
0x18: {  	[sflag:s23] =	ssyncadd.s32 s2;
	_ =	sdelay $0x1  }
0x19: {  	s24 =	simm.s32 $0x1B8B  }
0x1a: {  	_ =	swait.ge [sflag:s24], $0x1  }
0x1b: {  	[sflag:s24] =	ssyncset.done $0x0  }
0x1c: {  	s26 =	simm.s32 $0x1B8E;
	s25 =	sld [smem:$0x3FFE];
	[sflag:s24] =	ssyncadd.s32 $0xFFFFFFFF  }
0x1d: {  	s27 =	simm.s32 $execute0_lowered;
	[smem:$0x3FD2] =	sst s26  }
0x1e: {  	s4 =	sshll.u32 s27, $0x1;
	_ =	strace $0x80000052;
	[dreg:$0x1] =	wrdreg $0xFFFFFFFF  }
0x1f: {  	s28 =	simm.s32 $_size_execute0_lowered;
	s1 =	sadd.s32 s1, s4;
	[dreg:$0x0] =	wrdreg $0x0  }
0x20: {  	s4 =	sshll.u32 s28, $0x1;
	[dreg:$0x2] =	wrdreg s1  }
0x21: {  	[dreg:$0x3] =	wrdreg s4  }
0x22: {  	[dreg:$0x4] =	wrdreg $0xC0  }
0x23: {  	_ =	task [dreg:s6], $0x5FFFF  }
0x24: {  	[dreg:$0x1] =	wrdreg $0xFFFFFFFF  }
0x25: {  	[dreg:$0x0] =	wrdreg $0x60  }
0x26: {  	[dreg:$0x2] =	wrdreg s25  }
0x27: {  	[dreg:$0x3] =	wrdreg $0x9  }
0x28: {  	_ =	task.clear_ibuf [dreg:s6], $0x4FFFF;
	_ =	strace $0x90000052  }
0x29: {  	s29 =	simm.s32 $0x9;
	_ =	strace $0x80000054  }
0x2a: {  	_ =	swait.ge [sflag:s29], $0x1  }
0x2b: {  	[sflag:s29] =	ssyncadd.s32 $0xFFFFFFFF  }
0x2c: {  	_ =	strace $0x90000054  }
0x2d: {  	_ =	sfence  }
0x2e: {  	s30 =	sld [smem:$0x0];
	_ =	sdelay $0x2  }
0x2f: {  	s31 =	sshll.u32 s3, $0xD;
	s3 =	sshrl.u32 s3, $0x2  }
0x30: {  	s2 =	sand.u32 $0x4000, s31;
	s1 =	sadd.s32 s3, s30  }
0x31: {  	s0 =	sor.u32 s2, s0;
	s1 =	sshll.u32 s1, $0x11  }
0x32: {  	s0 =	sor.u32 s1, s0  }
0x33: {  	s0 =	sadd.s32 $0x8F2B, s0  }
0x34: {  	[sflag:s0] =	ssyncadd.remote.s32 $0x1  }
0x35: {  	_ =	sfence.sel $0xFFFF  }
0x36: {  	[dreg:$0x0] =	wrdreg $0xFFFFFFFF;
	(pc) =	sbr.abs _section_cstart, $3  }
0x37: {  	[dreg:$0x1] =	wrdreg $0xFFFFFFFF  }
0x38: {  	_ =	task.clear_ibuf [dreg:s6], $0x2FFFF;
	_ =	strace $0x9FFFFFFF  }
0x39: {  	(tm) =	ssettm $0x7FFFFFFF  }
tec
execute0_lowered:
.L_overlay_start_1:
0x0: {  	(tag) =	ssettag $0x1  }
0x1: {  	s0 =	rddreg [dreg:$0x0]  }
0x2: {  	s1 =	srdreg.scid;
	s2 =	stileid.u32  }
0x3: {  	_ =	strace $0x80000053;
	s30 =	simm.s32 $0x1;
	s31 =	simm.s32 $0x2  }
0x4: {  	s21 =	simm.s32 $0x0;
	s24 =	simm.s32 $0x0;
	s22 =	simm.s32 $0x0  }
0x5: {  	s23 =	simm.s32 $0x0;
	s13 =	simm.s32 $0x0;
	s14 =	simm.s32 $0x0  }
0x6: {  	s15 =	simm.s32 $0x0;
	s17 =	simm.s32 $0x0;
	s18 =	simm.s32 $0x0  }
0x7: {  	s1 =	sshll.u32 s1, $0x4;
	s7 =	sand.u32 $0x7, s2;
	s8 =	sadd.s32 $0x3000, s0  }
0x8: {  	s0 =	sadd.s32 $0x471000, s0;
	s1 =	sand.u32 $0x10, s1;
	s28 =	ssub.s32 $0x1FB, s7  }
0x9: {  	[dreg:$0x4] =	wrdreg s0;
	s1 =	sor.u32 s2, s1;
	s2 =	sshrl.u32 s28, $0x3  }
0xa: {  	[dreg:$0x2] =	wrdreg s7;
	s29 =	sshll.u32 s1, $0x4;
	s10 =	smul.u32 $0xC, s2  }
.Ltmp0:
0xb: {  	[dreg:$0x3] =	wrdreg s8;
	s9 =	sand.u32 $0x180, s29;
	(pc) =	sbr.rel .LBB1_1-.Ltmp0, $4  }
0xc: {  	s19 =	simm.s32 $0x0;
	s1 =	sshll.u32 s1, $0x7;
	[dreg:$0x5] =	wrdreg s9  }
0xd: {  	s20 =	simm.s32 $0x0;
	s11 =	sand.u32 $0xC00, s1;
	[dreg:$0x6] =	wrdreg s10  }
0xe: {  	[sflag:s30] =	ssyncpa.u1 $0x0;
	s12 =	sor.u32 $0x1, s10;
	[dreg:$0x7] =	wrdreg s11  }
0xf: {  	[sflag:s31] =	ssyncpa.u1 $0x0;
	s16 =	smov.u32 s7;
	[dreg:$0x8] =	wrdreg s12  }
.LBB1_16:
0x10: {  	s15 =	rddreg [dreg:$0xb]  }
0x11: {  	s13 =	rddreg [dreg:$0x9]  }
0x12: {  	s3 =	rddreg [dreg:$0x17]  }
0x13: {  	s14 =	rddreg [dreg:$0xa]  }
0x14: {  	s22 =	rddreg [dreg:$0x15]  }
0x15: {  	s5 =	rddreg [dreg:$0x16]  }
0x16: {  	s17 =	rddreg [dreg:$0xd]  }
0x17: {  	s27 =	rddreg [dreg:$0x4]  }
0x18: {  	s7 =	rddreg [dreg:$0x2]  }
0x19: {  	s8 =	rddreg [dreg:$0x3]  }
0x1a: {  	s9 =	rddreg [dreg:$0x5]  }
0x1b: {  	s10 =	rddreg [dreg:$0x6]  }
0x1c: {  	s11 =	rddreg [dreg:$0x7]  }
0x1d: {  	s12 =	rddreg [dreg:$0x8]  }
0x1e: {  	s16 =	rddreg [dreg:$0xc]  }
0x1f: {  	s18 =	rddreg [dreg:$0xe]  }
0x20: {  	s31 =	simm.s32 $0x80;
	s19 =	rddreg [dreg:$0xf]  }
0x21: {  	s20 =	rddreg [dreg:$0x10];
	s0 =	sshrl.u32 s15, $0x4;
	p0 =	sgt.s32 s15, $0x70  }
0x22: {  	s1 =	smov.u32 s15;
	p1 =	sgt.s32 s13, $0x178;
	s23 =	smul.u32 $0x1F80, s17  }
0x23: {  	s2 =	smov.u32 s13;
	s24 =	smul.u32 $0x17A00, s14;
	s25 =	sshrl.u32 s15, $0x3  }
0x24: {  	s28 =	sand.u32 $0x7, s15;
	s0 =	sadd.s32 s0, s13;
	s1 =	simm.s32 @!p0 $0x70  }
0x25: {  	s2 =	simm.s32 @!p1 $0x178;
	p1 =	sgt.s32 s14, $0x1F3;
	s29 =	sshll.u32 s28, $0x12  }
0x26: {  	s0 =	sand.u32 $0x1FFFFF8, s0;
	s1 =	sadd.s32 s3, s1;
	s2 =	ssub.s32 $0x1F8, s2  }
0x27: {  	s30 =	sor.u32 $0x10, s29;
	s21 =	smulhi.u32 $0x2082083, s0;
	s4 =	sadd.s32 $0xFFFFFF90, s1  }
0x28: {  	s2 =	smul.u32 s22, s2;
	p0 =	sgt.s32 s4, $0xF;
	s4 =	smov.u32 s14  }
0x29: {  	s1 =	ssub.s32 $0x80, s1;
	s22 =	rddreg [dreg:$0x12];
	s4 =	simm.s32 @!p1 $0x1F3  }
0x2a: {  	s3 =	sshrl.u32 s21, $0x2;
	s1 =	simm.s32 @p0 $0x0;
	s4 =	sadd.s32 s5, s4  }
0x2b: {  	s21 =	rddreg [dreg:$0x11];
	s3 =	smul.u32 $0x1F8, s3;
	s5 =	sadd.s32 $0xFFFFFE0D, s4  }
0x2c: {  	s1 =	smul.u32 s1, s2;
	s2 =	ssub.s32 $0x1F4, s4;
	p0 =	sgt.s32 s5, $0x0  }
0x2d: {  	s4 =	sadd.s32 s27, s23;
	s0 =	ssub.s32 s0, s3;
	s2 =	simm.s32 @p0 $0x0  }
0x2e: {  	s3 =	sadd.s32 s24, s4;
	s1 =	smul.u32 s2, s1;
	s2 =	sand.u32 $0xF, s25  }
0x2f: {  	s23 =	rddreg [dreg:$0x13];
	s0 =	sshll.u32 s0, $0x4;
	s2 =	sadd.s32 s2, s3  }
0x30: {  	s24 =	rddreg [dreg:$0x14];
	s1 =	sand.u32 $0x3FFFFFFF, s1;
	s0 =	sadd.s32 s0, s2  }
0x31: {  	[hbm4b:s0+s30] =	stream.strided.scatter [tilespmem:s26], [sflag:$0x2], s1, s31, s30, $0x8;
	[tilespmem:$0x2100] =	vst v63  }
.LBB1_17:
0x32: {  	p0 =	slt.u32 s20, $0x2;
	s1 =	smov.u32 s24  }
0x33: {  	s2 =	smov.u32 s23;
	p1 =	sgt.s32 @!p0 s24, $0x1F3;
	s0 =	sshra.s32 @!p0 s24, $0x1F  }
0x34: {  	p2 =	sgt.s32 @!p0 s23, $0xB;
	s3 =	sshra.s32 @!p0 s22, $0x1F;
	p1 =	por !p1, p0  }
0x35: {  	s0 =	sand.u32 @!p0 s0, s24;
	p2 =	por !p2, p0;
	s3 =	sand.u32 @!p0 s3, s22  }
0x36: {  	s1 =	simm.s32 @p1 $0x1F3;
	s2 =	simm.s32 @p2 $0xB;
	p1 =	sgt.s32 @!p0 s21, $0x178  }
0x37: {  	s0 =	ssub.s32 @!p0 s1, s0;
	s1 =	sshra.s32 @!p0 s23, $0x1F;
	p1 =	por !p1, p0  }
0x38: {  	s1 =	sand.u32 @!p0 s1, s23;
	s21 =	simm.s32 @p1 $0x178;
	p1 =	sgt.s32 @!p0 s22, $0x70  }
0x39: {  	s1 =	ssub.s32 @!p0 s2, s1;
	p1 =	por !p1, p0;
	s2 =	smov.u32 s22  }
0x3a: {  	s5 =	ssub.s32 @!p0 $0x1F8, s21;
	s4 =	sadd.s32 @!p0 $0xFFFFFFF5, s1;
	s2 =	simm.s32 @p1 $0x70  }
0x3b: {  	s1 =	ssub.s32 @!p0 $0xC, s1;
	p1 =	sgt.s32 @!p0 s4, $0x0;
	s2 =	ssub.s32 @!p0 s2, s3  }
0x3c: {  	s4 =	sadd.s32 @!p0 $0xFFFFFE0D, s0;
	p1 =	por !p1, p0;
	s3 =	sadd.s32 @!p0 $0xFFFFFF90, s2  }
0x3d: {  	s0 =	ssub.s32 @!p0 $0x1F4, s0;
	s1 =	simm.s32 @!p1 $0x0;
	p1 =	sgt.s32 @!p0 s3, $0xF  }
0x3e: {  	s2 =	ssub.s32 @!p0 $0x80, s2;
	p1 =	por !p1, p0;
	s1 =	smul.u32 @!p0 s1, s5  }
0x3f: {  	s3 =	sadd.s32 $0x10, s18;
	s2 =	simm.s32 @!p1 $0x0;
	p1 =	sgt.s32 @!p0 s4, $0x0  }
0x40: {  	p1 =	por !p1, p0;
	s1 =	smul.u32 @!p0 s2, s1;
	s2 =	sadd.s32 $0x8, s16  }
0x41: {  	s4 =	smov.u32 s18;
	s0 =	simm.s32 @!p1 $0x0;
	p1 =	sgt.s32 s2, $0x1F3  }
0x42: {  	s0 =	smul.u32 @!p0 s0, s1;
	s4 =	smov.u32 @p1 s3  }
0x43: {  	s2 =	smov.u32 @p1 s7;
	s1 =	simm.s32 $0x1;
	p1 =	sgt.s32 s4, $0xB  }
0x44: {  	s3 =	simm.s32 @!p0 $0x2;
	s0 =	sand.u32 @!p0 $0x3FFFFFFF, s0;
	s1 =	simm.s32 @!p1 $0x0  }
0x45: {  	s5 =	ssub.s32 @!p0 $0x0, s0;
	_ =	swait.ge @!p0 [sflag:s3], s0;
	s0 =	sadd.s32 s1, s19  }
0x46: {  	s4 =	simm.s32 @p1 $0x0;
	p1 =	sgt.s32 s0, $0xB  }
0x47: {  	s31 =	sadd.s32 $0x1, s20;
	s0 =	simm.s32 @p1 $0x0;
	p1 =	sne.s32 s20, s12  }
.Ltmp1:
0x48: {  	s24 =	smov.u32 s14;
	s14 =	smov.u32 s16;
	(pc) =	sbr.rel @!p1 .LBB1_18-.Ltmp1, $4  }
0x49: {  	s23 =	smov.u32 s17;
	s17 =	smov.u32 s19;
	s22 =	smov.u32 s15  }
0x4a: {  	s21 =	smov.u32 s13;
	s15 =	smov.u32 s18;
	s13 =	smov.u32 s9  }
0x4b: {  	s16 =	smov.u32 s2;
	s18 =	smov.u32 s4;
	[sflag:s3] =	ssyncset.done @!p0 $0x0  }
0x4c: {  	[sflag:s3] =	ssyncadd.s32 @!p0 s5;
	s20 =	smov.u32 s31;
	s19 =	smov.u32 s0  }
.LBB1_1:
0x4d: {  	p0 =	sge.u32 s20, s10;
	s3 =	smov.u32 s19;
	s31 =	sadd.s32 $0xFFFFFFFF, s20  }
0x4e: {  	s0 =	sshll.u32 @!p0 s16, $0x9;
	s1 =	sshll.u32 @!p0 s16, $0x7;
	s2 =	sxor.u32 @!p0 $0xFFFFFFFF, s20  }
0x4f: {  	p1 =	sgt.s32 @!p0 s19, $0xB;
	s4 =	sshra.s32 @!p0 s19, $0x1F;
	s5 =	sshra.s32 @!p0 s18, $0x1F  }
0x50: {  	s0 =	sand.u32 @!p0 $0xFFFFF000, s0;
	s1 =	sand.u32 @!p0 $0x200, s1;
	p1 =	por !p1, p0  }
0x51: {  	s4 =	sand.u32 @!p0 s4, s19;
	s5 =	sand.u32 @!p0 s5, s18;
	s0 =	sor.u32 @!p0 s11, s0  }
0x52: {  	s3 =	simm.s32 @p1 $0xB;
	p1 =	sgt.s32 @!p0 s18, $0xFFFFFFFC;
	s0 =	sor.u32 @!p0 s1, s0  }
0x53: {  	s3 =	ssub.s32 @!p0 s3, s4;
	p1 =	por !p1, p0;
	s4 =	smov.u32 s18  }
0x54: {  	s0 =	sshrl.u32 @!p0 s0, $0x9;
	s4 =	simm.s32 @p1 $0xFFFFFFFC;
	p1 =	sgt.s32 @!p0 s16, $0x1F7  }
0x55: {  	s3 =	sadd.s32 @!p0 $0xFFFFFFF5, s3;
	s1 =	smulhi.u32 @!p0 $0x820821, s0;
	s4 =	ssub.s32 @!p0 s4, s5  }
0x56: {  	p1 =	por !p1, p0;
	s5 =	smov.u32 s16;
	p2 =	sgt.s32 @!p0 s3, $0x0  }
0x57: {  	s3 =	sshll.u32 @!p0 s3, $0x7;
	s6 =	sadd.s32 @!p0 $0x4, s4;
	s5 =	simm.s32 @p1 $0x1F7  }
0x58: {  	s4 =	ssub.s32 @!p0 $0xC, s4;
	p1 =	sgt.s32 @!p0 s6, $0xF;
	s6 =	sshra.s32 @!p0 s16, $0x1F  }
0x59: {  	s3 =	ssub.s32 @!p0 $0x80, s3;
	p2 =	por !p2, p0;
	s6 =	sand.u32 @!p0 s6, s16  }
0x5a: {  	s1 =	smul.u32 @!p0 $0x1F8, s1;
	p1 =	por !p1, p0;
	s5 =	ssub.s32 @!p0 s5, s6  }
0x5b: {  	s3 =	simm.s32 @!p2 $0x0;
	s4 =	simm.s32 @!p1 $0x0;
	s6 =	sadd.s32 @!p0 $0xFFFFFE09, s5  }
0x5c: {  	s2 =	sshll.u32 @!p0 s2, $0xB;
	s3 =	smul.u32 @!p0 s4, s3;
	p1 =	sgt.s32 @!p0 s6, $0x0  }
0x5d: {  	s4 =	ssub.s32 @!p0 $0x1F8, s5;
	s5 =	smul.u32 @!p0 $0x5E800, s19;
	p1 =	por !p1, p0  }
0x5e: {  	s0 =	ssub.s32 @!p0 s0, s1;
	s1 =	smul.u32 @!p0 $0x7E00, s18;
	s4 =	simm.s32 @!p1 $0x0  }
0x5f: {  	s5 =	sadd.s32 @!p0 s8, s5;
	s3 =	smul.u32 @!p0 s4, s3;
	s4 =	sshll.u32 @!p0 s16, $0x4  }
0x60: {  	s2 =	sand.u32 @!p0 $0x800, s2;
	s1 =	sadd.s32 @!p0 s1, s5;
	s4 =	sand.u32 @!p0 $0x30, s4  }
0x61: {  	s0 =	sshll.u32 @!p0 s0, $0x6;
	s3 =	sand.u32 @!p0 $0x3FFFFF80, s3;
	s1 =	sadd.s32 @!p0 s4, s1  }
0x62: {  	s4 =	simm.s32 @!p0 $0x3F000;
	s0 =	sadd.s32 @!p0 s0, s1;
	s1 =	simm.s32 @!p0 $0x80  }
0x63: {  	[tilespmem:s2], [sflag:$0x1] =	stream.strided.gather @!p0 [hbm4b:s0+s1], s3, s4, s1, $0x38;
	[tilespmem:$0x2100] =	vst v63  }
0x64: {  	p0 =	sge.u32 s31, s10  }
.Ltmp2:
0x65: {  	_ = 	snop;
	(pc) =	sbr.rel @p0 .LBB1_17-.Ltmp2, $1  }
0x66: {  	_ =	sdelay $0x3  }
0x67: {  	[dreg:$0x14] =	wrdreg s24  }
0x68: {  	[dreg:$0x13] =	wrdreg s23  }
0x69: {  	[dreg:$0x12] =	wrdreg s22  }
0x6a: {  	[dreg:$0x11] =	wrdreg s21  }
0x6b: {  	[dreg:$0xf] =	wrdreg s19  }
0x6c: {  	[dreg:$0xe] =	wrdreg s18  }
0x6d: {  	[dreg:$0xc] =	wrdreg s16  }
0x6e: {  	[dreg:$0x9] =	wrdreg s13  }
0x6f: {  	p0 =	sgt.s32 s17, $0xB;
	s0 =	smov.u32 s17;
	s1 =	sshra.s32 s17, $0x1F  }
0x70: {  	s22 =	ssub.s32 $0x0, s15;
	s2 =	sshra.s32 s15, $0x1F;
	[dreg:$0x10] =	wrdreg s20  }
0x71: {  	s3 =	smov.u32 s15;
	s24 =	ssub.s32 $0x0, s14;
	[dreg:$0xd] =	wrdreg s17  }
0x72: {  	s25 =	sshra.s32 s14, $0x1F;
	p1 =	sgt.s32 s14, $0x1F7;
	[dreg:$0xb] =	wrdreg s15  }
0x73: {  	s0 =	simm.s32 @!p0 $0xB;
	s1 =	sand.u32 s1, s17;
	p0 =	sgt.s32 s15, $0xFFFFFFFC  }
0x74: {  	s0 =	ssub.s32 s0, s1;
	s1 =	sand.u32 s22, s2;
	s3 =	simm.s32 @!p0 $0xFFFFFFFC  }
0x75: {  	s2 =	sadd.s32 $0x1, s17;
	s4 =	sadd.s32 $0xFFFFFFF5, s0;
	s5 =	ssub.s32 $0xC, s0  }
0x76: {  	[dreg:$0x17] =	wrdreg s1;
	s23 =	sadd.s32 s1, s3;
	s3 =	smov.u32 s14  }
0x77: {  	s1 =	sand.u32 s24, s25;
	p0 =	sgt.s32 s4, $0x0;
	s3 =	simm.s32 @!p1 $0x1F7  }
0x78: {  	s26 =	sadd.s32 $0x4, s23;
	[dreg:$0x16] =	wrdreg s1;
	s1 =	sadd.s32 s1, s3  }
0x79: {  	s0 =	ssub.s32 $0xC, s23;
	p1 =	sgt.s32 s26, $0xF;
	s27 =	sadd.s32 $0xFFFFFE09, s1  }
0x7a: {  	s5 =	simm.s32 @p0 $0x0;
	s1 =	ssub.s32 $0x1F8, s1;
	p0 =	sgt.s32 s27, $0x0  }
0x7b: {  	s3 =	sadd.s32 $0x10, s15;
	s1 =	simm.s32 @p0 $0x0;
	p0 =	slt.s32 s2, $0xC  }
0x7c: {  	s0 =	simm.s32 @p1 $0x0;
	s2 =	simm.s32 @!p0 $0xC;
	p0 =	slt.s32 s3, $0xC  }
0x7d: {  	s28 =	ssub.s32 s2, s17;
	s3 =	simm.s32 @!p0 $0xC;
	s2 =	sadd.s32 $0x1, s14  }
0x7e: {  	s3 =	ssub.s32 s3, s15;
	p0 =	slt.s32 s2, $0x1F4;
	p1 =	slt.s32 s28, $0x1  }
0x7f: {  	s0 =	smul.u32 s0, s5;
	s2 =	simm.s32 @!p0 $0x1F4;
	p0 =	slt.s32 @!p1 s3, $0x1  }
0x80: {  	[dreg:$0xa] =	wrdreg s14;
	s29 =	ssub.s32 s2, s14;
	p0 =	por p1, p0  }
0x81: {  	s31 =	simm.s32 $0x1;
	s1 =	smul.u32 s1, s0;
	p1 =	slt.s32 @!p0 s29, $0x1  }
0x82: {  	[dreg:$0x15] =	wrdreg s5;
	s0 =	sand.u32 $0x1, s20;
	p0 =	por p0, p1  }
.Ltmp3:
0x83: {  	s1 =	sshll.u32 s1, $0x7;
	[dreg:$0x18] =	wrdreg s28;
	(pc) =	sbr.rel @p0 .LBB1_16-.Ltmp3, $4  }
0x84: {  	s30 =	smul.u32 $0x2200, s0;
	s1 =	sand.u32 $0x3FFFFF80, s1;
	[dreg:$0x19] =	wrdreg s3  }
0x85: {  	_ =	swait.ge [sflag:s31], s1  }
0x86: {  	s1 =	ssub.s32 $0x0, s1;
	s2 =	sshrl.u32 s30, $0x2;
	[sflag:s31] =	ssyncset.done $0x0  }
0x87: {  	s26 =	sor.u32 $0x1000, s2;
	[sflag:s31] =	ssyncadd.s32 s1  }
0x88: {  	s2 =	rddreg [dreg:$0x9]  }
0x89: {  	p0 =	slt.s32 s2, $0x174;
	s1 =	smov.u32 s2  }
.Ltmp4:
0x8a: {  	s1 =	simm.s32 @!p0 $0x174;
	(pc) =	sbr.rel .LBB1_4-.Ltmp4, $4  }
0x8b: {  	s2 =	ssub.s32 s1, s2  }
0x8c: {  	s0 =	sshll.u32 s0, $0xB;
	s1 =	sadd.s32 $0x8F, s2  }
0x8d: {  	[dreg:$0x1a] =	wrdreg s0;
	s30 =	sand.u32 $0xFFFFFFF0, s1;
	s31 =	sand.u32 $0xFFFFFF00, s1  }
0x8e: {  	p0 =	slt.s32 s2, $0x71;
	s1 =	simm.s32 $0x0;
	p1 =	sge.s32 s31, s30  }
.LBB1_15:
0x8f: {  	s1 =	sadd.s32 $0x1, s1;
	s0 =	rddreg [dreg:$0x18]  }
0x90: {  	p2 =	sne.s32 s1, s0  }
.Ltmp5:
0x91: {  	_ = 	snop;
	(pc) =	sbr.rel @!p2 .LBB1_16-.Ltmp5, $1  }
0x92: {  	_ =	sdelay $0x3  }
.LBB1_4:
.Ltmp6:
0x93: {  	(pc) =	sbr.rel .LBB1_5-.Ltmp6, $4  }
0x94: {  	_ = 	snop  }
0x95: {  	s0 =	sshll.u32 s1, $0xD  }
0x96: {  	s2 =	rddreg [dreg:$0x1a];
	s0 =	sshra.s32 s0, $0x2  }
0x97: {  	s4 =	simm.s32 $0x0;
	s10 =	sadd.s32 s0, s2  }
.LBB1_14:
0x98: {  	s4 =	sadd.s32 $0x1, s4;
	s0 =	rddreg [dreg:$0x19]  }
0x99: {  	p2 =	sne.s32 s4, s0  }
.Ltmp7:
0x9a: {  	_ = 	snop;
	(pc) =	sbr.rel @!p2 .LBB1_15-.Ltmp7, $1  }
0x9b: {  	_ =	sdelay $0x3  }
.LBB1_5:
0x9c: {  	s6 =	sshrl.u32 s4, $0x4  }
0x9d: {  	s0 =	sshll.u32 s4, $0x3;
	s3 =	sand.u32 $0x78, s6  }
0x9e: {  	s5 =	sadd.s32 $0x800, s0;
	s8 =	sadd.s32 $0x1000, s0;
	s9 =	sadd.s32 $0x1800, s0  }
0x9f: {  	s25 =	sadd.s32 $0x2800, s0;
	s28 =	sadd.s32 $0x3000, s0;
	s0 =	sadd.s32 $0x3800, s0  }
0xa0: {  	s7 =	smul.u32 $0x44, s3;
	s5 =	sshrl.u32 s5, $0x7;
	s3 =	sxor.u32 $0x40, s3  }
0xa1: {  	s8 =	sshrl.u32 s8, $0x7;
	s5 =	sand.u32 $0x78, s5;
	s14 =	smul.u32 $0x44, s3  }
0xa2: {  	s23 =	sshrl.u32 s9, $0x7;
	s22 =	sand.u32 $0x78, s8;
	s11 =	smul.u32 $0x44, s5  }
0xa3: {  	s27 =	sshrl.u32 s25, $0x7;
	s24 =	sand.u32 $0x78, s23;
	s12 =	smul.u32 $0x44, s22  }
0xa4: {  	s0 =	sshrl.u32 s0, $0x7;
	s3 =	sand.u32 $0x78, s27;
	s13 =	smul.u32 $0x44, s24  }
0xa5: {  	s2 =	sshll.u32 s4, $0x9;
	s0 =	sand.u32 $0x78, s0;
	s15 =	smul.u32 $0x44, s3  }
0xa6: {  	s2 =	sshra.s32 s2, $0x2;
	s9 =	simm.s32 $0x0;
	s0 =	smul.u32 $0x44, s0  }
.Ltmp8:
0xa7: {  	s5 =	sshrl.u32 s28, $0x7;
	s3 =	sand.u32 $0x7F, s4;
	(pc) =	sbr.rel .LBB1_6-.Ltmp8, $4  }
0xa8: {  	s5 =	sand.u32 $0x78, s5;
	s8 =	sadd.s32 s3, s26;
	s23 =	sshrl.u32 s14, $0x2  }
0xa9: {  	s16 =	smul.u32 $0x44, s5;
	s5 =	sadd.s32 s2, s10;
	s2 =	sshrl.u32 s7, $0x2  }
0xaa: {  	s7 =	sshrl.u32 s11, $0x2;
	s24 =	sshrl.u32 s12, $0x2;
	s25 =	sshrl.u32 s13, $0x2  }
0xab: {  	s11 =	sshrl.u32 s15, $0x2;
	s15 =	sshrl.u32 s0, $0x2;
	s20 =	sshrl.u32 s16, $0x2  }
.LBB1_13:
0xac: {  	s9 =	sadd.s32 $0x1, s9  }
0xad: {  	p2 =	sne.s32 s9, s29  }
.Ltmp9:
0xae: {  	_ = 	snop;
	(pc) =	sbr.rel @!p2 .LBB1_14-.Ltmp9, $1  }
0xaf: {  	_ =	sdelay $0x3  }
.LBB1_6:
.Ltmp10:
0xb0: {  	(pc) =	sbr.rel @p0 .LBB1_10-.Ltmp10, $2  }
0xb1: {  	_ =	sdelay $0x2  }
0xb2: {  	s21 =	sshll.u32 s9, $0x7;
	s22 =	sadd.s32 s1, s9  }
0xb3: {  	s0 =	smul.u32 $0x2200, s22;
	_ =	sdelay $0x1  }
0xb4: {  	s12 =	sand.u32 $0x380, s21;
	s0 =	sshra.s32 s0, $0x2  }
0xb5: {  	s12 =	sadd.s32 s12, s5;
	s0 =	sadd.s32 s0, s26  }
0xb6: {  	v0 =	vld [tilespmem:s12+$0x70];
	s13 =	sadd.s32 s2, s0;
	s14 =	sadd.s32 s7, s0  }
0xb7: {  	v3 =	vld [tilespmem:s12+$0x60];
	s19 =	sadd.s32 s24, s0;
	s16 =	sadd.s32 s25, s0;
	s27 =	sadd.s32 s23, s0  }
0xb8: {  	v1 =	vld [tilespmem:s12+$0x50];
	s18 =	sadd.s32 s3, s14;
	s17 =	sadd.s32 s3, s16;
	s16 =	sadd.s32 s3, s27  }
0xb9: {  	v2 =	vld [tilespmem:s12+$0x40];
	s14 =	sadd.s32 s11, s0;
	s27 =	sadd.s32 s20, s0;
	s0 =	sadd.s32 s15, s0  }
0xba: {  	v4 =	vld [tilespmem:s12+$0x30];
	s0 =	sadd.s32 s3, s0  }
0xbb: {  	v5 =	vld [tilespmem:s12+$0x20];
	s27 =	sadd.s32 s3, s27;
	[tilespmem:s0+$0x0 ss:$0x11] =	vst.msk $0xffff, v0  }
0xbc: {  	v6 =	vld [tilespmem:s12+$0x10];
	s14 =	sadd.s32 s3, s14;
	[tilespmem:s27+$0x0 ss:$0x11] =	vst.msk $0xffff, v3  }
0xbd: {  	v7 =	vld [tilespmem:s12+$0x0];
	[tilespmem:s14+$0x0 ss:$0x11] =	vst.msk $0xffff, v1  }
0xbe: {  	[tilespmem:s16+$0x0 ss:$0x11] =	vst.msk $0xffff, v2  }
0xbf: {  	s19 =	sadd.s32 s3, s19;
	[tilespmem:s17+$0x0 ss:$0x11] =	vst.msk $0xffff, v4  }
0xc0: {  	p2 =	sgt.s32 s31, $0x100;
	[tilespmem:s19+$0x0 ss:$0x11] =	vst.msk $0xffff, v5  }
.Ltmp11:
0xc1: {  	s13 =	sadd.s32 s3, s13;
	[tilespmem:s18+$0x0 ss:$0x11] =	vst.msk $0xffff, v6;
	(pc) =	sbr.rel @!p2 .LBB1_9-.Ltmp11, $4  }
0xc2: {  	[tilespmem:s13+$0x0 ss:$0x11] =	vst.msk $0xffff, v7  }
0xc3: {  	[tilespmem:s13+$0x0 ss:$0x11] =	vst.msk $0xffff, v7  }
0xc4: {  	[tilespmem:s18+$0x0 ss:$0x11] =	vst.msk $0xffff, v6  }
0xc5: {  	s28 =	simm.s32 $0x100;
	[tilespmem:s19+$0x0 ss:$0x11] =	vst.msk $0xffff, v5  }
.LBB1_8:
0xc6: {  	v5 =	vld [tilespmem:s12+$0x70];
	[tilespmem:s17+$0x0 ss:$0x11] =	vst.msk $0xffff, v4  }
0xc7: {  	v6 =	vld [tilespmem:s12+$0x60];
	[tilespmem:s16+$0x0 ss:$0x11] =	vst.msk $0xffff, v2  }
0xc8: {  	[tilespmem:s14+$0x0 ss:$0x11] =	vst.msk $0xffff, v1;
	v1 =	vld [tilespmem:s12+$0x50]  }
0xc9: {  	v2 =	vld [tilespmem:s12+$0x40];
	[tilespmem:s27+$0x0 ss:$0x11] =	vst.msk $0xffff, v3  }
0xca: {  	v4 =	vld [tilespmem:s12+$0x30];
	[tilespmem:s0+$0x0 ss:$0x11] =	vst.msk $0xffff, v0  }
0xcb: {  	v7 =	vld [tilespmem:s12+$0x20];
	[tilespmem:s0+$0x0 ss:$0x11] =	vst.msk $0xffff, v5;
	v0 =	vmov v5  }
0xcc: {  	v5 =	vld [tilespmem:s12+$0x10];
	[tilespmem:s27+$0x0 ss:$0x11] =	vst.msk $0xffff, v6;
	v3 =	vmov v6  }
0xcd: {  	s28 =	sadd.s32 $0x100, s28;
	v6 =	vld [tilespmem:s12+$0x0];
	[tilespmem:s14+$0x0 ss:$0x11] =	vst.msk $0xffff, v1  }
0xce: {  	p2 =	slt.s32 s28, s31;
	[tilespmem:s16+$0x0 ss:$0x11] =	vst.msk $0xffff, v2  }
0xcf: {  	[tilespmem:s17+$0x0 ss:$0x11] =	vst.msk $0xffff, v4  }
0xd0: {  	[tilespmem:s19+$0x0 ss:$0x11] =	vst.msk $0xffff, v7  }
.Ltmp12:
0xd1: {  	[tilespmem:s18+$0x0 ss:$0x11] =	vst.msk $0xffff, v5;
	(pc) =	sbr.rel @p2 .LBB1_8-.Ltmp12, $4  }
0xd2: {  	[tilespmem:s13+$0x0 ss:$0x11] =	vst.msk $0xffff, v6  }
0xd3: {  	[tilespmem:s13+$0x0 ss:$0x11] =	vst.msk $0xffff, v6  }
0xd4: {  	[tilespmem:s18+$0x0 ss:$0x11] =	vst.msk $0xffff, v5  }
0xd5: {  	[tilespmem:s19+$0x0 ss:$0x11] =	vst.msk $0xffff, v7  }
.LBB1_9:
0xd6: {  	[tilespmem:s17+$0x0 ss:$0x11] =	vst.msk $0xffff, v4  }
0xd7: {  	[tilespmem:s16+$0x0 ss:$0x11] =	vst.msk $0xffff, v2  }
0xd8: {  	[tilespmem:s14+$0x0 ss:$0x11] =	vst.msk $0xffff, v1  }
0xd9: {  	[tilespmem:s27+$0x0 ss:$0x11] =	vst.msk $0xffff, v3  }
0xda: {  	[tilespmem:s0+$0x0 ss:$0x11] =	vst.msk $0xffff, v0  }
.LBB1_10:
.Ltmp13:
0xdb: {  	(pc) =	sbr.rel @p1 .LBB1_13-.Ltmp13, $1  }
0xdc: {  	_ =	sdelay $0x3  }
0xdd: {  	s12 =	sand.u32 $0x380, s21  }
0xde: {  	s0 =	smul.u32 $0x2200, s22;
	s12 =	sadd.s32 s12, s5  }
0xdf: {  	v0 =	vmov s12  }
0xe0: {  	s0 =	sshra.s32 s0, $0x2  }
0xe1: {  	s12 =	smov.u32 s31;
	s0 =	sadd.s32 s0, s8  }
.LBB1_12:
0xe2: {  	s14 =	sadd.s32 s12, s6  }
0xe3: {  	s13 =	sand.u32 $0x70, s12;
	s12 =	sadd.s32 $0x10, s12;
	s28 =	sand.u32 $0x78, s14  }
0xe4: {  	v1 =	vld.idx.msk [tilespmem:v0+s13+$0x0 ss:$0x1], $0xffff;
	p2 =	slt.s32 s12, s30;
	s13 =	smul.u32 $0x44, s28  }
.Ltmp14:
0xe5: {  	_ = 	snop;
	(pc) =	sbr.rel @p2 .LBB1_12-.Ltmp14, $4  }
0xe6: {  	_ = 	snop  }
0xe7: {  	s13 =	sshrl.u32 s13, $0x2  }
0xe8: {  	s13 =	sadd.s32 s13, s0  }
0xe9: {  	[tilespmem:s13+$0x0 ss:$0x11] =	vst.msk $0xffff, v1  }
.Ltmp15:
0xea: {  	_ = 	snop;
	(pc) =	sbr.rel .LBB1_13-.Ltmp15, $1  }
0xeb: {  	_ =	sdelay $0x3  }
.LBB1_18:
0xec: {  	_ =	sfence.sel $0x180000  }
0xed: {  	s0 =	simm.s32 $0x1;
	[bflag:$0x0] =	sbarrier.arrive $0xFFFF  }
0xee: {  	s30 =	simm.s32 $0x2;
	[sflag:s0] =	ssyncpa.u1 $0x1  }
0xef: {  	[sflag:s30] =	ssyncpa.u1 $0x1  }
0xf0: {  	_ =	strace $0x90000053  }
0xf1: {  	s31 =	stileid.u32;
	[bflag:$0x2] =	sbarrier.arrive $0xFFFF  }
0xf2: {  	p0 =	sne.s32 s31, $0x0;
	s0 =	rddreg [dreg:$0x1]  }
0xf3: {  	s0 =	sadd.s32 @!p0 $0x100000, s0  }
0xf4: {  	[sflag:s0] =	ssyncadd.tile.s32 @!p0 $0x1;
	_ =	shalt  }
.Lfunc_end1:
_tile_overlayer_lowered:
.L_overlay_start_2:
0xf5: {  	(tag) =	ssettag $0x2  }
0xf6: {  	s0 =	rddreg [dreg:$0x0];
	s2 =	stileid.u32  }
0xf7: {  	s1 =	rddreg [dreg:$0x1];
	p0 =	sne.s32 s2, $0x0  }
0xf8: {  	s3 =	rddreg [dreg:$0x2];
	[bflag:$0x3] =	sbarrier.arrive $0xFFFF;
	s2 =	simm.s32 @!p0 $0x1C01  }
0xf9: {  	[timem:s3], [sflag:s2] =	dma.local @!p0 [hbm:s0], s1  }
0xfa: {  	s0 =	simm.s32 @!p0 $0x1  }
0xfb: {  	_ =	swait.ge @!p0 [sflag:s0], s1  }
0xfc: {  	s1 =	ssub.s32 @!p0 $0x0, s1;
	[sflag:s0] =	ssyncset.done @!p0 $0x0  }
0xfd: {  	[sflag:s0] =	ssyncadd.s32 @!p0 s1  }
0xfe: {  	[bflag:$0x3] =	sbarrier.arrive $0xFFFF  }
0xff: {  	_ =	shalt  }

</sc_bundles>
